<compile_context>
chip_gen: v7x
topology: tpu7x:2x2x1
jax: 0.10.2.dev20260603
libtpu: 0.0.44.dev20260713+nightly
codegen_flags: <defaults>
</compile_context>

<pallas_src>
import functools

import jax
import jax.numpy as jnp
from jax import lax
from jax.experimental import pallas as pl
from jax.experimental.pallas import tpu as pltpu
from jax.experimental.pallas import tpu_sc as plsc

N_TOKEN = 1000000
D_EMBED = 64
BATCH = 4096
HIST = 200

NC = 2
NS = 16
NW = NC * NS
IW = 128
DPAD = 128

W = 256
NBLK = N_TOKEN // W
BLK_MAIN = NBLK // NW * NW
BLKS_PER_W = BLK_MAIN // NW
TAIL0 = NBLK * W

_mesh = plsc.VectorSubcoreMesh(core_axis_name="c", subcore_axis_name="s")
_params = pltpu.CompilerParams(
    use_tc_tiling_on_sc=True, needs_layout_passes=False
)

_LANES = lambda: lax.broadcasted_iota(jnp.int32, (16,), 0)


@functools.partial(
    pl.kernel,
    mesh=_mesh,
    compiler_params=_params,
    out_type=(
        jax.ShapeDtypeStruct((N_TOKEN, DPAD), jnp.float32),
        jax.ShapeDtypeStruct((D_EMBED, N_TOKEN), jnp.float32),
    ),
    scratch_types=[
        pltpu.VMEM((2, D_EMBED, W), jnp.float32),
        pltpu.VMEM((2, W, DPAD), jnp.float32),
        pltpu.SemaphoreType.DMA((2,)),
        pltpu.SemaphoreType.DMA((2,)),
        pltpu.SemaphoreType.DMA((2,)),
    ],
)
def _table_fmt(table_t, tail_slab, out_hbm, out2_hbm, sin, sout, isem, wsem,
               w2sem):
    wid = lax.axis_index("s") * NC + lax.axis_index("c")

    lanes = _LANES()
    rot = [(lanes + j) & 15 for j in range(16)]

    def col_of(j):
        return wid + NW * j

    def fire_fetch(j, slot):
        pltpu.async_copy(
            table_t.at[:, pl.ds(col_of(j) * W, W)], sin.at[slot],
            isem.at[slot],
        )

    def wait_fetch(slot):
        pltpu.make_async_copy(
            table_t.at[:, pl.ds(0, W)], sin.at[slot], isem.at[slot]
        ).wait()

    def transpose(slot):
        @plsc.parallel_loop(0, (D_EMBED // 16) * (W // 16), unroll=2)
        def _(b):
            d0 = (b & 3) * 16
            c0 = (b >> 2) * 16
            dvec = d0 + lanes
            for j in range(16):
                cvec = c0 + rot[j]
                vals = plsc.load_gather(sin.at[slot], [dvec, cvec])
                plsc.store_scatter(sout.at[slot], [cvec, dvec], vals)

    def fire_wb(j, slot):
        pltpu.async_copy(
            sout.at[slot],
            out_hbm.at[pl.ds(col_of(j) * W, W)],
            wsem.at[slot],
        )

    def wait_wb(slot):
        pltpu.make_async_copy(
            sout.at[slot], out_hbm.at[pl.ds(0, W)], wsem.at[slot]
        ).wait()

    def fire_wb2(j, slot):
        pltpu.async_copy(
            sin.at[slot],
            out2_hbm.at[:, pl.ds(col_of(j) * W, W)],
            w2sem.at[slot],
        )

    def wait_wb2(slot):
        pltpu.make_async_copy(
            sin.at[slot], out2_hbm.at[:, pl.ds(0, W)], w2sem.at[slot]
        ).wait()

    @pl.when(wid == 6)
    def _():
        pltpu.sync_copy(tail_slab, out_hbm.at[pl.ds(TAIL0, N_TOKEN - TAIL0)])

    fire_fetch(0, 0)
    fire_fetch(1, 1)

    def jbody(j, carry):
        s = j % 2
        wait_fetch(s)
        fire_wb2(j, s)

        @pl.when(j >= 2)
        def _():
            wait_wb(s)

        transpose(s)
        fire_wb(j, s)
        wait_wb2(s)

        @pl.when(j + 2 < BLKS_PER_W)
        def _():
            fire_fetch(j + 2, s)

        return carry

    lax.fori_loop(0, BLKS_PER_W, jbody, 0)
    wait_wb(0)
    wait_wb(1)

    for extra in range(NBLK - BLK_MAIN):
        blk = BLK_MAIN + extra

        @pl.when(wid == 8 + extra)
        def _():
            pltpu.async_copy(
                table_t.at[:, pl.ds(blk * W, W)], sin.at[0], isem.at[0]
            )
            wait_fetch(0)
            pltpu.async_copy(
                sin.at[0], out2_hbm.at[:, pl.ds(blk * W, W)], w2sem.at[0]
            )
            transpose(0)
            pltpu.async_copy(
                sout.at[0], out_hbm.at[pl.ds(blk * W, W)], wsem.at[0]
            )
            wait_wb(0)
            wait_wb2(0)


@functools.partial(
    pl.kernel,
    mesh=_mesh,
    compiler_params=_params,
    out_type=jax.ShapeDtypeStruct((HIST, D_EMBED, BATCH), jnp.float32),
    scratch_types=[
        pltpu.VMEM((HIST, IW), jnp.int32),
        pltpu.VMEM((2, IW, DPAD), jnp.float32),
        pltpu.VMEM((2, D_EMBED, IW), jnp.float32),
        pltpu.SemaphoreType.DMA((2,)),
        pltpu.SemaphoreType.DMA((2,)),
    ],
)
def _emb_lookup(idx_t, table_hbm, out_hbm, idx_v, rows_v, slab_v, gsem, osem):
    wid = lax.axis_index("s") * NC + lax.axis_index("c")
    b0 = wid * IW
    pltpu.sync_copy(idx_t.at[:, pl.ds(b0, IW)], idx_v)

    lanes = _LANES()
    rot = [(lanes + j) & 15 for j in range(16)]

    def fire_gather(h, slot):
        pltpu.async_copy(
            table_hbm.at[idx_v.at[h]], rows_v.at[slot], gsem.at[slot]
        )

    def wait_gather(slot):
        pltpu.make_async_copy(
            table_hbm.at[pl.ds(0, IW)], rows_v.at[slot], gsem.at[slot]
        ).wait()

    def transpose(slot):
        @plsc.parallel_loop(0, (D_EMBED // 16) * (IW // 16), unroll=2)
        def _(b):
            d0 = (b & 3) * 16
            c0 = (b >> 2) * 16
            cvec = c0 + lanes
            for j in range(16):
                dvec = d0 + rot[j]
                vals = plsc.load_gather(rows_v.at[slot], [cvec, dvec])
                plsc.store_scatter(slab_v.at[slot], [dvec, cvec], vals)

    def fire_wb(h, slot):
        pltpu.async_copy(
            slab_v.at[slot],
            out_hbm.at[h, :, pl.ds(b0, IW)],
            osem.at[slot],
        )

    def wait_wb(slot):
        pltpu.make_async_copy(
            slab_v.at[slot], out_hbm.at[0, :, pl.ds(0, IW)], osem.at[slot]
        ).wait()

    fire_gather(0, 0)
    fire_gather(1, 1)

    def body(g, carry):
        for s in range(2):
            h = 2 * g + s
            wait_gather(s)

            @pl.when(h >= 2)
            def _():
                wait_wb(s)

            transpose(s)
            fire_wb(h, s)

            @pl.when(h + 2 < HIST)
            def _():
                fire_gather(h + 2, s)

        return carry

    lax.fori_loop(0, HIST // 2, body, 0)
    wait_wb(0)
    wait_wb(1)


def kernel(inputs, lookup_table):
    table_t = lookup_table.T
    tail = jnp.pad(
        lax.slice(lookup_table, (TAIL0, 0), (N_TOKEN, D_EMBED)),
        ((0, 0), (0, DPAD - D_EMBED)),
    )
    padded, table_echo = _table_fmt(table_t, tail)
    idx_t = inputs.T
    out5 = _emb_lookup(idx_t, padded)
    emb = jnp.transpose(out5, (2, 0, 1))
    table_out = lax.dynamic_update_slice(
        table_echo.T,
        lax.slice(lookup_table, (TAIL0, 0), (N_TOKEN, D_EMBED)),
        (TAIL0, 0),
    )
    return emb, table_out

# --- scband reference (transcript-rebuilt; emitter-appended) ---
"""Pipeline reference for scband-word-embedding-20624432955789 (READ-ONLY COPY).

The authoritative reference and input builder live on the scoring server;
editing this copy changes nothing except your own understanding.
"""

import jax, jax.numpy as jnp
import numpy as np

N_TOKEN = 1000000
D_EMBED = 64
BATCH = 4096
HIST = 200

def setup_inputs(seed: int = 0) -> dict:
    key = jax.random.key(seed)
    k1, k2 = jax.random.split(key)
    inputs = jax.random.randint(k1, (BATCH, HIST), 0, N_TOKEN, dtype=jnp.int32)
    # learned parameter: embedding lookup table [n_token, d_embed]
    lookup_table = jax.random.normal(k2, (N_TOKEN, D_EMBED), dtype=jnp.float32) * 0.02
    return {"inputs": inputs, "lookup_table": lookup_table}

def reference(inputs, lookup_table):
    # Faithful translation of WordEmbedding.call:
    # returns (tf.nn.embedding_lookup(lookup_table, inputs), lookup_table)
    embedded = jnp.take(lookup_table, inputs, axis=0)
    return (embedded, lookup_table)

if __name__ == "__main__":
    import jax
    _d = setup_inputs()
    print(jax.jit(kernel)(*tuple(_d.values())))

</pallas_src>

<mosaic_0001>
#map = affine_map<(d0, d1) -> (0, 0)>
module attributes {stable_mosaic.version = 14 : i64} {
  func.func @_table_fmt(%arg0: i32, %arg1: i32, %arg2: memref<64x1000000xf32, #tpu.memory_space<hbm>>, %arg3: memref<64x128xf32, #tpu.memory_space<hbm>>, %arg4: memref<1000000x128xf32, #tpu.memory_space<hbm>>, %arg5: memref<64x1000000xf32, #tpu.memory_space<hbm>>, %arg6: memref<2x64x256xf32, #tpu.memory_space<vmem>>, %arg7: memref<2x256x128xf32, #tpu.memory_space<vmem>>, %arg8: memref<2x!tpu.dma_semaphore, #tpu.memory_space<semaphore_mem>>, %arg9: memref<2x!tpu.dma_semaphore, #tpu.memory_space<semaphore_mem>>, %arg10: memref<2x!tpu.dma_semaphore, #tpu.memory_space<semaphore_mem>>) attributes {dimension_semantics = [#tpu.dimension_semantics<core_parallel>, #tpu.dimension_semantics<subcore_parallel>], iteration_bounds = array<i64: 2, 16>, scalar_prefetch = 0 : i64, scratch_operands = 5 : i64, tpu.core_type = #tpu.core_type<sc_vector_subcore>, window_params = [{transform_indices = #map}, {transform_indices = #map}, {transform_indices = #map}, {transform_indices = #map}]} {
    %mul3A = arith.constant 2 : i32
    %mul3A_0 = arith.muli %arg1, %mul3A : i32
    %add3A = arith.addi %mul3A_0, %arg0 : i32
    %iota3A = tpu.iota {dimensions = array<i32: 0>} : vector<16xi32>
    %add3A_1 = arith.constant 0 : i32
    %add3A_2 = vector.broadcast %add3A_1 : i32 to vector<16xi32>
    %add3A_3 = arith.addi %iota3A, %add3A_2 : vector<16xi32>
    %and3A = arith.constant 15 : i32
    %and3A_4 = vector.broadcast %and3A : i32 to vector<16xi32>
    %and3A_5 = arith.andi %add3A_3, %and3A_4 : vector<16xi32>
    %add3A_6 = arith.constant 1 : i32
    %add3A_7 = vector.broadcast %add3A_6 : i32 to vector<16xi32>
    %add3A_8 = arith.addi %iota3A, %add3A_7 : vector<16xi32>
    %and3A_9 = arith.constant 15 : i32
    %and3A_10 = vector.broadcast %and3A_9 : i32 to vector<16xi32>
    %and3A_11 = arith.andi %add3A_8, %and3A_10 : vector<16xi32>
    %add3A_12 = arith.constant 2 : i32
    %add3A_13 = vector.broadcast %add3A_12 : i32 to vector<16xi32>
    %add3A_14 = arith.addi %iota3A, %add3A_13 : vector<16xi32>
    %and3A_15 = arith.constant 15 : i32
    %and3A_16 = vector.broadcast %and3A_15 : i32 to vector<16xi32>
    %and3A_17 = arith.andi %add3A_14, %and3A_16 : vector<16xi32>
    %add3A_18 = arith.constant 3 : i32
    %add3A_19 = vector.broadcast %add3A_18 : i32 to vector<16xi32>
    %add3A_20 = arith.addi %iota3A, %add3A_19 : vector<16xi32>
    %and3A_21 = arith.constant 15 : i32
    %and3A_22 = vector.broadcast %and3A_21 : i32 to vector<16xi32>
    %and3A_23 = arith.andi %add3A_20, %and3A_22 : vector<16xi32>
    %add3A_24 = arith.constant 4 : i32
    %add3A_25 = vector.broadcast %add3A_24 : i32 to vector<16xi32>
    %add3A_26 = arith.addi %iota3A, %add3A_25 : vector<16xi32>
    %and3A_27 = arith.constant 15 : i32
    %and3A_28 = vector.broadcast %and3A_27 : i32 to vector<16xi32>
    %and3A_29 = arith.andi %add3A_26, %and3A_28 : vector<16xi32>
    %add3A_30 = arith.constant 5 : i32
    %add3A_31 = vector.broadcast %add3A_30 : i32 to vector<16xi32>
    %add3A_32 = arith.addi %iota3A, %add3A_31 : vector<16xi32>
    %and3A_33 = arith.constant 15 : i32
    %and3A_34 = vector.broadcast %and3A_33 : i32 to vector<16xi32>
    %and3A_35 = arith.andi %add3A_32, %and3A_34 : vector<16xi32>
    %add3A_36 = arith.constant 6 : i32
    %add3A_37 = vector.broadcast %add3A_36 : i32 to vector<16xi32>
    %add3A_38 = arith.addi %iota3A, %add3A_37 : vector<16xi32>
    %and3A_39 = arith.constant 15 : i32
    %and3A_40 = vector.broadcast %and3A_39 : i32 to vector<16xi32>
    %and3A_41 = arith.andi %add3A_38, %and3A_40 : vector<16xi32>
    %add3A_42 = arith.constant 7 : i32
    %add3A_43 = vector.broadcast %add3A_42 : i32 to vector<16xi32>
    %add3A_44 = arith.addi %iota3A, %add3A_43 : vector<16xi32>
    %and3A_45 = arith.constant 15 : i32
    %and3A_46 = vector.broadcast %and3A_45 : i32 to vector<16xi32>
    %and3A_47 = arith.andi %add3A_44, %and3A_46 : vector<16xi32>
    %add3A_48 = arith.constant 8 : i32
    %add3A_49 = vector.broadcast %add3A_48 : i32 to vector<16xi32>
    %add3A_50 = arith.addi %iota3A, %add3A_49 : vector<16xi32>
    %and3A_51 = arith.constant 15 : i32
    %and3A_52 = vector.broadcast %and3A_51 : i32 to vector<16xi32>
    %and3A_53 = arith.andi %add3A_50, %and3A_52 : vector<16xi32>
    %add3A_54 = arith.constant 9 : i32
    %add3A_55 = vector.broadcast %add3A_54 : i32 to vector<16xi32>
    %add3A_56 = arith.addi %iota3A, %add3A_55 : vector<16xi32>
    %and3A_57 = arith.constant 15 : i32
    %and3A_58 = vector.broadcast %and3A_57 : i32 to vector<16xi32>
    %and3A_59 = arith.andi %add3A_56, %and3A_58 : vector<16xi32>
    %add3A_60 = arith.constant 10 : i32
    %add3A_61 = vector.broadcast %add3A_60 : i32 to vector<16xi32>
    %add3A_62 = arith.addi %iota3A, %add3A_61 : vector<16xi32>
    %and3A_63 = arith.constant 15 : i32
    %and3A_64 = vector.broadcast %and3A_63 : i32 to vector<16xi32>
    %and3A_65 = arith.andi %add3A_62, %and3A_64 : vector<16xi32>
    %add3A_66 = arith.constant 11 : i32
    %add3A_67 = vector.broadcast %add3A_66 : i32 to vector<16xi32>
    %add3A_68 = arith.addi %iota3A, %add3A_67 : vector<16xi32>
    %and3A_69 = arith.constant 15 : i32
    %and3A_70 = vector.broadcast %and3A_69 : i32 to vector<16xi32>
    %and3A_71 = arith.andi %add3A_68, %and3A_70 : vector<16xi32>
    %add3A_72 = arith.constant 12 : i32
    %add3A_73 = vector.broadcast %add3A_72 : i32 to vector<16xi32>
    %add3A_74 = arith.addi %iota3A, %add3A_73 : vector<16xi32>
    %and3A_75 = arith.constant 15 : i32
    %and3A_76 = vector.broadcast %and3A_75 : i32 to vector<16xi32>
    %and3A_77 = arith.andi %add3A_74, %and3A_76 : vector<16xi32>
    %add3A_78 = arith.constant 13 : i32
    %add3A_79 = vector.broadcast %add3A_78 : i32 to vector<16xi32>
    %add3A_80 = arith.addi %iota3A, %add3A_79 : vector<16xi32>
    %and3A_81 = arith.constant 15 : i32
    %and3A_82 = vector.broadcast %and3A_81 : i32 to vector<16xi32>
    %and3A_83 = arith.andi %add3A_80, %and3A_82 : vector<16xi32>
    %add3A_84 = arith.constant 14 : i32
    %add3A_85 = vector.broadcast %add3A_84 : i32 to vector<16xi32>
    %add3A_86 = arith.addi %iota3A, %add3A_85 : vector<16xi32>
    %and3A_87 = arith.constant 15 : i32
    %and3A_88 = vector.broadcast %and3A_87 : i32 to vector<16xi32>
    %and3A_89 = arith.andi %add3A_86, %and3A_88 : vector<16xi32>
    %add3A_90 = arith.constant 15 : i32
    %add3A_91 = vector.broadcast %add3A_90 : i32 to vector<16xi32>
    %add3A_92 = arith.addi %iota3A, %add3A_91 : vector<16xi32>
    %and3A_93 = arith.constant 15 : i32
    %and3A_94 = vector.broadcast %and3A_93 : i32 to vector<16xi32>
    %and3A_95 = arith.andi %add3A_92, %and3A_94 : vector<16xi32>
    %eq3A = arith.constant 6 : i32
    %eq3A_96 = arith.cmpi eq, %add3A, %eq3A : i32
    %convert_element_type3A = arith.extui %eq3A_96 : i1 to i32
    %cond3A = arith.constant 0 : i32
    %cond3A_97 = arith.cmpi ne, %convert_element_type3A, %cond3A : i32
    scf.if %cond3A_97 {
      "tpu.region"() ({
        %run_scoped3A = tpu.sem_alloc : memref<!tpu.dma_semaphore, #tpu.memory_space<semaphore_mem>>
        %dma_start3A_187 = arith.constant 999936 : i32
        %dma_start3A_188 = arith.constant 0 : i32
        %dma_start3A_189 = tpu.memref_slice %arg4[%dma_start3A_187, %dma_start3A_188] : memref<1000000x128xf32, #tpu.memory_space<hbm>> -> memref<64x128xf32, #tpu.memory_space<hbm>>
        tpu.enqueue_dma source(%arg3 : memref<64x128xf32, #tpu.memory_space<hbm>>) target(%dma_start3A_189 : memref<64x128xf32, #tpu.memory_space<hbm>>) target_semaphore(%run_scoped3A : memref<!tpu.dma_semaphore, #tpu.memory_space<semaphore_mem>>)
        %dma_wait3A_190 = arith.constant 999936 : i32
        %dma_wait3A_191 = arith.constant 0 : i32
        %dma_wait3A_192 = tpu.memref_slice %arg4[%dma_wait3A_190, %dma_wait3A_191] : memref<1000000x128xf32, #tpu.memory_space<hbm>> -> memref<64x128xf32, #tpu.memory_space<hbm>>
        tpu.wait_dma2 semaphore(%run_scoped3A : memref<!tpu.dma_semaphore, #tpu.memory_space<semaphore_mem>>) src(%arg3 : memref<64x128xf32, #tpu.memory_space<hbm>>) dst(%dma_wait3A_192 : memref<64x128xf32, #tpu.memory_space<hbm>>)
        tpu.yield
      }) : () -> ()
    } else {
    }
    %add3A_98 = arith.constant 0 : i32
    %add3A_99 = arith.addi %add3A, %add3A_98 : i32
    %mul3A_100 = arith.constant 256 : i32
    %mul3A_101 = arith.muli %add3A_99, %mul3A_100 : i32
    %dma_start3A = arith.constant 0 : i32
    %dma_start3A_102 = arith.constant 0 : i32
    %dma_start3A_103 = arith.constant 0 : i32
    %dma_start3A_104 = arith.constant 0 : i32
    %dma_start3A_105 = tpu.memref_slice %arg6[%dma_start3A, %dma_start3A_103, %dma_start3A_104] : memref<2x64x256xf32, #tpu.memory_space<vmem>> -> memref<1x64x256xf32, #tpu.memory_space<vmem>>
    %dma_start3A_106 = tpu.memref_squeeze %dma_start3A_105 : memref<1x64x256xf32, #tpu.memory_space<vmem>> -> memref<64x256xf32, #tpu.memory_space<vmem>>
    %dma_start3A_107 = arith.constant 0 : i32
    %dma_start3A_108 = tpu.memref_slice %arg2[%dma_start3A_107, %mul3A_101] : memref<64x1000000xf32, #tpu.memory_space<hbm>> -> memref<64x256xf32, #tpu.memory_space<hbm>>
    %dma_start3A_109 = tpu.memref_slice %arg8[%dma_start3A_102] : memref<2x!tpu.dma_semaphore, #tpu.memory_space<semaphore_mem>> -> memref<1x!tpu.dma_semaphore, #tpu.memory_space<semaphore_mem>>
    %dma_start3A_110 = tpu.memref_squeeze %dma_start3A_109 : memref<1x!tpu.dma_semaphore, #tpu.memory_space<semaphore_mem>> -> memref<!tpu.dma_semaphore, #tpu.memory_space<semaphore_mem>>
    %dma_start3A_111 = arith.constant 0 : i32
    %dma_start3A_112 = arith.constant 0 : i32
    %dma_start3A_113 = tpu.memref_slice %arg6[%dma_start3A, %dma_start3A_111, %dma_start3A_112] : memref<2x64x256xf32, #tpu.memory_space<vmem>> -> memref<1x64x256xf32, #tpu.memory_space<vmem>>
    %dma_start3A_114 = tpu.memref_squeeze %dma_start3A_113 : memref<1x64x256xf32, #tpu.memory_space<vmem>> -> memref<64x256xf32, #tpu.memory_space<vmem>>
    %dma_start3A_115 = arith.constant 0 : i32
    %dma_start3A_116 = tpu.memref_slice %arg2[%dma_start3A_115, %mul3A_101] : memref<64x1000000xf32, #tpu.memory_space<hbm>> -> memref<64x256xf32, #tpu.memory_space<hbm>>
    tpu.enqueue_dma source(%dma_start3A_116 : memref<64x256xf32, #tpu.memory_space<hbm>>) target(%dma_start3A_114 : memref<64x256xf32, #tpu.memory_space<vmem>>) target_semaphore(%dma_start3A_110 : memref<!tpu.dma_semaphore, #tpu.memory_space<semaphore_mem>>)
    %add3A_117 = arith.constant 32 : i32
    %add3A_118 = arith.addi %add3A, %add3A_117 : i32
    %mul3A_119 = arith.constant 256 : i32
    %mul3A_120 = arith.muli %add3A_118, %mul3A_119 : i32
    %dma_start3A_121 = arith.constant 1 : i32
    %dma_start3A_122 = arith.constant 1 : i32
    %dma_start3A_123 = arith.constant 0 : i32
    %dma_start3A_124 = arith.constant 0 : i32
    %dma_start3A_125 = tpu.memref_slice %arg6[%dma_start3A_121, %dma_start3A_123, %dma_start3A_124] : memref<2x64x256xf32, #tpu.memory_space<vmem>> -> memref<1x64x256xf32, #tpu.memory_space<vmem>>
    %dma_start3A_126 = tpu.memref_squeeze %dma_start3A_125 : memref<1x64x256xf32, #tpu.memory_space<vmem>> -> memref<64x256xf32, #tpu.memory_space<vmem>>
    %dma_start3A_127 = arith.constant 0 : i32
    %dma_start3A_128 = tpu.memref_slice %arg2[%dma_start3A_127, %mul3A_120] : memref<64x1000000xf32, #tpu.memory_space<hbm>> -> memref<64x256xf32, #tpu.memory_space<hbm>>
    %dma_start3A_129 = tpu.memref_slice %arg8[%dma_start3A_122] : memref<2x!tpu.dma_semaphore, #tpu.memory_space<semaphore_mem>> -> memref<1x!tpu.dma_semaphore, #tpu.memory_space<semaphore_mem>>
    %dma_start3A_130 = tpu.memref_squeeze %dma_start3A_129 : memref<1x!tpu.dma_semaphore, #tpu.memory_space<semaphore_mem>> -> memref<!tpu.dma_semaphore, #tpu.memory_space<semaphore_mem>>
    %dma_start3A_131 = arith.constant 0 : i32
    %dma_start3A_132 = arith.constant 0 : i32
    %dma_start3A_133 = tpu.memref_slice %arg6[%dma_start3A_121, %dma_start3A_131, %dma_start3A_132] : memref<2x64x256xf32, #tpu.memory_space<vmem>> -> memref<1x64x256xf32, #tpu.memory_space<vmem>>
    %dma_start3A_134 = tpu.memref_squeeze %dma_start3A_133 : memref<1x64x256xf32, #tpu.memory_space<vmem>> -> memref<64x256xf32, #tpu.memory_space<vmem>>
    %dma_start3A_135 = arith.constant 0 : i32
    %dma_start3A_136 = tpu.memref_slice %arg2[%dma_start3A_135, %mul3A_120] : memref<64x1000000xf32, #tpu.memory_space<hbm>> -> memref<64x256xf32, #tpu.memory_space<hbm>>
    tpu.enqueue_dma source(%dma_start3A_136 : memref<64x256xf32, #tpu.memory_space<hbm>>) target(%dma_start3A_134 : memref<64x256xf32, #tpu.memory_space<vmem>>) target_semaphore(%dma_start3A_130 : memref<!tpu.dma_semaphore, #tpu.memory_space<semaphore_mem>>)
    %scan3A = arith.constant 0 : i32
    %scan3A_137 = arith.constant 0 : i32
    %scan3A_138 = arith.constant 122 : i32
    %scan3A_139 = arith.addi %scan3A_137, %scan3A_138 : i32
    %scan3A_140 = arith.constant 1 : i32
    scf.for %scan3A_187 = %scan3A_137 to %scan3A_139 step %scan3A_140  : i32 {
      %jit3A = arith.constant 2 : i32
      %eq3A_188 = arith.constant 0 : i32
      %eq3A_189 = arith.cmpi eq, %jit3A, %eq3A_188 : i32
      %jit3A_190 = arith.constant 1 : i32
      %select_n3A = arith.select %eq3A_189, %jit3A_190, %jit3A : i32
      %rem3A = arith.remsi %scan3A_187, %select_n3A : i32
      %ne3A = arith.constant 0 : i32
      %ne3A_191 = arith.cmpi ne, %rem3A, %ne3A : i32
      %lt3A = arith.constant 0 : i32
      %lt3A_192 = arith.cmpi slt, %rem3A, %lt3A : i32
      %lt3A_193 = arith.constant 0 : i32
      %lt3A_194 = arith.cmpi slt, %select_n3A, %lt3A_193 : i32
      %ne3A_195 = arith.xori %lt3A_192, %lt3A_194 : i1
      %and3A_196 = arith.andi %ne3A_195, %ne3A_191 : i1
      %add3A_197 = arith.addi %rem3A, %select_n3A : i32
      %select_n3A_198 = arith.select %and3A_196, %add3A_197, %rem3A : i32
      %dma_wait3A_199 = arith.constant 0 : i32
      %dma_wait3A_200 = arith.constant 0 : i32
      %dma_wait3A_201 = tpu.memref_slice %arg6[%select_n3A_198, %dma_wait3A_199, %dma_wait3A_200] : memref<2x64x256xf32, #tpu.memory_space<vmem>> -> memref<1x64x256xf32, #tpu.memory_space<vmem>>
      %dma_wait3A_202 = tpu.memref_squeeze %dma_wait3A_201 : memref<1x64x256xf32, #tpu.memory_space<vmem>> -> memref<64x256xf32, #tpu.memory_space<vmem>>
      %dma_wait3A_203 = arith.constant 0 : i32
      %dma_wait3A_204 = arith.constant 0 : i32
      %dma_wait3A_205 = tpu.memref_slice %arg2[%dma_wait3A_203, %dma_wait3A_204] : memref<64x1000000xf32, #tpu.memory_space<hbm>> -> memref<64x256xf32, #tpu.memory_space<hbm>>
      %dma_wait3A_206 = tpu.memref_slice %arg8[%select_n3A_198] : memref<2x!tpu.dma_semaphore, #tpu.memory_space<semaphore_mem>> -> memref<1x!tpu.dma_semaphore, #tpu.memory_space<semaphore_mem>>
      %dma_wait3A_207 = tpu.memref_squeeze %dma_wait3A_206 : memref<1x!tpu.dma_semaphore, #tpu.memory_space<semaphore_mem>> -> memref<!tpu.dma_semaphore, #tpu.memory_space<semaphore_mem>>
      %dma_wait3A_208 = arith.constant 0 : i32
      %dma_wait3A_209 = arith.constant 0 : i32
      %dma_wait3A_210 = tpu.memref_slice %arg6[%select_n3A_198, %dma_wait3A_208, %dma_wait3A_209] : memref<2x64x256xf32, #tpu.memory_space<vmem>> -> memref<1x64x256xf32, #tpu.memory_space<vmem>>
      %dma_wait3A_211 = tpu.memref_squeeze %dma_wait3A_210 : memref<1x64x256xf32, #tpu.memory_space<vmem>> -> memref<64x256xf32, #tpu.memory_space<vmem>>
      %dma_wait3A_212 = arith.constant 0 : i32
      %dma_wait3A_213 = arith.constant 0 : i32
      %dma_wait3A_214 = tpu.memref_slice %arg2[%dma_wait3A_212, %dma_wait3A_213] : memref<64x1000000xf32, #tpu.memory_space<hbm>> -> memref<64x256xf32, #tpu.memory_space<hbm>>
      tpu.wait_dma2 semaphore(%dma_wait3A_207 : memref<!tpu.dma_semaphore, #tpu.memory_space<semaphore_mem>>) src(%dma_wait3A_214 : memref<64x256xf32, #tpu.memory_space<hbm>>) dst(%dma_wait3A_211 : memref<64x256xf32, #tpu.memory_space<vmem>>)
      %mul3A_215 = arith.constant 32 : i32
      %mul3A_216 = arith.muli %mul3A_215, %scan3A_187 : i32
      %add3A_217 = arith.addi %add3A, %mul3A_216 : i32
      %mul3A_218 = arith.constant 256 : i32
      %mul3A_219 = arith.muli %add3A_217, %mul3A_218 : i32
      %dma_start3A_220 = arith.constant 0 : i32
      %dma_start3A_221 = arith.constant 0 : i32
      %dma_start3A_222 = tpu.memref_slice %arg6[%select_n3A_198, %dma_start3A_220, %dma_start3A_221] : memref<2x64x256xf32, #tpu.memory_space<vmem>> -> memref<1x64x256xf32, #tpu.memory_space<vmem>>
      %dma_start3A_223 = tpu.memref_squeeze %dma_start3A_222 : memref<1x64x256xf32, #tpu.memory_space<vmem>> -> memref<64x256xf32, #tpu.memory_space<vmem>>
      %dma_start3A_224 = arith.constant 0 : i32
      %dma_start3A_225 = tpu.memref_slice %arg5[%dma_start3A_224, %mul3A_219] : memref<64x1000000xf32, #tpu.memory_space<hbm>> -> memref<64x256xf32, #tpu.memory_space<hbm>>
      %dma_start3A_226 = tpu.memref_slice %arg10[%select_n3A_198] : memref<2x!tpu.dma_semaphore, #tpu.memory_space<semaphore_mem>> -> memref<1x!tpu.dma_semaphore, #tpu.memory_space<semaphore_mem>>
      %dma_start3A_227 = tpu.memref_squeeze %dma_start3A_226 : memref<1x!tpu.dma_semaphore, #tpu.memory_space<semaphore_mem>> -> memref<!tpu.dma_semaphore, #tpu.memory_space<semaphore_mem>>
      %dma_start3A_228 = arith.constant 0 : i32
      %dma_start3A_229 = tpu.memref_slice %arg5[%dma_start3A_228, %mul3A_219] : memref<64x1000000xf32, #tpu.memory_space<hbm>> -> memref<64x256xf32, #tpu.memory_space<hbm>>
      %dma_start3A_230 = arith.constant 0 : i32
      %dma_start3A_231 = arith.constant 0 : i32
      %dma_start3A_232 = tpu.memref_slice %arg6[%select_n3A_198, %dma_start3A_230, %dma_start3A_231] : memref<2x64x256xf32, #tpu.memory_space<vmem>> -> memref<1x64x256xf32, #tpu.memory_space<vmem>>
      %dma_start3A_233 = tpu.memref_squeeze %dma_start3A_232 : memref<1x64x256xf32, #tpu.memory_space<vmem>> -> memref<64x256xf32, #tpu.memory_space<vmem>>
      tpu.enqueue_dma source(%dma_start3A_233 : memref<64x256xf32, #tpu.memory_space<vmem>>) target(%dma_start3A_229 : memref<64x256xf32, #tpu.memory_space<hbm>>) target_semaphore(%dma_start3A_227 : memref<!tpu.dma_semaphore, #tpu.memory_space<semaphore_mem>>)
      %ge3A = arith.constant 2 : i32
      %ge3A_234 = arith.cmpi sge, %scan3A_187, %ge3A : i32
      %convert_element_type3A_235 = arith.extui %ge3A_234 : i1 to i32
      %cond3A_236 = arith.constant 0 : i32
      %cond3A_237 = arith.cmpi ne, %convert_element_type3A_235, %cond3A_236 : i32
      scf.if %cond3A_237 {
        %dma_wait3A_282 = arith.constant 0 : i32
        %dma_wait3A_283 = arith.constant 0 : i32
        %dma_wait3A_284 = tpu.memref_slice %arg7[%select_n3A_198, %dma_wait3A_282, %dma_wait3A_283] : memref<2x256x128xf32, #tpu.memory_space<vmem>> -> memref<1x256x128xf32, #tpu.memory_space<vmem>>
        %dma_wait3A_285 = tpu.memref_squeeze %dma_wait3A_284 : memref<1x256x128xf32, #tpu.memory_space<vmem>> -> memref<256x128xf32, #tpu.memory_space<vmem>>
        %dma_wait3A_286 = arith.constant 0 : i32
        %dma_wait3A_287 = arith.constant 0 : i32
        %dma_wait3A_288 = tpu.memref_slice %arg4[%dma_wait3A_286, %dma_wait3A_287] : memref<1000000x128xf32, #tpu.memory_space<hbm>> -> memref<256x128xf32, #tpu.memory_space<hbm>>
        %dma_wait3A_289 = tpu.memref_slice %arg9[%select_n3A_198] : memref<2x!tpu.dma_semaphore, #tpu.memory_space<semaphore_mem>> -> memref<1x!tpu.dma_semaphore, #tpu.memory_space<semaphore_mem>>
        %dma_wait3A_290 = tpu.memref_squeeze %dma_wait3A_289 : memref<1x!tpu.dma_semaphore, #tpu.memory_space<semaphore_mem>> -> memref<!tpu.dma_semaphore, #tpu.memory_space<semaphore_mem>>
        %dma_wait3A_291 = arith.constant 0 : i32
        %dma_wait3A_292 = arith.constant 0 : i32
        %dma_wait3A_293 = tpu.memref_slice %arg4[%dma_wait3A_291, %dma_wait3A_292] : memref<1000000x128xf32, #tpu.memory_space<hbm>> -> memref<256x128xf32, #tpu.memory_space<hbm>>
        %dma_wait3A_294 = arith.constant 0 : i32
        %dma_wait3A_295 = arith.constant 0 : i32
        %dma_wait3A_296 = tpu.memref_slice %arg7[%select_n3A_198, %dma_wait3A_294, %dma_wait3A_295] : memref<2x256x128xf32, #tpu.memory_space<vmem>> -> memref<1x256x128xf32, #tpu.memory_space<vmem>>
        %dma_wait3A_297 = tpu.memref_squeeze %dma_wait3A_296 : memref<1x256x128xf32, #tpu.memory_space<vmem>> -> memref<256x128xf32, #tpu.memory_space<vmem>>
        tpu.wait_dma2 semaphore(%dma_wait3A_290 : memref<!tpu.dma_semaphore, #tpu.memory_space<semaphore_mem>>) src(%dma_wait3A_297 : memref<256x128xf32, #tpu.memory_space<vmem>>) dst(%dma_wait3A_293 : memref<256x128xf32, #tpu.memory_space<hbm>>)
      } else {
      }
      %parallel_loop3A = arith.constant 0 : i32
      %parallel_loop3A_238 = arith.constant 64 : i32
      %parallel_loop3A_239 = arith.constant 1 : i32
      scf.for %parallel_loop3A_282 = %parallel_loop3A to %parallel_loop3A_238 step %parallel_loop3A_239  : i32 {
        %parallel_loop3A_283 = arith.constant 3 : i32
        %parallel_loop3A_284 = arith.andi %parallel_loop3A_282, %parallel_loop3A_283 : i32
        %parallel_loop3A_285 = arith.constant 16 : i32
        %parallel_loop3A_286 = arith.muli %parallel_loop3A_284, %parallel_loop3A_285 : i32
        %parallel_loop3A_287 = arith.constant 2 : i32
        %parallel_loop3A_288 = arith.shrsi %parallel_loop3A_282, %parallel_loop3A_287 : i32
        %parallel_loop3A_289 = arith.constant 16 : i32
        %parallel_loop3A_290 = arith.muli %parallel_loop3A_288, %parallel_loop3A_289 : i32
        %parallel_loop3A_291 = vector.broadcast %parallel_loop3A_286 : i32 to vector<16xi32>
        %parallel_loop3A_292 = arith.addi %parallel_loop3A_291, %iota3A : vector<16xi32>
        %parallel_loop3A_293 = vector.broadcast %parallel_loop3A_290 : i32 to vector<16xi32>
        %parallel_loop3A_294 = arith.addi %parallel_loop3A_293, %and3A_5 : vector<16xi32>
        %parallel_loop3A_295 = arith.constant 0 : i32
        %parallel_loop3A_296 = arith.constant 0 : i32
        %parallel_loop3A_297 = tpu.memref_slice %arg6[%select_n3A_198, %parallel_loop3A_295, %parallel_loop3A_296] : memref<2x64x256xf32, #tpu.memory_space<vmem>> -> memref<1x64x256xf32, #tpu.memory_space<vmem>>
        %parallel_loop3A_298 = tpu.memref_squeeze %parallel_loop3A_297 : memref<1x64x256xf32, #tpu.memory_space<vmem>> -> memref<64x256xf32, #tpu.memory_space<vmem>>
        %parallel_loop3A_299 = tpu.vector_load_idx %parallel_loop3A_298[%parallel_loop3A_292, %parallel_loop3A_294] : memref<64x256xf32, #tpu.memory_space<vmem>>[vector<16xi32>, vector<16xi32>], vector<16xf32>,
        %parallel_loop3A_300 = arith.constant 0 : i32
        %parallel_loop3A_301 = arith.constant 0 : i32
        %parallel_loop3A_302 = tpu.memref_slice %arg7[%select_n3A_198, %parallel_loop3A_300, %parallel_loop3A_301] : memref<2x256x128xf32, #tpu.memory_space<vmem>> -> memref<1x256x128xf32, #tpu.memory_space<vmem>>
        %parallel_loop3A_303 = tpu.memref_squeeze %parallel_loop3A_302 : memref<1x256x128xf32, #tpu.memory_space<vmem>> -> memref<256x128xf32, #tpu.memory_space<vmem>>
        tpu.vector_store_idx %parallel_loop3A_303[%parallel_loop3A_294, %parallel_loop3A_292], %parallel_loop3A_299 : memref<256x128xf32, #tpu.memory_space<vmem>>[vector<16xi32>, vector<16xi32>], vector<16xf32>,
        %parallel_loop3A_304 = vector.broadcast %parallel_loop3A_290 : i32 to vector<16xi32>
        %parallel_loop3A_305 = arith.addi %parallel_loop3A_304, %and3A_11 : vector<16xi32>
        %parallel_loop3A_306 = arith.constant 0 : i32
        %parallel_loop3A_307 = arith.constant 0 : i32
        %parallel_loop3A_308 = tpu.memref_slice %arg6[%select_n3A_198, %parallel_loop3A_306, %parallel_loop3A_307] : memref<2x64x256xf32, #tpu.memory_space<vmem>> -> memref<1x64x256xf32, #tpu.memory_space<vmem>>
        %parallel_loop3A_309 = tpu.memref_squeeze %parallel_loop3A_308 : memref<1x64x256xf32, #tpu.memory_space<vmem>> -> memref<64x256xf32, #tpu.memory_space<vmem>>
        %parallel_loop3A_310 = tpu.vector_load_idx %parallel_loop3A_309[%parallel_loop3A_292, %parallel_loop3A_305] : memref<64x256xf32, #tpu.memory_space<vmem>>[vector<16xi32>, vector<16xi32>], vector<16xf32>,
        %parallel_loop3A_311 = arith.constant 0 : i32
        %parallel_loop3A_312 = arith.constant 0 : i32
        %parallel_loop3A_313 = tpu.memref_slice %arg7[%select_n3A_198, %parallel_loop3A_311, %parallel_loop3A_312] : memref<2x256x128xf32, #tpu.memory_space<vmem>> -> memref<1x256x128xf32, #tpu.memory_space<vmem>>
        %parallel_loop3A_314 = tpu.memref_squeeze %parallel_loop3A_313 : memref<1x256x128xf32, #tpu.memory_space<vmem>> -> memref<256x128xf32, #tpu.memory_space<vmem>>
        tpu.vector_store_idx %parallel_loop3A_314[%parallel_loop3A_305, %parallel_loop3A_292], %parallel_loop3A_310 : memref<256x128xf32, #tpu.memory_space<vmem>>[vector<16xi32>, vector<16xi32>], vector<16xf32>,
        %parallel_loop3A_315 = vector.broadcast %parallel_loop3A_290 : i32 to vector<16xi32>
        %parallel_loop3A_316 = arith.addi %parallel_loop3A_315, %and3A_17 : vector<16xi32>
        %parallel_loop3A_317 = arith.constant 0 : i32
        %parallel_loop3A_318 = arith.constant 0 : i32
        %parallel_loop3A_319 = tpu.memref_slice %arg6[%select_n3A_198, %parallel_loop3A_317, %parallel_loop3A_318] : memref<2x64x256xf32, #tpu.memory_space<vmem>> -> memref<1x64x256xf32, #tpu.memory_space<vmem>>
        %parallel_loop3A_320 = tpu.memref_squeeze %parallel_loop3A_319 : memref<1x64x256xf32, #tpu.memory_space<vmem>> -> memref<64x256xf32, #tpu.memory_space<vmem>>
        %parallel_loop3A_321 = tpu.vector_load_idx %parallel_loop3A_320[%parallel_loop3A_292, %parallel_loop3A_316] : memref<64x256xf32, #tpu.memory_space<vmem>>[vector<16xi32>, vector<16xi32>], vector<16xf32>,
        %parallel_loop3A_322 = arith.constant 0 : i32
        %parallel_loop3A_323 = arith.constant 0 : i32
        %parallel_loop3A_324 = tpu.memref_slice %arg7[%select_n3A_198, %parallel_loop3A_322, %parallel_loop3A_323] : memref<2x256x128xf32, #tpu.memory_space<vmem>> -> memref<1x256x128xf32, #tpu.memory_space<vmem>>
        %parallel_loop3A_325 = tpu.memref_squeeze %parallel_loop3A_324 : memref<1x256x128xf32, #tpu.memory_space<vmem>> -> memref<256x128xf32, #tpu.memory_space<vmem>>
        tpu.vector_store_idx %parallel_loop3A_325[%parallel_loop3A_316, %parallel_loop3A_292], %parallel_loop3A_321 : memref<256x128xf32, #tpu.memory_space<vmem>>[vector<16xi32>, vector<16xi32>], vector<16xf32>,
        %parallel_loop3A_326 = vector.broadcast %parallel_loop3A_290 : i32 to vector<16xi32>
        %parallel_loop3A_327 = arith.addi %parallel_loop3A_326, %and3A_23 : vector<16xi32>
        %parallel_loop3A_328 = arith.constant 0 : i32
        %parallel_loop3A_329 = arith.constant 0 : i32
        %parallel_loop3A_330 = tpu.memref_slice %arg6[%select_n3A_198, %parallel_loop3A_328, %parallel_loop3A_329] : memref<2x64x256xf32, #tpu.memory_space<vmem>> -> memref<1x64x256xf32, #tpu.memory_space<vmem>>
        %parallel_loop3A_331 = tpu.memref_squeeze %parallel_loop3A_330 : memref<1x64x256xf32, #tpu.memory_space<vmem>> -> memref<64x256xf32, #tpu.memory_space<vmem>>
        %parallel_loop3A_332 = tpu.vector_load_idx %parallel_loop3A_331[%parallel_loop3A_292, %parallel_loop3A_327] : memref<64x256xf32, #tpu.memory_space<vmem>>[vector<16xi32>, vector<16xi32>], vector<16xf32>,
        %parallel_loop3A_333 = arith.constant 0 : i32
        %parallel_loop3A_334 = arith.constant 0 : i32
        %parallel_loop3A_335 = tpu.memref_slice %arg7[%select_n3A_198, %parallel_loop3A_333, %parallel_loop3A_334] : memref<2x256x128xf32, #tpu.memory_space<vmem>> -> memref<1x256x128xf32, #tpu.memory_space<vmem>>
        %parallel_loop3A_336 = tpu.memref_squeeze %parallel_loop3A_335 : memref<1x256x128xf32, #tpu.memory_space<vmem>> -> memref<256x128xf32, #tpu.memory_space<vmem>>
        tpu.vector_store_idx %parallel_loop3A_336[%parallel_loop3A_327, %parallel_loop3A_292], %parallel_loop3A_332 : memref<256x128xf32, #tpu.memory_space<vmem>>[vector<16xi32>, vector<16xi32>], vector<16xf32>,
        %parallel_loop3A_337 = vector.broadcast %parallel_loop3A_290 : i32 to vector<16xi32>
        %parallel_loop3A_338 = arith.addi %parallel_loop3A_337, %and3A_29 : vector<16xi32>
        %parallel_loop3A_339 = arith.constant 0 : i32
        %parallel_loop3A_340 = arith.constant 0 : i32
        %parallel_loop3A_341 = tpu.memref_slice %arg6[%select_n3A_198, %parallel_loop3A_339, %parallel_loop3A_340] : memref<2x64x256xf32, #tpu.memory_space<vmem>> -> memref<1x64x256xf32, #tpu.memory_space<vmem>>
        %parallel_loop3A_342 = tpu.memref_squeeze %parallel_loop3A_341 : memref<1x64x256xf32, #tpu.memory_space<vmem>> -> memref<64x256xf32, #tpu.memory_space<vmem>>
        %parallel_loop3A_343 = tpu.vector_load_idx %parallel_loop3A_342[%parallel_loop3A_292, %parallel_loop3A_338] : memref<64x256xf32, #tpu.memory_space<vmem>>[vector<16xi32>, vector<16xi32>], vector<16xf32>,
        %parallel_loop3A_344 = arith.constant 0 : i32
        %parallel_loop3A_345 = arith.constant 0 : i32
        %parallel_loop3A_346 = tpu.memref_slice %arg7[%select_n3A_198, %parallel_loop3A_344, %parallel_loop3A_345] : memref<2x256x128xf32, #tpu.memory_space<vmem>> -> memref<1x256x128xf32, #tpu.memory_space<vmem>>
        %parallel_loop3A_347 = tpu.memref_squeeze %parallel_loop3A_346 : memref<1x256x128xf32, #tpu.memory_space<vmem>> -> memref<256x128xf32, #tpu.memory_space<vmem>>
        tpu.vector_store_idx %parallel_loop3A_347[%parallel_loop3A_338, %parallel_loop3A_292], %parallel_loop3A_343 : memref<256x128xf32, #tpu.memory_space<vmem>>[vector<16xi32>, vector<16xi32>], vector<16xf32>,
        %parallel_loop3A_348 = vector.broadcast %parallel_loop3A_290 : i32 to vector<16xi32>
        %parallel_loop3A_349 = arith.addi %parallel_loop3A_348, %and3A_35 : vector<16xi32>
        %parallel_loop3A_350 = arith.constant 0 : i32
        %parallel_loop3A_351 = arith.constant 0 : i32
        %parallel_loop3A_352 = tpu.memref_slice %arg6[%select_n3A_198, %parallel_loop3A_350, %parallel_loop3A_351] : memref<2x64x256xf32, #tpu.memory_space<vmem>> -> memref<1x64x256xf32, #tpu.memory_space<vmem>>
        %parallel_loop3A_353 = tpu.memref_squeeze %parallel_loop3A_352 : memref<1x64x256xf32, #tpu.memory_space<vmem>> -> memref<64x256xf32, #tpu.memory_space<vmem>>
        %parallel_loop3A_354 = tpu.vector_load_idx %parallel_loop3A_353[%parallel_loop3A_292, %parallel_loop3A_349] : memref<64x256xf32, #tpu.memory_space<vmem>>[vector<16xi32>, vector<16xi32>], vector<16xf32>,
        %parallel_loop3A_355 = arith.constant 0 : i32
        %parallel_loop3A_356 = arith.constant 0 : i32
        %parallel_loop3A_357 = tpu.memref_slice %arg7[%select_n3A_198, %parallel_loop3A_355, %parallel_loop3A_356] : memref<2x256x128xf32, #tpu.memory_space<vmem>> -> memref<1x256x128xf32, #tpu.memory_space<vmem>>
        %parallel_loop3A_358 = tpu.memref_squeeze %parallel_loop3A_357 : memref<1x256x128xf32, #tpu.memory_space<vmem>> -> memref<256x128xf32, #tpu.memory_space<vmem>>
        tpu.vector_store_idx %parallel_loop3A_358[%parallel_loop3A_349, %parallel_loop3A_292], %parallel_loop3A_354 : memref<256x128xf32, #tpu.memory_space<vmem>>[vector<16xi32>, vector<16xi32>], vector<16xf32>,
        %parallel_loop3A_359 = vector.broadcast %parallel_loop3A_290 : i32 to vector<16xi32>
        %parallel_loop3A_360 = arith.addi %parallel_loop3A_359, %and3A_41 : vector<16xi32>
        %parallel_loop3A_361 = arith.constant 0 : i32
        %parallel_loop3A_362 = arith.constant 0 : i32
        %parallel_loop3A_363 = tpu.memref_slice %arg6[%select_n3A_198, %parallel_loop3A_361, %parallel_loop3A_362] : memref<2x64x256xf32, #tpu.memory_space<vmem>> -> memref<1x64x256xf32, #tpu.memory_space<vmem>>
        %parallel_loop3A_364 = tpu.memref_squeeze %parallel_loop3A_363 : memref<1x64x256xf32, #tpu.memory_space<vmem>> -> memref<64x256xf32, #tpu.memory_space<vmem>>
        %parallel_loop3A_365 = tpu.vector_load_idx %parallel_loop3A_364[%parallel_loop3A_292, %parallel_loop3A_360] : memref<64x256xf32, #tpu.memory_space<vmem>>[vector<16xi32>, vector<16xi32>], vector<16xf32>,
        %parallel_loop3A_366 = arith.constant 0 : i32
        %parallel_loop3A_367 = arith.constant 0 : i32
        %parallel_loop3A_368 = tpu.memref_slice %arg7[%select_n3A_198, %parallel_loop3A_366, %parallel_loop3A_367] : memref<2x256x128xf32, #tpu.memory_space<vmem>> -> memref<1x256x128xf32, #tpu.memory_space<vmem>>
        %parallel_loop3A_369 = tpu.memref_squeeze %parallel_loop3A_368 : memref<1x256x128xf32, #tpu.memory_space<vmem>> -> memref<256x128xf32, #tpu.memory_space<vmem>>
        tpu.vector_store_idx %parallel_loop3A_369[%parallel_loop3A_360, %parallel_loop3A_292], %parallel_loop3A_365 : memref<256x128xf32, #tpu.memory_space<vmem>>[vector<16xi32>, vector<16xi32>], vector<16xf32>,
        %parallel_loop3A_370 = vector.broadcast %parallel_loop3A_290 : i32 to vector<16xi32>
        %parallel_loop3A_371 = arith.addi %parallel_loop3A_370, %and3A_47 : vector<16xi32>
        %parallel_loop3A_372 = arith.constant 0 : i32
        %parallel_loop3A_373 = arith.constant 0 : i32
        %parallel_loop3A_374 = tpu.memref_slice %arg6[%select_n3A_198, %parallel_loop3A_372, %parallel_loop3A_373] : memref<2x64x256xf32, #tpu.memory_space<vmem>> -> memref<1x64x256xf32, #tpu.memory_space<vmem>>
        %parallel_loop3A_375 = tpu.memref_squeeze %parallel_loop3A_374 : memref<1x64x256xf32, #tpu.memory_space<vmem>> -> memref<64x256xf32, #tpu.memory_space<vmem>>
        %parallel_loop3A_376 = tpu.vector_load_idx %parallel_loop3A_375[%parallel_loop3A_292, %parallel_loop3A_371] : memref<64x256xf32, #tpu.memory_space<vmem>>[vector<16xi32>, vector<16xi32>], vector<16xf32>,
        %parallel_loop3A_377 = arith.constant 0 : i32
        %parallel_loop3A_378 = arith.constant 0 : i32
        %parallel_loop3A_379 = tpu.memref_slice %arg7[%select_n3A_198, %parallel_loop3A_377, %parallel_loop3A_378] : memref<2x256x128xf32, #tpu.memory_space<vmem>> -> memref<1x256x128xf32, #tpu.memory_space<vmem>>
        %parallel_loop3A_380 = tpu.memref_squeeze %parallel_loop3A_379 : memref<1x256x128xf32, #tpu.memory_space<vmem>> -> memref<256x128xf32, #tpu.memory_space<vmem>>
        tpu.vector_store_idx %parallel_loop3A_380[%parallel_loop3A_371, %parallel_loop3A_292], %parallel_loop3A_376 : memref<256x128xf32, #tpu.memory_space<vmem>>[vector<16xi32>, vector<16xi32>], vector<16xf32>,
        %parallel_loop3A_381 = vector.broadcast %parallel_loop3A_290 : i32 to vector<16xi32>
        %parallel_loop3A_382 = arith.addi %parallel_loop3A_381, %and3A_53 : vector<16xi32>
        %parallel_loop3A_383 = arith.constant 0 : i32
        %parallel_loop3A_384 = arith.constant 0 : i32
        %parallel_loop3A_385 = tpu.memref_slice %arg6[%select_n3A_198, %parallel_loop3A_383, %parallel_loop3A_384] : memref<2x64x256xf32, #tpu.memory_space<vmem>> -> memref<1x64x256xf32, #tpu.memory_space<vmem>>
        %parallel_loop3A_386 = tpu.memref_squeeze %parallel_loop3A_385 : memref<1x64x256xf32, #tpu.memory_space<vmem>> -> memref<64x256xf32, #tpu.memory_space<vmem>>
        %parallel_loop3A_387 = tpu.vector_load_idx %parallel_loop3A_386[%parallel_loop3A_292, %parallel_loop3A_382] : memref<64x256xf32, #tpu.memory_space<vmem>>[vector<16xi32>, vector<16xi32>], vector<16xf32>,
        %parallel_loop3A_388 = arith.constant 0 : i32
        %parallel_loop3A_389 = arith.constant 0 : i32
        %parallel_loop3A_390 = tpu.memref_slice %arg7[%select_n3A_198, %parallel_loop3A_388, %parallel_loop3A_389] : memref<2x256x128xf32, #tpu.memory_space<vmem>> -> memref<1x256x128xf32, #tpu.memory_space<vmem>>
        %parallel_loop3A_391 = tpu.memref_squeeze %parallel_loop3A_390 : memref<1x256x128xf32, #tpu.memory_space<vmem>> -> memref<256x128xf32, #tpu.memory_space<vmem>>
        tpu.vector_store_idx %parallel_loop3A_391[%parallel_loop3A_382, %parallel_loop3A_292], %parallel_loop3A_387 : memref<256x128xf32, #tpu.memory_space<vmem>>[vector<16xi32>, vector<16xi32>], vector<16xf32>,
        %parallel_loop3A_392 = vector.broadcast %parallel_loop3A_290 : i32 to vector<16xi32>
        %parallel_loop3A_393 = arith.addi %parallel_loop3A_392, %and3A_59 : vector<16xi32>
        %parallel_loop3A_394 = arith.constant 0 : i32
        %parallel_loop3A_395 = arith.constant 0 : i32
        %parallel_loop3A_396 = tpu.memref_slice %arg6[%select_n3A_198, %parallel_loop3A_394, %parallel_loop3A_395] : memref<2x64x256xf32, #tpu.memory_space<vmem>> -> memref<1x64x256xf32, #tpu.memory_space<vmem>>
        %parallel_loop3A_397 = tpu.memref_squeeze %parallel_loop3A_396 : memref<1x64x256xf32, #tpu.memory_space<vmem>> -> memref<64x256xf32, #tpu.memory_space<vmem>>
        %parallel_loop3A_398 = tpu.vector_load_idx %parallel_loop3A_397[%parallel_loop3A_292, %parallel_loop3A_393] : memref<64x256xf32, #tpu.memory_space<vmem>>[vector<16xi32>, vector<16xi32>], vector<16xf32>,
        %parallel_loop3A_399 = arith.constant 0 : i32
        %parallel_loop3A_400 = arith.constant 0 : i32
        %parallel_loop3A_401 = tpu.memref_slice %arg7[%select_n3A_198, %parallel_loop3A_399, %parallel_loop3A_400] : memref<2x256x128xf32, #tpu.memory_space<vmem>> -> memref<1x256x128xf32, #tpu.memory_space<vmem>>
        %parallel_loop3A_402 = tpu.memref_squeeze %parallel_loop3A_401 : memref<1x256x128xf32, #tpu.memory_space<vmem>> -> memref<256x128xf32, #tpu.memory_space<vmem>>
        tpu.vector_store_idx %parallel_loop3A_402[%parallel_loop3A_393, %parallel_loop3A_292], %parallel_loop3A_398 : memref<256x128xf32, #tpu.memory_space<vmem>>[vector<16xi32>, vector<16xi32>], vector<16xf32>,
        %parallel_loop3A_403 = vector.broadcast %parallel_loop3A_290 : i32 to vector<16xi32>
        %parallel_loop3A_404 = arith.addi %parallel_loop3A_403, %and3A_65 : vector<16xi32>
        %parallel_loop3A_405 = arith.constant 0 : i32
        %parallel_loop3A_406 = arith.constant 0 : i32
        %parallel_loop3A_407 = tpu.memref_slice %arg6[%select_n3A_198, %parallel_loop3A_405, %parallel_loop3A_406] : memref<2x64x256xf32, #tpu.memory_space<vmem>> -> memref<1x64x256xf32, #tpu.memory_space<vmem>>
        %parallel_loop3A_408 = tpu.memref_squeeze %parallel_loop3A_407 : memref<1x64x256xf32, #tpu.memory_space<vmem>> -> memref<64x256xf32, #tpu.memory_space<vmem>>
        %parallel_loop3A_409 = tpu.vector_load_idx %parallel_loop3A_408[%parallel_loop3A_292, %parallel_loop3A_404] : memref<64x256xf32, #tpu.memory_space<vmem>>[vector<16xi32>, vector<16xi32>], vector<16xf32>,
        %parallel_loop3A_410 = arith.constant 0 : i32
        %parallel_loop3A_411 = arith.constant 0 : i32
        %parallel_loop3A_412 = tpu.memref_slice %arg7[%select_n3A_198, %parallel_loop3A_410, %parallel_loop3A_411] : memref<2x256x128xf32, #tpu.memory_space<vmem>> -> memref<1x256x128xf32, #tpu.memory_space<vmem>>
        %parallel_loop3A_413 = tpu.memref_squeeze %parallel_loop3A_412 : memref<1x256x128xf32, #tpu.memory_space<vmem>> -> memref<256x128xf32, #tpu.memory_space<vmem>>
        tpu.vector_store_idx %parallel_loop3A_413[%parallel_loop3A_404, %parallel_loop3A_292], %parallel_loop3A_409 : memref<256x128xf32, #tpu.memory_space<vmem>>[vector<16xi32>, vector<16xi32>], vector<16xf32>,
        %parallel_loop3A_414 = vector.broadcast %parallel_loop3A_290 : i32 to vector<16xi32>
        %parallel_loop3A_415 = arith.addi %parallel_loop3A_414, %and3A_71 : vector<16xi32>
        %parallel_loop3A_416 = arith.constant 0 : i32
        %parallel_loop3A_417 = arith.constant 0 : i32
        %parallel_loop3A_418 = tpu.memref_slice %arg6[%select_n3A_198, %parallel_loop3A_416, %parallel_loop3A_417] : memref<2x64x256xf32, #tpu.memory_space<vmem>> -> memref<1x64x256xf32, #tpu.memory_space<vmem>>
        %parallel_loop3A_419 = tpu.memref_squeeze %parallel_loop3A_418 : memref<1x64x256xf32, #tpu.memory_space<vmem>> -> memref<64x256xf32, #tpu.memory_space<vmem>>
        %parallel_loop3A_420 = tpu.vector_load_idx %parallel_loop3A_419[%parallel_loop3A_292, %parallel_loop3A_415] : memref<64x256xf32, #tpu.memory_space<vmem>>[vector<16xi32>, vector<16xi32>], vector<16xf32>,
        %parallel_loop3A_421 = arith.constant 0 : i32
        %parallel_loop3A_422 = arith.constant 0 : i32
        %parallel_loop3A_423 = tpu.memref_slice %arg7[%select_n3A_198, %parallel_loop3A_421, %parallel_loop3A_422] : memref<2x256x128xf32, #tpu.memory_space<vmem>> -> memref<1x256x128xf32, #tpu.memory_space<vmem>>
        %parallel_loop3A_424 = tpu.memref_squeeze %parallel_loop3A_423 : memref<1x256x128xf32, #tpu.memory_space<vmem>> -> memref<256x128xf32, #tpu.memory_space<vmem>>
        tpu.vector_store_idx %parallel_loop3A_424[%parallel_loop3A_415, %parallel_loop3A_292], %parallel_loop3A_420 : memref<256x128xf32, #tpu.memory_space<vmem>>[vector<16xi32>, vector<16xi32>], vector<16xf32>,
        %parallel_loop3A_425 = vector.broadcast %parallel_loop3A_290 : i32 to vector<16xi32>
        %parallel_loop3A_426 = arith.addi %parallel_loop3A_425, %and3A_77 : vector<16xi32>
        %parallel_loop3A_427 = arith.constant 0 : i32
        %parallel_loop3A_428 = arith.constant 0 : i32
        %parallel_loop3A_429 = tpu.memref_slice %arg6[%select_n3A_198, %parallel_loop3A_427, %parallel_loop3A_428] : memref<2x64x256xf32, #tpu.memory_space<vmem>> -> memref<1x64x256xf32, #tpu.memory_space<vmem>>
        %parallel_loop3A_430 = tpu.memref_squeeze %parallel_loop3A_429 : memref<1x64x256xf32, #tpu.memory_space<vmem>> -> memref<64x256xf32, #tpu.memory_space<vmem>>
        %parallel_loop3A_431 = tpu.vector_load_idx %parallel_loop3A_430[%parallel_loop3A_292, %parallel_loop3A_426] : memref<64x256xf32, #tpu.memory_space<vmem>>[vector<16xi32>, vector<16xi32>], vector<16xf32>,
        %parallel_loop3A_432 = arith.constant 0 : i32
        %parallel_loop3A_433 = arith.constant 0 : i32
        %parallel_loop3A_434 = tpu.memref_slice %arg7[%select_n3A_198, %parallel_loop3A_432, %parallel_loop3A_433] : memref<2x256x128xf32, #tpu.memory_space<vmem>> -> memref<1x256x128xf32, #tpu.memory_space<vmem>>
        %parallel_loop3A_435 = tpu.memref_squeeze %parallel_loop3A_434 : memref<1x256x128xf32, #tpu.memory_space<vmem>> -> memref<256x128xf32, #tpu.memory_space<vmem>>
        tpu.vector_store_idx %parallel_loop3A_435[%parallel_loop3A_426, %parallel_loop3A_292], %parallel_loop3A_431 : memref<256x128xf32, #tpu.memory_space<vmem>>[vector<16xi32>, vector<16xi32>], vector<16xf32>,
        %parallel_loop3A_436 = vector.broadcast %parallel_loop3A_290 : i32 to vector<16xi32>
        %parallel_loop3A_437 = arith.addi %parallel_loop3A_436, %and3A_83 : vector<16xi32>
        %parallel_loop3A_438 = arith.constant 0 : i32
        %parallel_loop3A_439 = arith.constant 0 : i32
        %parallel_loop3A_440 = tpu.memref_slice %arg6[%select_n3A_198, %parallel_loop3A_438, %parallel_loop3A_439] : memref<2x64x256xf32, #tpu.memory_space<vmem>> -> memref<1x64x256xf32, #tpu.memory_space<vmem>>
        %parallel_loop3A_441 = tpu.memref_squeeze %parallel_loop3A_440 : memref<1x64x256xf32, #tpu.memory_space<vmem>> -> memref<64x256xf32, #tpu.memory_space<vmem>>
        %parallel_loop3A_442 = tpu.vector_load_idx %parallel_loop3A_441[%parallel_loop3A_292, %parallel_loop3A_437] : memref<64x256xf32, #tpu.memory_space<vmem>>[vector<16xi32>, vector<16xi32>], vector<16xf32>,
        %parallel_loop3A_443 = arith.constant 0 : i32
        %parallel_loop3A_444 = arith.constant 0 : i32
        %parallel_loop3A_445 = tpu.memref_slice %arg7[%select_n3A_198, %parallel_loop3A_443, %parallel_loop3A_444] : memref<2x256x128xf32, #tpu.memory_space<vmem>> -> memref<1x256x128xf32, #tpu.memory_space<vmem>>
        %parallel_loop3A_446 = tpu.memref_squeeze %parallel_loop3A_445 : memref<1x256x128xf32, #tpu.memory_space<vmem>> -> memref<256x128xf32, #tpu.memory_space<vmem>>
        tpu.vector_store_idx %parallel_loop3A_446[%parallel_loop3A_437, %parallel_loop3A_292], %parallel_loop3A_442 : memref<256x128xf32, #tpu.memory_space<vmem>>[vector<16xi32>, vector<16xi32>], vector<16xf32>,
        %parallel_loop3A_447 = vector.broadcast %parallel_loop3A_290 : i32 to vector<16xi32>
        %parallel_loop3A_448 = arith.addi %parallel_loop3A_447, %and3A_89 : vector<16xi32>
        %parallel_loop3A_449 = arith.constant 0 : i32
        %parallel_loop3A_450 = arith.constant 0 : i32
        %parallel_loop3A_451 = tpu.memref_slice %arg6[%select_n3A_198, %parallel_loop3A_449, %parallel_loop3A_450] : memref<2x64x256xf32, #tpu.memory_space<vmem>> -> memref<1x64x256xf32, #tpu.memory_space<vmem>>
        %parallel_loop3A_452 = tpu.memref_squeeze %parallel_loop3A_451 : memref<1x64x256xf32, #tpu.memory_space<vmem>> -> memref<64x256xf32, #tpu.memory_space<vmem>>
        %parallel_loop3A_453 = tpu.vector_load_idx %parallel_loop3A_452[%parallel_loop3A_292, %parallel_loop3A_448] : memref<64x256xf32, #tpu.memory_space<vmem>>[vector<16xi32>, vector<16xi32>], vector<16xf32>,
        %parallel_loop3A_454 = arith.constant 0 : i32
        %parallel_loop3A_455 = arith.constant 0 : i32
        %parallel_loop3A_456 = tpu.memref_slice %arg7[%select_n3A_198, %parallel_loop3A_454, %parallel_loop3A_455] : memref<2x256x128xf32, #tpu.memory_space<vmem>> -> memref<1x256x128xf32, #tpu.memory_space<vmem>>
        %parallel_loop3A_457 = tpu.memref_squeeze %parallel_loop3A_456 : memref<1x256x128xf32, #tpu.memory_space<vmem>> -> memref<256x128xf32, #tpu.memory_space<vmem>>
        tpu.vector_store_idx %parallel_loop3A_457[%parallel_loop3A_448, %parallel_loop3A_292], %parallel_loop3A_453 : memref<256x128xf32, #tpu.memory_space<vmem>>[vector<16xi32>, vector<16xi32>], vector<16xf32>,
        %parallel_loop3A_458 = vector.broadcast %parallel_loop3A_290 : i32 to vector<16xi32>
        %parallel_loop3A_459 = arith.addi %parallel_loop3A_458, %and3A_95 : vector<16xi32>
        %parallel_loop3A_460 = arith.constant 0 : i32
        %parallel_loop3A_461 = arith.constant 0 : i32
        %parallel_loop3A_462 = tpu.memref_slice %arg6[%select_n3A_198, %parallel_loop3A_460, %parallel_loop3A_461] : memref<2x64x256xf32, #tpu.memory_space<vmem>> -> memref<1x64x256xf32, #tpu.memory_space<vmem>>
        %parallel_loop3A_463 = tpu.memref_squeeze %parallel_loop3A_462 : memref<1x64x256xf32, #tpu.memory_space<vmem>> -> memref<64x256xf32, #tpu.memory_space<vmem>>
        %parallel_loop3A_464 = tpu.vector_load_idx %parallel_loop3A_463[%parallel_loop3A_292, %parallel_loop3A_459] : memref<64x256xf32, #tpu.memory_space<vmem>>[vector<16xi32>, vector<16xi32>], vector<16xf32>,
        %parallel_loop3A_465 = arith.constant 0 : i32
        %parallel_loop3A_466 = arith.constant 0 : i32
        %parallel_loop3A_467 = tpu.memref_slice %arg7[%select_n3A_198, %parallel_loop3A_465, %parallel_loop3A_466] : memref<2x256x128xf32, #tpu.memory_space<vmem>> -> memref<1x256x128xf32, #tpu.memory_space<vmem>>
        %parallel_loop3A_468 = tpu.memref_squeeze %parallel_loop3A_467 : memref<1x256x128xf32, #tpu.memory_space<vmem>> -> memref<256x128xf32, #tpu.memory_space<vmem>>
        tpu.vector_store_idx %parallel_loop3A_468[%parallel_loop3A_459, %parallel_loop3A_292], %parallel_loop3A_464 : memref<256x128xf32, #tpu.memory_space<vmem>>[vector<16xi32>, vector<16xi32>], vector<16xf32>,
      } {sc.loop_unroll_factor = 2 : i64, sc.parallel_access}
      %mul3A_240 = arith.constant 32 : i32
      %mul3A_241 = arith.muli %mul3A_240, %scan3A_187 : i32
      %add3A_242 = arith.addi %add3A, %mul3A_241 : i32
      %mul3A_243 = arith.constant 256 : i32
      %mul3A_244 = arith.muli %add3A_242, %mul3A_243 : i32
      %dma_start3A_245 = arith.constant 0 : i32
      %dma_start3A_246 = arith.constant 0 : i32
      %dma_start3A_247 = tpu.memref_slice %arg7[%select_n3A_198, %dma_start3A_245, %dma_start3A_246] : memref<2x256x128xf32, #tpu.memory_space<vmem>> -> memref<1x256x128xf32, #tpu.memory_space<vmem>>
      %dma_start3A_248 = tpu.memref_squeeze %dma_start3A_247 : memref<1x256x128xf32, #tpu.memory_space<vmem>> -> memref<256x128xf32, #tpu.memory_space<vmem>>
      %dma_start3A_249 = arith.constant 0 : i32
      %dma_start3A_250 = tpu.memref_slice %arg4[%mul3A_244, %dma_start3A_249] : memref<1000000x128xf32, #tpu.memory_space<hbm>> -> memref<256x128xf32, #tpu.memory_space<hbm>>
      %dma_start3A_251 = tpu.memref_slice %arg9[%select_n3A_198] : memref<2x!tpu.dma_semaphore, #tpu.memory_space<semaphore_mem>> -> memref<1x!tpu.dma_semaphore, #tpu.memory_space<semaphore_mem>>
      %dma_start3A_252 = tpu.memref_squeeze %dma_start3A_251 : memref<1x!tpu.dma_semaphore, #tpu.memory_space<semaphore_mem>> -> memref<!tpu.dma_semaphore, #tpu.memory_space<semaphore_mem>>
      %dma_start3A_253 = arith.constant 0 : i32
      %dma_start3A_254 = tpu.memref_slice %arg4[%mul3A_244, %dma_start3A_253] : memref<1000000x128xf32, #tpu.memory_space<hbm>> -> memref<256x128xf32, #tpu.memory_space<hbm>>
      %dma_start3A_255 = arith.constant 0 : i32
      %dma_start3A_256 = arith.constant 0 : i32
      %dma_start3A_257 = tpu.memref_slice %arg7[%select_n3A_198, %dma_start3A_255, %dma_start3A_256] : memref<2x256x128xf32, #tpu.memory_space<vmem>> -> memref<1x256x128xf32, #tpu.memory_space<vmem>>
      %dma_start3A_258 = tpu.memref_squeeze %dma_start3A_257 : memref<1x256x128xf32, #tpu.memory_space<vmem>> -> memref<256x128xf32, #tpu.memory_space<vmem>>
      tpu.enqueue_dma source(%dma_start3A_258 : memref<256x128xf32, #tpu.memory_space<vmem>>) target(%dma_start3A_254 : memref<256x128xf32, #tpu.memory_space<hbm>>) target_semaphore(%dma_start3A_252 : memref<!tpu.dma_semaphore, #tpu.memory_space<semaphore_mem>>)
      %dma_wait3A_259 = arith.constant 0 : i32
      %dma_wait3A_260 = arith.constant 0 : i32
      %dma_wait3A_261 = tpu.memref_slice %arg6[%select_n3A_198, %dma_wait3A_259, %dma_wait3A_260] : memref<2x64x256xf32, #tpu.memory_space<vmem>> -> memref<1x64x256xf32, #tpu.memory_space<vmem>>
      %dma_wait3A_262 = tpu.memref_squeeze %dma_wait3A_261 : memref<1x64x256xf32, #tpu.memory_space<vmem>> -> memref<64x256xf32, #tpu.memory_space<vmem>>
      %dma_wait3A_263 = arith.constant 0 : i32
      %dma_wait3A_264 = arith.constant 0 : i32
      %dma_wait3A_265 = tpu.memref_slice %arg5[%dma_wait3A_263, %dma_wait3A_264] : memref<64x1000000xf32, #tpu.memory_space<hbm>> -> memref<64x256xf32, #tpu.memory_space<hbm>>
      %dma_wait3A_266 = tpu.memref_slice %arg10[%select_n3A_198] : memref<2x!tpu.dma_semaphore, #tpu.memory_space<semaphore_mem>> -> memref<1x!tpu.dma_semaphore, #tpu.memory_space<semaphore_mem>>
      %dma_wait3A_267 = tpu.memref_squeeze %dma_wait3A_266 : memref<1x!tpu.dma_semaphore, #tpu.memory_space<semaphore_mem>> -> memref<!tpu.dma_semaphore, #tpu.memory_space<semaphore_mem>>
      %dma_wait3A_268 = arith.constant 0 : i32
      %dma_wait3A_269 = arith.constant 0 : i32
      %dma_wait3A_270 = tpu.memref_slice %arg5[%dma_wait3A_268, %dma_wait3A_269] : memref<64x1000000xf32, #tpu.memory_space<hbm>> -> memref<64x256xf32, #tpu.memory_space<hbm>>
      %dma_wait3A_271 = arith.constant 0 : i32
      %dma_wait3A_272 = arith.constant 0 : i32
      %dma_wait3A_273 = tpu.memref_slice %arg6[%select_n3A_198, %dma_wait3A_271, %dma_wait3A_272] : memref<2x64x256xf32, #tpu.memory_space<vmem>> -> memref<1x64x256xf32, #tpu.memory_space<vmem>>
      %dma_wait3A_274 = tpu.memref_squeeze %dma_wait3A_273 : memref<1x64x256xf32, #tpu.memory_space<vmem>> -> memref<64x256xf32, #tpu.memory_space<vmem>>
      tpu.wait_dma2 semaphore(%dma_wait3A_267 : memref<!tpu.dma_semaphore, #tpu.memory_space<semaphore_mem>>) src(%dma_wait3A_274 : memref<64x256xf32, #tpu.memory_space<vmem>>) dst(%dma_wait3A_270 : memref<64x256xf32, #tpu.memory_space<hbm>>)
      %add3A_275 = arith.constant 2 : i32
      %add3A_276 = arith.addi %scan3A_187, %add3A_275 : i32
      %lt3A_277 = arith.constant 122 : i32
      %lt3A_278 = arith.cmpi slt, %add3A_276, %lt3A_277 : i32
      %convert_element_type3A_279 = arith.extui %lt3A_278 : i1 to i32
      %cond3A_280 = arith.constant 0 : i32
      %cond3A_281 = arith.cmpi ne, %convert_element_type3A_279, %cond3A_280 : i32
      scf.if %cond3A_281 {
        %add3A_282 = arith.constant 2 : i32
        %add3A_283 = arith.addi %scan3A_187, %add3A_282 : i32
        %mul3A_284 = arith.constant 32 : i32
        %mul3A_285 = arith.muli %mul3A_284, %add3A_283 : i32
        %add3A_286 = arith.addi %add3A, %mul3A_285 : i32
        %mul3A_287 = arith.constant 256 : i32
        %mul3A_288 = arith.muli %add3A_286, %mul3A_287 : i32
        %dma_start3A_289 = arith.constant 0 : i32
        %dma_start3A_290 = arith.constant 0 : i32
        %dma_start3A_291 = tpu.memref_slice %arg6[%select_n3A_198, %dma_start3A_289, %dma_start3A_290] : memref<2x64x256xf32, #tpu.memory_space<vmem>> -> memref<1x64x256xf32, #tpu.memory_space<vmem>>
        %dma_start3A_292 = tpu.memref_squeeze %dma_start3A_291 : memref<1x64x256xf32, #tpu.memory_space<vmem>> -> memref<64x256xf32, #tpu.memory_space<vmem>>
        %dma_start3A_293 = arith.constant 0 : i32
        %dma_start3A_294 = tpu.memref_slice %arg2[%dma_start3A_293, %mul3A_288] : memref<64x1000000xf32, #tpu.memory_space<hbm>> -> memref<64x256xf32, #tpu.memory_space<hbm>>
        %dma_start3A_295 = tpu.memref_slice %arg8[%select_n3A_198] : memref<2x!tpu.dma_semaphore, #tpu.memory_space<semaphore_mem>> -> memref<1x!tpu.dma_semaphore, #tpu.memory_space<semaphore_mem>>
        %dma_start3A_296 = tpu.memref_squeeze %dma_start3A_295 : memref<1x!tpu.dma_semaphore, #tpu.memory_space<semaphore_mem>> -> memref<!tpu.dma_semaphore, #tpu.memory_space<semaphore_mem>>
        %dma_start3A_297 = arith.constant 0 : i32
        %dma_start3A_298 = arith.constant 0 : i32
        %dma_start3A_299 = tpu.memref_slice %arg6[%select_n3A_198, %dma_start3A_297, %dma_start3A_298] : memref<2x64x256xf32, #tpu.memory_space<vmem>> -> memref<1x64x256xf32, #tpu.memory_space<vmem>>
        %dma_start3A_300 = tpu.memref_squeeze %dma_start3A_299 : memref<1x64x256xf32, #tpu.memory_space<vmem>> -> memref<64x256xf32, #tpu.memory_space<vmem>>
        %dma_start3A_301 = arith.constant 0 : i32
        %dma_start3A_302 = tpu.memref_slice %arg2[%dma_start3A_301, %mul3A_288] : memref<64x1000000xf32, #tpu.memory_space<hbm>> -> memref<64x256xf32, #tpu.memory_space<hbm>>
        tpu.enqueue_dma source(%dma_start3A_302 : memref<64x256xf32, #tpu.memory_space<hbm>>) target(%dma_start3A_300 : memref<64x256xf32, #tpu.memory_space<vmem>>) target_semaphore(%dma_start3A_296 : memref<!tpu.dma_semaphore, #tpu.memory_space<semaphore_mem>>)
      } else {
      }
    }
    %scan3A_141 = arith.constant 122 : i32
    %dma_wait3A = arith.constant 0 : i32
    %dma_wait3A_142 = arith.constant 0 : i32
    %dma_wait3A_143 = arith.constant 0 : i32
    %dma_wait3A_144 = arith.constant 0 : i32
    %dma_wait3A_145 = tpu.memref_slice %arg7[%dma_wait3A, %dma_wait3A_143, %dma_wait3A_144] : memref<2x256x128xf32, #tpu.memory_space<vmem>> -> memref<1x256x128xf32, #tpu.memory_space<vmem>>
    %dma_wait3A_146 = tpu.memref_squeeze %dma_wait3A_145 : memref<1x256x128xf32, #tpu.memory_space<vmem>> -> memref<256x128xf32, #tpu.memory_space<vmem>>
    %dma_wait3A_147 = arith.constant 0 : i32
    %dma_wait3A_148 = arith.constant 0 : i32
    %dma_wait3A_149 = tpu.memref_slice %arg4[%dma_wait3A_147, %dma_wait3A_148] : memref<1000000x128xf32, #tpu.memory_space<hbm>> -> memref<256x128xf32, #tpu.memory_space<hbm>>
    %dma_wait3A_150 = tpu.memref_slice %arg9[%dma_wait3A_142] : memref<2x!tpu.dma_semaphore, #tpu.memory_space<semaphore_mem>> -> memref<1x!tpu.dma_semaphore, #tpu.memory_space<semaphore_mem>>
    %dma_wait3A_151 = tpu.memref_squeeze %dma_wait3A_150 : memref<1x!tpu.dma_semaphore, #tpu.memory_space<semaphore_mem>> -> memref<!tpu.dma_semaphore, #tpu.memory_space<semaphore_mem>>
    %dma_wait3A_152 = arith.constant 0 : i32
    %dma_wait3A_153 = arith.constant 0 : i32
    %dma_wait3A_154 = tpu.memref_slice %arg4[%dma_wait3A_152, %dma_wait3A_153] : memref<1000000x128xf32, #tpu.memory_space<hbm>> -> memref<256x128xf32, #tpu.memory_space<hbm>>
    %dma_wait3A_155 = arith.constant 0 : i32
    %dma_wait3A_156 = arith.constant 0 : i32
    %dma_wait3A_157 = tpu.memref_slice %arg7[%dma_wait3A, %dma_wait3A_155, %dma_wait3A_156] : memref<2x256x128xf32, #tpu.memory_space<vmem>> -> memref<1x256x128xf32, #tpu.memory_space<vmem>>
    %dma_wait3A_158 = tpu.memref_squeeze %dma_wait3A_157 : memref<1x256x128xf32, #tpu.memory_space<vmem>> -> memref<256x128xf32, #tpu.memory_space<vmem>>
    tpu.wait_dma2 semaphore(%dma_wait3A_151 : memref<!tpu.dma_semaphore, #tpu.memory_space<semaphore_mem>>) src(%dma_wait3A_158 : memref<256x128xf32, #tpu.memory_space<vmem>>) dst(%dma_wait3A_154 : memref<256x128xf32, #tpu.memory_space<hbm>>)
    %dma_wait3A_159 = arith.constant 1 : i32
    %dma_wait3A_160 = arith.constant 1 : i32
    %dma_wait3A_161 = arith.constant 0 : i32
    %dma_wait3A_162 = arith.constant 0 : i32
    %dma_wait3A_163 = tpu.memref_slice %arg7[%dma_wait3A_159, %dma_wait3A_161, %dma_wait3A_162] : memref<2x256x128xf32, #tpu.memory_space<vmem>> -> memref<1x256x128xf32, #tpu.memory_space<vmem>>
    %dma_wait3A_164 = tpu.memref_squeeze %dma_wait3A_163 : memref<1x256x128xf32, #tpu.memory_space<vmem>> -> memref<256x128xf32, #tpu.memory_space<vmem>>
    %dma_wait3A_165 = arith.constant 0 : i32
    %dma_wait3A_166 = arith.constant 0 : i32
    %dma_wait3A_167 = tpu.memref_slice %arg4[%dma_wait3A_165, %dma_wait3A_166] : memref<1000000x128xf32, #tpu.memory_space<hbm>> -> memref<256x128xf32, #tpu.memory_space<hbm>>
    %dma_wait3A_168 = tpu.memref_slice %arg9[%dma_wait3A_160] : memref<2x!tpu.dma_semaphore, #tpu.memory_space<semaphore_mem>> -> memref<1x!tpu.dma_semaphore, #tpu.memory_space<semaphore_mem>>
    %dma_wait3A_169 = tpu.memref_squeeze %dma_wait3A_168 : memref<1x!tpu.dma_semaphore, #tpu.memory_space<semaphore_mem>> -> memref<!tpu.dma_semaphore, #tpu.memory_space<semaphore_mem>>
    %dma_wait3A_170 = arith.constant 0 : i32
    %dma_wait3A_171 = arith.constant 0 : i32
    %dma_wait3A_172 = tpu.memref_slice %arg4[%dma_wait3A_170, %dma_wait3A_171] : memref<1000000x128xf32, #tpu.memory_space<hbm>> -> memref<256x128xf32, #tpu.memory_space<hbm>>
    %dma_wait3A_173 = arith.constant 0 : i32
    %dma_wait3A_174 = arith.constant 0 : i32
    %dma_wait3A_175 = tpu.memref_slice %arg7[%dma_wait3A_159, %dma_wait3A_173, %dma_wait3A_174] : memref<2x256x128xf32, #tpu.memory_space<vmem>> -> memref<1x256x128xf32, #tpu.memory_space<vmem>>
    %dma_wait3A_176 = tpu.memref_squeeze %dma_wait3A_175 : memref<1x256x128xf32, #tpu.memory_space<vmem>> -> memref<256x128xf32, #tpu.memory_space<vmem>>
    tpu.wait_dma2 semaphore(%dma_wait3A_169 : memref<!tpu.dma_semaphore, #tpu.memory_space<semaphore_mem>>) src(%dma_wait3A_176 : memref<256x128xf32, #tpu.memory_space<vmem>>) dst(%dma_wait3A_172 : memref<256x128xf32, #tpu.memory_space<hbm>>)
    %eq3A_177 = arith.constant 8 : i32
    %eq3A_178 = arith.cmpi eq, %add3A, %eq3A_177 : i32
    %convert_element_type3A_179 = arith.extui %eq3A_178 : i1 to i32
    %cond3A_180 = arith.constant 0 : i32
    %cond3A_181 = arith.cmpi ne, %convert_element_type3A_179, %cond3A_180 : i32
    scf.if %cond3A_181 {
      %dma_start3A_187 = arith.constant 0 : i32
      %dma_start3A_188 = arith.constant 0 : i32
      %dma_start3A_189 = arith.constant 0 : i32
      %dma_start3A_190 = arith.constant 0 : i32
      %dma_start3A_191 = tpu.memref_slice %arg6[%dma_start3A_187, %dma_start3A_189, %dma_start3A_190] : memref<2x64x256xf32, #tpu.memory_space<vmem>> -> memref<1x64x256xf32, #tpu.memory_space<vmem>>
      %dma_start3A_192 = tpu.memref_squeeze %dma_start3A_191 : memref<1x64x256xf32, #tpu.memory_space<vmem>> -> memref<64x256xf32, #tpu.memory_space<vmem>>
      %dma_start3A_193 = arith.constant 0 : i32
      %dma_start3A_194 = arith.constant 999424 : i32
      %dma_start3A_195 = tpu.memref_slice %arg2[%dma_start3A_193, %dma_start3A_194] : memref<64x1000000xf32, #tpu.memory_space<hbm>> -> memref<64x256xf32, #tpu.memory_space<hbm>>
      %dma_start3A_196 = tpu.memref_slice %arg8[%dma_start3A_188] : memref<2x!tpu.dma_semaphore, #tpu.memory_space<semaphore_mem>> -> memref<1x!tpu.dma_semaphore, #tpu.memory_space<semaphore_mem>>
      %dma_start3A_197 = tpu.memref_squeeze %dma_start3A_196 : memref<1x!tpu.dma_semaphore, #tpu.memory_space<semaphore_mem>> -> memref<!tpu.dma_semaphore, #tpu.memory_space<semaphore_mem>>
      %dma_start3A_198 = arith.constant 0 : i32
      %dma_start3A_199 = arith.constant 0 : i32
      %dma_start3A_200 = tpu.memref_slice %arg6[%dma_start3A_187, %dma_start3A_198, %dma_start3A_199] : memref<2x64x256xf32, #tpu.memory_space<vmem>> -> memref<1x64x256xf32, #tpu.memory_space<vmem>>
      %dma_start3A_201 = tpu.memref_squeeze %dma_start3A_200 : memref<1x64x256xf32, #tpu.memory_space<vmem>> -> memref<64x256xf32, #tpu.memory_space<vmem>>
      %dma_start3A_202 = arith.constant 0 : i32
      %dma_start3A_203 = arith.constant 999424 : i32
      %dma_start3A_204 = tpu.memref_slice %arg2[%dma_start3A_202, %dma_start3A_203] : memref<64x1000000xf32, #tpu.memory_space<hbm>> -> memref<64x256xf32, #tpu.memory_space<hbm>>
      tpu.enqueue_dma source(%dma_start3A_204 : memref<64x256xf32, #tpu.memory_space<hbm>>) target(%dma_start3A_201 : memref<64x256xf32, #tpu.memory_space<vmem>>) target_semaphore(%dma_start3A_197 : memref<!tpu.dma_semaphore, #tpu.memory_space<semaphore_mem>>)
      %dma_wait3A_205 = arith.constant 0 : i32
      %dma_wait3A_206 = arith.constant 0 : i32
      %dma_wait3A_207 = arith.constant 0 : i32
      %dma_wait3A_208 = arith.constant 0 : i32
      %dma_wait3A_209 = tpu.memref_slice %arg6[%dma_wait3A_205, %dma_wait3A_207, %dma_wait3A_208] : memref<2x64x256xf32, #tpu.memory_space<vmem>> -> memref<1x64x256xf32, #tpu.memory_space<vmem>>
      %dma_wait3A_210 = tpu.memref_squeeze %dma_wait3A_209 : memref<1x64x256xf32, #tpu.memory_space<vmem>> -> memref<64x256xf32, #tpu.memory_space<vmem>>
      %dma_wait3A_211 = arith.constant 0 : i32
      %dma_wait3A_212 = arith.constant 0 : i32
      %dma_wait3A_213 = tpu.memref_slice %arg2[%dma_wait3A_211, %dma_wait3A_212] : memref<64x1000000xf32, #tpu.memory_space<hbm>> -> memref<64x256xf32, #tpu.memory_space<hbm>>
      %dma_wait3A_214 = tpu.memref_slice %arg8[%dma_wait3A_206] : memref<2x!tpu.dma_semaphore, #tpu.memory_space<semaphore_mem>> -> memref<1x!tpu.dma_semaphore, #tpu.memory_space<semaphore_mem>>
      %dma_wait3A_215 = tpu.memref_squeeze %dma_wait3A_214 : memref<1x!tpu.dma_semaphore, #tpu.memory_space<semaphore_mem>> -> memref<!tpu.dma_semaphore, #tpu.memory_space<semaphore_mem>>
      %dma_wait3A_216 = arith.constant 0 : i32
      %dma_wait3A_217 = arith.constant 0 : i32
      %dma_wait3A_218 = tpu.memref_slice %arg6[%dma_wait3A_205, %dma_wait3A_216, %dma_wait3A_217] : memref<2x64x256xf32, #tpu.memory_space<vmem>> -> memref<1x64x256xf32, #tpu.memory_space<vmem>>
      %dma_wait3A_219 = tpu.memref_squeeze %dma_wait3A_218 : memref<1x64x256xf32, #tpu.memory_space<vmem>> -> memref<64x256xf32, #tpu.memory_space<vmem>>
      %dma_wait3A_220 = arith.constant 0 : i32
      %dma_wait3A_221 = arith.constant 0 : i32
      %dma_wait3A_222 = tpu.memref_slice %arg2[%dma_wait3A_220, %dma_wait3A_221] : memref<64x1000000xf32, #tpu.memory_space<hbm>> -> memref<64x256xf32, #tpu.memory_space<hbm>>
      tpu.wait_dma2 semaphore(%dma_wait3A_215 : memref<!tpu.dma_semaphore, #tpu.memory_space<semaphore_mem>>) src(%dma_wait3A_222 : memref<64x256xf32, #tpu.memory_space<hbm>>) dst(%dma_wait3A_219 : memref<64x256xf32, #tpu.memory_space<vmem>>)
      %dma_start3A_223 = arith.constant 0 : i32
      %dma_start3A_224 = arith.constant 0 : i32
      %dma_start3A_225 = arith.constant 0 : i32
      %dma_start3A_226 = arith.constant 0 : i32
      %dma_start3A_227 = tpu.memref_slice %arg6[%dma_start3A_223, %dma_start3A_225, %dma_start3A_226] : memref<2x64x256xf32, #tpu.memory_space<vmem>> -> memref<1x64x256xf32, #tpu.memory_space<vmem>>
      %dma_start3A_228 = tpu.memref_squeeze %dma_start3A_227 : memref<1x64x256xf32, #tpu.memory_space<vmem>> -> memref<64x256xf32, #tpu.memory_space<vmem>>
      %dma_start3A_229 = arith.constant 0 : i32
      %dma_start3A_230 = arith.constant 999424 : i32
      %dma_start3A_231 = tpu.memref_slice %arg5[%dma_start3A_229, %dma_start3A_230] : memref<64x1000000xf32, #tpu.memory_space<hbm>> -> memref<64x256xf32, #tpu.memory_space<hbm>>
      %dma_start3A_232 = tpu.memref_slice %arg10[%dma_start3A_224] : memref<2x!tpu.dma_semaphore, #tpu.memory_space<semaphore_mem>> -> memref<1x!tpu.dma_semaphore, #tpu.memory_space<semaphore_mem>>
      %dma_start3A_233 = tpu.memref_squeeze %dma_start3A_232 : memref<1x!tpu.dma_semaphore, #tpu.memory_space<semaphore_mem>> -> memref<!tpu.dma_semaphore, #tpu.memory_space<semaphore_mem>>
      %dma_start3A_234 = arith.constant 0 : i32
      %dma_start3A_235 = arith.constant 999424 : i32
      %dma_start3A_236 = tpu.memref_slice %arg5[%dma_start3A_234, %dma_start3A_235] : memref<64x1000000xf32, #tpu.memory_space<hbm>> -> memref<64x256xf32, #tpu.memory_space<hbm>>
      %dma_start3A_237 = arith.constant 0 : i32
      %dma_start3A_238 = arith.constant 0 : i32
      %dma_start3A_239 = tpu.memref_slice %arg6[%dma_start3A_223, %dma_start3A_237, %dma_start3A_238] : memref<2x64x256xf32, #tpu.memory_space<vmem>> -> memref<1x64x256xf32, #tpu.memory_space<vmem>>
      %dma_start3A_240 = tpu.memref_squeeze %dma_start3A_239 : memref<1x64x256xf32, #tpu.memory_space<vmem>> -> memref<64x256xf32, #tpu.memory_space<vmem>>
      tpu.enqueue_dma source(%dma_start3A_240 : memref<64x256xf32, #tpu.memory_space<vmem>>) target(%dma_start3A_236 : memref<64x256xf32, #tpu.memory_space<hbm>>) target_semaphore(%dma_start3A_233 : memref<!tpu.dma_semaphore, #tpu.memory_space<semaphore_mem>>)
      %parallel_loop3A = arith.constant 0 : i32
      %parallel_loop3A_241 = arith.constant 64 : i32
      %parallel_loop3A_242 = arith.constant 1 : i32
      scf.for %parallel_loop3A_297 = %parallel_loop3A to %parallel_loop3A_241 step %parallel_loop3A_242  : i32 {
        %parallel_loop3A_298 = arith.constant 3 : i32
        %parallel_loop3A_299 = arith.andi %parallel_loop3A_297, %parallel_loop3A_298 : i32
        %parallel_loop3A_300 = arith.constant 16 : i32
        %parallel_loop3A_301 = arith.muli %parallel_loop3A_299, %parallel_loop3A_300 : i32
        %parallel_loop3A_302 = arith.constant 2 : i32
        %parallel_loop3A_303 = arith.shrsi %parallel_loop3A_297, %parallel_loop3A_302 : i32
        %parallel_loop3A_304 = arith.constant 16 : i32
        %parallel_loop3A_305 = arith.muli %parallel_loop3A_303, %parallel_loop3A_304 : i32
        %parallel_loop3A_306 = vector.broadcast %parallel_loop3A_301 : i32 to vector<16xi32>
        %parallel_loop3A_307 = arith.addi %parallel_loop3A_306, %iota3A : vector<16xi32>
        %parallel_loop3A_308 = vector.broadcast %parallel_loop3A_305 : i32 to vector<16xi32>
        %parallel_loop3A_309 = arith.addi %parallel_loop3A_308, %and3A_5 : vector<16xi32>
        %parallel_loop3A_310 = arith.constant 0 : i32
        %parallel_loop3A_311 = arith.constant 0 : i32
        %parallel_loop3A_312 = arith.constant 0 : i32
        %parallel_loop3A_313 = tpu.memref_slice %arg6[%parallel_loop3A_310, %parallel_loop3A_311, %parallel_loop3A_312] : memref<2x64x256xf32, #tpu.memory_space<vmem>> -> memref<1x64x256xf32, #tpu.memory_space<vmem>>
        %parallel_loop3A_314 = tpu.memref_squeeze %parallel_loop3A_313 : memref<1x64x256xf32, #tpu.memory_space<vmem>> -> memref<64x256xf32, #tpu.memory_space<vmem>>
        %parallel_loop3A_315 = tpu.vector_load_idx %parallel_loop3A_314[%parallel_loop3A_307, %parallel_loop3A_309] : memref<64x256xf32, #tpu.memory_space<vmem>>[vector<16xi32>, vector<16xi32>], vector<16xf32>,
        %parallel_loop3A_316 = arith.constant 0 : i32
        %parallel_loop3A_317 = arith.constant 0 : i32
        %parallel_loop3A_318 = arith.constant 0 : i32
        %parallel_loop3A_319 = tpu.memref_slice %arg7[%parallel_loop3A_316, %parallel_loop3A_317, %parallel_loop3A_318] : memref<2x256x128xf32, #tpu.memory_space<vmem>> -> memref<1x256x128xf32, #tpu.memory_space<vmem>>
        %parallel_loop3A_320 = tpu.memref_squeeze %parallel_loop3A_319 : memref<1x256x128xf32, #tpu.memory_space<vmem>> -> memref<256x128xf32, #tpu.memory_space<vmem>>
        tpu.vector_store_idx %parallel_loop3A_320[%parallel_loop3A_309, %parallel_loop3A_307], %parallel_loop3A_315 : memref<256x128xf32, #tpu.memory_space<vmem>>[vector<16xi32>, vector<16xi32>], vector<16xf32>,
        %parallel_loop3A_321 = vector.broadcast %parallel_loop3A_305 : i32 to vector<16xi32>
        %parallel_loop3A_322 = arith.addi %parallel_loop3A_321, %and3A_11 : vector<16xi32>
        %parallel_loop3A_323 = arith.constant 0 : i32
        %parallel_loop3A_324 = arith.constant 0 : i32
        %parallel_loop3A_325 = arith.constant 0 : i32
        %parallel_loop3A_326 = tpu.memref_slice %arg6[%parallel_loop3A_323, %parallel_loop3A_324, %parallel_loop3A_325] : memref<2x64x256xf32, #tpu.memory_space<vmem>> -> memref<1x64x256xf32, #tpu.memory_space<vmem>>
        %parallel_loop3A_327 = tpu.memref_squeeze %parallel_loop3A_326 : memref<1x64x256xf32, #tpu.memory_space<vmem>> -> memref<64x256xf32, #tpu.memory_space<vmem>>
        %parallel_loop3A_328 = tpu.vector_load_idx %parallel_loop3A_327[%parallel_loop3A_307, %parallel_loop3A_322] : memref<64x256xf32, #tpu.memory_space<vmem>>[vector<16xi32>, vector<16xi32>], vector<16xf32>,
        %parallel_loop3A_329 = arith.constant 0 : i32
        %parallel_loop3A_330 = arith.constant 0 : i32
        %parallel_loop3A_331 = arith.constant 0 : i32
        %parallel_loop3A_332 = tpu.memref_slice %arg7[%parallel_loop3A_329, %parallel_loop3A_330, %parallel_loop3A_331] : memref<2x256x128xf32, #tpu.memory_space<vmem>> -> memref<1x256x128xf32, #tpu.memory_space<vmem>>
        %parallel_loop3A_333 = tpu.memref_squeeze %parallel_loop3A_332 : memref<1x256x128xf32, #tpu.memory_space<vmem>> -> memref<256x128xf32, #tpu.memory_space<vmem>>
        tpu.vector_store_idx %parallel_loop3A_333[%parallel_loop3A_322, %parallel_loop3A_307], %parallel_loop3A_328 : memref<256x128xf32, #tpu.memory_space<vmem>>[vector<16xi32>, vector<16xi32>], vector<16xf32>,
        %parallel_loop3A_334 = vector.broadcast %parallel_loop3A_305 : i32 to vector<16xi32>
        %parallel_loop3A_335 = arith.addi %parallel_loop3A_334, %and3A_17 : vector<16xi32>
        %parallel_loop3A_336 = arith.constant 0 : i32
        %parallel_loop3A_337 = arith.constant 0 : i32
        %parallel_loop3A_338 = arith.constant 0 : i32
        %parallel_loop3A_339 = tpu.memref_slice %arg6[%parallel_loop3A_336, %parallel_loop3A_337, %parallel_loop3A_338] : memref<2x64x256xf32, #tpu.memory_space<vmem>> -> memref<1x64x256xf32, #tpu.memory_space<vmem>>
        %parallel_loop3A_340 = tpu.memref_squeeze %parallel_loop3A_339 : memref<1x64x256xf32, #tpu.memory_space<vmem>> -> memref<64x256xf32, #tpu.memory_space<vmem>>
        %parallel_loop3A_341 = tpu.vector_load_idx %parallel_loop3A_340[%parallel_loop3A_307, %parallel_loop3A_335] : memref<64x256xf32, #tpu.memory_space<vmem>>[vector<16xi32>, vector<16xi32>], vector<16xf32>,
        %parallel_loop3A_342 = arith.constant 0 : i32
        %parallel_loop3A_343 = arith.constant 0 : i32
        %parallel_loop3A_344 = arith.constant 0 : i32
        %parallel_loop3A_345 = tpu.memref_slice %arg7[%parallel_loop3A_342, %parallel_loop3A_343, %parallel_loop3A_344] : memref<2x256x128xf32, #tpu.memory_space<vmem>> -> memref<1x256x128xf32, #tpu.memory_space<vmem>>
        %parallel_loop3A_346 = tpu.memref_squeeze %parallel_loop3A_345 : memref<1x256x128xf32, #tpu.memory_space<vmem>> -> memref<256x128xf32, #tpu.memory_space<vmem>>
        tpu.vector_store_idx %parallel_loop3A_346[%parallel_loop3A_335, %parallel_loop3A_307], %parallel_loop3A_341 : memref<256x128xf32, #tpu.memory_space<vmem>>[vector<16xi32>, vector<16xi32>], vector<16xf32>,
        %parallel_loop3A_347 = vector.broadcast %parallel_loop3A_305 : i32 to vector<16xi32>
        %parallel_loop3A_348 = arith.addi %parallel_loop3A_347, %and3A_23 : vector<16xi32>
        %parallel_loop3A_349 = arith.constant 0 : i32
        %parallel_loop3A_350 = arith.constant 0 : i32
        %parallel_loop3A_351 = arith.constant 0 : i32
        %parallel_loop3A_352 = tpu.memref_slice %arg6[%parallel_loop3A_349, %parallel_loop3A_350, %parallel_loop3A_351] : memref<2x64x256xf32, #tpu.memory_space<vmem>> -> memref<1x64x256xf32, #tpu.memory_space<vmem>>
        %parallel_loop3A_353 = tpu.memref_squeeze %parallel_loop3A_352 : memref<1x64x256xf32, #tpu.memory_space<vmem>> -> memref<64x256xf32, #tpu.memory_space<vmem>>
        %parallel_loop3A_354 = tpu.vector_load_idx %parallel_loop3A_353[%parallel_loop3A_307, %parallel_loop3A_348] : memref<64x256xf32, #tpu.memory_space<vmem>>[vector<16xi32>, vector<16xi32>], vector<16xf32>,
        %parallel_loop3A_355 = arith.constant 0 : i32
        %parallel_loop3A_356 = arith.constant 0 : i32
        %parallel_loop3A_357 = arith.constant 0 : i32
        %parallel_loop3A_358 = tpu.memref_slice %arg7[%parallel_loop3A_355, %parallel_loop3A_356, %parallel_loop3A_357] : memref<2x256x128xf32, #tpu.memory_space<vmem>> -> memref<1x256x128xf32, #tpu.memory_space<vmem>>
        %parallel_loop3A_359 = tpu.memref_squeeze %parallel_loop3A_358 : memref<1x256x128xf32, #tpu.memory_space<vmem>> -> memref<256x128xf32, #tpu.memory_space<vmem>>
        tpu.vector_store_idx %parallel_loop3A_359[%parallel_loop3A_348, %parallel_loop3A_307], %parallel_loop3A_354 : memref<256x128xf32, #tpu.memory_space<vmem>>[vector<16xi32>, vector<16xi32>], vector<16xf32>,
        %parallel_loop3A_360 = vector.broadcast %parallel_loop3A_305 : i32 to vector<16xi32>
        %parallel_loop3A_361 = arith.addi %parallel_loop3A_360, %and3A_29 : vector<16xi32>
        %parallel_loop3A_362 = arith.constant 0 : i32
        %parallel_loop3A_363 = arith.constant 0 : i32
        %parallel_loop3A_364 = arith.constant 0 : i32
        %parallel_loop3A_365 = tpu.memref_slice %arg6[%parallel_loop3A_362, %parallel_loop3A_363, %parallel_loop3A_364] : memref<2x64x256xf32, #tpu.memory_space<vmem>> -> memref<1x64x256xf32, #tpu.memory_space<vmem>>
        %parallel_loop3A_366 = tpu.memref_squeeze %parallel_loop3A_365 : memref<1x64x256xf32, #tpu.memory_space<vmem>> -> memref<64x256xf32, #tpu.memory_space<vmem>>
        %parallel_loop3A_367 = tpu.vector_load_idx %parallel_loop3A_366[%parallel_loop3A_307, %parallel_loop3A_361] : memref<64x256xf32, #tpu.memory_space<vmem>>[vector<16xi32>, vector<16xi32>], vector<16xf32>,
        %parallel_loop3A_368 = arith.constant 0 : i32
        %parallel_loop3A_369 = arith.constant 0 : i32
        %parallel_loop3A_370 = arith.constant 0 : i32
        %parallel_loop3A_371 = tpu.memref_slice %arg7[%parallel_loop3A_368, %parallel_loop3A_369, %parallel_loop3A_370] : memref<2x256x128xf32, #tpu.memory_space<vmem>> -> memref<1x256x128xf32, #tpu.memory_space<vmem>>
        %parallel_loop3A_372 = tpu.memref_squeeze %parallel_loop3A_371 : memref<1x256x128xf32, #tpu.memory_space<vmem>> -> memref<256x128xf32, #tpu.memory_space<vmem>>
        tpu.vector_store_idx %parallel_loop3A_372[%parallel_loop3A_361, %parallel_loop3A_307], %parallel_loop3A_367 : memref<256x128xf32, #tpu.memory_space<vmem>>[vector<16xi32>, vector<16xi32>], vector<16xf32>,
        %parallel_loop3A_373 = vector.broadcast %parallel_loop3A_305 : i32 to vector<16xi32>
        %parallel_loop3A_374 = arith.addi %parallel_loop3A_373, %and3A_35 : vector<16xi32>
        %parallel_loop3A_375 = arith.constant 0 : i32
        %parallel_loop3A_376 = arith.constant 0 : i32
        %parallel_loop3A_377 = arith.constant 0 : i32
        %parallel_loop3A_378 = tpu.memref_slice %arg6[%parallel_loop3A_375, %parallel_loop3A_376, %parallel_loop3A_377] : memref<2x64x256xf32, #tpu.memory_space<vmem>> -> memref<1x64x256xf32, #tpu.memory_space<vmem>>
        %parallel_loop3A_379 = tpu.memref_squeeze %parallel_loop3A_378 : memref<1x64x256xf32, #tpu.memory_space<vmem>> -> memref<64x256xf32, #tpu.memory_space<vmem>>
        %parallel_loop3A_380 = tpu.vector_load_idx %parallel_loop3A_379[%parallel_loop3A_307, %parallel_loop3A_374] : memref<64x256xf32, #tpu.memory_space<vmem>>[vector<16xi32>, vector<16xi32>], vector<16xf32>,
        %parallel_loop3A_381 = arith.constant 0 : i32
        %parallel_loop3A_382 = arith.constant 0 : i32
        %parallel_loop3A_383 = arith.constant 0 : i32
        %parallel_loop3A_384 = tpu.memref_slice %arg7[%parallel_loop3A_381, %parallel_loop3A_382, %parallel_loop3A_383] : memref<2x256x128xf32, #tpu.memory_space<vmem>> -> memref<1x256x128xf32, #tpu.memory_space<vmem>>
        %parallel_loop3A_385 = tpu.memref_squeeze %parallel_loop3A_384 : memref<1x256x128xf32, #tpu.memory_space<vmem>> -> memref<256x128xf32, #tpu.memory_space<vmem>>
        tpu.vector_store_idx %parallel_loop3A_385[%parallel_loop3A_374, %parallel_loop3A_307], %parallel_loop3A_380 : memref<256x128xf32, #tpu.memory_space<vmem>>[vector<16xi32>, vector<16xi32>], vector<16xf32>,
        %parallel_loop3A_386 = vector.broadcast %parallel_loop3A_305 : i32 to vector<16xi32>
        %parallel_loop3A_387 = arith.addi %parallel_loop3A_386, %and3A_41 : vector<16xi32>
        %parallel_loop3A_388 = arith.constant 0 : i32
        %parallel_loop3A_389 = arith.constant 0 : i32
        %parallel_loop3A_390 = arith.constant 0 : i32
        %parallel_loop3A_391 = tpu.memref_slice %arg6[%parallel_loop3A_388, %parallel_loop3A_389, %parallel_loop3A_390] : memref<2x64x256xf32, #tpu.memory_space<vmem>> -> memref<1x64x256xf32, #tpu.memory_space<vmem>>
        %parallel_loop3A_392 = tpu.memref_squeeze %parallel_loop3A_391 : memref<1x64x256xf32, #tpu.memory_space<vmem>> -> memref<64x256xf32, #tpu.memory_space<vmem>>
        %parallel_loop3A_393 = tpu.vector_load_idx %parallel_loop3A_392[%parallel_loop3A_307, %parallel_loop3A_387] : memref<64x256xf32, #tpu.memory_space<vmem>>[vector<16xi32>, vector<16xi32>], vector<16xf32>,
        %parallel_loop3A_394 = arith.constant 0 : i32
        %parallel_loop3A_395 = arith.constant 0 : i32
        %parallel_loop3A_396 = arith.constant 0 : i32
        %parallel_loop3A_397 = tpu.memref_slice %arg7[%parallel_loop3A_394, %parallel_loop3A_395, %parallel_loop3A_396] : memref<2x256x128xf32, #tpu.memory_space<vmem>> -> memref<1x256x128xf32, #tpu.memory_space<vmem>>
        %parallel_loop3A_398 = tpu.memref_squeeze %parallel_loop3A_397 : memref<1x256x128xf32, #tpu.memory_space<vmem>> -> memref<256x128xf32, #tpu.memory_space<vmem>>
        tpu.vector_store_idx %parallel_loop3A_398[%parallel_loop3A_387, %parallel_loop3A_307], %parallel_loop3A_393 : memref<256x128xf32, #tpu.memory_space<vmem>>[vector<16xi32>, vector<16xi32>], vector<16xf32>,
        %parallel_loop3A_399 = vector.broadcast %parallel_loop3A_305 : i32 to vector<16xi32>
        %parallel_loop3A_400 = arith.addi %parallel_loop3A_399, %and3A_47 : vector<16xi32>
        %parallel_loop3A_401 = arith.constant 0 : i32
        %parallel_loop3A_402 = arith.constant 0 : i32
        %parallel_loop3A_403 = arith.constant 0 : i32
        %parallel_loop3A_404 = tpu.memref_slice %arg6[%parallel_loop3A_401, %parallel_loop3A_402, %parallel_loop3A_403] : memref<2x64x256xf32, #tpu.memory_space<vmem>> -> memref<1x64x256xf32, #tpu.memory_space<vmem>>
        %parallel_loop3A_405 = tpu.memref_squeeze %parallel_loop3A_404 : memref<1x64x256xf32, #tpu.memory_space<vmem>> -> memref<64x256xf32, #tpu.memory_space<vmem>>
        %parallel_loop3A_406 = tpu.vector_load_idx %parallel_loop3A_405[%parallel_loop3A_307, %parallel_loop3A_400] : memref<64x256xf32, #tpu.memory_space<vmem>>[vector<16xi32>, vector<16xi32>], vector<16xf32>,
        %parallel_loop3A_407 = arith.constant 0 : i32
        %parallel_loop3A_408 = arith.constant 0 : i32
        %parallel_loop3A_409 = arith.constant 0 : i32
        %parallel_loop3A_410 = tpu.memref_slice %arg7[%parallel_loop3A_407, %parallel_loop3A_408, %parallel_loop3A_409] : memref<2x256x128xf32, #tpu.memory_space<vmem>> -> memref<1x256x128xf32, #tpu.memory_space<vmem>>
        %parallel_loop3A_411 = tpu.memref_squeeze %parallel_loop3A_410 : memref<1x256x128xf32, #tpu.memory_space<vmem>> -> memref<256x128xf32, #tpu.memory_space<vmem>>
        tpu.vector_store_idx %parallel_loop3A_411[%parallel_loop3A_400, %parallel_loop3A_307], %parallel_loop3A_406 : memref<256x128xf32, #tpu.memory_space<vmem>>[vector<16xi32>, vector<16xi32>], vector<16xf32>,
        %parallel_loop3A_412 = vector.broadcast %parallel_loop3A_305 : i32 to vector<16xi32>
        %parallel_loop3A_413 = arith.addi %parallel_loop3A_412, %and3A_53 : vector<16xi32>
        %parallel_loop3A_414 = arith.constant 0 : i32
        %parallel_loop3A_415 = arith.constant 0 : i32
        %parallel_loop3A_416 = arith.constant 0 : i32
        %parallel_loop3A_417 = tpu.memref_slice %arg6[%parallel_loop3A_414, %parallel_loop3A_415, %parallel_loop3A_416] : memref<2x64x256xf32, #tpu.memory_space<vmem>> -> memref<1x64x256xf32, #tpu.memory_space<vmem>>
        %parallel_loop3A_418 = tpu.memref_squeeze %parallel_loop3A_417 : memref<1x64x256xf32, #tpu.memory_space<vmem>> -> memref<64x256xf32, #tpu.memory_space<vmem>>
        %parallel_loop3A_419 = tpu.vector_load_idx %parallel_loop3A_418[%parallel_loop3A_307, %parallel_loop3A_413] : memref<64x256xf32, #tpu.memory_space<vmem>>[vector<16xi32>, vector<16xi32>], vector<16xf32>,
        %parallel_loop3A_420 = arith.constant 0 : i32
        %parallel_loop3A_421 = arith.constant 0 : i32
        %parallel_loop3A_422 = arith.constant 0 : i32
        %parallel_loop3A_423 = tpu.memref_slice %arg7[%parallel_loop3A_420, %parallel_loop3A_421, %parallel_loop3A_422] : memref<2x256x128xf32, #tpu.memory_space<vmem>> -> memref<1x256x128xf32, #tpu.memory_space<vmem>>
        %parallel_loop3A_424 = tpu.memref_squeeze %parallel_loop3A_423 : memref<1x256x128xf32, #tpu.memory_space<vmem>> -> memref<256x128xf32, #tpu.memory_space<vmem>>
        tpu.vector_store_idx %parallel_loop3A_424[%parallel_loop3A_413, %parallel_loop3A_307], %parallel_loop3A_419 : memref<256x128xf32, #tpu.memory_space<vmem>>[vector<16xi32>, vector<16xi32>], vector<16xf32>,
        %parallel_loop3A_425 = vector.broadcast %parallel_loop3A_305 : i32 to vector<16xi32>
        %parallel_loop3A_426 = arith.addi %parallel_loop3A_425, %and3A_59 : vector<16xi32>
        %parallel_loop3A_427 = arith.constant 0 : i32
        %parallel_loop3A_428 = arith.constant 0 : i32
        %parallel_loop3A_429 = arith.constant 0 : i32
        %parallel_loop3A_430 = tpu.memref_slice %arg6[%parallel_loop3A_427, %parallel_loop3A_428, %parallel_loop3A_429] : memref<2x64x256xf32, #tpu.memory_space<vmem>> -> memref<1x64x256xf32, #tpu.memory_space<vmem>>
        %parallel_loop3A_431 = tpu.memref_squeeze %parallel_loop3A_430 : memref<1x64x256xf32, #tpu.memory_space<vmem>> -> memref<64x256xf32, #tpu.memory_space<vmem>>
        %parallel_loop3A_432 = tpu.vector_load_idx %parallel_loop3A_431[%parallel_loop3A_307, %parallel_loop3A_426] : memref<64x256xf32, #tpu.memory_space<vmem>>[vector<16xi32>, vector<16xi32>], vector<16xf32>,
        %parallel_loop3A_433 = arith.constant 0 : i32
        %parallel_loop3A_434 = arith.constant 0 : i32
        %parallel_loop3A_435 = arith.constant 0 : i32
        %parallel_loop3A_436 = tpu.memref_slice %arg7[%parallel_loop3A_433, %parallel_loop3A_434, %parallel_loop3A_435] : memref<2x256x128xf32, #tpu.memory_space<vmem>> -> memref<1x256x128xf32, #tpu.memory_space<vmem>>
        %parallel_loop3A_437 = tpu.memref_squeeze %parallel_loop3A_436 : memref<1x256x128xf32, #tpu.memory_space<vmem>> -> memref<256x128xf32, #tpu.memory_space<vmem>>
        tpu.vector_store_idx %parallel_loop3A_437[%parallel_loop3A_426, %parallel_loop3A_307], %parallel_loop3A_432 : memref<256x128xf32, #tpu.memory_space<vmem>>[vector<16xi32>, vector<16xi32>], vector<16xf32>,
        %parallel_loop3A_438 = vector.broadcast %parallel_loop3A_305 : i32 to vector<16xi32>
        %parallel_loop3A_439 = arith.addi %parallel_loop3A_438, %and3A_65 : vector<16xi32>
        %parallel_loop3A_440 = arith.constant 0 : i32
        %parallel_loop3A_441 = arith.constant 0 : i32
        %parallel_loop3A_442 = arith.constant 0 : i32
        %parallel_loop3A_443 = tpu.memref_slice %arg6[%parallel_loop3A_440, %parallel_loop3A_441, %parallel_loop3A_442] : memref<2x64x256xf32, #tpu.memory_space<vmem>> -> memref<1x64x256xf32, #tpu.memory_space<vmem>>
        %parallel_loop3A_444 = tpu.memref_squeeze %parallel_loop3A_443 : memref<1x64x256xf32, #tpu.memory_space<vmem>> -> memref<64x256xf32, #tpu.memory_space<vmem>>
        %parallel_loop3A_445 = tpu.vector_load_idx %parallel_loop3A_444[%parallel_loop3A_307, %parallel_loop3A_439] : memref<64x256xf32, #tpu.memory_space<vmem>>[vector<16xi32>, vector<16xi32>], vector<16xf32>,
        %parallel_loop3A_446 = arith.constant 0 : i32
        %parallel_loop3A_447 = arith.constant 0 : i32
        %parallel_loop3A_448 = arith.constant 0 : i32
        %parallel_loop3A_449 = tpu.memref_slice %arg7[%parallel_loop3A_446, %parallel_loop3A_447, %parallel_loop3A_448] : memref<2x256x128xf32, #tpu.memory_space<vmem>> -> memref<1x256x128xf32, #tpu.memory_space<vmem>>
        %parallel_loop3A_450 = tpu.memref_squeeze %parallel_loop3A_449 : memref<1x256x128xf32, #tpu.memory_space<vmem>> -> memref<256x128xf32, #tpu.memory_space<vmem>>
        tpu.vector_store_idx %parallel_loop3A_450[%parallel_loop3A_439, %parallel_loop3A_307], %parallel_loop3A_445 : memref<256x128xf32, #tpu.memory_space<vmem>>[vector<16xi32>, vector<16xi32>], vector<16xf32>,
        %parallel_loop3A_451 = vector.broadcast %parallel_loop3A_305 : i32 to vector<16xi32>
        %parallel_loop3A_452 = arith.addi %parallel_loop3A_451, %and3A_71 : vector<16xi32>
        %parallel_loop3A_453 = arith.constant 0 : i32
        %parallel_loop3A_454 = arith.constant 0 : i32
        %parallel_loop3A_455 = arith.constant 0 : i32
        %parallel_loop3A_456 = tpu.memref_slice %arg6[%parallel_loop3A_453, %parallel_loop3A_454, %parallel_loop3A_455] : memref<2x64x256xf32, #tpu.memory_space<vmem>> -> memref<1x64x256xf32, #tpu.memory_space<vmem>>
        %parallel_loop3A_457 = tpu.memref_squeeze %parallel_loop3A_456 : memref<1x64x256xf32, #tpu.memory_space<vmem>> -> memref<64x256xf32, #tpu.memory_space<vmem>>
        %parallel_loop3A_458 = tpu.vector_load_idx %parallel_loop3A_457[%parallel_loop3A_307, %parallel_loop3A_452] : memref<64x256xf32, #tpu.memory_space<vmem>>[vector<16xi32>, vector<16xi32>], vector<16xf32>,
        %parallel_loop3A_459 = arith.constant 0 : i32
        %parallel_loop3A_460 = arith.constant 0 : i32
        %parallel_loop3A_461 = arith.constant 0 : i32
        %parallel_loop3A_462 = tpu.memref_slice %arg7[%parallel_loop3A_459, %parallel_loop3A_460, %parallel_loop3A_461] : memref<2x256x128xf32, #tpu.memory_space<vmem>> -> memref<1x256x128xf32, #tpu.memory_space<vmem>>
        %parallel_loop3A_463 = tpu.memref_squeeze %parallel_loop3A_462 : memref<1x256x128xf32, #tpu.memory_space<vmem>> -> memref<256x128xf32, #tpu.memory_space<vmem>>
        tpu.vector_store_idx %parallel_loop3A_463[%parallel_loop3A_452, %parallel_loop3A_307], %parallel_loop3A_458 : memref<256x128xf32, #tpu.memory_space<vmem>>[vector<16xi32>, vector<16xi32>], vector<16xf32>,
        %parallel_loop3A_464 = vector.broadcast %parallel_loop3A_305 : i32 to vector<16xi32>
        %parallel_loop3A_465 = arith.addi %parallel_loop3A_464, %and3A_77 : vector<16xi32>
        %parallel_loop3A_466 = arith.constant 0 : i32
        %parallel_loop3A_467 = arith.constant 0 : i32
        %parallel_loop3A_468 = arith.constant 0 : i32
        %parallel_loop3A_469 = tpu.memref_slice %arg6[%parallel_loop3A_466, %parallel_loop3A_467, %parallel_loop3A_468] : memref<2x64x256xf32, #tpu.memory_space<vmem>> -> memref<1x64x256xf32, #tpu.memory_space<vmem>>
        %parallel_loop3A_470 = tpu.memref_squeeze %parallel_loop3A_469 : memref<1x64x256xf32, #tpu.memory_space<vmem>> -> memref<64x256xf32, #tpu.memory_space<vmem>>
        %parallel_loop3A_471 = tpu.vector_load_idx %parallel_loop3A_470[%parallel_loop3A_307, %parallel_loop3A_465] : memref<64x256xf32, #tpu.memory_space<vmem>>[vector<16xi32>, vector<16xi32>], vector<16xf32>,
        %parallel_loop3A_472 = arith.constant 0 : i32
        %parallel_loop3A_473 = arith.constant 0 : i32
        %parallel_loop3A_474 = arith.constant 0 : i32
        %parallel_loop3A_475 = tpu.memref_slice %arg7[%parallel_loop3A_472, %parallel_loop3A_473, %parallel_loop3A_474] : memref<2x256x128xf32, #tpu.memory_space<vmem>> -> memref<1x256x128xf32, #tpu.memory_space<vmem>>
        %parallel_loop3A_476 = tpu.memref_squeeze %parallel_loop3A_475 : memref<1x256x128xf32, #tpu.memory_space<vmem>> -> memref<256x128xf32, #tpu.memory_space<vmem>>
        tpu.vector_store_idx %parallel_loop3A_476[%parallel_loop3A_465, %parallel_loop3A_307], %parallel_loop3A_471 : memref<256x128xf32, #tpu.memory_space<vmem>>[vector<16xi32>, vector<16xi32>], vector<16xf32>,
        %parallel_loop3A_477 = vector.broadcast %parallel_loop3A_305 : i32 to vector<16xi32>
        %parallel_loop3A_478 = arith.addi %parallel_loop3A_477, %and3A_83 : vector<16xi32>
        %parallel_loop3A_479 = arith.constant 0 : i32
        %parallel_loop3A_480 = arith.constant 0 : i32
        %parallel_loop3A_481 = arith.constant 0 : i32
        %parallel_loop3A_482 = tpu.memref_slice %arg6[%parallel_loop3A_479, %parallel_loop3A_480, %parallel_loop3A_481] : memref<2x64x256xf32, #tpu.memory_space<vmem>> -> memref<1x64x256xf32, #tpu.memory_space<vmem>>
        %parallel_loop3A_483 = tpu.memref_squeeze %parallel_loop3A_482 : memref<1x64x256xf32, #tpu.memory_space<vmem>> -> memref<64x256xf32, #tpu.memory_space<vmem>>
        %parallel_loop3A_484 = tpu.vector_load_idx %parallel_loop3A_483[%parallel_loop3A_307, %parallel_loop3A_478] : memref<64x256xf32, #tpu.memory_space<vmem>>[vector<16xi32>, vector<16xi32>], vector<16xf32>,
        %parallel_loop3A_485 = arith.constant 0 : i32
        %parallel_loop3A_486 = arith.constant 0 : i32
        %parallel_loop3A_487 = arith.constant 0 : i32
        %parallel_loop3A_488 = tpu.memref_slice %arg7[%parallel_loop3A_485, %parallel_loop3A_486, %parallel_loop3A_487] : memref<2x256x128xf32, #tpu.memory_space<vmem>> -> memref<1x256x128xf32, #tpu.memory_space<vmem>>
        %parallel_loop3A_489 = tpu.memref_squeeze %parallel_loop3A_488 : memref<1x256x128xf32, #tpu.memory_space<vmem>> -> memref<256x128xf32, #tpu.memory_space<vmem>>
        tpu.vector_store_idx %parallel_loop3A_489[%parallel_loop3A_478, %parallel_loop3A_307], %parallel_loop3A_484 : memref<256x128xf32, #tpu.memory_space<vmem>>[vector<16xi32>, vector<16xi32>], vector<16xf32>,
        %parallel_loop3A_490 = vector.broadcast %parallel_loop3A_305 : i32 to vector<16xi32>
        %parallel_loop3A_491 = arith.addi %parallel_loop3A_490, %and3A_89 : vector<16xi32>
        %parallel_loop3A_492 = arith.constant 0 : i32
        %parallel_loop3A_493 = arith.constant 0 : i32
        %parallel_loop3A_494 = arith.constant 0 : i32
        %parallel_loop3A_495 = tpu.memref_slice %arg6[%parallel_loop3A_492, %parallel_loop3A_493, %parallel_loop3A_494] : memref<2x64x256xf32, #tpu.memory_space<vmem>> -> memref<1x64x256xf32, #tpu.memory_space<vmem>>
        %parallel_loop3A_496 = tpu.memref_squeeze %parallel_loop3A_495 : memref<1x64x256xf32, #tpu.memory_space<vmem>> -> memref<64x256xf32, #tpu.memory_space<vmem>>
        %parallel_loop3A_497 = tpu.vector_load_idx %parallel_loop3A_496[%parallel_loop3A_307, %parallel_loop3A_491] : memref<64x256xf32, #tpu.memory_space<vmem>>[vector<16xi32>, vector<16xi32>], vector<16xf32>,
        %parallel_loop3A_498 = arith.constant 0 : i32
        %parallel_loop3A_499 = arith.constant 0 : i32
        %parallel_loop3A_500 = arith.constant 0 : i32
        %parallel_loop3A_501 = tpu.memref_slice %arg7[%parallel_loop3A_498, %parallel_loop3A_499, %parallel_loop3A_500] : memref<2x256x128xf32, #tpu.memory_space<vmem>> -> memref<1x256x128xf32, #tpu.memory_space<vmem>>
        %parallel_loop3A_502 = tpu.memref_squeeze %parallel_loop3A_501 : memref<1x256x128xf32, #tpu.memory_space<vmem>> -> memref<256x128xf32, #tpu.memory_space<vmem>>
        tpu.vector_store_idx %parallel_loop3A_502[%parallel_loop3A_491, %parallel_loop3A_307], %parallel_loop3A_497 : memref<256x128xf32, #tpu.memory_space<vmem>>[vector<16xi32>, vector<16xi32>], vector<16xf32>,
        %parallel_loop3A_503 = vector.broadcast %parallel_loop3A_305 : i32 to vector<16xi32>
        %parallel_loop3A_504 = arith.addi %parallel_loop3A_503, %and3A_95 : vector<16xi32>
        %parallel_loop3A_505 = arith.constant 0 : i32
        %parallel_loop3A_506 = arith.constant 0 : i32
        %parallel_loop3A_507 = arith.constant 0 : i32
        %parallel_loop3A_508 = tpu.memref_slice %arg6[%parallel_loop3A_505, %parallel_loop3A_506, %parallel_loop3A_507] : memref<2x64x256xf32, #tpu.memory_space<vmem>> -> memref<1x64x256xf32, #tpu.memory_space<vmem>>
        %parallel_loop3A_509 = tpu.memref_squeeze %parallel_loop3A_508 : memref<1x64x256xf32, #tpu.memory_space<vmem>> -> memref<64x256xf32, #tpu.memory_space<vmem>>
        %parallel_loop3A_510 = tpu.vector_load_idx %parallel_loop3A_509[%parallel_loop3A_307, %parallel_loop3A_504] : memref<64x256xf32, #tpu.memory_space<vmem>>[vector<16xi32>, vector<16xi32>], vector<16xf32>,
        %parallel_loop3A_511 = arith.constant 0 : i32
        %parallel_loop3A_512 = arith.constant 0 : i32
        %parallel_loop3A_513 = arith.constant 0 : i32
        %parallel_loop3A_514 = tpu.memref_slice %arg7[%parallel_loop3A_511, %parallel_loop3A_512, %parallel_loop3A_513] : memref<2x256x128xf32, #tpu.memory_space<vmem>> -> memref<1x256x128xf32, #tpu.memory_space<vmem>>
        %parallel_loop3A_515 = tpu.memref_squeeze %parallel_loop3A_514 : memref<1x256x128xf32, #tpu.memory_space<vmem>> -> memref<256x128xf32, #tpu.memory_space<vmem>>
        tpu.vector_store_idx %parallel_loop3A_515[%parallel_loop3A_504, %parallel_loop3A_307], %parallel_loop3A_510 : memref<256x128xf32, #tpu.memory_space<vmem>>[vector<16xi32>, vector<16xi32>], vector<16xf32>,
      } {sc.loop_unroll_factor = 2 : i64, sc.parallel_access}
      %dma_start3A_243 = arith.constant 0 : i32
      %dma_start3A_244 = arith.constant 0 : i32
      %dma_start3A_245 = arith.constant 0 : i32
      %dma_start3A_246 = arith.constant 0 : i32
      %dma_start3A_247 = tpu.memref_slice %arg7[%dma_start3A_243, %dma_start3A_245, %dma_start3A_246] : memref<2x256x128xf32, #tpu.memory_space<vmem>> -> memref<1x256x128xf32, #tpu.memory_space<vmem>>
      %dma_start3A_248 = tpu.memref_squeeze %dma_start3A_247 : memref<1x256x128xf32, #tpu.memory_space<vmem>> -> memref<256x128xf32, #tpu.memory_space<vmem>>
      %dma_start3A_249 = arith.constant 999424 : i32
      %dma_start3A_250 = arith.constant 0 : i32
      %dma_start3A_251 = tpu.memref_slice %arg4[%dma_start3A_249, %dma_start3A_250] : memref<1000000x128xf32, #tpu.memory_space<hbm>> -> memref<256x128xf32, #tpu.memory_space<hbm>>
      %dma_start3A_252 = tpu.memref_slice %arg9[%dma_start3A_244] : memref<2x!tpu.dma_semaphore, #tpu.memory_space<semaphore_mem>> -> memref<1x!tpu.dma_semaphore, #tpu.memory_space<semaphore_mem>>
      %dma_start3A_253 = tpu.memref_squeeze %dma_start3A_252 : memref<1x!tpu.dma_semaphore, #tpu.memory_space<semaphore_mem>> -> memref<!tpu.dma_semaphore, #tpu.memory_space<semaphore_mem>>
      %dma_start3A_254 = arith.constant 999424 : i32
      %dma_start3A_255 = arith.constant 0 : i32
      %dma_start3A_256 = tpu.memref_slice %arg4[%dma_start3A_254, %dma_start3A_255] : memref<1000000x128xf32, #tpu.memory_space<hbm>> -> memref<256x128xf32, #tpu.memory_space<hbm>>
      %dma_start3A_257 = arith.constant 0 : i32
      %dma_start3A_258 = arith.constant 0 : i32
      %dma_start3A_259 = tpu.memref_slice %arg7[%dma_start3A_243, %dma_start3A_257, %dma_start3A_258] : memref<2x256x128xf32, #tpu.memory_space<vmem>> -> memref<1x256x128xf32, #tpu.memory_space<vmem>>
      %dma_start3A_260 = tpu.memref_squeeze %dma_start3A_259 : memref<1x256x128xf32, #tpu.memory_space<vmem>> -> memref<256x128xf32, #tpu.memory_space<vmem>>
      tpu.enqueue_dma source(%dma_start3A_260 : memref<256x128xf32, #tpu.memory_space<vmem>>) target(%dma_start3A_256 : memref<256x128xf32, #tpu.memory_space<hbm>>) target_semaphore(%dma_start3A_253 : memref<!tpu.dma_semaphore, #tpu.memory_space<semaphore_mem>>)
      %dma_wait3A_261 = arith.constant 0 : i32
      %dma_wait3A_262 = arith.constant 0 : i32
      %dma_wait3A_263 = arith.constant 0 : i32
      %dma_wait3A_264 = arith.constant 0 : i32
      %dma_wait3A_265 = tpu.memref_slice %arg7[%dma_wait3A_261, %dma_wait3A_263, %dma_wait3A_264] : memref<2x256x128xf32, #tpu.memory_space<vmem>> -> memref<1x256x128xf32, #tpu.memory_space<vmem>>
      %dma_wait3A_266 = tpu.memref_squeeze %dma_wait3A_265 : memref<1x256x128xf32, #tpu.memory_space<vmem>> -> memref<256x128xf32, #tpu.memory_space<vmem>>
      %dma_wait3A_267 = arith.constant 0 : i32
      %dma_wait3A_268 = arith.constant 0 : i32
      %dma_wait3A_269 = tpu.memref_slice %arg4[%dma_wait3A_267, %dma_wait3A_268] : memref<1000000x128xf32, #tpu.memory_space<hbm>> -> memref<256x128xf32, #tpu.memory_space<hbm>>
      %dma_wait3A_270 = tpu.memref_slice %arg9[%dma_wait3A_262] : memref<2x!tpu.dma_semaphore, #tpu.memory_space<semaphore_mem>> -> memref<1x!tpu.dma_semaphore, #tpu.memory_space<semaphore_mem>>
      %dma_wait3A_271 = tpu.memref_squeeze %dma_wait3A_270 : memref<1x!tpu.dma_semaphore, #tpu.memory_space<semaphore_mem>> -> memref<!tpu.dma_semaphore, #tpu.memory_space<semaphore_mem>>
      %dma_wait3A_272 = arith.constant 0 : i32
      %dma_wait3A_273 = arith.constant 0 : i32
      %dma_wait3A_274 = tpu.memref_slice %arg4[%dma_wait3A_272, %dma_wait3A_273] : memref<1000000x128xf32, #tpu.memory_space<hbm>> -> memref<256x128xf32, #tpu.memory_space<hbm>>
      %dma_wait3A_275 = arith.constant 0 : i32
      %dma_wait3A_276 = arith.constant 0 : i32
      %dma_wait3A_277 = tpu.memref_slice %arg7[%dma_wait3A_261, %dma_wait3A_275, %dma_wait3A_276] : memref<2x256x128xf32, #tpu.memory_space<vmem>> -> memref<1x256x128xf32, #tpu.memory_space<vmem>>
      %dma_wait3A_278 = tpu.memref_squeeze %dma_wait3A_277 : memref<1x256x128xf32, #tpu.memory_space<vmem>> -> memref<256x128xf32, #tpu.memory_space<vmem>>
      tpu.wait_dma2 semaphore(%dma_wait3A_271 : memref<!tpu.dma_semaphore, #tpu.memory_space<semaphore_mem>>) src(%dma_wait3A_278 : memref<256x128xf32, #tpu.memory_space<vmem>>) dst(%dma_wait3A_274 : memref<256x128xf32, #tpu.memory_space<hbm>>)
      %dma_wait3A_279 = arith.constant 0 : i32
      %dma_wait3A_280 = arith.constant 0 : i32
      %dma_wait3A_281 = arith.constant 0 : i32
      %dma_wait3A_282 = arith.constant 0 : i32
      %dma_wait3A_283 = tpu.memref_slice %arg6[%dma_wait3A_279, %dma_wait3A_281, %dma_wait3A_282] : memref<2x64x256xf32, #tpu.memory_space<vmem>> -> memref<1x64x256xf32, #tpu.memory_space<vmem>>
      %dma_wait3A_284 = tpu.memref_squeeze %dma_wait3A_283 : memref<1x64x256xf32, #tpu.memory_space<vmem>> -> memref<64x256xf32, #tpu.memory_space<vmem>>
      %dma_wait3A_285 = arith.constant 0 : i32
      %dma_wait3A_286 = arith.constant 0 : i32
      %dma_wait3A_287 = tpu.memref_slice %arg5[%dma_wait3A_285, %dma_wait3A_286] : memref<64x1000000xf32, #tpu.memory_space<hbm>> -> memref<64x256xf32, #tpu.memory_space<hbm>>
      %dma_wait3A_288 = tpu.memref_slice %arg10[%dma_wait3A_280] : memref<2x!tpu.dma_semaphore, #tpu.memory_space<semaphore_mem>> -> memref<1x!tpu.dma_semaphore, #tpu.memory_space<semaphore_mem>>
      %dma_wait3A_289 = tpu.memref_squeeze %dma_wait3A_288 : memref<1x!tpu.dma_semaphore, #tpu.memory_space<semaphore_mem>> -> memref<!tpu.dma_semaphore, #tpu.memory_space<semaphore_mem>>
      %dma_wait3A_290 = arith.constant 0 : i32
      %dma_wait3A_291 = arith.constant 0 : i32
      %dma_wait3A_292 = tpu.memref_slice %arg5[%dma_wait3A_290, %dma_wait3A_291] : memref<64x1000000xf32, #tpu.memory_space<hbm>> -> memref<64x256xf32, #tpu.memory_space<hbm>>
      %dma_wait3A_293 = arith.constant 0 : i32
      %dma_wait3A_294 = arith.constant 0 : i32
      %dma_wait3A_295 = tpu.memref_slice %arg6[%dma_wait3A_279, %dma_wait3A_293, %dma_wait3A_294] : memref<2x64x256xf32, #tpu.memory_space<vmem>> -> memref<1x64x256xf32, #tpu.memory_space<vmem>>
      %dma_wait3A_296 = tpu.memref_squeeze %dma_wait3A_295 : memref<1x64x256xf32, #tpu.memory_space<vmem>> -> memref<64x256xf32, #tpu.memory_space<vmem>>
      tpu.wait_dma2 semaphore(%dma_wait3A_289 : memref<!tpu.dma_semaphore, #tpu.memory_space<semaphore_mem>>) src(%dma_wait3A_296 : memref<64x256xf32, #tpu.memory_space<vmem>>) dst(%dma_wait3A_292 : memref<64x256xf32, #tpu.memory_space<hbm>>)
    } else {
    }
    %eq3A_182 = arith.constant 9 : i32
    %eq3A_183 = arith.cmpi eq, %add3A, %eq3A_182 : i32
    %convert_element_type3A_184 = arith.extui %eq3A_183 : i1 to i32
    %cond3A_185 = arith.constant 0 : i32
    %cond3A_186 = arith.cmpi ne, %convert_element_type3A_184, %cond3A_185 : i32
    scf.if %cond3A_186 {
      %dma_start3A_187 = arith.constant 0 : i32
      %dma_start3A_188 = arith.constant 0 : i32
      %dma_start3A_189 = arith.constant 0 : i32
      %dma_start3A_190 = arith.constant 0 : i32
      %dma_start3A_191 = tpu.memref_slice %arg6[%dma_start3A_187, %dma_start3A_189, %dma_start3A_190] : memref<2x64x256xf32, #tpu.memory_space<vmem>> -> memref<1x64x256xf32, #tpu.memory_space<vmem>>
      %dma_start3A_192 = tpu.memref_squeeze %dma_start3A_191 : memref<1x64x256xf32, #tpu.memory_space<vmem>> -> memref<64x256xf32, #tpu.memory_space<vmem>>
      %dma_start3A_193 = arith.constant 0 : i32
      %dma_start3A_194 = arith.constant 999680 : i32
      %dma_start3A_195 = tpu.memref_slice %arg2[%dma_start3A_193, %dma_start3A_194] : memref<64x1000000xf32, #tpu.memory_space<hbm>> -> memref<64x256xf32, #tpu.memory_space<hbm>>
      %dma_start3A_196 = tpu.memref_slice %arg8[%dma_start3A_188] : memref<2x!tpu.dma_semaphore, #tpu.memory_space<semaphore_mem>> -> memref<1x!tpu.dma_semaphore, #tpu.memory_space<semaphore_mem>>
      %dma_start3A_197 = tpu.memref_squeeze %dma_start3A_196 : memref<1x!tpu.dma_semaphore, #tpu.memory_space<semaphore_mem>> -> memref<!tpu.dma_semaphore, #tpu.memory_space<semaphore_mem>>
      %dma_start3A_198 = arith.constant 0 : i32
      %dma_start3A_199 = arith.constant 0 : i32
      %dma_start3A_200 = tpu.memref_slice %arg6[%dma_start3A_187, %dma_start3A_198, %dma_start3A_199] : memref<2x64x256xf32, #tpu.memory_space<vmem>> -> memref<1x64x256xf32, #tpu.memory_space<vmem>>
      %dma_start3A_201 = tpu.memref_squeeze %dma_start3A_200 : memref<1x64x256xf32, #tpu.memory_space<vmem>> -> memref<64x256xf32, #tpu.memory_space<vmem>>
      %dma_start3A_202 = arith.constant 0 : i32
      %dma_start3A_203 = arith.constant 999680 : i32
      %dma_start3A_204 = tpu.memref_slice %arg2[%dma_start3A_202, %dma_start3A_203] : memref<64x1000000xf32, #tpu.memory_space<hbm>> -> memref<64x256xf32, #tpu.memory_space<hbm>>
      tpu.enqueue_dma source(%dma_start3A_204 : memref<64x256xf32, #tpu.memory_space<hbm>>) target(%dma_start3A_201 : memref<64x256xf32, #tpu.memory_space<vmem>>) target_semaphore(%dma_start3A_197 : memref<!tpu.dma_semaphore, #tpu.memory_space<semaphore_mem>>)
      %dma_wait3A_205 = arith.constant 0 : i32
      %dma_wait3A_206 = arith.constant 0 : i32
      %dma_wait3A_207 = arith.constant 0 : i32
      %dma_wait3A_208 = arith.constant 0 : i32
      %dma_wait3A_209 = tpu.memref_slice %arg6[%dma_wait3A_205, %dma_wait3A_207, %dma_wait3A_208] : memref<2x64x256xf32, #tpu.memory_space<vmem>> -> memref<1x64x256xf32, #tpu.memory_space<vmem>>
      %dma_wait3A_210 = tpu.memref_squeeze %dma_wait3A_209 : memref<1x64x256xf32, #tpu.memory_space<vmem>> -> memref<64x256xf32, #tpu.memory_space<vmem>>
      %dma_wait3A_211 = arith.constant 0 : i32
      %dma_wait3A_212 = arith.constant 0 : i32
      %dma_wait3A_213 = tpu.memref_slice %arg2[%dma_wait3A_211, %dma_wait3A_212] : memref<64x1000000xf32, #tpu.memory_space<hbm>> -> memref<64x256xf32, #tpu.memory_space<hbm>>
      %dma_wait3A_214 = tpu.memref_slice %arg8[%dma_wait3A_206] : memref<2x!tpu.dma_semaphore, #tpu.memory_space<semaphore_mem>> -> memref<1x!tpu.dma_semaphore, #tpu.memory_space<semaphore_mem>>
      %dma_wait3A_215 = tpu.memref_squeeze %dma_wait3A_214 : memref<1x!tpu.dma_semaphore, #tpu.memory_space<semaphore_mem>> -> memref<!tpu.dma_semaphore, #tpu.memory_space<semaphore_mem>>
      %dma_wait3A_216 = arith.constant 0 : i32
      %dma_wait3A_217 = arith.constant 0 : i32
      %dma_wait3A_218 = tpu.memref_slice %arg6[%dma_wait3A_205, %dma_wait3A_216, %dma_wait3A_217] : memref<2x64x256xf32, #tpu.memory_space<vmem>> -> memref<1x64x256xf32, #tpu.memory_space<vmem>>
      %dma_wait3A_219 = tpu.memref_squeeze %dma_wait3A_218 : memref<1x64x256xf32, #tpu.memory_space<vmem>> -> memref<64x256xf32, #tpu.memory_space<vmem>>
      %dma_wait3A_220 = arith.constant 0 : i32
      %dma_wait3A_221 = arith.constant 0 : i32
      %dma_wait3A_222 = tpu.memref_slice %arg2[%dma_wait3A_220, %dma_wait3A_221] : memref<64x1000000xf32, #tpu.memory_space<hbm>> -> memref<64x256xf32, #tpu.memory_space<hbm>>
      tpu.wait_dma2 semaphore(%dma_wait3A_215 : memref<!tpu.dma_semaphore, #tpu.memory_space<semaphore_mem>>) src(%dma_wait3A_222 : memref<64x256xf32, #tpu.memory_space<hbm>>) dst(%dma_wait3A_219 : memref<64x256xf32, #tpu.memory_space<vmem>>)
      %dma_start3A_223 = arith.constant 0 : i32
      %dma_start3A_224 = arith.constant 0 : i32
      %dma_start3A_225 = arith.constant 0 : i32
      %dma_start3A_226 = arith.constant 0 : i32
      %dma_start3A_227 = tpu.memref_slice %arg6[%dma_start3A_223, %dma_start3A_225, %dma_start3A_226] : memref<2x64x256xf32, #tpu.memory_space<vmem>> -> memref<1x64x256xf32, #tpu.memory_space<vmem>>
      %dma_start3A_228 = tpu.memref_squeeze %dma_start3A_227 : memref<1x64x256xf32, #tpu.memory_space<vmem>> -> memref<64x256xf32, #tpu.memory_space<vmem>>
      %dma_start3A_229 = arith.constant 0 : i32
      %dma_start3A_230 = arith.constant 999680 : i32
      %dma_start3A_231 = tpu.memref_slice %arg5[%dma_start3A_229, %dma_start3A_230] : memref<64x1000000xf32, #tpu.memory_space<hbm>> -> memref<64x256xf32, #tpu.memory_space<hbm>>
      %dma_start3A_232 = tpu.memref_slice %arg10[%dma_start3A_224] : memref<2x!tpu.dma_semaphore, #tpu.memory_space<semaphore_mem>> -> memref<1x!tpu.dma_semaphore, #tpu.memory_space<semaphore_mem>>
      %dma_start3A_233 = tpu.memref_squeeze %dma_start3A_232 : memref<1x!tpu.dma_semaphore, #tpu.memory_space<semaphore_mem>> -> memref<!tpu.dma_semaphore, #tpu.memory_space<semaphore_mem>>
      %dma_start3A_234 = arith.constant 0 : i32
      %dma_start3A_235 = arith.constant 999680 : i32
      %dma_start3A_236 = tpu.memref_slice %arg5[%dma_start3A_234, %dma_start3A_235] : memref<64x1000000xf32, #tpu.memory_space<hbm>> -> memref<64x256xf32, #tpu.memory_space<hbm>>
      %dma_start3A_237 = arith.constant 0 : i32
      %dma_start3A_238 = arith.constant 0 : i32
      %dma_start3A_239 = tpu.memref_slice %arg6[%dma_start3A_223, %dma_start3A_237, %dma_start3A_238] : memref<2x64x256xf32, #tpu.memory_space<vmem>> -> memref<1x64x256xf32, #tpu.memory_space<vmem>>
      %dma_start3A_240 = tpu.memref_squeeze %dma_start3A_239 : memref<1x64x256xf32, #tpu.memory_space<vmem>> -> memref<64x256xf32, #tpu.memory_space<vmem>>
      tpu.enqueue_dma source(%dma_start3A_240 : memref<64x256xf32, #tpu.memory_space<vmem>>) target(%dma_start3A_236 : memref<64x256xf32, #tpu.memory_space<hbm>>) target_semaphore(%dma_start3A_233 : memref<!tpu.dma_semaphore, #tpu.memory_space<semaphore_mem>>)
      %parallel_loop3A = arith.constant 0 : i32
      %parallel_loop3A_241 = arith.constant 64 : i32
      %parallel_loop3A_242 = arith.constant 1 : i32
      scf.for %parallel_loop3A_297 = %parallel_loop3A to %parallel_loop3A_241 step %parallel_loop3A_242  : i32 {
        %parallel_loop3A_298 = arith.constant 3 : i32
        %parallel_loop3A_299 = arith.andi %parallel_loop3A_297, %parallel_loop3A_298 : i32
        %parallel_loop3A_300 = arith.constant 16 : i32
        %parallel_loop3A_301 = arith.muli %parallel_loop3A_299, %parallel_loop3A_300 : i32
        %parallel_loop3A_302 = arith.constant 2 : i32
        %parallel_loop3A_303 = arith.shrsi %parallel_loop3A_297, %parallel_loop3A_302 : i32
        %parallel_loop3A_304 = arith.constant 16 : i32
        %parallel_loop3A_305 = arith.muli %parallel_loop3A_303, %parallel_loop3A_304 : i32
        %parallel_loop3A_306 = vector.broadcast %parallel_loop3A_301 : i32 to vector<16xi32>
        %parallel_loop3A_307 = arith.addi %parallel_loop3A_306, %iota3A : vector<16xi32>
        %parallel_loop3A_308 = vector.broadcast %parallel_loop3A_305 : i32 to vector<16xi32>
        %parallel_loop3A_309 = arith.addi %parallel_loop3A_308, %and3A_5 : vector<16xi32>
        %parallel_loop3A_310 = arith.constant 0 : i32
        %parallel_loop3A_311 = arith.constant 0 : i32
        %parallel_loop3A_312 = arith.constant 0 : i32
        %parallel_loop3A_313 = tpu.memref_slice %arg6[%parallel_loop3A_310, %parallel_loop3A_311, %parallel_loop3A_312] : memref<2x64x256xf32, #tpu.memory_space<vmem>> -> memref<1x64x256xf32, #tpu.memory_space<vmem>>
        %parallel_loop3A_314 = tpu.memref_squeeze %parallel_loop3A_313 : memref<1x64x256xf32, #tpu.memory_space<vmem>> -> memref<64x256xf32, #tpu.memory_space<vmem>>
        %parallel_loop3A_315 = tpu.vector_load_idx %parallel_loop3A_314[%parallel_loop3A_307, %parallel_loop3A_309] : memref<64x256xf32, #tpu.memory_space<vmem>>[vector<16xi32>, vector<16xi32>], vector<16xf32>,
        %parallel_loop3A_316 = arith.constant 0 : i32
        %parallel_loop3A_317 = arith.constant 0 : i32
        %parallel_loop3A_318 = arith.constant 0 : i32
        %parallel_loop3A_319 = tpu.memref_slice %arg7[%parallel_loop3A_316, %parallel_loop3A_317, %parallel_loop3A_318] : memref<2x256x128xf32, #tpu.memory_space<vmem>> -> memref<1x256x128xf32, #tpu.memory_space<vmem>>
        %parallel_loop3A_320 = tpu.memref_squeeze %parallel_loop3A_319 : memref<1x256x128xf32, #tpu.memory_space<vmem>> -> memref<256x128xf32, #tpu.memory_space<vmem>>
        tpu.vector_store_idx %parallel_loop3A_320[%parallel_loop3A_309, %parallel_loop3A_307], %parallel_loop3A_315 : memref<256x128xf32, #tpu.memory_space<vmem>>[vector<16xi32>, vector<16xi32>], vector<16xf32>,
        %parallel_loop3A_321 = vector.broadcast %parallel_loop3A_305 : i32 to vector<16xi32>
        %parallel_loop3A_322 = arith.addi %parallel_loop3A_321, %and3A_11 : vector<16xi32>
        %parallel_loop3A_323 = arith.constant 0 : i32
        %parallel_loop3A_324 = arith.constant 0 : i32
        %parallel_loop3A_325 = arith.constant 0 : i32
        %parallel_loop3A_326 = tpu.memref_slice %arg6[%parallel_loop3A_323, %parallel_loop3A_324, %parallel_loop3A_325] : memref<2x64x256xf32, #tpu.memory_space<vmem>> -> memref<1x64x256xf32, #tpu.memory_space<vmem>>
        %parallel_loop3A_327 = tpu.memref_squeeze %parallel_loop3A_326 : memref<1x64x256xf32, #tpu.memory_space<vmem>> -> memref<64x256xf32, #tpu.memory_space<vmem>>
        %parallel_loop3A_328 = tpu.vector_load_idx %parallel_loop3A_327[%parallel_loop3A_307, %parallel_loop3A_322] : memref<64x256xf32, #tpu.memory_space<vmem>>[vector<16xi32>, vector<16xi32>], vector<16xf32>,
        %parallel_loop3A_329 = arith.constant 0 : i32
        %parallel_loop3A_330 = arith.constant 0 : i32
        %parallel_loop3A_331 = arith.constant 0 : i32
        %parallel_loop3A_332 = tpu.memref_slice %arg7[%parallel_loop3A_329, %parallel_loop3A_330, %parallel_loop3A_331] : memref<2x256x128xf32, #tpu.memory_space<vmem>> -> memref<1x256x128xf32, #tpu.memory_space<vmem>>
        %parallel_loop3A_333 = tpu.memref_squeeze %parallel_loop3A_332 : memref<1x256x128xf32, #tpu.memory_space<vmem>> -> memref<256x128xf32, #tpu.memory_space<vmem>>
        tpu.vector_store_idx %parallel_loop3A_333[%parallel_loop3A_322, %parallel_loop3A_307], %parallel_loop3A_328 : memref<256x128xf32, #tpu.memory_space<vmem>>[vector<16xi32>, vector<16xi32>], vector<16xf32>,
        %parallel_loop3A_334 = vector.broadcast %parallel_loop3A_305 : i32 to vector<16xi32>
        %parallel_loop3A_335 = arith.addi %parallel_loop3A_334, %and3A_17 : vector<16xi32>
        %parallel_loop3A_336 = arith.constant 0 : i32
        %parallel_loop3A_337 = arith.constant 0 : i32
        %parallel_loop3A_338 = arith.constant 0 : i32
        %parallel_loop3A_339 = tpu.memref_slice %arg6[%parallel_loop3A_336, %parallel_loop3A_337, %parallel_loop3A_338] : memref<2x64x256xf32, #tpu.memory_space<vmem>> -> memref<1x64x256xf32, #tpu.memory_space<vmem>>
        %parallel_loop3A_340 = tpu.memref_squeeze %parallel_loop3A_339 : memref<1x64x256xf32, #tpu.memory_space<vmem>> -> memref<64x256xf32, #tpu.memory_space<vmem>>
        %parallel_loop3A_341 = tpu.vector_load_idx %parallel_loop3A_340[%parallel_loop3A_307, %parallel_loop3A_335] : memref<64x256xf32, #tpu.memory_space<vmem>>[vector<16xi32>, vector<16xi32>], vector<16xf32>,
        %parallel_loop3A_342 = arith.constant 0 : i32
        %parallel_loop3A_343 = arith.constant 0 : i32
        %parallel_loop3A_344 = arith.constant 0 : i32
        %parallel_loop3A_345 = tpu.memref_slice %arg7[%parallel_loop3A_342, %parallel_loop3A_343, %parallel_loop3A_344] : memref<2x256x128xf32, #tpu.memory_space<vmem>> -> memref<1x256x128xf32, #tpu.memory_space<vmem>>
        %parallel_loop3A_346 = tpu.memref_squeeze %parallel_loop3A_345 : memref<1x256x128xf32, #tpu.memory_space<vmem>> -> memref<256x128xf32, #tpu.memory_space<vmem>>
        tpu.vector_store_idx %parallel_loop3A_346[%parallel_loop3A_335, %parallel_loop3A_307], %parallel_loop3A_341 : memref<256x128xf32, #tpu.memory_space<vmem>>[vector<16xi32>, vector<16xi32>], vector<16xf32>,
        %parallel_loop3A_347 = vector.broadcast %parallel_loop3A_305 : i32 to vector<16xi32>
        %parallel_loop3A_348 = arith.addi %parallel_loop3A_347, %and3A_23 : vector<16xi32>
        %parallel_loop3A_349 = arith.constant 0 : i32
        %parallel_loop3A_350 = arith.constant 0 : i32
        %parallel_loop3A_351 = arith.constant 0 : i32
        %parallel_loop3A_352 = tpu.memref_slice %arg6[%parallel_loop3A_349, %parallel_loop3A_350, %parallel_loop3A_351] : memref<2x64x256xf32, #tpu.memory_space<vmem>> -> memref<1x64x256xf32, #tpu.memory_space<vmem>>
        %parallel_loop3A_353 = tpu.memref_squeeze %parallel_loop3A_352 : memref<1x64x256xf32, #tpu.memory_space<vmem>> -> memref<64x256xf32, #tpu.memory_space<vmem>>
        %parallel_loop3A_354 = tpu.vector_load_idx %parallel_loop3A_353[%parallel_loop3A_307, %parallel_loop3A_348] : memref<64x256xf32, #tpu.memory_space<vmem>>[vector<16xi32>, vector<16xi32>], vector<16xf32>,
        %parallel_loop3A_355 = arith.constant 0 : i32
        %parallel_loop3A_356 = arith.constant 0 : i32
        %parallel_loop3A_357 = arith.constant 0 : i32
        %parallel_loop3A_358 = tpu.memref_slice %arg7[%parallel_loop3A_355, %parallel_loop3A_356, %parallel_loop3A_357] : memref<2x256x128xf32, #tpu.memory_space<vmem>> -> memref<1x256x128xf32, #tpu.memory_space<vmem>>
        %parallel_loop3A_359 = tpu.memref_squeeze %parallel_loop3A_358 : memref<1x256x128xf32, #tpu.memory_space<vmem>> -> memref<256x128xf32, #tpu.memory_space<vmem>>
        tpu.vector_store_idx %parallel_loop3A_359[%parallel_loop3A_348, %parallel_loop3A_307], %parallel_loop3A_354 : memref<256x128xf32, #tpu.memory_space<vmem>>[vector<16xi32>, vector<16xi32>], vector<16xf32>,
        %parallel_loop3A_360 = vector.broadcast %parallel_loop3A_305 : i32 to vector<16xi32>
        %parallel_loop3A_361 = arith.addi %parallel_loop3A_360, %and3A_29 : vector<16xi32>
        %parallel_loop3A_362 = arith.constant 0 : i32
        %parallel_loop3A_363 = arith.constant 0 : i32
        %parallel_loop3A_364 = arith.constant 0 : i32
        %parallel_loop3A_365 = tpu.memref_slice %arg6[%parallel_loop3A_362, %parallel_loop3A_363, %parallel_loop3A_364] : memref<2x64x256xf32, #tpu.memory_space<vmem>> -> memref<1x64x256xf32, #tpu.memory_space<vmem>>
        %parallel_loop3A_366 = tpu.memref_squeeze %parallel_loop3A_365 : memref<1x64x256xf32, #tpu.memory_space<vmem>> -> memref<64x256xf32, #tpu.memory_space<vmem>>
        %parallel_loop3A_367 = tpu.vector_load_idx %parallel_loop3A_366[%parallel_loop3A_307, %parallel_loop3A_361] : memref<64x256xf32, #tpu.memory_space<vmem>>[vector<16xi32>, vector<16xi32>], vector<16xf32>,
        %parallel_loop3A_368 = arith.constant 0 : i32
        %parallel_loop3A_369 = arith.constant 0 : i32
        %parallel_loop3A_370 = arith.constant 0 : i32
        %parallel_loop3A_371 = tpu.memref_slice %arg7[%parallel_loop3A_368, %parallel_loop3A_369, %parallel_loop3A_370] : memref<2x256x128xf32, #tpu.memory_space<vmem>> -> memref<1x256x128xf32, #tpu.memory_space<vmem>>
        %parallel_loop3A_372 = tpu.memref_squeeze %parallel_loop3A_371 : memref<1x256x128xf32, #tpu.memory_space<vmem>> -> memref<256x128xf32, #tpu.memory_space<vmem>>
        tpu.vector_store_idx %parallel_loop3A_372[%parallel_loop3A_361, %parallel_loop3A_307], %parallel_loop3A_367 : memref<256x128xf32, #tpu.memory_space<vmem>>[vector<16xi32>, vector<16xi32>], vector<16xf32>,
        %parallel_loop3A_373 = vector.broadcast %parallel_loop3A_305 : i32 to vector<16xi32>
        %parallel_loop3A_374 = arith.addi %parallel_loop3A_373, %and3A_35 : vector<16xi32>
        %parallel_loop3A_375 = arith.constant 0 : i32
        %parallel_loop3A_376 = arith.constant 0 : i32
        %parallel_loop3A_377 = arith.constant 0 : i32
        %parallel_loop3A_378 = tpu.memref_slice %arg6[%parallel_loop3A_375, %parallel_loop3A_376, %parallel_loop3A_377] : memref<2x64x256xf32, #tpu.memory_space<vmem>> -> memref<1x64x256xf32, #tpu.memory_space<vmem>>
        %parallel_loop3A_379 = tpu.memref_squeeze %parallel_loop3A_378 : memref<1x64x256xf32, #tpu.memory_space<vmem>> -> memref<64x256xf32, #tpu.memory_space<vmem>>
        %parallel_loop3A_380 = tpu.vector_load_idx %parallel_loop3A_379[%parallel_loop3A_307, %parallel_loop3A_374] : memref<64x256xf32, #tpu.memory_space<vmem>>[vector<16xi32>, vector<16xi32>], vector<16xf32>,
        %parallel_loop3A_381 = arith.constant 0 : i32
        %parallel_loop3A_382 = arith.constant 0 : i32
        %parallel_loop3A_383 = arith.constant 0 : i32
        %parallel_loop3A_384 = tpu.memref_slice %arg7[%parallel_loop3A_381, %parallel_loop3A_382, %parallel_loop3A_383] : memref<2x256x128xf32, #tpu.memory_space<vmem>> -> memref<1x256x128xf32, #tpu.memory_space<vmem>>
        %parallel_loop3A_385 = tpu.memref_squeeze %parallel_loop3A_384 : memref<1x256x128xf32, #tpu.memory_space<vmem>> -> memref<256x128xf32, #tpu.memory_space<vmem>>
        tpu.vector_store_idx %parallel_loop3A_385[%parallel_loop3A_374, %parallel_loop3A_307], %parallel_loop3A_380 : memref<256x128xf32, #tpu.memory_space<vmem>>[vector<16xi32>, vector<16xi32>], vector<16xf32>,
        %parallel_loop3A_386 = vector.broadcast %parallel_loop3A_305 : i32 to vector<16xi32>
        %parallel_loop3A_387 = arith.addi %parallel_loop3A_386, %and3A_41 : vector<16xi32>
        %parallel_loop3A_388 = arith.constant 0 : i32
        %parallel_loop3A_389 = arith.constant 0 : i32
        %parallel_loop3A_390 = arith.constant 0 : i32
        %parallel_loop3A_391 = tpu.memref_slice %arg6[%parallel_loop3A_388, %parallel_loop3A_389, %parallel_loop3A_390] : memref<2x64x256xf32, #tpu.memory_space<vmem>> -> memref<1x64x256xf32, #tpu.memory_space<vmem>>
        %parallel_loop3A_392 = tpu.memref_squeeze %parallel_loop3A_391 : memref<1x64x256xf32, #tpu.memory_space<vmem>> -> memref<64x256xf32, #tpu.memory_space<vmem>>
        %parallel_loop3A_393 = tpu.vector_load_idx %parallel_loop3A_392[%parallel_loop3A_307, %parallel_loop3A_387] : memref<64x256xf32, #tpu.memory_space<vmem>>[vector<16xi32>, vector<16xi32>], vector<16xf32>,
        %parallel_loop3A_394 = arith.constant 0 : i32
        %parallel_loop3A_395 = arith.constant 0 : i32
        %parallel_loop3A_396 = arith.constant 0 : i32
        %parallel_loop3A_397 = tpu.memref_slice %arg7[%parallel_loop3A_394, %parallel_loop3A_395, %parallel_loop3A_396] : memref<2x256x128xf32, #tpu.memory_space<vmem>> -> memref<1x256x128xf32, #tpu.memory_space<vmem>>
        %parallel_loop3A_398 = tpu.memref_squeeze %parallel_loop3A_397 : memref<1x256x128xf32, #tpu.memory_space<vmem>> -> memref<256x128xf32, #tpu.memory_space<vmem>>
        tpu.vector_store_idx %parallel_loop3A_398[%parallel_loop3A_387, %parallel_loop3A_307], %parallel_loop3A_393 : memref<256x128xf32, #tpu.memory_space<vmem>>[vector<16xi32>, vector<16xi32>], vector<16xf32>,
        %parallel_loop3A_399 = vector.broadcast %parallel_loop3A_305 : i32 to vector<16xi32>
        %parallel_loop3A_400 = arith.addi %parallel_loop3A_399, %and3A_47 : vector<16xi32>
        %parallel_loop3A_401 = arith.constant 0 : i32
        %parallel_loop3A_402 = arith.constant 0 : i32
        %parallel_loop3A_403 = arith.constant 0 : i32
        %parallel_loop3A_404 = tpu.memref_slice %arg6[%parallel_loop3A_401, %parallel_loop3A_402, %parallel_loop3A_403] : memref<2x64x256xf32, #tpu.memory_space<vmem>> -> memref<1x64x256xf32, #tpu.memory_space<vmem>>
        %parallel_loop3A_405 = tpu.memref_squeeze %parallel_loop3A_404 : memref<1x64x256xf32, #tpu.memory_space<vmem>> -> memref<64x256xf32, #tpu.memory_space<vmem>>
        %parallel_loop3A_406 = tpu.vector_load_idx %parallel_loop3A_405[%parallel_loop3A_307, %parallel_loop3A_400] : memref<64x256xf32, #tpu.memory_space<vmem>>[vector<16xi32>, vector<16xi32>], vector<16xf32>,
        %parallel_loop3A_407 = arith.constant 0 : i32
        %parallel_loop3A_408 = arith.constant 0 : i32
        %parallel_loop3A_409 = arith.constant 0 : i32
        %parallel_loop3A_410 = tpu.memref_slice %arg7[%parallel_loop3A_407, %parallel_loop3A_408, %parallel_loop3A_409] : memref<2x256x128xf32, #tpu.memory_space<vmem>> -> memref<1x256x128xf32, #tpu.memory_space<vmem>>
        %parallel_loop3A_411 = tpu.memref_squeeze %parallel_loop3A_410 : memref<1x256x128xf32, #tpu.memory_space<vmem>> -> memref<256x128xf32, #tpu.memory_space<vmem>>
        tpu.vector_store_idx %parallel_loop3A_411[%parallel_loop3A_400, %parallel_loop3A_307], %parallel_loop3A_406 : memref<256x128xf32, #tpu.memory_space<vmem>>[vector<16xi32>, vector<16xi32>], vector<16xf32>,
        %parallel_loop3A_412 = vector.broadcast %parallel_loop3A_305 : i32 to vector<16xi32>
        %parallel_loop3A_413 = arith.addi %parallel_loop3A_412, %and3A_53 : vector<16xi32>
        %parallel_loop3A_414 = arith.constant 0 : i32
        %parallel_loop3A_415 = arith.constant 0 : i32
        %parallel_loop3A_416 = arith.constant 0 : i32
        %parallel_loop3A_417 = tpu.memref_slice %arg6[%parallel_loop3A_414, %parallel_loop3A_415, %parallel_loop3A_416] : memref<2x64x256xf32, #tpu.memory_space<vmem>> -> memref<1x64x256xf32, #tpu.memory_space<vmem>>
        %parallel_loop3A_418 = tpu.memref_squeeze %parallel_loop3A_417 : memref<1x64x256xf32, #tpu.memory_space<vmem>> -> memref<64x256xf32, #tpu.memory_space<vmem>>
        %parallel_loop3A_419 = tpu.vector_load_idx %parallel_loop3A_418[%parallel_loop3A_307, %parallel_loop3A_413] : memref<64x256xf32, #tpu.memory_space<vmem>>[vector<16xi32>, vector<16xi32>], vector<16xf32>,
        %parallel_loop3A_420 = arith.constant 0 : i32
        %parallel_loop3A_421 = arith.constant 0 : i32
        %parallel_loop3A_422 = arith.constant 0 : i32
        %parallel_loop3A_423 = tpu.memref_slice %arg7[%parallel_loop3A_420, %parallel_loop3A_421, %parallel_loop3A_422] : memref<2x256x128xf32, #tpu.memory_space<vmem>> -> memref<1x256x128xf32, #tpu.memory_space<vmem>>
        %parallel_loop3A_424 = tpu.memref_squeeze %parallel_loop3A_423 : memref<1x256x128xf32, #tpu.memory_space<vmem>> -> memref<256x128xf32, #tpu.memory_space<vmem>>
        tpu.vector_store_idx %parallel_loop3A_424[%parallel_loop3A_413, %parallel_loop3A_307], %parallel_loop3A_419 : memref<256x128xf32, #tpu.memory_space<vmem>>[vector<16xi32>, vector<16xi32>], vector<16xf32>,
        %parallel_loop3A_425 = vector.broadcast %parallel_loop3A_305 : i32 to vector<16xi32>
        %parallel_loop3A_426 = arith.addi %parallel_loop3A_425, %and3A_59 : vector<16xi32>
        %parallel_loop3A_427 = arith.constant 0 : i32
        %parallel_loop3A_428 = arith.constant 0 : i32
        %parallel_loop3A_429 = arith.constant 0 : i32
        %parallel_loop3A_430 = tpu.memref_slice %arg6[%parallel_loop3A_427, %parallel_loop3A_428, %parallel_loop3A_429] : memref<2x64x256xf32, #tpu.memory_space<vmem>> -> memref<1x64x256xf32, #tpu.memory_space<vmem>>
        %parallel_loop3A_431 = tpu.memref_squeeze %parallel_loop3A_430 : memref<1x64x256xf32, #tpu.memory_space<vmem>> -> memref<64x256xf32, #tpu.memory_space<vmem>>
        %parallel_loop3A_432 = tpu.vector_load_idx %parallel_loop3A_431[%parallel_loop3A_307, %parallel_loop3A_426] : memref<64x256xf32, #tpu.memory_space<vmem>>[vector<16xi32>, vector<16xi32>], vector<16xf32>,
        %parallel_loop3A_433 = arith.constant 0 : i32
        %parallel_loop3A_434 = arith.constant 0 : i32
        %parallel_loop3A_435 = arith.constant 0 : i32
        %parallel_loop3A_436 = tpu.memref_slice %arg7[%parallel_loop3A_433, %parallel_loop3A_434, %parallel_loop3A_435] : memref<2x256x128xf32, #tpu.memory_space<vmem>> -> memref<1x256x128xf32, #tpu.memory_space<vmem>>
        %parallel_loop3A_437 = tpu.memref_squeeze %parallel_loop3A_436 : memref<1x256x128xf32, #tpu.memory_space<vmem>> -> memref<256x128xf32, #tpu.memory_space<vmem>>
        tpu.vector_store_idx %parallel_loop3A_437[%parallel_loop3A_426, %parallel_loop3A_307], %parallel_loop3A_432 : memref<256x128xf32, #tpu.memory_space<vmem>>[vector<16xi32>, vector<16xi32>], vector<16xf32>,
        %parallel_loop3A_438 = vector.broadcast %parallel_loop3A_305 : i32 to vector<16xi32>
        %parallel_loop3A_439 = arith.addi %parallel_loop3A_438, %and3A_65 : vector<16xi32>
        %parallel_loop3A_440 = arith.constant 0 : i32
        %parallel_loop3A_441 = arith.constant 0 : i32
        %parallel_loop3A_442 = arith.constant 0 : i32
        %parallel_loop3A_443 = tpu.memref_slice %arg6[%parallel_loop3A_440, %parallel_loop3A_441, %parallel_loop3A_442] : memref<2x64x256xf32, #tpu.memory_space<vmem>> -> memref<1x64x256xf32, #tpu.memory_space<vmem>>
        %parallel_loop3A_444 = tpu.memref_squeeze %parallel_loop3A_443 : memref<1x64x256xf32, #tpu.memory_space<vmem>> -> memref<64x256xf32, #tpu.memory_space<vmem>>
        %parallel_loop3A_445 = tpu.vector_load_idx %parallel_loop3A_444[%parallel_loop3A_307, %parallel_loop3A_439] : memref<64x256xf32, #tpu.memory_space<vmem>>[vector<16xi32>, vector<16xi32>], vector<16xf32>,
        %parallel_loop3A_446 = arith.constant 0 : i32
        %parallel_loop3A_447 = arith.constant 0 : i32
        %parallel_loop3A_448 = arith.constant 0 : i32
        %parallel_loop3A_449 = tpu.memref_slice %arg7[%parallel_loop3A_446, %parallel_loop3A_447, %parallel_loop3A_448] : memref<2x256x128xf32, #tpu.memory_space<vmem>> -> memref<1x256x128xf32, #tpu.memory_space<vmem>>
        %parallel_loop3A_450 = tpu.memref_squeeze %parallel_loop3A_449 : memref<1x256x128xf32, #tpu.memory_space<vmem>> -> memref<256x128xf32, #tpu.memory_space<vmem>>
        tpu.vector_store_idx %parallel_loop3A_450[%parallel_loop3A_439, %parallel_loop3A_307], %parallel_loop3A_445 : memref<256x128xf32, #tpu.memory_space<vmem>>[vector<16xi32>, vector<16xi32>], vector<16xf32>,
        %parallel_loop3A_451 = vector.broadcast %parallel_loop3A_305 : i32 to vector<16xi32>
        %parallel_loop3A_452 = arith.addi %parallel_loop3A_451, %and3A_71 : vector<16xi32>
        %parallel_loop3A_453 = arith.constant 0 : i32
        %parallel_loop3A_454 = arith.constant 0 : i32
        %parallel_loop3A_455 = arith.constant 0 : i32
        %parallel_loop3A_456 = tpu.memref_slice %arg6[%parallel_loop3A_453, %parallel_loop3A_454, %parallel_loop3A_455] : memref<2x64x256xf32, #tpu.memory_space<vmem>> -> memref<1x64x256xf32, #tpu.memory_space<vmem>>
        %parallel_loop3A_457 = tpu.memref_squeeze %parallel_loop3A_456 : memref<1x64x256xf32, #tpu.memory_space<vmem>> -> memref<64x256xf32, #tpu.memory_space<vmem>>
        %parallel_loop3A_458 = tpu.vector_load_idx %parallel_loop3A_457[%parallel_loop3A_307, %parallel_loop3A_452] : memref<64x256xf32, #tpu.memory_space<vmem>>[vector<16xi32>, vector<16xi32>], vector<16xf32>,
        %parallel_loop3A_459 = arith.constant 0 : i32
        %parallel_loop3A_460 = arith.constant 0 : i32
        %parallel_loop3A_461 = arith.constant 0 : i32
        %parallel_loop3A_462 = tpu.memref_slice %arg7[%parallel_loop3A_459, %parallel_loop3A_460, %parallel_loop3A_461] : memref<2x256x128xf32, #tpu.memory_space<vmem>> -> memref<1x256x128xf32, #tpu.memory_space<vmem>>
        %parallel_loop3A_463 = tpu.memref_squeeze %parallel_loop3A_462 : memref<1x256x128xf32, #tpu.memory_space<vmem>> -> memref<256x128xf32, #tpu.memory_space<vmem>>
        tpu.vector_store_idx %parallel_loop3A_463[%parallel_loop3A_452, %parallel_loop3A_307], %parallel_loop3A_458 : memref<256x128xf32, #tpu.memory_space<vmem>>[vector<16xi32>, vector<16xi32>], vector<16xf32>,
        %parallel_loop3A_464 = vector.broadcast %parallel_loop3A_305 : i32 to vector<16xi32>
        %parallel_loop3A_465 = arith.addi %parallel_loop3A_464, %and3A_77 : vector<16xi32>
        %parallel_loop3A_466 = arith.constant 0 : i32
        %parallel_loop3A_467 = arith.constant 0 : i32
        %parallel_loop3A_468 = arith.constant 0 : i32
        %parallel_loop3A_469 = tpu.memref_slice %arg6[%parallel_loop3A_466, %parallel_loop3A_467, %parallel_loop3A_468] : memref<2x64x256xf32, #tpu.memory_space<vmem>> -> memref<1x64x256xf32, #tpu.memory_space<vmem>>
        %parallel_loop3A_470 = tpu.memref_squeeze %parallel_loop3A_469 : memref<1x64x256xf32, #tpu.memory_space<vmem>> -> memref<64x256xf32, #tpu.memory_space<vmem>>
        %parallel_loop3A_471 = tpu.vector_load_idx %parallel_loop3A_470[%parallel_loop3A_307, %parallel_loop3A_465] : memref<64x256xf32, #tpu.memory_space<vmem>>[vector<16xi32>, vector<16xi32>], vector<16xf32>,
        %parallel_loop3A_472 = arith.constant 0 : i32
        %parallel_loop3A_473 = arith.constant 0 : i32
        %parallel_loop3A_474 = arith.constant 0 : i32
        %parallel_loop3A_475 = tpu.memref_slice %arg7[%parallel_loop3A_472, %parallel_loop3A_473, %parallel_loop3A_474] : memref<2x256x128xf32, #tpu.memory_space<vmem>> -> memref<1x256x128xf32, #tpu.memory_space<vmem>>
        %parallel_loop3A_476 = tpu.memref_squeeze %parallel_loop3A_475 : memref<1x256x128xf32, #tpu.memory_space<vmem>> -> memref<256x128xf32, #tpu.memory_space<vmem>>
        tpu.vector_store_idx %parallel_loop3A_476[%parallel_loop3A_465, %parallel_loop3A_307], %parallel_loop3A_471 : memref<256x128xf32, #tpu.memory_space<vmem>>[vector<16xi32>, vector<16xi32>], vector<16xf32>,
        %parallel_loop3A_477 = vector.broadcast %parallel_loop3A_305 : i32 to vector<16xi32>
        %parallel_loop3A_478 = arith.addi %parallel_loop3A_477, %and3A_83 : vector<16xi32>
        %parallel_loop3A_479 = arith.constant 0 : i32
        %parallel_loop3A_480 = arith.constant 0 : i32
        %parallel_loop3A_481 = arith.constant 0 : i32
        %parallel_loop3A_482 = tpu.memref_slice %arg6[%parallel_loop3A_479, %parallel_loop3A_480, %parallel_loop3A_481] : memref<2x64x256xf32, #tpu.memory_space<vmem>> -> memref<1x64x256xf32, #tpu.memory_space<vmem>>
        %parallel_loop3A_483 = tpu.memref_squeeze %parallel_loop3A_482 : memref<1x64x256xf32, #tpu.memory_space<vmem>> -> memref<64x256xf32, #tpu.memory_space<vmem>>
        %parallel_loop3A_484 = tpu.vector_load_idx %parallel_loop3A_483[%parallel_loop3A_307, %parallel_loop3A_478] : memref<64x256xf32, #tpu.memory_space<vmem>>[vector<16xi32>, vector<16xi32>], vector<16xf32>,
        %parallel_loop3A_485 = arith.constant 0 : i32
        %parallel_loop3A_486 = arith.constant 0 : i32
        %parallel_loop3A_487 = arith.constant 0 : i32
        %parallel_loop3A_488 = tpu.memref_slice %arg7[%parallel_loop3A_485, %parallel_loop3A_486, %parallel_loop3A_487] : memref<2x256x128xf32, #tpu.memory_space<vmem>> -> memref<1x256x128xf32, #tpu.memory_space<vmem>>
        %parallel_loop3A_489 = tpu.memref_squeeze %parallel_loop3A_488 : memref<1x256x128xf32, #tpu.memory_space<vmem>> -> memref<256x128xf32, #tpu.memory_space<vmem>>
        tpu.vector_store_idx %parallel_loop3A_489[%parallel_loop3A_478, %parallel_loop3A_307], %parallel_loop3A_484 : memref<256x128xf32, #tpu.memory_space<vmem>>[vector<16xi32>, vector<16xi32>], vector<16xf32>,
        %parallel_loop3A_490 = vector.broadcast %parallel_loop3A_305 : i32 to vector<16xi32>
        %parallel_loop3A_491 = arith.addi %parallel_loop3A_490, %and3A_89 : vector<16xi32>
        %parallel_loop3A_492 = arith.constant 0 : i32
        %parallel_loop3A_493 = arith.constant 0 : i32
        %parallel_loop3A_494 = arith.constant 0 : i32
        %parallel_loop3A_495 = tpu.memref_slice %arg6[%parallel_loop3A_492, %parallel_loop3A_493, %parallel_loop3A_494] : memref<2x64x256xf32, #tpu.memory_space<vmem>> -> memref<1x64x256xf32, #tpu.memory_space<vmem>>
        %parallel_loop3A_496 = tpu.memref_squeeze %parallel_loop3A_495 : memref<1x64x256xf32, #tpu.memory_space<vmem>> -> memref<64x256xf32, #tpu.memory_space<vmem>>
        %parallel_loop3A_497 = tpu.vector_load_idx %parallel_loop3A_496[%parallel_loop3A_307, %parallel_loop3A_491] : memref<64x256xf32, #tpu.memory_space<vmem>>[vector<16xi32>, vector<16xi32>], vector<16xf32>,
        %parallel_loop3A_498 = arith.constant 0 : i32
        %parallel_loop3A_499 = arith.constant 0 : i32
        %parallel_loop3A_500 = arith.constant 0 : i32
        %parallel_loop3A_501 = tpu.memref_slice %arg7[%parallel_loop3A_498, %parallel_loop3A_499, %parallel_loop3A_500] : memref<2x256x128xf32, #tpu.memory_space<vmem>> -> memref<1x256x128xf32, #tpu.memory_space<vmem>>
        %parallel_loop3A_502 = tpu.memref_squeeze %parallel_loop3A_501 : memref<1x256x128xf32, #tpu.memory_space<vmem>> -> memref<256x128xf32, #tpu.memory_space<vmem>>
        tpu.vector_store_idx %parallel_loop3A_502[%parallel_loop3A_491, %parallel_loop3A_307], %parallel_loop3A_497 : memref<256x128xf32, #tpu.memory_space<vmem>>[vector<16xi32>, vector<16xi32>], vector<16xf32>,
        %parallel_loop3A_503 = vector.broadcast %parallel_loop3A_305 : i32 to vector<16xi32>
        %parallel_loop3A_504 = arith.addi %parallel_loop3A_503, %and3A_95 : vector<16xi32>
        %parallel_loop3A_505 = arith.constant 0 : i32
        %parallel_loop3A_506 = arith.constant 0 : i32
        %parallel_loop3A_507 = arith.constant 0 : i32
        %parallel_loop3A_508 = tpu.memref_slice %arg6[%parallel_loop3A_505, %parallel_loop3A_506, %parallel_loop3A_507] : memref<2x64x256xf32, #tpu.memory_space<vmem>> -> memref<1x64x256xf32, #tpu.memory_space<vmem>>
        %parallel_loop3A_509 = tpu.memref_squeeze %parallel_loop3A_508 : memref<1x64x256xf32, #tpu.memory_space<vmem>> -> memref<64x256xf32, #tpu.memory_space<vmem>>
        %parallel_loop3A_510 = tpu.vector_load_idx %parallel_loop3A_509[%parallel_loop3A_307, %parallel_loop3A_504] : memref<64x256xf32, #tpu.memory_space<vmem>>[vector<16xi32>, vector<16xi32>], vector<16xf32>,
        %parallel_loop3A_511 = arith.constant 0 : i32
        %parallel_loop3A_512 = arith.constant 0 : i32
        %parallel_loop3A_513 = arith.constant 0 : i32
        %parallel_loop3A_514 = tpu.memref_slice %arg7[%parallel_loop3A_511, %parallel_loop3A_512, %parallel_loop3A_513] : memref<2x256x128xf32, #tpu.memory_space<vmem>> -> memref<1x256x128xf32, #tpu.memory_space<vmem>>
        %parallel_loop3A_515 = tpu.memref_squeeze %parallel_loop3A_514 : memref<1x256x128xf32, #tpu.memory_space<vmem>> -> memref<256x128xf32, #tpu.memory_space<vmem>>
        tpu.vector_store_idx %parallel_loop3A_515[%parallel_loop3A_504, %parallel_loop3A_307], %parallel_loop3A_510 : memref<256x128xf32, #tpu.memory_space<vmem>>[vector<16xi32>, vector<16xi32>], vector<16xf32>,
      } {sc.loop_unroll_factor = 2 : i64, sc.parallel_access}
      %dma_start3A_243 = arith.constant 0 : i32
      %dma_start3A_244 = arith.constant 0 : i32
      %dma_start3A_245 = arith.constant 0 : i32
      %dma_start3A_246 = arith.constant 0 : i32
      %dma_start3A_247 = tpu.memref_slice %arg7[%dma_start3A_243, %dma_start3A_245, %dma_start3A_246] : memref<2x256x128xf32, #tpu.memory_space<vmem>> -> memref<1x256x128xf32, #tpu.memory_space<vmem>>
      %dma_start3A_248 = tpu.memref_squeeze %dma_start3A_247 : memref<1x256x128xf32, #tpu.memory_space<vmem>> -> memref<256x128xf32, #tpu.memory_space<vmem>>
      %dma_start3A_249 = arith.constant 999680 : i32
      %dma_start3A_250 = arith.constant 0 : i32
      %dma_start3A_251 = tpu.memref_slice %arg4[%dma_start3A_249, %dma_start3A_250] : memref<1000000x128xf32, #tpu.memory_space<hbm>> -> memref<256x128xf32, #tpu.memory_space<hbm>>
      %dma_start3A_252 = tpu.memref_slice %arg9[%dma_start3A_244] : memref<2x!tpu.dma_semaphore, #tpu.memory_space<semaphore_mem>> -> memref<1x!tpu.dma_semaphore, #tpu.memory_space<semaphore_mem>>
      %dma_start3A_253 = tpu.memref_squeeze %dma_start3A_252 : memref<1x!tpu.dma_semaphore, #tpu.memory_space<semaphore_mem>> -> memref<!tpu.dma_semaphore, #tpu.memory_space<semaphore_mem>>
      %dma_start3A_254 = arith.constant 999680 : i32
      %dma_start3A_255 = arith.constant 0 : i32
      %dma_start3A_256 = tpu.memref_slice %arg4[%dma_start3A_254, %dma_start3A_255] : memref<1000000x128xf32, #tpu.memory_space<hbm>> -> memref<256x128xf32, #tpu.memory_space<hbm>>
      %dma_start3A_257 = arith.constant 0 : i32
      %dma_start3A_258 = arith.constant 0 : i32
      %dma_start3A_259 = tpu.memref_slice %arg7[%dma_start3A_243, %dma_start3A_257, %dma_start3A_258] : memref<2x256x128xf32, #tpu.memory_space<vmem>> -> memref<1x256x128xf32, #tpu.memory_space<vmem>>
      %dma_start3A_260 = tpu.memref_squeeze %dma_start3A_259 : memref<1x256x128xf32, #tpu.memory_space<vmem>> -> memref<256x128xf32, #tpu.memory_space<vmem>>
      tpu.enqueue_dma source(%dma_start3A_260 : memref<256x128xf32, #tpu.memory_space<vmem>>) target(%dma_start3A_256 : memref<256x128xf32, #tpu.memory_space<hbm>>) target_semaphore(%dma_start3A_253 : memref<!tpu.dma_semaphore, #tpu.memory_space<semaphore_mem>>)
      %dma_wait3A_261 = arith.constant 0 : i32
      %dma_wait3A_262 = arith.constant 0 : i32
      %dma_wait3A_263 = arith.constant 0 : i32
      %dma_wait3A_264 = arith.constant 0 : i32
      %dma_wait3A_265 = tpu.memref_slice %arg7[%dma_wait3A_261, %dma_wait3A_263, %dma_wait3A_264] : memref<2x256x128xf32, #tpu.memory_space<vmem>> -> memref<1x256x128xf32, #tpu.memory_space<vmem>>
      %dma_wait3A_266 = tpu.memref_squeeze %dma_wait3A_265 : memref<1x256x128xf32, #tpu.memory_space<vmem>> -> memref<256x128xf32, #tpu.memory_space<vmem>>
      %dma_wait3A_267 = arith.constant 0 : i32
      %dma_wait3A_268 = arith.constant 0 : i32
      %dma_wait3A_269 = tpu.memref_slice %arg4[%dma_wait3A_267, %dma_wait3A_268] : memref<1000000x128xf32, #tpu.memory_space<hbm>> -> memref<256x128xf32, #tpu.memory_space<hbm>>
      %dma_wait3A_270 = tpu.memref_slice %arg9[%dma_wait3A_262] : memref<2x!tpu.dma_semaphore, #tpu.memory_space<semaphore_mem>> -> memref<1x!tpu.dma_semaphore, #tpu.memory_space<semaphore_mem>>
      %dma_wait3A_271 = tpu.memref_squeeze %dma_wait3A_270 : memref<1x!tpu.dma_semaphore, #tpu.memory_space<semaphore_mem>> -> memref<!tpu.dma_semaphore, #tpu.memory_space<semaphore_mem>>
      %dma_wait3A_272 = arith.constant 0 : i32
      %dma_wait3A_273 = arith.constant 0 : i32
      %dma_wait3A_274 = tpu.memref_slice %arg4[%dma_wait3A_272, %dma_wait3A_273] : memref<1000000x128xf32, #tpu.memory_space<hbm>> -> memref<256x128xf32, #tpu.memory_space<hbm>>
      %dma_wait3A_275 = arith.constant 0 : i32
      %dma_wait3A_276 = arith.constant 0 : i32
      %dma_wait3A_277 = tpu.memref_slice %arg7[%dma_wait3A_261, %dma_wait3A_275, %dma_wait3A_276] : memref<2x256x128xf32, #tpu.memory_space<vmem>> -> memref<1x256x128xf32, #tpu.memory_space<vmem>>
      %dma_wait3A_278 = tpu.memref_squeeze %dma_wait3A_277 : memref<1x256x128xf32, #tpu.memory_space<vmem>> -> memref<256x128xf32, #tpu.memory_space<vmem>>
      tpu.wait_dma2 semaphore(%dma_wait3A_271 : memref<!tpu.dma_semaphore, #tpu.memory_space<semaphore_mem>>) src(%dma_wait3A_278 : memref<256x128xf32, #tpu.memory_space<vmem>>) dst(%dma_wait3A_274 : memref<256x128xf32, #tpu.memory_space<hbm>>)
      %dma_wait3A_279 = arith.constant 0 : i32
      %dma_wait3A_280 = arith.constant 0 : i32
      %dma_wait3A_281 = arith.constant 0 : i32
      %dma_wait3A_282 = arith.constant 0 : i32
      %dma_wait3A_283 = tpu.memref_slice %arg6[%dma_wait3A_279, %dma_wait3A_281, %dma_wait3A_282] : memref<2x64x256xf32, #tpu.memory_space<vmem>> -> memref<1x64x256xf32, #tpu.memory_space<vmem>>
      %dma_wait3A_284 = tpu.memref_squeeze %dma_wait3A_283 : memref<1x64x256xf32, #tpu.memory_space<vmem>> -> memref<64x256xf32, #tpu.memory_space<vmem>>
      %dma_wait3A_285 = arith.constant 0 : i32
      %dma_wait3A_286 = arith.constant 0 : i32
      %dma_wait3A_287 = tpu.memref_slice %arg5[%dma_wait3A_285, %dma_wait3A_286] : memref<64x1000000xf32, #tpu.memory_space<hbm>> -> memref<64x256xf32, #tpu.memory_space<hbm>>
      %dma_wait3A_288 = tpu.memref_slice %arg10[%dma_wait3A_280] : memref<2x!tpu.dma_semaphore, #tpu.memory_space<semaphore_mem>> -> memref<1x!tpu.dma_semaphore, #tpu.memory_space<semaphore_mem>>
      %dma_wait3A_289 = tpu.memref_squeeze %dma_wait3A_288 : memref<1x!tpu.dma_semaphore, #tpu.memory_space<semaphore_mem>> -> memref<!tpu.dma_semaphore, #tpu.memory_space<semaphore_mem>>
      %dma_wait3A_290 = arith.constant 0 : i32
      %dma_wait3A_291 = arith.constant 0 : i32
      %dma_wait3A_292 = tpu.memref_slice %arg5[%dma_wait3A_290, %dma_wait3A_291] : memref<64x1000000xf32, #tpu.memory_space<hbm>> -> memref<64x256xf32, #tpu.memory_space<hbm>>
      %dma_wait3A_293 = arith.constant 0 : i32
      %dma_wait3A_294 = arith.constant 0 : i32
      %dma_wait3A_295 = tpu.memref_slice %arg6[%dma_wait3A_279, %dma_wait3A_293, %dma_wait3A_294] : memref<2x64x256xf32, #tpu.memory_space<vmem>> -> memref<1x64x256xf32, #tpu.memory_space<vmem>>
      %dma_wait3A_296 = tpu.memref_squeeze %dma_wait3A_295 : memref<1x64x256xf32, #tpu.memory_space<vmem>> -> memref<64x256xf32, #tpu.memory_space<vmem>>
      tpu.wait_dma2 semaphore(%dma_wait3A_289 : memref<!tpu.dma_semaphore, #tpu.memory_space<semaphore_mem>>) src(%dma_wait3A_296 : memref<64x256xf32, #tpu.memory_space<vmem>>) dst(%dma_wait3A_292 : memref<64x256xf32, #tpu.memory_space<hbm>>)
    } else {
    }
    return
  }
}

#map = affine_map<(d0, d1) -> (0, 0)>
#map1 = affine_map<(d0, d1) -> (0, 0, 0)>
module attributes {stable_mosaic.version = 14 : i64} {
  func.func @_emb_lookup(%arg0: i32, %arg1: i32, %arg2: memref<200x4096xi32, #tpu.memory_space<hbm>>, %arg3: memref<1000000x128xf32, #tpu.memory_space<hbm>>, %arg4: memref<200x64x4096xf32, #tpu.memory_space<hbm>>, %arg5: memref<200x128xi32, #tpu.memory_space<vmem>>, %arg6: memref<2x128x128xf32, #tpu.memory_space<vmem>>, %arg7: memref<2x64x128xf32, #tpu.memory_space<vmem>>, %arg8: memref<2x!tpu.dma_semaphore, #tpu.memory_space<semaphore_mem>>, %arg9: memref<2x!tpu.dma_semaphore, #tpu.memory_space<semaphore_mem>>) attributes {dimension_semantics = [#tpu.dimension_semantics<core_parallel>, #tpu.dimension_semantics<subcore_parallel>], iteration_bounds = array<i64: 2, 16>, scalar_prefetch = 0 : i64, scratch_operands = 5 : i64, tpu.core_type = #tpu.core_type<sc_vector_subcore>, window_params = [{transform_indices = #map}, {transform_indices = #map}, {transform_indices = #map1}]} {
    %mul3A = arith.constant 2 : i32
    %mul3A_0 = arith.muli %arg1, %mul3A : i32
    %add3A = arith.addi %mul3A_0, %arg0 : i32
    %mul3A_1 = arith.constant 128 : i32
    %mul3A_2 = arith.muli %add3A, %mul3A_1 : i32
    "tpu.region"() ({
      %run_scoped3A = tpu.sem_alloc : memref<!tpu.dma_semaphore, #tpu.memory_space<semaphore_mem>>
      %dma_start3A_173 = arith.constant 0 : i32
      %dma_start3A_174 = tpu.memref_slice %arg2[%dma_start3A_173, %mul3A_2] : memref<200x4096xi32, #tpu.memory_space<hbm>> -> memref<200x128xi32, #tpu.memory_space<hbm>>
      %dma_start3A_175 = arith.constant 0 : i32
      %dma_start3A_176 = tpu.memref_slice %arg2[%dma_start3A_175, %mul3A_2] : memref<200x4096xi32, #tpu.memory_space<hbm>> -> memref<200x128xi32, #tpu.memory_space<hbm>>
      tpu.enqueue_dma source(%dma_start3A_176 : memref<200x128xi32, #tpu.memory_space<hbm>>) target(%arg5 : memref<200x128xi32, #tpu.memory_space<vmem>>) target_semaphore(%run_scoped3A : memref<!tpu.dma_semaphore, #tpu.memory_space<semaphore_mem>>)
      %dma_wait3A_177 = arith.constant 0 : i32
      %dma_wait3A_178 = tpu.memref_slice %arg2[%dma_wait3A_177, %mul3A_2] : memref<200x4096xi32, #tpu.memory_space<hbm>> -> memref<200x128xi32, #tpu.memory_space<hbm>>
      %dma_wait3A_179 = arith.constant 0 : i32
      %dma_wait3A_180 = tpu.memref_slice %arg2[%dma_wait3A_179, %mul3A_2] : memref<200x4096xi32, #tpu.memory_space<hbm>> -> memref<200x128xi32, #tpu.memory_space<hbm>>
      tpu.wait_dma2 semaphore(%run_scoped3A : memref<!tpu.dma_semaphore, #tpu.memory_space<semaphore_mem>>) src(%dma_wait3A_180 : memref<200x128xi32, #tpu.memory_space<hbm>>) dst(%arg5 : memref<200x128xi32, #tpu.memory_space<vmem>>)
      tpu.yield
    }) : () -> ()
    %iota3A = tpu.iota {dimensions = array<i32: 0>} : vector<16xi32>
    %add3A_3 = arith.constant 0 : i32
    %add3A_4 = vector.broadcast %add3A_3 : i32 to vector<16xi32>
    %add3A_5 = arith.addi %iota3A, %add3A_4 : vector<16xi32>
    %and3A = arith.constant 15 : i32
    %and3A_6 = vector.broadcast %and3A : i32 to vector<16xi32>
    %and3A_7 = arith.andi %add3A_5, %and3A_6 : vector<16xi32>
    %add3A_8 = arith.constant 1 : i32
    %add3A_9 = vector.broadcast %add3A_8 : i32 to vector<16xi32>
    %add3A_10 = arith.addi %iota3A, %add3A_9 : vector<16xi32>
    %and3A_11 = arith.constant 15 : i32
    %and3A_12 = vector.broadcast %and3A_11 : i32 to vector<16xi32>
    %and3A_13 = arith.andi %add3A_10, %and3A_12 : vector<16xi32>
    %add3A_14 = arith.constant 2 : i32
    %add3A_15 = vector.broadcast %add3A_14 : i32 to vector<16xi32>
    %add3A_16 = arith.addi %iota3A, %add3A_15 : vector<16xi32>
    %and3A_17 = arith.constant 15 : i32
    %and3A_18 = vector.broadcast %and3A_17 : i32 to vector<16xi32>
    %and3A_19 = arith.andi %add3A_16, %and3A_18 : vector<16xi32>
    %add3A_20 = arith.constant 3 : i32
    %add3A_21 = vector.broadcast %add3A_20 : i32 to vector<16xi32>
    %add3A_22 = arith.addi %iota3A, %add3A_21 : vector<16xi32>
    %and3A_23 = arith.constant 15 : i32
    %and3A_24 = vector.broadcast %and3A_23 : i32 to vector<16xi32>
    %and3A_25 = arith.andi %add3A_22, %and3A_24 : vector<16xi32>
    %add3A_26 = arith.constant 4 : i32
    %add3A_27 = vector.broadcast %add3A_26 : i32 to vector<16xi32>
    %add3A_28 = arith.addi %iota3A, %add3A_27 : vector<16xi32>
    %and3A_29 = arith.constant 15 : i32
    %and3A_30 = vector.broadcast %and3A_29 : i32 to vector<16xi32>
    %and3A_31 = arith.andi %add3A_28, %and3A_30 : vector<16xi32>
    %add3A_32 = arith.constant 5 : i32
    %add3A_33 = vector.broadcast %add3A_32 : i32 to vector<16xi32>
    %add3A_34 = arith.addi %iota3A, %add3A_33 : vector<16xi32>
    %and3A_35 = arith.constant 15 : i32
    %and3A_36 = vector.broadcast %and3A_35 : i32 to vector<16xi32>
    %and3A_37 = arith.andi %add3A_34, %and3A_36 : vector<16xi32>
    %add3A_38 = arith.constant 6 : i32
    %add3A_39 = vector.broadcast %add3A_38 : i32 to vector<16xi32>
    %add3A_40 = arith.addi %iota3A, %add3A_39 : vector<16xi32>
    %and3A_41 = arith.constant 15 : i32
    %and3A_42 = vector.broadcast %and3A_41 : i32 to vector<16xi32>
    %and3A_43 = arith.andi %add3A_40, %and3A_42 : vector<16xi32>
    %add3A_44 = arith.constant 7 : i32
    %add3A_45 = vector.broadcast %add3A_44 : i32 to vector<16xi32>
    %add3A_46 = arith.addi %iota3A, %add3A_45 : vector<16xi32>
    %and3A_47 = arith.constant 15 : i32
    %and3A_48 = vector.broadcast %and3A_47 : i32 to vector<16xi32>
    %and3A_49 = arith.andi %add3A_46, %and3A_48 : vector<16xi32>
    %add3A_50 = arith.constant 8 : i32
    %add3A_51 = vector.broadcast %add3A_50 : i32 to vector<16xi32>
    %add3A_52 = arith.addi %iota3A, %add3A_51 : vector<16xi32>
    %and3A_53 = arith.constant 15 : i32
    %and3A_54 = vector.broadcast %and3A_53 : i32 to vector<16xi32>
    %and3A_55 = arith.andi %add3A_52, %and3A_54 : vector<16xi32>
    %add3A_56 = arith.constant 9 : i32
    %add3A_57 = vector.broadcast %add3A_56 : i32 to vector<16xi32>
    %add3A_58 = arith.addi %iota3A, %add3A_57 : vector<16xi32>
    %and3A_59 = arith.constant 15 : i32
    %and3A_60 = vector.broadcast %and3A_59 : i32 to vector<16xi32>
    %and3A_61 = arith.andi %add3A_58, %and3A_60 : vector<16xi32>
    %add3A_62 = arith.constant 10 : i32
    %add3A_63 = vector.broadcast %add3A_62 : i32 to vector<16xi32>
    %add3A_64 = arith.addi %iota3A, %add3A_63 : vector<16xi32>
    %and3A_65 = arith.constant 15 : i32
    %and3A_66 = vector.broadcast %and3A_65 : i32 to vector<16xi32>
    %and3A_67 = arith.andi %add3A_64, %and3A_66 : vector<16xi32>
    %add3A_68 = arith.constant 11 : i32
    %add3A_69 = vector.broadcast %add3A_68 : i32 to vector<16xi32>
    %add3A_70 = arith.addi %iota3A, %add3A_69 : vector<16xi32>
    %and3A_71 = arith.constant 15 : i32
    %and3A_72 = vector.broadcast %and3A_71 : i32 to vector<16xi32>
    %and3A_73 = arith.andi %add3A_70, %and3A_72 : vector<16xi32>
    %add3A_74 = arith.constant 12 : i32
    %add3A_75 = vector.broadcast %add3A_74 : i32 to vector<16xi32>
    %add3A_76 = arith.addi %iota3A, %add3A_75 : vector<16xi32>
    %and3A_77 = arith.constant 15 : i32
    %and3A_78 = vector.broadcast %and3A_77 : i32 to vector<16xi32>
    %and3A_79 = arith.andi %add3A_76, %and3A_78 : vector<16xi32>
    %add3A_80 = arith.constant 13 : i32
    %add3A_81 = vector.broadcast %add3A_80 : i32 to vector<16xi32>
    %add3A_82 = arith.addi %iota3A, %add3A_81 : vector<16xi32>
    %and3A_83 = arith.constant 15 : i32
    %and3A_84 = vector.broadcast %and3A_83 : i32 to vector<16xi32>
    %and3A_85 = arith.andi %add3A_82, %and3A_84 : vector<16xi32>
    %add3A_86 = arith.constant 14 : i32
    %add3A_87 = vector.broadcast %add3A_86 : i32 to vector<16xi32>
    %add3A_88 = arith.addi %iota3A, %add3A_87 : vector<16xi32>
    %and3A_89 = arith.constant 15 : i32
    %and3A_90 = vector.broadcast %and3A_89 : i32 to vector<16xi32>
    %and3A_91 = arith.andi %add3A_88, %and3A_90 : vector<16xi32>
    %add3A_92 = arith.constant 15 : i32
    %add3A_93 = vector.broadcast %add3A_92 : i32 to vector<16xi32>
    %add3A_94 = arith.addi %iota3A, %add3A_93 : vector<16xi32>
    %and3A_95 = arith.constant 15 : i32
    %and3A_96 = vector.broadcast %and3A_95 : i32 to vector<16xi32>
    %and3A_97 = arith.andi %add3A_94, %and3A_96 : vector<16xi32>
    %dma_start3A = arith.constant 0 : i32
    %dma_start3A_98 = arith.constant 0 : i32
    %dma_start3A_99 = arith.constant 0 : i32
    %dma_start3A_100 = arith.constant 0 : i32
    %dma_start3A_101 = arith.constant 0 : i32
    %dma_start3A_102 = tpu.memref_slice %arg6[%dma_start3A_98, %dma_start3A_100, %dma_start3A_101] : memref<2x128x128xf32, #tpu.memory_space<vmem>> -> memref<1x128x128xf32, #tpu.memory_space<vmem>>
    %dma_start3A_103 = tpu.memref_squeeze %dma_start3A_102 : memref<1x128x128xf32, #tpu.memory_space<vmem>> -> memref<128x128xf32, #tpu.memory_space<vmem>>
    %dma_start3A_104 = arith.constant 0 : i32
    %dma_start3A_105 = tpu.memref_slice %arg5[%dma_start3A, %dma_start3A_104] : memref<200x128xi32, #tpu.memory_space<vmem>> -> memref<1x128xi32, #tpu.memory_space<vmem>>
    %dma_start3A_106 = tpu.memref_squeeze %dma_start3A_105 : memref<1x128xi32, #tpu.memory_space<vmem>> -> memref<128xi32, #tpu.memory_space<vmem>>
    %dma_start3A_107 = arith.constant 0 : i32
    %dma_start3A_108 = arith.constant 0 : i32
    %dma_start3A_109 = tpu.memref_slice %arg3[%dma_start3A_107, %dma_start3A_108] : memref<1000000x128xf32, #tpu.memory_space<hbm>> -> memref<1000000x128xf32, #tpu.memory_space<hbm>>
    %dma_start3A_110 = tpu.memref_slice %arg8[%dma_start3A_99] : memref<2x!tpu.dma_semaphore, #tpu.memory_space<semaphore_mem>> -> memref<1x!tpu.dma_semaphore, #tpu.memory_space<semaphore_mem>>
    %dma_start3A_111 = tpu.memref_squeeze %dma_start3A_110 : memref<1x!tpu.dma_semaphore, #tpu.memory_space<semaphore_mem>> -> memref<!tpu.dma_semaphore, #tpu.memory_space<semaphore_mem>>
    tpu.enqueue_indirect_dma source(%dma_start3A_109 : memref<1000000x128xf32, #tpu.memory_space<hbm>>) target(%dma_start3A_103 : memref<128x128xf32, #tpu.memory_space<vmem>>) offsets(%dma_start3A_106 : memref<128xi32, #tpu.memory_space<vmem>>) semaphore(%dma_start3A_111 : memref<!tpu.dma_semaphore, #tpu.memory_space<semaphore_mem>>)
    %dma_start3A_112 = arith.constant 1 : i32
    %dma_start3A_113 = arith.constant 1 : i32
    %dma_start3A_114 = arith.constant 1 : i32
    %dma_start3A_115 = arith.constant 0 : i32
    %dma_start3A_116 = arith.constant 0 : i32
    %dma_start3A_117 = tpu.memref_slice %arg6[%dma_start3A_113, %dma_start3A_115, %dma_start3A_116] : memref<2x128x128xf32, #tpu.memory_space<vmem>> -> memref<1x128x128xf32, #tpu.memory_space<vmem>>
    %dma_start3A_118 = tpu.memref_squeeze %dma_start3A_117 : memref<1x128x128xf32, #tpu.memory_space<vmem>> -> memref<128x128xf32, #tpu.memory_space<vmem>>
    %dma_start3A_119 = arith.constant 0 : i32
    %dma_start3A_120 = tpu.memref_slice %arg5[%dma_start3A_112, %dma_start3A_119] : memref<200x128xi32, #tpu.memory_space<vmem>> -> memref<1x128xi32, #tpu.memory_space<vmem>>
    %dma_start3A_121 = tpu.memref_squeeze %dma_start3A_120 : memref<1x128xi32, #tpu.memory_space<vmem>> -> memref<128xi32, #tpu.memory_space<vmem>>
    %dma_start3A_122 = arith.constant 0 : i32
    %dma_start3A_123 = arith.constant 0 : i32
    %dma_start3A_124 = tpu.memref_slice %arg3[%dma_start3A_122, %dma_start3A_123] : memref<1000000x128xf32, #tpu.memory_space<hbm>> -> memref<1000000x128xf32, #tpu.memory_space<hbm>>
    %dma_start3A_125 = tpu.memref_slice %arg8[%dma_start3A_114] : memref<2x!tpu.dma_semaphore, #tpu.memory_space<semaphore_mem>> -> memref<1x!tpu.dma_semaphore, #tpu.memory_space<semaphore_mem>>
    %dma_start3A_126 = tpu.memref_squeeze %dma_start3A_125 : memref<1x!tpu.dma_semaphore, #tpu.memory_space<semaphore_mem>> -> memref<!tpu.dma_semaphore, #tpu.memory_space<semaphore_mem>>
    tpu.enqueue_indirect_dma source(%dma_start3A_124 : memref<1000000x128xf32, #tpu.memory_space<hbm>>) target(%dma_start3A_118 : memref<128x128xf32, #tpu.memory_space<vmem>>) offsets(%dma_start3A_121 : memref<128xi32, #tpu.memory_space<vmem>>) semaphore(%dma_start3A_126 : memref<!tpu.dma_semaphore, #tpu.memory_space<semaphore_mem>>)
    %scan3A = arith.constant 0 : i32
    %scan3A_127 = arith.constant 0 : i32
    %scan3A_128 = arith.constant 100 : i32
    %scan3A_129 = arith.addi %scan3A_127, %scan3A_128 : i32
    %scan3A_130 = arith.constant 1 : i32
    scf.for %scan3A_173 = %scan3A_127 to %scan3A_129 step %scan3A_130  : i32 {
      %mul3A_174 = arith.constant 2 : i32
      %mul3A_175 = arith.muli %mul3A_174, %scan3A_173 : i32
      %add3A_176 = arith.constant 0 : i32
      %add3A_177 = arith.addi %mul3A_175, %add3A_176 : i32
      %dma_wait3A_178 = arith.constant 0 : i32
      %dma_wait3A_179 = arith.constant 0 : i32
      %dma_wait3A_180 = arith.constant 0 : i32
      %dma_wait3A_181 = arith.constant 0 : i32
      %dma_wait3A_182 = tpu.memref_slice %arg6[%dma_wait3A_178, %dma_wait3A_180, %dma_wait3A_181] : memref<2x128x128xf32, #tpu.memory_space<vmem>> -> memref<1x128x128xf32, #tpu.memory_space<vmem>>
      %dma_wait3A_183 = tpu.memref_squeeze %dma_wait3A_182 : memref<1x128x128xf32, #tpu.memory_space<vmem>> -> memref<128x128xf32, #tpu.memory_space<vmem>>
      %dma_wait3A_184 = arith.constant 0 : i32
      %dma_wait3A_185 = arith.constant 0 : i32
      %dma_wait3A_186 = tpu.memref_slice %arg3[%dma_wait3A_184, %dma_wait3A_185] : memref<1000000x128xf32, #tpu.memory_space<hbm>> -> memref<128x128xf32, #tpu.memory_space<hbm>>
      %dma_wait3A_187 = tpu.memref_slice %arg8[%dma_wait3A_179] : memref<2x!tpu.dma_semaphore, #tpu.memory_space<semaphore_mem>> -> memref<1x!tpu.dma_semaphore, #tpu.memory_space<semaphore_mem>>
      %dma_wait3A_188 = tpu.memref_squeeze %dma_wait3A_187 : memref<1x!tpu.dma_semaphore, #tpu.memory_space<semaphore_mem>> -> memref<!tpu.dma_semaphore, #tpu.memory_space<semaphore_mem>>
      %dma_wait3A_189 = arith.constant 0 : i32
      %dma_wait3A_190 = arith.constant 0 : i32
      %dma_wait3A_191 = tpu.memref_slice %arg6[%dma_wait3A_178, %dma_wait3A_189, %dma_wait3A_190] : memref<2x128x128xf32, #tpu.memory_space<vmem>> -> memref<1x128x128xf32, #tpu.memory_space<vmem>>
      %dma_wait3A_192 = tpu.memref_squeeze %dma_wait3A_191 : memref<1x128x128xf32, #tpu.memory_space<vmem>> -> memref<128x128xf32, #tpu.memory_space<vmem>>
      %dma_wait3A_193 = arith.constant 0 : i32
      %dma_wait3A_194 = arith.constant 0 : i32
      %dma_wait3A_195 = tpu.memref_slice %arg3[%dma_wait3A_193, %dma_wait3A_194] : memref<1000000x128xf32, #tpu.memory_space<hbm>> -> memref<128x128xf32, #tpu.memory_space<hbm>>
      tpu.wait_dma2 semaphore(%dma_wait3A_188 : memref<!tpu.dma_semaphore, #tpu.memory_space<semaphore_mem>>) src(%dma_wait3A_195 : memref<128x128xf32, #tpu.memory_space<hbm>>) dst(%dma_wait3A_192 : memref<128x128xf32, #tpu.memory_space<vmem>>)
      %ge3A = arith.constant 2 : i32
      %ge3A_196 = arith.cmpi sge, %add3A_177, %ge3A : i32
      %convert_element_type3A = arith.extui %ge3A_196 : i1 to i32
      %cond3A = arith.constant 0 : i32
      %cond3A_197 = arith.cmpi ne, %convert_element_type3A, %cond3A : i32
      scf.if %cond3A_197 {
        %dma_wait3A_279 = arith.constant 0 : i32
        %dma_wait3A_280 = arith.constant 0 : i32
        %dma_wait3A_281 = arith.constant 0 : i32
        %dma_wait3A_282 = arith.constant 0 : i32
        %dma_wait3A_283 = arith.constant 0 : i32
        %dma_wait3A_284 = tpu.memref_slice %arg7[%dma_wait3A_279, %dma_wait3A_282, %dma_wait3A_283] : memref<2x64x128xf32, #tpu.memory_space<vmem>> -> memref<1x64x128xf32, #tpu.memory_space<vmem>>
        %dma_wait3A_285 = tpu.memref_squeeze %dma_wait3A_284 : memref<1x64x128xf32, #tpu.memory_space<vmem>> -> memref<64x128xf32, #tpu.memory_space<vmem>>
        %dma_wait3A_286 = arith.constant 0 : i32
        %dma_wait3A_287 = arith.constant 0 : i32
        %dma_wait3A_288 = tpu.memref_slice %arg4[%dma_wait3A_280, %dma_wait3A_286, %dma_wait3A_287] : memref<200x64x4096xf32, #tpu.memory_space<hbm>> -> memref<1x64x128xf32, #tpu.memory_space<hbm>>
        %dma_wait3A_289 = tpu.memref_squeeze %dma_wait3A_288 : memref<1x64x128xf32, #tpu.memory_space<hbm>> -> memref<64x128xf32, #tpu.memory_space<hbm>>
        %dma_wait3A_290 = tpu.memref_slice %arg9[%dma_wait3A_281] : memref<2x!tpu.dma_semaphore, #tpu.memory_space<semaphore_mem>> -> memref<1x!tpu.dma_semaphore, #tpu.memory_space<semaphore_mem>>
        %dma_wait3A_291 = tpu.memref_squeeze %dma_wait3A_290 : memref<1x!tpu.dma_semaphore, #tpu.memory_space<semaphore_mem>> -> memref<!tpu.dma_semaphore, #tpu.memory_space<semaphore_mem>>
        %dma_wait3A_292 = arith.constant 0 : i32
        %dma_wait3A_293 = arith.constant 0 : i32
        %dma_wait3A_294 = tpu.memref_slice %arg4[%dma_wait3A_280, %dma_wait3A_292, %dma_wait3A_293] : memref<200x64x4096xf32, #tpu.memory_space<hbm>> -> memref<1x64x128xf32, #tpu.memory_space<hbm>>
        %dma_wait3A_295 = tpu.memref_squeeze %dma_wait3A_294 : memref<1x64x128xf32, #tpu.memory_space<hbm>> -> memref<64x128xf32, #tpu.memory_space<hbm>>
        %dma_wait3A_296 = arith.constant 0 : i32
        %dma_wait3A_297 = arith.constant 0 : i32
        %dma_wait3A_298 = tpu.memref_slice %arg7[%dma_wait3A_279, %dma_wait3A_296, %dma_wait3A_297] : memref<2x64x128xf32, #tpu.memory_space<vmem>> -> memref<1x64x128xf32, #tpu.memory_space<vmem>>
        %dma_wait3A_299 = tpu.memref_squeeze %dma_wait3A_298 : memref<1x64x128xf32, #tpu.memory_space<vmem>> -> memref<64x128xf32, #tpu.memory_space<vmem>>
        tpu.wait_dma2 semaphore(%dma_wait3A_291 : memref<!tpu.dma_semaphore, #tpu.memory_space<semaphore_mem>>) src(%dma_wait3A_299 : memref<64x128xf32, #tpu.memory_space<vmem>>) dst(%dma_wait3A_295 : memref<64x128xf32, #tpu.memory_space<hbm>>)
      } else {
      }
      %parallel_loop3A = arith.constant 0 : i32
      %parallel_loop3A_198 = arith.constant 32 : i32
      %parallel_loop3A_199 = arith.constant 1 : i32
      scf.for %parallel_loop3A_279 = %parallel_loop3A to %parallel_loop3A_198 step %parallel_loop3A_199  : i32 {
        %parallel_loop3A_280 = arith.constant 3 : i32
        %parallel_loop3A_281 = arith.andi %parallel_loop3A_279, %parallel_loop3A_280 : i32
        %parallel_loop3A_282 = arith.constant 16 : i32
        %parallel_loop3A_283 = arith.muli %parallel_loop3A_281, %parallel_loop3A_282 : i32
        %parallel_loop3A_284 = arith.constant 2 : i32
        %parallel_loop3A_285 = arith.shrsi %parallel_loop3A_279, %parallel_loop3A_284 : i32
        %parallel_loop3A_286 = arith.constant 16 : i32
        %parallel_loop3A_287 = arith.muli %parallel_loop3A_285, %parallel_loop3A_286 : i32
        %parallel_loop3A_288 = vector.broadcast %parallel_loop3A_287 : i32 to vector<16xi32>
        %parallel_loop3A_289 = arith.addi %parallel_loop3A_288, %iota3A : vector<16xi32>
        %parallel_loop3A_290 = vector.broadcast %parallel_loop3A_283 : i32 to vector<16xi32>
        %parallel_loop3A_291 = arith.addi %parallel_loop3A_290, %and3A_7 : vector<16xi32>
        %parallel_loop3A_292 = arith.constant 0 : i32
        %parallel_loop3A_293 = arith.constant 0 : i32
        %parallel_loop3A_294 = arith.constant 0 : i32
        %parallel_loop3A_295 = tpu.memref_slice %arg6[%parallel_loop3A_292, %parallel_loop3A_293, %parallel_loop3A_294] : memref<2x128x128xf32, #tpu.memory_space<vmem>> -> memref<1x128x128xf32, #tpu.memory_space<vmem>>
        %parallel_loop3A_296 = tpu.memref_squeeze %parallel_loop3A_295 : memref<1x128x128xf32, #tpu.memory_space<vmem>> -> memref<128x128xf32, #tpu.memory_space<vmem>>
        %parallel_loop3A_297 = tpu.vector_load_idx %parallel_loop3A_296[%parallel_loop3A_289, %parallel_loop3A_291] : memref<128x128xf32, #tpu.memory_space<vmem>>[vector<16xi32>, vector<16xi32>], vector<16xf32>,
        %parallel_loop3A_298 = arith.constant 0 : i32
        %parallel_loop3A_299 = arith.constant 0 : i32
        %parallel_loop3A_300 = arith.constant 0 : i32
        %parallel_loop3A_301 = tpu.memref_slice %arg7[%parallel_loop3A_298, %parallel_loop3A_299, %parallel_loop3A_300] : memref<2x64x128xf32, #tpu.memory_space<vmem>> -> memref<1x64x128xf32, #tpu.memory_space<vmem>>
        %parallel_loop3A_302 = tpu.memref_squeeze %parallel_loop3A_301 : memref<1x64x128xf32, #tpu.memory_space<vmem>> -> memref<64x128xf32, #tpu.memory_space<vmem>>
        tpu.vector_store_idx %parallel_loop3A_302[%parallel_loop3A_291, %parallel_loop3A_289], %parallel_loop3A_297 : memref<64x128xf32, #tpu.memory_space<vmem>>[vector<16xi32>, vector<16xi32>], vector<16xf32>,
        %parallel_loop3A_303 = vector.broadcast %parallel_loop3A_283 : i32 to vector<16xi32>
        %parallel_loop3A_304 = arith.addi %parallel_loop3A_303, %and3A_13 : vector<16xi32>
        %parallel_loop3A_305 = arith.constant 0 : i32
        %parallel_loop3A_306 = arith.constant 0 : i32
        %parallel_loop3A_307 = arith.constant 0 : i32
        %parallel_loop3A_308 = tpu.memref_slice %arg6[%parallel_loop3A_305, %parallel_loop3A_306, %parallel_loop3A_307] : memref<2x128x128xf32, #tpu.memory_space<vmem>> -> memref<1x128x128xf32, #tpu.memory_space<vmem>>
        %parallel_loop3A_309 = tpu.memref_squeeze %parallel_loop3A_308 : memref<1x128x128xf32, #tpu.memory_space<vmem>> -> memref<128x128xf32, #tpu.memory_space<vmem>>
        %parallel_loop3A_310 = tpu.vector_load_idx %parallel_loop3A_309[%parallel_loop3A_289, %parallel_loop3A_304] : memref<128x128xf32, #tpu.memory_space<vmem>>[vector<16xi32>, vector<16xi32>], vector<16xf32>,
        %parallel_loop3A_311 = arith.constant 0 : i32
        %parallel_loop3A_312 = arith.constant 0 : i32
        %parallel_loop3A_313 = arith.constant 0 : i32
        %parallel_loop3A_314 = tpu.memref_slice %arg7[%parallel_loop3A_311, %parallel_loop3A_312, %parallel_loop3A_313] : memref<2x64x128xf32, #tpu.memory_space<vmem>> -> memref<1x64x128xf32, #tpu.memory_space<vmem>>
        %parallel_loop3A_315 = tpu.memref_squeeze %parallel_loop3A_314 : memref<1x64x128xf32, #tpu.memory_space<vmem>> -> memref<64x128xf32, #tpu.memory_space<vmem>>
        tpu.vector_store_idx %parallel_loop3A_315[%parallel_loop3A_304, %parallel_loop3A_289], %parallel_loop3A_310 : memref<64x128xf32, #tpu.memory_space<vmem>>[vector<16xi32>, vector<16xi32>], vector<16xf32>,
        %parallel_loop3A_316 = vector.broadcast %parallel_loop3A_283 : i32 to vector<16xi32>
        %parallel_loop3A_317 = arith.addi %parallel_loop3A_316, %and3A_19 : vector<16xi32>
        %parallel_loop3A_318 = arith.constant 0 : i32
        %parallel_loop3A_319 = arith.constant 0 : i32
        %parallel_loop3A_320 = arith.constant 0 : i32
        %parallel_loop3A_321 = tpu.memref_slice %arg6[%parallel_loop3A_318, %parallel_loop3A_319, %parallel_loop3A_320] : memref<2x128x128xf32, #tpu.memory_space<vmem>> -> memref<1x128x128xf32, #tpu.memory_space<vmem>>
        %parallel_loop3A_322 = tpu.memref_squeeze %parallel_loop3A_321 : memref<1x128x128xf32, #tpu.memory_space<vmem>> -> memref<128x128xf32, #tpu.memory_space<vmem>>
        %parallel_loop3A_323 = tpu.vector_load_idx %parallel_loop3A_322[%parallel_loop3A_289, %parallel_loop3A_317] : memref<128x128xf32, #tpu.memory_space<vmem>>[vector<16xi32>, vector<16xi32>], vector<16xf32>,
        %parallel_loop3A_324 = arith.constant 0 : i32
        %parallel_loop3A_325 = arith.constant 0 : i32
        %parallel_loop3A_326 = arith.constant 0 : i32
        %parallel_loop3A_327 = tpu.memref_slice %arg7[%parallel_loop3A_324, %parallel_loop3A_325, %parallel_loop3A_326] : memref<2x64x128xf32, #tpu.memory_space<vmem>> -> memref<1x64x128xf32, #tpu.memory_space<vmem>>
        %parallel_loop3A_328 = tpu.memref_squeeze %parallel_loop3A_327 : memref<1x64x128xf32, #tpu.memory_space<vmem>> -> memref<64x128xf32, #tpu.memory_space<vmem>>
        tpu.vector_store_idx %parallel_loop3A_328[%parallel_loop3A_317, %parallel_loop3A_289], %parallel_loop3A_323 : memref<64x128xf32, #tpu.memory_space<vmem>>[vector<16xi32>, vector<16xi32>], vector<16xf32>,
        %parallel_loop3A_329 = vector.broadcast %parallel_loop3A_283 : i32 to vector<16xi32>
        %parallel_loop3A_330 = arith.addi %parallel_loop3A_329, %and3A_25 : vector<16xi32>
        %parallel_loop3A_331 = arith.constant 0 : i32
        %parallel_loop3A_332 = arith.constant 0 : i32
        %parallel_loop3A_333 = arith.constant 0 : i32
        %parallel_loop3A_334 = tpu.memref_slice %arg6[%parallel_loop3A_331, %parallel_loop3A_332, %parallel_loop3A_333] : memref<2x128x128xf32, #tpu.memory_space<vmem>> -> memref<1x128x128xf32, #tpu.memory_space<vmem>>
        %parallel_loop3A_335 = tpu.memref_squeeze %parallel_loop3A_334 : memref<1x128x128xf32, #tpu.memory_space<vmem>> -> memref<128x128xf32, #tpu.memory_space<vmem>>
        %parallel_loop3A_336 = tpu.vector_load_idx %parallel_loop3A_335[%parallel_loop3A_289, %parallel_loop3A_330] : memref<128x128xf32, #tpu.memory_space<vmem>>[vector<16xi32>, vector<16xi32>], vector<16xf32>,
        %parallel_loop3A_337 = arith.constant 0 : i32
        %parallel_loop3A_338 = arith.constant 0 : i32
        %parallel_loop3A_339 = arith.constant 0 : i32
        %parallel_loop3A_340 = tpu.memref_slice %arg7[%parallel_loop3A_337, %parallel_loop3A_338, %parallel_loop3A_339] : memref<2x64x128xf32, #tpu.memory_space<vmem>> -> memref<1x64x128xf32, #tpu.memory_space<vmem>>
        %parallel_loop3A_341 = tpu.memref_squeeze %parallel_loop3A_340 : memref<1x64x128xf32, #tpu.memory_space<vmem>> -> memref<64x128xf32, #tpu.memory_space<vmem>>
        tpu.vector_store_idx %parallel_loop3A_341[%parallel_loop3A_330, %parallel_loop3A_289], %parallel_loop3A_336 : memref<64x128xf32, #tpu.memory_space<vmem>>[vector<16xi32>, vector<16xi32>], vector<16xf32>,
        %parallel_loop3A_342 = vector.broadcast %parallel_loop3A_283 : i32 to vector<16xi32>
        %parallel_loop3A_343 = arith.addi %parallel_loop3A_342, %and3A_31 : vector<16xi32>
        %parallel_loop3A_344 = arith.constant 0 : i32
        %parallel_loop3A_345 = arith.constant 0 : i32
        %parallel_loop3A_346 = arith.constant 0 : i32
        %parallel_loop3A_347 = tpu.memref_slice %arg6[%parallel_loop3A_344, %parallel_loop3A_345, %parallel_loop3A_346] : memref<2x128x128xf32, #tpu.memory_space<vmem>> -> memref<1x128x128xf32, #tpu.memory_space<vmem>>
        %parallel_loop3A_348 = tpu.memref_squeeze %parallel_loop3A_347 : memref<1x128x128xf32, #tpu.memory_space<vmem>> -> memref<128x128xf32, #tpu.memory_space<vmem>>
        %parallel_loop3A_349 = tpu.vector_load_idx %parallel_loop3A_348[%parallel_loop3A_289, %parallel_loop3A_343] : memref<128x128xf32, #tpu.memory_space<vmem>>[vector<16xi32>, vector<16xi32>], vector<16xf32>,
        %parallel_loop3A_350 = arith.constant 0 : i32
        %parallel_loop3A_351 = arith.constant 0 : i32
        %parallel_loop3A_352 = arith.constant 0 : i32
        %parallel_loop3A_353 = tpu.memref_slice %arg7[%parallel_loop3A_350, %parallel_loop3A_351, %parallel_loop3A_352] : memref<2x64x128xf32, #tpu.memory_space<vmem>> -> memref<1x64x128xf32, #tpu.memory_space<vmem>>
        %parallel_loop3A_354 = tpu.memref_squeeze %parallel_loop3A_353 : memref<1x64x128xf32, #tpu.memory_space<vmem>> -> memref<64x128xf32, #tpu.memory_space<vmem>>
        tpu.vector_store_idx %parallel_loop3A_354[%parallel_loop3A_343, %parallel_loop3A_289], %parallel_loop3A_349 : memref<64x128xf32, #tpu.memory_space<vmem>>[vector<16xi32>, vector<16xi32>], vector<16xf32>,
        %parallel_loop3A_355 = vector.broadcast %parallel_loop3A_283 : i32 to vector<16xi32>
        %parallel_loop3A_356 = arith.addi %parallel_loop3A_355, %and3A_37 : vector<16xi32>
        %parallel_loop3A_357 = arith.constant 0 : i32
        %parallel_loop3A_358 = arith.constant 0 : i32
        %parallel_loop3A_359 = arith.constant 0 : i32
        %parallel_loop3A_360 = tpu.memref_slice %arg6[%parallel_loop3A_357, %parallel_loop3A_358, %parallel_loop3A_359] : memref<2x128x128xf32, #tpu.memory_space<vmem>> -> memref<1x128x128xf32, #tpu.memory_space<vmem>>
        %parallel_loop3A_361 = tpu.memref_squeeze %parallel_loop3A_360 : memref<1x128x128xf32, #tpu.memory_space<vmem>> -> memref<128x128xf32, #tpu.memory_space<vmem>>
        %parallel_loop3A_362 = tpu.vector_load_idx %parallel_loop3A_361[%parallel_loop3A_289, %parallel_loop3A_356] : memref<128x128xf32, #tpu.memory_space<vmem>>[vector<16xi32>, vector<16xi32>], vector<16xf32>,
        %parallel_loop3A_363 = arith.constant 0 : i32
        %parallel_loop3A_364 = arith.constant 0 : i32
        %parallel_loop3A_365 = arith.constant 0 : i32
        %parallel_loop3A_366 = tpu.memref_slice %arg7[%parallel_loop3A_363, %parallel_loop3A_364, %parallel_loop3A_365] : memref<2x64x128xf32, #tpu.memory_space<vmem>> -> memref<1x64x128xf32, #tpu.memory_space<vmem>>
        %parallel_loop3A_367 = tpu.memref_squeeze %parallel_loop3A_366 : memref<1x64x128xf32, #tpu.memory_space<vmem>> -> memref<64x128xf32, #tpu.memory_space<vmem>>
        tpu.vector_store_idx %parallel_loop3A_367[%parallel_loop3A_356, %parallel_loop3A_289], %parallel_loop3A_362 : memref<64x128xf32, #tpu.memory_space<vmem>>[vector<16xi32>, vector<16xi32>], vector<16xf32>,
        %parallel_loop3A_368 = vector.broadcast %parallel_loop3A_283 : i32 to vector<16xi32>
        %parallel_loop3A_369 = arith.addi %parallel_loop3A_368, %and3A_43 : vector<16xi32>
        %parallel_loop3A_370 = arith.constant 0 : i32
        %parallel_loop3A_371 = arith.constant 0 : i32
        %parallel_loop3A_372 = arith.constant 0 : i32
        %parallel_loop3A_373 = tpu.memref_slice %arg6[%parallel_loop3A_370, %parallel_loop3A_371, %parallel_loop3A_372] : memref<2x128x128xf32, #tpu.memory_space<vmem>> -> memref<1x128x128xf32, #tpu.memory_space<vmem>>
        %parallel_loop3A_374 = tpu.memref_squeeze %parallel_loop3A_373 : memref<1x128x128xf32, #tpu.memory_space<vmem>> -> memref<128x128xf32, #tpu.memory_space<vmem>>
        %parallel_loop3A_375 = tpu.vector_load_idx %parallel_loop3A_374[%parallel_loop3A_289, %parallel_loop3A_369] : memref<128x128xf32, #tpu.memory_space<vmem>>[vector<16xi32>, vector<16xi32>], vector<16xf32>,
        %parallel_loop3A_376 = arith.constant 0 : i32
        %parallel_loop3A_377 = arith.constant 0 : i32
        %parallel_loop3A_378 = arith.constant 0 : i32
        %parallel_loop3A_379 = tpu.memref_slice %arg7[%parallel_loop3A_376, %parallel_loop3A_377, %parallel_loop3A_378] : memref<2x64x128xf32, #tpu.memory_space<vmem>> -> memref<1x64x128xf32, #tpu.memory_space<vmem>>
        %parallel_loop3A_380 = tpu.memref_squeeze %parallel_loop3A_379 : memref<1x64x128xf32, #tpu.memory_space<vmem>> -> memref<64x128xf32, #tpu.memory_space<vmem>>
        tpu.vector_store_idx %parallel_loop3A_380[%parallel_loop3A_369, %parallel_loop3A_289], %parallel_loop3A_375 : memref<64x128xf32, #tpu.memory_space<vmem>>[vector<16xi32>, vector<16xi32>], vector<16xf32>,
        %parallel_loop3A_381 = vector.broadcast %parallel_loop3A_283 : i32 to vector<16xi32>
        %parallel_loop3A_382 = arith.addi %parallel_loop3A_381, %and3A_49 : vector<16xi32>
        %parallel_loop3A_383 = arith.constant 0 : i32
        %parallel_loop3A_384 = arith.constant 0 : i32
        %parallel_loop3A_385 = arith.constant 0 : i32
        %parallel_loop3A_386 = tpu.memref_slice %arg6[%parallel_loop3A_383, %parallel_loop3A_384, %parallel_loop3A_385] : memref<2x128x128xf32, #tpu.memory_space<vmem>> -> memref<1x128x128xf32, #tpu.memory_space<vmem>>
        %parallel_loop3A_387 = tpu.memref_squeeze %parallel_loop3A_386 : memref<1x128x128xf32, #tpu.memory_space<vmem>> -> memref<128x128xf32, #tpu.memory_space<vmem>>
        %parallel_loop3A_388 = tpu.vector_load_idx %parallel_loop3A_387[%parallel_loop3A_289, %parallel_loop3A_382] : memref<128x128xf32, #tpu.memory_space<vmem>>[vector<16xi32>, vector<16xi32>], vector<16xf32>,
        %parallel_loop3A_389 = arith.constant 0 : i32
        %parallel_loop3A_390 = arith.constant 0 : i32
        %parallel_loop3A_391 = arith.constant 0 : i32
        %parallel_loop3A_392 = tpu.memref_slice %arg7[%parallel_loop3A_389, %parallel_loop3A_390, %parallel_loop3A_391] : memref<2x64x128xf32, #tpu.memory_space<vmem>> -> memref<1x64x128xf32, #tpu.memory_space<vmem>>
        %parallel_loop3A_393 = tpu.memref_squeeze %parallel_loop3A_392 : memref<1x64x128xf32, #tpu.memory_space<vmem>> -> memref<64x128xf32, #tpu.memory_space<vmem>>
        tpu.vector_store_idx %parallel_loop3A_393[%parallel_loop3A_382, %parallel_loop3A_289], %parallel_loop3A_388 : memref<64x128xf32, #tpu.memory_space<vmem>>[vector<16xi32>, vector<16xi32>], vector<16xf32>,
        %parallel_loop3A_394 = vector.broadcast %parallel_loop3A_283 : i32 to vector<16xi32>
        %parallel_loop3A_395 = arith.addi %parallel_loop3A_394, %and3A_55 : vector<16xi32>
        %parallel_loop3A_396 = arith.constant 0 : i32
        %parallel_loop3A_397 = arith.constant 0 : i32
        %parallel_loop3A_398 = arith.constant 0 : i32
        %parallel_loop3A_399 = tpu.memref_slice %arg6[%parallel_loop3A_396, %parallel_loop3A_397, %parallel_loop3A_398] : memref<2x128x128xf32, #tpu.memory_space<vmem>> -> memref<1x128x128xf32, #tpu.memory_space<vmem>>
        %parallel_loop3A_400 = tpu.memref_squeeze %parallel_loop3A_399 : memref<1x128x128xf32, #tpu.memory_space<vmem>> -> memref<128x128xf32, #tpu.memory_space<vmem>>
        %parallel_loop3A_401 = tpu.vector_load_idx %parallel_loop3A_400[%parallel_loop3A_289, %parallel_loop3A_395] : memref<128x128xf32, #tpu.memory_space<vmem>>[vector<16xi32>, vector<16xi32>], vector<16xf32>,
        %parallel_loop3A_402 = arith.constant 0 : i32
        %parallel_loop3A_403 = arith.constant 0 : i32
        %parallel_loop3A_404 = arith.constant 0 : i32
        %parallel_loop3A_405 = tpu.memref_slice %arg7[%parallel_loop3A_402, %parallel_loop3A_403, %parallel_loop3A_404] : memref<2x64x128xf32, #tpu.memory_space<vmem>> -> memref<1x64x128xf32, #tpu.memory_space<vmem>>
        %parallel_loop3A_406 = tpu.memref_squeeze %parallel_loop3A_405 : memref<1x64x128xf32, #tpu.memory_space<vmem>> -> memref<64x128xf32, #tpu.memory_space<vmem>>
        tpu.vector_store_idx %parallel_loop3A_406[%parallel_loop3A_395, %parallel_loop3A_289], %parallel_loop3A_401 : memref<64x128xf32, #tpu.memory_space<vmem>>[vector<16xi32>, vector<16xi32>], vector<16xf32>,
        %parallel_loop3A_407 = vector.broadcast %parallel_loop3A_283 : i32 to vector<16xi32>
        %parallel_loop3A_408 = arith.addi %parallel_loop3A_407, %and3A_61 : vector<16xi32>
        %parallel_loop3A_409 = arith.constant 0 : i32
        %parallel_loop3A_410 = arith.constant 0 : i32
        %parallel_loop3A_411 = arith.constant 0 : i32
        %parallel_loop3A_412 = tpu.memref_slice %arg6[%parallel_loop3A_409, %parallel_loop3A_410, %parallel_loop3A_411] : memref<2x128x128xf32, #tpu.memory_space<vmem>> -> memref<1x128x128xf32, #tpu.memory_space<vmem>>
        %parallel_loop3A_413 = tpu.memref_squeeze %parallel_loop3A_412 : memref<1x128x128xf32, #tpu.memory_space<vmem>> -> memref<128x128xf32, #tpu.memory_space<vmem>>
        %parallel_loop3A_414 = tpu.vector_load_idx %parallel_loop3A_413[%parallel_loop3A_289, %parallel_loop3A_408] : memref<128x128xf32, #tpu.memory_space<vmem>>[vector<16xi32>, vector<16xi32>], vector<16xf32>,
        %parallel_loop3A_415 = arith.constant 0 : i32
        %parallel_loop3A_416 = arith.constant 0 : i32
        %parallel_loop3A_417 = arith.constant 0 : i32
        %parallel_loop3A_418 = tpu.memref_slice %arg7[%parallel_loop3A_415, %parallel_loop3A_416, %parallel_loop3A_417] : memref<2x64x128xf32, #tpu.memory_space<vmem>> -> memref<1x64x128xf32, #tpu.memory_space<vmem>>
        %parallel_loop3A_419 = tpu.memref_squeeze %parallel_loop3A_418 : memref<1x64x128xf32, #tpu.memory_space<vmem>> -> memref<64x128xf32, #tpu.memory_space<vmem>>
        tpu.vector_store_idx %parallel_loop3A_419[%parallel_loop3A_408, %parallel_loop3A_289], %parallel_loop3A_414 : memref<64x128xf32, #tpu.memory_space<vmem>>[vector<16xi32>, vector<16xi32>], vector<16xf32>,
        %parallel_loop3A_420 = vector.broadcast %parallel_loop3A_283 : i32 to vector<16xi32>
        %parallel_loop3A_421 = arith.addi %parallel_loop3A_420, %and3A_67 : vector<16xi32>
        %parallel_loop3A_422 = arith.constant 0 : i32
        %parallel_loop3A_423 = arith.constant 0 : i32
        %parallel_loop3A_424 = arith.constant 0 : i32
        %parallel_loop3A_425 = tpu.memref_slice %arg6[%parallel_loop3A_422, %parallel_loop3A_423, %parallel_loop3A_424] : memref<2x128x128xf32, #tpu.memory_space<vmem>> -> memref<1x128x128xf32, #tpu.memory_space<vmem>>
        %parallel_loop3A_426 = tpu.memref_squeeze %parallel_loop3A_425 : memref<1x128x128xf32, #tpu.memory_space<vmem>> -> memref<128x128xf32, #tpu.memory_space<vmem>>
        %parallel_loop3A_427 = tpu.vector_load_idx %parallel_loop3A_426[%parallel_loop3A_289, %parallel_loop3A_421] : memref<128x128xf32, #tpu.memory_space<vmem>>[vector<16xi32>, vector<16xi32>], vector<16xf32>,
        %parallel_loop3A_428 = arith.constant 0 : i32
        %parallel_loop3A_429 = arith.constant 0 : i32
        %parallel_loop3A_430 = arith.constant 0 : i32
        %parallel_loop3A_431 = tpu.memref_slice %arg7[%parallel_loop3A_428, %parallel_loop3A_429, %parallel_loop3A_430] : memref<2x64x128xf32, #tpu.memory_space<vmem>> -> memref<1x64x128xf32, #tpu.memory_space<vmem>>
        %parallel_loop3A_432 = tpu.memref_squeeze %parallel_loop3A_431 : memref<1x64x128xf32, #tpu.memory_space<vmem>> -> memref<64x128xf32, #tpu.memory_space<vmem>>
        tpu.vector_store_idx %parallel_loop3A_432[%parallel_loop3A_421, %parallel_loop3A_289], %parallel_loop3A_427 : memref<64x128xf32, #tpu.memory_space<vmem>>[vector<16xi32>, vector<16xi32>], vector<16xf32>,
        %parallel_loop3A_433 = vector.broadcast %parallel_loop3A_283 : i32 to vector<16xi32>
        %parallel_loop3A_434 = arith.addi %parallel_loop3A_433, %and3A_73 : vector<16xi32>
        %parallel_loop3A_435 = arith.constant 0 : i32
        %parallel_loop3A_436 = arith.constant 0 : i32
        %parallel_loop3A_437 = arith.constant 0 : i32
        %parallel_loop3A_438 = tpu.memref_slice %arg6[%parallel_loop3A_435, %parallel_loop3A_436, %parallel_loop3A_437] : memref<2x128x128xf32, #tpu.memory_space<vmem>> -> memref<1x128x128xf32, #tpu.memory_space<vmem>>
        %parallel_loop3A_439 = tpu.memref_squeeze %parallel_loop3A_438 : memref<1x128x128xf32, #tpu.memory_space<vmem>> -> memref<128x128xf32, #tpu.memory_space<vmem>>
        %parallel_loop3A_440 = tpu.vector_load_idx %parallel_loop3A_439[%parallel_loop3A_289, %parallel_loop3A_434] : memref<128x128xf32, #tpu.memory_space<vmem>>[vector<16xi32>, vector<16xi32>], vector<16xf32>,
        %parallel_loop3A_441 = arith.constant 0 : i32
        %parallel_loop3A_442 = arith.constant 0 : i32
        %parallel_loop3A_443 = arith.constant 0 : i32
        %parallel_loop3A_444 = tpu.memref_slice %arg7[%parallel_loop3A_441, %parallel_loop3A_442, %parallel_loop3A_443] : memref<2x64x128xf32, #tpu.memory_space<vmem>> -> memref<1x64x128xf32, #tpu.memory_space<vmem>>
        %parallel_loop3A_445 = tpu.memref_squeeze %parallel_loop3A_444 : memref<1x64x128xf32, #tpu.memory_space<vmem>> -> memref<64x128xf32, #tpu.memory_space<vmem>>
        tpu.vector_store_idx %parallel_loop3A_445[%parallel_loop3A_434, %parallel_loop3A_289], %parallel_loop3A_440 : memref<64x128xf32, #tpu.memory_space<vmem>>[vector<16xi32>, vector<16xi32>], vector<16xf32>,
        %parallel_loop3A_446 = vector.broadcast %parallel_loop3A_283 : i32 to vector<16xi32>
        %parallel_loop3A_447 = arith.addi %parallel_loop3A_446, %and3A_79 : vector<16xi32>
        %parallel_loop3A_448 = arith.constant 0 : i32
        %parallel_loop3A_449 = arith.constant 0 : i32
        %parallel_loop3A_450 = arith.constant 0 : i32
        %parallel_loop3A_451 = tpu.memref_slice %arg6[%parallel_loop3A_448, %parallel_loop3A_449, %parallel_loop3A_450] : memref<2x128x128xf32, #tpu.memory_space<vmem>> -> memref<1x128x128xf32, #tpu.memory_space<vmem>>
        %parallel_loop3A_452 = tpu.memref_squeeze %parallel_loop3A_451 : memref<1x128x128xf32, #tpu.memory_space<vmem>> -> memref<128x128xf32, #tpu.memory_space<vmem>>
        %parallel_loop3A_453 = tpu.vector_load_idx %parallel_loop3A_452[%parallel_loop3A_289, %parallel_loop3A_447] : memref<128x128xf32, #tpu.memory_space<vmem>>[vector<16xi32>, vector<16xi32>], vector<16xf32>,
        %parallel_loop3A_454 = arith.constant 0 : i32
        %parallel_loop3A_455 = arith.constant 0 : i32
        %parallel_loop3A_456 = arith.constant 0 : i32
        %parallel_loop3A_457 = tpu.memref_slice %arg7[%parallel_loop3A_454, %parallel_loop3A_455, %parallel_loop3A_456] : memref<2x64x128xf32, #tpu.memory_space<vmem>> -> memref<1x64x128xf32, #tpu.memory_space<vmem>>
        %parallel_loop3A_458 = tpu.memref_squeeze %parallel_loop3A_457 : memref<1x64x128xf32, #tpu.memory_space<vmem>> -> memref<64x128xf32, #tpu.memory_space<vmem>>
        tpu.vector_store_idx %parallel_loop3A_458[%parallel_loop3A_447, %parallel_loop3A_289], %parallel_loop3A_453 : memref<64x128xf32, #tpu.memory_space<vmem>>[vector<16xi32>, vector<16xi32>], vector<16xf32>,
        %parallel_loop3A_459 = vector.broadcast %parallel_loop3A_283 : i32 to vector<16xi32>
        %parallel_loop3A_460 = arith.addi %parallel_loop3A_459, %and3A_85 : vector<16xi32>
        %parallel_loop3A_461 = arith.constant 0 : i32
        %parallel_loop3A_462 = arith.constant 0 : i32
        %parallel_loop3A_463 = arith.constant 0 : i32
        %parallel_loop3A_464 = tpu.memref_slice %arg6[%parallel_loop3A_461, %parallel_loop3A_462, %parallel_loop3A_463] : memref<2x128x128xf32, #tpu.memory_space<vmem>> -> memref<1x128x128xf32, #tpu.memory_space<vmem>>
        %parallel_loop3A_465 = tpu.memref_squeeze %parallel_loop3A_464 : memref<1x128x128xf32, #tpu.memory_space<vmem>> -> memref<128x128xf32, #tpu.memory_space<vmem>>
        %parallel_loop3A_466 = tpu.vector_load_idx %parallel_loop3A_465[%parallel_loop3A_289, %parallel_loop3A_460] : memref<128x128xf32, #tpu.memory_space<vmem>>[vector<16xi32>, vector<16xi32>], vector<16xf32>,
        %parallel_loop3A_467 = arith.constant 0 : i32
        %parallel_loop3A_468 = arith.constant 0 : i32
        %parallel_loop3A_469 = arith.constant 0 : i32
        %parallel_loop3A_470 = tpu.memref_slice %arg7[%parallel_loop3A_467, %parallel_loop3A_468, %parallel_loop3A_469] : memref<2x64x128xf32, #tpu.memory_space<vmem>> -> memref<1x64x128xf32, #tpu.memory_space<vmem>>
        %parallel_loop3A_471 = tpu.memref_squeeze %parallel_loop3A_470 : memref<1x64x128xf32, #tpu.memory_space<vmem>> -> memref<64x128xf32, #tpu.memory_space<vmem>>
        tpu.vector_store_idx %parallel_loop3A_471[%parallel_loop3A_460, %parallel_loop3A_289], %parallel_loop3A_466 : memref<64x128xf32, #tpu.memory_space<vmem>>[vector<16xi32>, vector<16xi32>], vector<16xf32>,
        %parallel_loop3A_472 = vector.broadcast %parallel_loop3A_283 : i32 to vector<16xi32>
        %parallel_loop3A_473 = arith.addi %parallel_loop3A_472, %and3A_91 : vector<16xi32>
        %parallel_loop3A_474 = arith.constant 0 : i32
        %parallel_loop3A_475 = arith.constant 0 : i32
        %parallel_loop3A_476 = arith.constant 0 : i32
        %parallel_loop3A_477 = tpu.memref_slice %arg6[%parallel_loop3A_474, %parallel_loop3A_475, %parallel_loop3A_476] : memref<2x128x128xf32, #tpu.memory_space<vmem>> -> memref<1x128x128xf32, #tpu.memory_space<vmem>>
        %parallel_loop3A_478 = tpu.memref_squeeze %parallel_loop3A_477 : memref<1x128x128xf32, #tpu.memory_space<vmem>> -> memref<128x128xf32, #tpu.memory_space<vmem>>
        %parallel_loop3A_479 = tpu.vector_load_idx %parallel_loop3A_478[%parallel_loop3A_289, %parallel_loop3A_473] : memref<128x128xf32, #tpu.memory_space<vmem>>[vector<16xi32>, vector<16xi32>], vector<16xf32>,
        %parallel_loop3A_480 = arith.constant 0 : i32
        %parallel_loop3A_481 = arith.constant 0 : i32
        %parallel_loop3A_482 = arith.constant 0 : i32
        %parallel_loop3A_483 = tpu.memref_slice %arg7[%parallel_loop3A_480, %parallel_loop3A_481, %parallel_loop3A_482] : memref<2x64x128xf32, #tpu.memory_space<vmem>> -> memref<1x64x128xf32, #tpu.memory_space<vmem>>
        %parallel_loop3A_484 = tpu.memref_squeeze %parallel_loop3A_483 : memref<1x64x128xf32, #tpu.memory_space<vmem>> -> memref<64x128xf32, #tpu.memory_space<vmem>>
        tpu.vector_store_idx %parallel_loop3A_484[%parallel_loop3A_473, %parallel_loop3A_289], %parallel_loop3A_479 : memref<64x128xf32, #tpu.memory_space<vmem>>[vector<16xi32>, vector<16xi32>], vector<16xf32>,
        %parallel_loop3A_485 = vector.broadcast %parallel_loop3A_283 : i32 to vector<16xi32>
        %parallel_loop3A_486 = arith.addi %parallel_loop3A_485, %and3A_97 : vector<16xi32>
        %parallel_loop3A_487 = arith.constant 0 : i32
        %parallel_loop3A_488 = arith.constant 0 : i32
        %parallel_loop3A_489 = arith.constant 0 : i32
        %parallel_loop3A_490 = tpu.memref_slice %arg6[%parallel_loop3A_487, %parallel_loop3A_488, %parallel_loop3A_489] : memref<2x128x128xf32, #tpu.memory_space<vmem>> -> memref<1x128x128xf32, #tpu.memory_space<vmem>>
        %parallel_loop3A_491 = tpu.memref_squeeze %parallel_loop3A_490 : memref<1x128x128xf32, #tpu.memory_space<vmem>> -> memref<128x128xf32, #tpu.memory_space<vmem>>
        %parallel_loop3A_492 = tpu.vector_load_idx %parallel_loop3A_491[%parallel_loop3A_289, %parallel_loop3A_486] : memref<128x128xf32, #tpu.memory_space<vmem>>[vector<16xi32>, vector<16xi32>], vector<16xf32>,
        %parallel_loop3A_493 = arith.constant 0 : i32
        %parallel_loop3A_494 = arith.constant 0 : i32
        %parallel_loop3A_495 = arith.constant 0 : i32
        %parallel_loop3A_496 = tpu.memref_slice %arg7[%parallel_loop3A_493, %parallel_loop3A_494, %parallel_loop3A_495] : memref<2x64x128xf32, #tpu.memory_space<vmem>> -> memref<1x64x128xf32, #tpu.memory_space<vmem>>
        %parallel_loop3A_497 = tpu.memref_squeeze %parallel_loop3A_496 : memref<1x64x128xf32, #tpu.memory_space<vmem>> -> memref<64x128xf32, #tpu.memory_space<vmem>>
        tpu.vector_store_idx %parallel_loop3A_497[%parallel_loop3A_486, %parallel_loop3A_289], %parallel_loop3A_492 : memref<64x128xf32, #tpu.memory_space<vmem>>[vector<16xi32>, vector<16xi32>], vector<16xf32>,
      } {sc.loop_unroll_factor = 2 : i64, sc.parallel_access}
      %dma_start3A_200 = arith.constant 0 : i32
      %dma_start3A_201 = arith.constant 0 : i32
      %dma_start3A_202 = arith.constant 0 : i32
      %dma_start3A_203 = arith.constant 0 : i32
      %dma_start3A_204 = tpu.memref_slice %arg7[%dma_start3A_200, %dma_start3A_202, %dma_start3A_203] : memref<2x64x128xf32, #tpu.memory_space<vmem>> -> memref<1x64x128xf32, #tpu.memory_space<vmem>>
      %dma_start3A_205 = tpu.memref_squeeze %dma_start3A_204 : memref<1x64x128xf32, #tpu.memory_space<vmem>> -> memref<64x128xf32, #tpu.memory_space<vmem>>
      %dma_start3A_206 = arith.constant 0 : i32
      %dma_start3A_207 = tpu.memref_slice %arg4[%add3A_177, %dma_start3A_206, %mul3A_2] : memref<200x64x4096xf32, #tpu.memory_space<hbm>> -> memref<1x64x128xf32, #tpu.memory_space<hbm>>
      %dma_start3A_208 = tpu.memref_squeeze %dma_start3A_207 : memref<1x64x128xf32, #tpu.memory_space<hbm>> -> memref<64x128xf32, #tpu.memory_space<hbm>>
      %dma_start3A_209 = tpu.memref_slice %arg9[%dma_start3A_201] : memref<2x!tpu.dma_semaphore, #tpu.memory_space<semaphore_mem>> -> memref<1x!tpu.dma_semaphore, #tpu.memory_space<semaphore_mem>>
      %dma_start3A_210 = tpu.memref_squeeze %dma_start3A_209 : memref<1x!tpu.dma_semaphore, #tpu.memory_space<semaphore_mem>> -> memref<!tpu.dma_semaphore, #tpu.memory_space<semaphore_mem>>
      %dma_start3A_211 = arith.constant 0 : i32
      %dma_start3A_212 = tpu.memref_slice %arg4[%add3A_177, %dma_start3A_211, %mul3A_2] : memref<200x64x4096xf32, #tpu.memory_space<hbm>> -> memref<1x64x128xf32, #tpu.memory_space<hbm>>
      %dma_start3A_213 = tpu.memref_squeeze %dma_start3A_212 : memref<1x64x128xf32, #tpu.memory_space<hbm>> -> memref<64x128xf32, #tpu.memory_space<hbm>>
      %dma_start3A_214 = arith.constant 0 : i32
      %dma_start3A_215 = arith.constant 0 : i32
      %dma_start3A_216 = tpu.memref_slice %arg7[%dma_start3A_200, %dma_start3A_214, %dma_start3A_215] : memref<2x64x128xf32, #tpu.memory_space<vmem>> -> memref<1x64x128xf32, #tpu.memory_space<vmem>>
      %dma_start3A_217 = tpu.memref_squeeze %dma_start3A_216 : memref<1x64x128xf32, #tpu.memory_space<vmem>> -> memref<64x128xf32, #tpu.memory_space<vmem>>
      tpu.enqueue_dma source(%dma_start3A_217 : memref<64x128xf32, #tpu.memory_space<vmem>>) target(%dma_start3A_213 : memref<64x128xf32, #tpu.memory_space<hbm>>) target_semaphore(%dma_start3A_210 : memref<!tpu.dma_semaphore, #tpu.memory_space<semaphore_mem>>)
      %add3A_218 = arith.constant 2 : i32
      %add3A_219 = arith.addi %add3A_177, %add3A_218 : i32
      %lt3A = arith.constant 200 : i32
      %lt3A_220 = arith.cmpi slt, %add3A_219, %lt3A : i32
      %convert_element_type3A_221 = arith.extui %lt3A_220 : i1 to i32
      %cond3A_222 = arith.constant 0 : i32
      %cond3A_223 = arith.cmpi ne, %convert_element_type3A_221, %cond3A_222 : i32
      scf.if %cond3A_223 {
        %add3A_279 = arith.constant 2 : i32
        %add3A_280 = arith.addi %add3A_177, %add3A_279 : i32
        %dma_start3A_281 = arith.constant 0 : i32
        %dma_start3A_282 = arith.constant 0 : i32
        %dma_start3A_283 = arith.constant 0 : i32
        %dma_start3A_284 = arith.constant 0 : i32
        %dma_start3A_285 = tpu.memref_slice %arg6[%dma_start3A_281, %dma_start3A_283, %dma_start3A_284] : memref<2x128x128xf32, #tpu.memory_space<vmem>> -> memref<1x128x128xf32, #tpu.memory_space<vmem>>
        %dma_start3A_286 = tpu.memref_squeeze %dma_start3A_285 : memref<1x128x128xf32, #tpu.memory_space<vmem>> -> memref<128x128xf32, #tpu.memory_space<vmem>>
        %dma_start3A_287 = arith.constant 0 : i32
        %dma_start3A_288 = tpu.memref_slice %arg5[%add3A_280, %dma_start3A_287] : memref<200x128xi32, #tpu.memory_space<vmem>> -> memref<1x128xi32, #tpu.memory_space<vmem>>
        %dma_start3A_289 = tpu.memref_squeeze %dma_start3A_288 : memref<1x128xi32, #tpu.memory_space<vmem>> -> memref<128xi32, #tpu.memory_space<vmem>>
        %dma_start3A_290 = arith.constant 0 : i32
        %dma_start3A_291 = arith.constant 0 : i32
        %dma_start3A_292 = tpu.memref_slice %arg3[%dma_start3A_290, %dma_start3A_291] : memref<1000000x128xf32, #tpu.memory_space<hbm>> -> memref<1000000x128xf32, #tpu.memory_space<hbm>>
        %dma_start3A_293 = tpu.memref_slice %arg8[%dma_start3A_282] : memref<2x!tpu.dma_semaphore, #tpu.memory_space<semaphore_mem>> -> memref<1x!tpu.dma_semaphore, #tpu.memory_space<semaphore_mem>>
        %dma_start3A_294 = tpu.memref_squeeze %dma_start3A_293 : memref<1x!tpu.dma_semaphore, #tpu.memory_space<semaphore_mem>> -> memref<!tpu.dma_semaphore, #tpu.memory_space<semaphore_mem>>
        tpu.enqueue_indirect_dma source(%dma_start3A_292 : memref<1000000x128xf32, #tpu.memory_space<hbm>>) target(%dma_start3A_286 : memref<128x128xf32, #tpu.memory_space<vmem>>) offsets(%dma_start3A_289 : memref<128xi32, #tpu.memory_space<vmem>>) semaphore(%dma_start3A_294 : memref<!tpu.dma_semaphore, #tpu.memory_space<semaphore_mem>>)
      } else {
      }
      %mul3A_224 = arith.constant 2 : i32
      %mul3A_225 = arith.muli %mul3A_224, %scan3A_173 : i32
      %add3A_226 = arith.constant 1 : i32
      %add3A_227 = arith.addi %mul3A_225, %add3A_226 : i32
      %dma_wait3A_228 = arith.constant 1 : i32
      %dma_wait3A_229 = arith.constant 1 : i32
      %dma_wait3A_230 = arith.constant 0 : i32
      %dma_wait3A_231 = arith.constant 0 : i32
      %dma_wait3A_232 = tpu.memref_slice %arg6[%dma_wait3A_228, %dma_wait3A_230, %dma_wait3A_231] : memref<2x128x128xf32, #tpu.memory_space<vmem>> -> memref<1x128x128xf32, #tpu.memory_space<vmem>>
      %dma_wait3A_233 = tpu.memref_squeeze %dma_wait3A_232 : memref<1x128x128xf32, #tpu.memory_space<vmem>> -> memref<128x128xf32, #tpu.memory_space<vmem>>
      %dma_wait3A_234 = arith.constant 0 : i32
      %dma_wait3A_235 = arith.constant 0 : i32
      %dma_wait3A_236 = tpu.memref_slice %arg3[%dma_wait3A_234, %dma_wait3A_235] : memref<1000000x128xf32, #tpu.memory_space<hbm>> -> memref<128x128xf32, #tpu.memory_space<hbm>>
      %dma_wait3A_237 = tpu.memref_slice %arg8[%dma_wait3A_229] : memref<2x!tpu.dma_semaphore, #tpu.memory_space<semaphore_mem>> -> memref<1x!tpu.dma_semaphore, #tpu.memory_space<semaphore_mem>>
      %dma_wait3A_238 = tpu.memref_squeeze %dma_wait3A_237 : memref<1x!tpu.dma_semaphore, #tpu.memory_space<semaphore_mem>> -> memref<!tpu.dma_semaphore, #tpu.memory_space<semaphore_mem>>
      %dma_wait3A_239 = arith.constant 0 : i32
      %dma_wait3A_240 = arith.constant 0 : i32
      %dma_wait3A_241 = tpu.memref_slice %arg6[%dma_wait3A_228, %dma_wait3A_239, %dma_wait3A_240] : memref<2x128x128xf32, #tpu.memory_space<vmem>> -> memref<1x128x128xf32, #tpu.memory_space<vmem>>
      %dma_wait3A_242 = tpu.memref_squeeze %dma_wait3A_241 : memref<1x128x128xf32, #tpu.memory_space<vmem>> -> memref<128x128xf32, #tpu.memory_space<vmem>>
      %dma_wait3A_243 = arith.constant 0 : i32
      %dma_wait3A_244 = arith.constant 0 : i32
      %dma_wait3A_245 = tpu.memref_slice %arg3[%dma_wait3A_243, %dma_wait3A_244] : memref<1000000x128xf32, #tpu.memory_space<hbm>> -> memref<128x128xf32, #tpu.memory_space<hbm>>
      tpu.wait_dma2 semaphore(%dma_wait3A_238 : memref<!tpu.dma_semaphore, #tpu.memory_space<semaphore_mem>>) src(%dma_wait3A_245 : memref<128x128xf32, #tpu.memory_space<hbm>>) dst(%dma_wait3A_242 : memref<128x128xf32, #tpu.memory_space<vmem>>)
      %ge3A_246 = arith.constant 2 : i32
      %ge3A_247 = arith.cmpi sge, %add3A_227, %ge3A_246 : i32
      %convert_element_type3A_248 = arith.extui %ge3A_247 : i1 to i32
      %cond3A_249 = arith.constant 0 : i32
      %cond3A_250 = arith.cmpi ne, %convert_element_type3A_248, %cond3A_249 : i32
      scf.if %cond3A_250 {
        %dma_wait3A_279 = arith.constant 1 : i32
        %dma_wait3A_280 = arith.constant 0 : i32
        %dma_wait3A_281 = arith.constant 1 : i32
        %dma_wait3A_282 = arith.constant 0 : i32
        %dma_wait3A_283 = arith.constant 0 : i32
        %dma_wait3A_284 = tpu.memref_slice %arg7[%dma_wait3A_279, %dma_wait3A_282, %dma_wait3A_283] : memref<2x64x128xf32, #tpu.memory_space<vmem>> -> memref<1x64x128xf32, #tpu.memory_space<vmem>>
        %dma_wait3A_285 = tpu.memref_squeeze %dma_wait3A_284 : memref<1x64x128xf32, #tpu.memory_space<vmem>> -> memref<64x128xf32, #tpu.memory_space<vmem>>
        %dma_wait3A_286 = arith.constant 0 : i32
        %dma_wait3A_287 = arith.constant 0 : i32
        %dma_wait3A_288 = tpu.memref_slice %arg4[%dma_wait3A_280, %dma_wait3A_286, %dma_wait3A_287] : memref<200x64x4096xf32, #tpu.memory_space<hbm>> -> memref<1x64x128xf32, #tpu.memory_space<hbm>>
        %dma_wait3A_289 = tpu.memref_squeeze %dma_wait3A_288 : memref<1x64x128xf32, #tpu.memory_space<hbm>> -> memref<64x128xf32, #tpu.memory_space<hbm>>
        %dma_wait3A_290 = tpu.memref_slice %arg9[%dma_wait3A_281] : memref<2x!tpu.dma_semaphore, #tpu.memory_space<semaphore_mem>> -> memref<1x!tpu.dma_semaphore, #tpu.memory_space<semaphore_mem>>
        %dma_wait3A_291 = tpu.memref_squeeze %dma_wait3A_290 : memref<1x!tpu.dma_semaphore, #tpu.memory_space<semaphore_mem>> -> memref<!tpu.dma_semaphore, #tpu.memory_space<semaphore_mem>>
        %dma_wait3A_292 = arith.constant 0 : i32
        %dma_wait3A_293 = arith.constant 0 : i32
        %dma_wait3A_294 = tpu.memref_slice %arg4[%dma_wait3A_280, %dma_wait3A_292, %dma_wait3A_293] : memref<200x64x4096xf32, #tpu.memory_space<hbm>> -> memref<1x64x128xf32, #tpu.memory_space<hbm>>
        %dma_wait3A_295 = tpu.memref_squeeze %dma_wait3A_294 : memref<1x64x128xf32, #tpu.memory_space<hbm>> -> memref<64x128xf32, #tpu.memory_space<hbm>>
        %dma_wait3A_296 = arith.constant 0 : i32
        %dma_wait3A_297 = arith.constant 0 : i32
        %dma_wait3A_298 = tpu.memref_slice %arg7[%dma_wait3A_279, %dma_wait3A_296, %dma_wait3A_297] : memref<2x64x128xf32, #tpu.memory_space<vmem>> -> memref<1x64x128xf32, #tpu.memory_space<vmem>>
        %dma_wait3A_299 = tpu.memref_squeeze %dma_wait3A_298 : memref<1x64x128xf32, #tpu.memory_space<vmem>> -> memref<64x128xf32, #tpu.memory_space<vmem>>
        tpu.wait_dma2 semaphore(%dma_wait3A_291 : memref<!tpu.dma_semaphore, #tpu.memory_space<semaphore_mem>>) src(%dma_wait3A_299 : memref<64x128xf32, #tpu.memory_space<vmem>>) dst(%dma_wait3A_295 : memref<64x128xf32, #tpu.memory_space<hbm>>)
      } else {
      }
      %parallel_loop3A_251 = arith.constant 0 : i32
      %parallel_loop3A_252 = arith.constant 32 : i32
      %parallel_loop3A_253 = arith.constant 1 : i32
      scf.for %parallel_loop3A_279 = %parallel_loop3A_251 to %parallel_loop3A_252 step %parallel_loop3A_253  : i32 {
        %parallel_loop3A_280 = arith.constant 3 : i32
        %parallel_loop3A_281 = arith.andi %parallel_loop3A_279, %parallel_loop3A_280 : i32
        %parallel_loop3A_282 = arith.constant 16 : i32
        %parallel_loop3A_283 = arith.muli %parallel_loop3A_281, %parallel_loop3A_282 : i32
        %parallel_loop3A_284 = arith.constant 2 : i32
        %parallel_loop3A_285 = arith.shrsi %parallel_loop3A_279, %parallel_loop3A_284 : i32
        %parallel_loop3A_286 = arith.constant 16 : i32
        %parallel_loop3A_287 = arith.muli %parallel_loop3A_285, %parallel_loop3A_286 : i32
        %parallel_loop3A_288 = vector.broadcast %parallel_loop3A_287 : i32 to vector<16xi32>
        %parallel_loop3A_289 = arith.addi %parallel_loop3A_288, %iota3A : vector<16xi32>
        %parallel_loop3A_290 = vector.broadcast %parallel_loop3A_283 : i32 to vector<16xi32>
        %parallel_loop3A_291 = arith.addi %parallel_loop3A_290, %and3A_7 : vector<16xi32>
        %parallel_loop3A_292 = arith.constant 1 : i32
        %parallel_loop3A_293 = arith.constant 0 : i32
        %parallel_loop3A_294 = arith.constant 0 : i32
        %parallel_loop3A_295 = tpu.memref_slice %arg6[%parallel_loop3A_292, %parallel_loop3A_293, %parallel_loop3A_294] : memref<2x128x128xf32, #tpu.memory_space<vmem>> -> memref<1x128x128xf32, #tpu.memory_space<vmem>>
        %parallel_loop3A_296 = tpu.memref_squeeze %parallel_loop3A_295 : memref<1x128x128xf32, #tpu.memory_space<vmem>> -> memref<128x128xf32, #tpu.memory_space<vmem>>
        %parallel_loop3A_297 = tpu.vector_load_idx %parallel_loop3A_296[%parallel_loop3A_289, %parallel_loop3A_291] : memref<128x128xf32, #tpu.memory_space<vmem>>[vector<16xi32>, vector<16xi32>], vector<16xf32>,
        %parallel_loop3A_298 = arith.constant 1 : i32
        %parallel_loop3A_299 = arith.constant 0 : i32
        %parallel_loop3A_300 = arith.constant 0 : i32
        %parallel_loop3A_301 = tpu.memref_slice %arg7[%parallel_loop3A_298, %parallel_loop3A_299, %parallel_loop3A_300] : memref<2x64x128xf32, #tpu.memory_space<vmem>> -> memref<1x64x128xf32, #tpu.memory_space<vmem>>
        %parallel_loop3A_302 = tpu.memref_squeeze %parallel_loop3A_301 : memref<1x64x128xf32, #tpu.memory_space<vmem>> -> memref<64x128xf32, #tpu.memory_space<vmem>>
        tpu.vector_store_idx %parallel_loop3A_302[%parallel_loop3A_291, %parallel_loop3A_289], %parallel_loop3A_297 : memref<64x128xf32, #tpu.memory_space<vmem>>[vector<16xi32>, vector<16xi32>], vector<16xf32>,
        %parallel_loop3A_303 = vector.broadcast %parallel_loop3A_283 : i32 to vector<16xi32>
        %parallel_loop3A_304 = arith.addi %parallel_loop3A_303, %and3A_13 : vector<16xi32>
        %parallel_loop3A_305 = arith.constant 1 : i32
        %parallel_loop3A_306 = arith.constant 0 : i32
        %parallel_loop3A_307 = arith.constant 0 : i32
        %parallel_loop3A_308 = tpu.memref_slice %arg6[%parallel_loop3A_305, %parallel_loop3A_306, %parallel_loop3A_307] : memref<2x128x128xf32, #tpu.memory_space<vmem>> -> memref<1x128x128xf32, #tpu.memory_space<vmem>>
        %parallel_loop3A_309 = tpu.memref_squeeze %parallel_loop3A_308 : memref<1x128x128xf32, #tpu.memory_space<vmem>> -> memref<128x128xf32, #tpu.memory_space<vmem>>
        %parallel_loop3A_310 = tpu.vector_load_idx %parallel_loop3A_309[%parallel_loop3A_289, %parallel_loop3A_304] : memref<128x128xf32, #tpu.memory_space<vmem>>[vector<16xi32>, vector<16xi32>], vector<16xf32>,
        %parallel_loop3A_311 = arith.constant 1 : i32
        %parallel_loop3A_312 = arith.constant 0 : i32
        %parallel_loop3A_313 = arith.constant 0 : i32
        %parallel_loop3A_314 = tpu.memref_slice %arg7[%parallel_loop3A_311, %parallel_loop3A_312, %parallel_loop3A_313] : memref<2x64x128xf32, #tpu.memory_space<vmem>> -> memref<1x64x128xf32, #tpu.memory_space<vmem>>
        %parallel_loop3A_315 = tpu.memref_squeeze %parallel_loop3A_314 : memref<1x64x128xf32, #tpu.memory_space<vmem>> -> memref<64x128xf32, #tpu.memory_space<vmem>>
        tpu.vector_store_idx %parallel_loop3A_315[%parallel_loop3A_304, %parallel_loop3A_289], %parallel_loop3A_310 : memref<64x128xf32, #tpu.memory_space<vmem>>[vector<16xi32>, vector<16xi32>], vector<16xf32>,
        %parallel_loop3A_316 = vector.broadcast %parallel_loop3A_283 : i32 to vector<16xi32>
        %parallel_loop3A_317 = arith.addi %parallel_loop3A_316, %and3A_19 : vector<16xi32>
        %parallel_loop3A_318 = arith.constant 1 : i32
        %parallel_loop3A_319 = arith.constant 0 : i32
        %parallel_loop3A_320 = arith.constant 0 : i32
        %parallel_loop3A_321 = tpu.memref_slice %arg6[%parallel_loop3A_318, %parallel_loop3A_319, %parallel_loop3A_320] : memref<2x128x128xf32, #tpu.memory_space<vmem>> -> memref<1x128x128xf32, #tpu.memory_space<vmem>>
        %parallel_loop3A_322 = tpu.memref_squeeze %parallel_loop3A_321 : memref<1x128x128xf32, #tpu.memory_space<vmem>> -> memref<128x128xf32, #tpu.memory_space<vmem>>
        %parallel_loop3A_323 = tpu.vector_load_idx %parallel_loop3A_322[%parallel_loop3A_289, %parallel_loop3A_317] : memref<128x128xf32, #tpu.memory_space<vmem>>[vector<16xi32>, vector<16xi32>], vector<16xf32>,
        %parallel_loop3A_324 = arith.constant 1 : i32
        %parallel_loop3A_325 = arith.constant 0 : i32
        %parallel_loop3A_326 = arith.constant 0 : i32
        %parallel_loop3A_327 = tpu.memref_slice %arg7[%parallel_loop3A_324, %parallel_loop3A_325, %parallel_loop3A_326] : memref<2x64x128xf32, #tpu.memory_space<vmem>> -> memref<1x64x128xf32, #tpu.memory_space<vmem>>
        %parallel_loop3A_328 = tpu.memref_squeeze %parallel_loop3A_327 : memref<1x64x128xf32, #tpu.memory_space<vmem>> -> memref<64x128xf32, #tpu.memory_space<vmem>>
        tpu.vector_store_idx %parallel_loop3A_328[%parallel_loop3A_317, %parallel_loop3A_289], %parallel_loop3A_323 : memref<64x128xf32, #tpu.memory_space<vmem>>[vector<16xi32>, vector<16xi32>], vector<16xf32>,
        %parallel_loop3A_329 = vector.broadcast %parallel_loop3A_283 : i32 to vector<16xi32>
        %parallel_loop3A_330 = arith.addi %parallel_loop3A_329, %and3A_25 : vector<16xi32>
        %parallel_loop3A_331 = arith.constant 1 : i32
        %parallel_loop3A_332 = arith.constant 0 : i32
        %parallel_loop3A_333 = arith.constant 0 : i32
        %parallel_loop3A_334 = tpu.memref_slice %arg6[%parallel_loop3A_331, %parallel_loop3A_332, %parallel_loop3A_333] : memref<2x128x128xf32, #tpu.memory_space<vmem>> -> memref<1x128x128xf32, #tpu.memory_space<vmem>>
        %parallel_loop3A_335 = tpu.memref_squeeze %parallel_loop3A_334 : memref<1x128x128xf32, #tpu.memory_space<vmem>> -> memref<128x128xf32, #tpu.memory_space<vmem>>
        %parallel_loop3A_336 = tpu.vector_load_idx %parallel_loop3A_335[%parallel_loop3A_289, %parallel_loop3A_330] : memref<128x128xf32, #tpu.memory_space<vmem>>[vector<16xi32>, vector<16xi32>], vector<16xf32>,
        %parallel_loop3A_337 = arith.constant 1 : i32
        %parallel_loop3A_338 = arith.constant 0 : i32
        %parallel_loop3A_339 = arith.constant 0 : i32
        %parallel_loop3A_340 = tpu.memref_slice %arg7[%parallel_loop3A_337, %parallel_loop3A_338, %parallel_loop3A_339] : memref<2x64x128xf32, #tpu.memory_space<vmem>> -> memref<1x64x128xf32, #tpu.memory_space<vmem>>
        %parallel_loop3A_341 = tpu.memref_squeeze %parallel_loop3A_340 : memref<1x64x128xf32, #tpu.memory_space<vmem>> -> memref<64x128xf32, #tpu.memory_space<vmem>>
        tpu.vector_store_idx %parallel_loop3A_341[%parallel_loop3A_330, %parallel_loop3A_289], %parallel_loop3A_336 : memref<64x128xf32, #tpu.memory_space<vmem>>[vector<16xi32>, vector<16xi32>], vector<16xf32>,
        %parallel_loop3A_342 = vector.broadcast %parallel_loop3A_283 : i32 to vector<16xi32>
        %parallel_loop3A_343 = arith.addi %parallel_loop3A_342, %and3A_31 : vector<16xi32>
        %parallel_loop3A_344 = arith.constant 1 : i32
        %parallel_loop3A_345 = arith.constant 0 : i32
        %parallel_loop3A_346 = arith.constant 0 : i32
        %parallel_loop3A_347 = tpu.memref_slice %arg6[%parallel_loop3A_344, %parallel_loop3A_345, %parallel_loop3A_346] : memref<2x128x128xf32, #tpu.memory_space<vmem>> -> memref<1x128x128xf32, #tpu.memory_space<vmem>>
        %parallel_loop3A_348 = tpu.memref_squeeze %parallel_loop3A_347 : memref<1x128x128xf32, #tpu.memory_space<vmem>> -> memref<128x128xf32, #tpu.memory_space<vmem>>
        %parallel_loop3A_349 = tpu.vector_load_idx %parallel_loop3A_348[%parallel_loop3A_289, %parallel_loop3A_343] : memref<128x128xf32, #tpu.memory_space<vmem>>[vector<16xi32>, vector<16xi32>], vector<16xf32>,
        %parallel_loop3A_350 = arith.constant 1 : i32
        %parallel_loop3A_351 = arith.constant 0 : i32
        %parallel_loop3A_352 = arith.constant 0 : i32
        %parallel_loop3A_353 = tpu.memref_slice %arg7[%parallel_loop3A_350, %parallel_loop3A_351, %parallel_loop3A_352] : memref<2x64x128xf32, #tpu.memory_space<vmem>> -> memref<1x64x128xf32, #tpu.memory_space<vmem>>
        %parallel_loop3A_354 = tpu.memref_squeeze %parallel_loop3A_353 : memref<1x64x128xf32, #tpu.memory_space<vmem>> -> memref<64x128xf32, #tpu.memory_space<vmem>>
        tpu.vector_store_idx %parallel_loop3A_354[%parallel_loop3A_343, %parallel_loop3A_289], %parallel_loop3A_349 : memref<64x128xf32, #tpu.memory_space<vmem>>[vector<16xi32>, vector<16xi32>], vector<16xf32>,
        %parallel_loop3A_355 = vector.broadcast %parallel_loop3A_283 : i32 to vector<16xi32>
        %parallel_loop3A_356 = arith.addi %parallel_loop3A_355, %and3A_37 : vector<16xi32>
        %parallel_loop3A_357 = arith.constant 1 : i32
        %parallel_loop3A_358 = arith.constant 0 : i32
        %parallel_loop3A_359 = arith.constant 0 : i32
        %parallel_loop3A_360 = tpu.memref_slice %arg6[%parallel_loop3A_357, %parallel_loop3A_358, %parallel_loop3A_359] : memref<2x128x128xf32, #tpu.memory_space<vmem>> -> memref<1x128x128xf32, #tpu.memory_space<vmem>>
        %parallel_loop3A_361 = tpu.memref_squeeze %parallel_loop3A_360 : memref<1x128x128xf32, #tpu.memory_space<vmem>> -> memref<128x128xf32, #tpu.memory_space<vmem>>
        %parallel_loop3A_362 = tpu.vector_load_idx %parallel_loop3A_361[%parallel_loop3A_289, %parallel_loop3A_356] : memref<128x128xf32, #tpu.memory_space<vmem>>[vector<16xi32>, vector<16xi32>], vector<16xf32>,
        %parallel_loop3A_363 = arith.constant 1 : i32
        %parallel_loop3A_364 = arith.constant 0 : i32
        %parallel_loop3A_365 = arith.constant 0 : i32
        %parallel_loop3A_366 = tpu.memref_slice %arg7[%parallel_loop3A_363, %parallel_loop3A_364, %parallel_loop3A_365] : memref<2x64x128xf32, #tpu.memory_space<vmem>> -> memref<1x64x128xf32, #tpu.memory_space<vmem>>
        %parallel_loop3A_367 = tpu.memref_squeeze %parallel_loop3A_366 : memref<1x64x128xf32, #tpu.memory_space<vmem>> -> memref<64x128xf32, #tpu.memory_space<vmem>>
        tpu.vector_store_idx %parallel_loop3A_367[%parallel_loop3A_356, %parallel_loop3A_289], %parallel_loop3A_362 : memref<64x128xf32, #tpu.memory_space<vmem>>[vector<16xi32>, vector<16xi32>], vector<16xf32>,
        %parallel_loop3A_368 = vector.broadcast %parallel_loop3A_283 : i32 to vector<16xi32>
        %parallel_loop3A_369 = arith.addi %parallel_loop3A_368, %and3A_43 : vector<16xi32>
        %parallel_loop3A_370 = arith.constant 1 : i32
        %parallel_loop3A_371 = arith.constant 0 : i32
        %parallel_loop3A_372 = arith.constant 0 : i32
        %parallel_loop3A_373 = tpu.memref_slice %arg6[%parallel_loop3A_370, %parallel_loop3A_371, %parallel_loop3A_372] : memref<2x128x128xf32, #tpu.memory_space<vmem>> -> memref<1x128x128xf32, #tpu.memory_space<vmem>>
        %parallel_loop3A_374 = tpu.memref_squeeze %parallel_loop3A_373 : memref<1x128x128xf32, #tpu.memory_space<vmem>> -> memref<128x128xf32, #tpu.memory_space<vmem>>
        %parallel_loop3A_375 = tpu.vector_load_idx %parallel_loop3A_374[%parallel_loop3A_289, %parallel_loop3A_369] : memref<128x128xf32, #tpu.memory_space<vmem>>[vector<16xi32>, vector<16xi32>], vector<16xf32>,
        %parallel_loop3A_376 = arith.constant 1 : i32
        %parallel_loop3A_377 = arith.constant 0 : i32
        %parallel_loop3A_378 = arith.constant 0 : i32
        %parallel_loop3A_379 = tpu.memref_slice %arg7[%parallel_loop3A_376, %parallel_loop3A_377, %parallel_loop3A_378] : memref<2x64x128xf32, #tpu.memory_space<vmem>> -> memref<1x64x128xf32, #tpu.memory_space<vmem>>
        %parallel_loop3A_380 = tpu.memref_squeeze %parallel_loop3A_379 : memref<1x64x128xf32, #tpu.memory_space<vmem>> -> memref<64x128xf32, #tpu.memory_space<vmem>>
        tpu.vector_store_idx %parallel_loop3A_380[%parallel_loop3A_369, %parallel_loop3A_289], %parallel_loop3A_375 : memref<64x128xf32, #tpu.memory_space<vmem>>[vector<16xi32>, vector<16xi32>], vector<16xf32>,
        %parallel_loop3A_381 = vector.broadcast %parallel_loop3A_283 : i32 to vector<16xi32>
        %parallel_loop3A_382 = arith.addi %parallel_loop3A_381, %and3A_49 : vector<16xi32>
        %parallel_loop3A_383 = arith.constant 1 : i32
        %parallel_loop3A_384 = arith.constant 0 : i32
        %parallel_loop3A_385 = arith.constant 0 : i32
        %parallel_loop3A_386 = tpu.memref_slice %arg6[%parallel_loop3A_383, %parallel_loop3A_384, %parallel_loop3A_385] : memref<2x128x128xf32, #tpu.memory_space<vmem>> -> memref<1x128x128xf32, #tpu.memory_space<vmem>>
        %parallel_loop3A_387 = tpu.memref_squeeze %parallel_loop3A_386 : memref<1x128x128xf32, #tpu.memory_space<vmem>> -> memref<128x128xf32, #tpu.memory_space<vmem>>
        %parallel_loop3A_388 = tpu.vector_load_idx %parallel_loop3A_387[%parallel_loop3A_289, %parallel_loop3A_382] : memref<128x128xf32, #tpu.memory_space<vmem>>[vector<16xi32>, vector<16xi32>], vector<16xf32>,
        %parallel_loop3A_389 = arith.constant 1 : i32
        %parallel_loop3A_390 = arith.constant 0 : i32
        %parallel_loop3A_391 = arith.constant 0 : i32
        %parallel_loop3A_392 = tpu.memref_slice %arg7[%parallel_loop3A_389, %parallel_loop3A_390, %parallel_loop3A_391] : memref<2x64x128xf32, #tpu.memory_space<vmem>> -> memref<1x64x128xf32, #tpu.memory_space<vmem>>
        %parallel_loop3A_393 = tpu.memref_squeeze %parallel_loop3A_392 : memref<1x64x128xf32, #tpu.memory_space<vmem>> -> memref<64x128xf32, #tpu.memory_space<vmem>>
        tpu.vector_store_idx %parallel_loop3A_393[%parallel_loop3A_382, %parallel_loop3A_289], %parallel_loop3A_388 : memref<64x128xf32, #tpu.memory_space<vmem>>[vector<16xi32>, vector<16xi32>], vector<16xf32>,
        %parallel_loop3A_394 = vector.broadcast %parallel_loop3A_283 : i32 to vector<16xi32>
        %parallel_loop3A_395 = arith.addi %parallel_loop3A_394, %and3A_55 : vector<16xi32>
        %parallel_loop3A_396 = arith.constant 1 : i32
        %parallel_loop3A_397 = arith.constant 0 : i32
        %parallel_loop3A_398 = arith.constant 0 : i32
        %parallel_loop3A_399 = tpu.memref_slice %arg6[%parallel_loop3A_396, %parallel_loop3A_397, %parallel_loop3A_398] : memref<2x128x128xf32, #tpu.memory_space<vmem>> -> memref<1x128x128xf32, #tpu.memory_space<vmem>>
        %parallel_loop3A_400 = tpu.memref_squeeze %parallel_loop3A_399 : memref<1x128x128xf32, #tpu.memory_space<vmem>> -> memref<128x128xf32, #tpu.memory_space<vmem>>
        %parallel_loop3A_401 = tpu.vector_load_idx %parallel_loop3A_400[%parallel_loop3A_289, %parallel_loop3A_395] : memref<128x128xf32, #tpu.memory_space<vmem>>[vector<16xi32>, vector<16xi32>], vector<16xf32>,
        %parallel_loop3A_402 = arith.constant 1 : i32
        %parallel_loop3A_403 = arith.constant 0 : i32
        %parallel_loop3A_404 = arith.constant 0 : i32
        %parallel_loop3A_405 = tpu.memref_slice %arg7[%parallel_loop3A_402, %parallel_loop3A_403, %parallel_loop3A_404] : memref<2x64x128xf32, #tpu.memory_space<vmem>> -> memref<1x64x128xf32, #tpu.memory_space<vmem>>
        %parallel_loop3A_406 = tpu.memref_squeeze %parallel_loop3A_405 : memref<1x64x128xf32, #tpu.memory_space<vmem>> -> memref<64x128xf32, #tpu.memory_space<vmem>>
        tpu.vector_store_idx %parallel_loop3A_406[%parallel_loop3A_395, %parallel_loop3A_289], %parallel_loop3A_401 : memref<64x128xf32, #tpu.memory_space<vmem>>[vector<16xi32>, vector<16xi32>], vector<16xf32>,
        %parallel_loop3A_407 = vector.broadcast %parallel_loop3A_283 : i32 to vector<16xi32>
        %parallel_loop3A_408 = arith.addi %parallel_loop3A_407, %and3A_61 : vector<16xi32>
        %parallel_loop3A_409 = arith.constant 1 : i32
        %parallel_loop3A_410 = arith.constant 0 : i32
        %parallel_loop3A_411 = arith.constant 0 : i32
        %parallel_loop3A_412 = tpu.memref_slice %arg6[%parallel_loop3A_409, %parallel_loop3A_410, %parallel_loop3A_411] : memref<2x128x128xf32, #tpu.memory_space<vmem>> -> memref<1x128x128xf32, #tpu.memory_space<vmem>>
        %parallel_loop3A_413 = tpu.memref_squeeze %parallel_loop3A_412 : memref<1x128x128xf32, #tpu.memory_space<vmem>> -> memref<128x128xf32, #tpu.memory_space<vmem>>
        %parallel_loop3A_414 = tpu.vector_load_idx %parallel_loop3A_413[%parallel_loop3A_289, %parallel_loop3A_408] : memref<128x128xf32, #tpu.memory_space<vmem>>[vector<16xi32>, vector<16xi32>], vector<16xf32>,
        %parallel_loop3A_415 = arith.constant 1 : i32
        %parallel_loop3A_416 = arith.constant 0 : i32
        %parallel_loop3A_417 = arith.constant 0 : i32
        %parallel_loop3A_418 = tpu.memref_slice %arg7[%parallel_loop3A_415, %parallel_loop3A_416, %parallel_loop3A_417] : memref<2x64x128xf32, #tpu.memory_space<vmem>> -> memref<1x64x128xf32, #tpu.memory_space<vmem>>
        %parallel_loop3A_419 = tpu.memref_squeeze %parallel_loop3A_418 : memref<1x64x128xf32, #tpu.memory_space<vmem>> -> memref<64x128xf32, #tpu.memory_space<vmem>>
        tpu.vector_store_idx %parallel_loop3A_419[%parallel_loop3A_408, %parallel_loop3A_289], %parallel_loop3A_414 : memref<64x128xf32, #tpu.memory_space<vmem>>[vector<16xi32>, vector<16xi32>], vector<16xf32>,
        %parallel_loop3A_420 = vector.broadcast %parallel_loop3A_283 : i32 to vector<16xi32>
        %parallel_loop3A_421 = arith.addi %parallel_loop3A_420, %and3A_67 : vector<16xi32>
        %parallel_loop3A_422 = arith.constant 1 : i32
        %parallel_loop3A_423 = arith.constant 0 : i32
        %parallel_loop3A_424 = arith.constant 0 : i32
        %parallel_loop3A_425 = tpu.memref_slice %arg6[%parallel_loop3A_422, %parallel_loop3A_423, %parallel_loop3A_424] : memref<2x128x128xf32, #tpu.memory_space<vmem>> -> memref<1x128x128xf32, #tpu.memory_space<vmem>>
        %parallel_loop3A_426 = tpu.memref_squeeze %parallel_loop3A_425 : memref<1x128x128xf32, #tpu.memory_space<vmem>> -> memref<128x128xf32, #tpu.memory_space<vmem>>
        %parallel_loop3A_427 = tpu.vector_load_idx %parallel_loop3A_426[%parallel_loop3A_289, %parallel_loop3A_421] : memref<128x128xf32, #tpu.memory_space<vmem>>[vector<16xi32>, vector<16xi32>], vector<16xf32>,
        %parallel_loop3A_428 = arith.constant 1 : i32
        %parallel_loop3A_429 = arith.constant 0 : i32
        %parallel_loop3A_430 = arith.constant 0 : i32
        %parallel_loop3A_431 = tpu.memref_slice %arg7[%parallel_loop3A_428, %parallel_loop3A_429, %parallel_loop3A_430] : memref<2x64x128xf32, #tpu.memory_space<vmem>> -> memref<1x64x128xf32, #tpu.memory_space<vmem>>
        %parallel_loop3A_432 = tpu.memref_squeeze %parallel_loop3A_431 : memref<1x64x128xf32, #tpu.memory_space<vmem>> -> memref<64x128xf32, #tpu.memory_space<vmem>>
        tpu.vector_store_idx %parallel_loop3A_432[%parallel_loop3A_421, %parallel_loop3A_289], %parallel_loop3A_427 : memref<64x128xf32, #tpu.memory_space<vmem>>[vector<16xi32>, vector<16xi32>], vector<16xf32>,
        %parallel_loop3A_433 = vector.broadcast %parallel_loop3A_283 : i32 to vector<16xi32>
        %parallel_loop3A_434 = arith.addi %parallel_loop3A_433, %and3A_73 : vector<16xi32>
        %parallel_loop3A_435 = arith.constant 1 : i32
        %parallel_loop3A_436 = arith.constant 0 : i32
        %parallel_loop3A_437 = arith.constant 0 : i32
        %parallel_loop3A_438 = tpu.memref_slice %arg6[%parallel_loop3A_435, %parallel_loop3A_436, %parallel_loop3A_437] : memref<2x128x128xf32, #tpu.memory_space<vmem>> -> memref<1x128x128xf32, #tpu.memory_space<vmem>>
        %parallel_loop3A_439 = tpu.memref_squeeze %parallel_loop3A_438 : memref<1x128x128xf32, #tpu.memory_space<vmem>> -> memref<128x128xf32, #tpu.memory_space<vmem>>
        %parallel_loop3A_440 = tpu.vector_load_idx %parallel_loop3A_439[%parallel_loop3A_289, %parallel_loop3A_434] : memref<128x128xf32, #tpu.memory_space<vmem>>[vector<16xi32>, vector<16xi32>], vector<16xf32>,
        %parallel_loop3A_441 = arith.constant 1 : i32
        %parallel_loop3A_442 = arith.constant 0 : i32
        %parallel_loop3A_443 = arith.constant 0 : i32
        %parallel_loop3A_444 = tpu.memref_slice %arg7[%parallel_loop3A_441, %parallel_loop3A_442, %parallel_loop3A_443] : memref<2x64x128xf32, #tpu.memory_space<vmem>> -> memref<1x64x128xf32, #tpu.memory_space<vmem>>
        %parallel_loop3A_445 = tpu.memref_squeeze %parallel_loop3A_444 : memref<1x64x128xf32, #tpu.memory_space<vmem>> -> memref<64x128xf32, #tpu.memory_space<vmem>>
        tpu.vector_store_idx %parallel_loop3A_445[%parallel_loop3A_434, %parallel_loop3A_289], %parallel_loop3A_440 : memref<64x128xf32, #tpu.memory_space<vmem>>[vector<16xi32>, vector<16xi32>], vector<16xf32>,
        %parallel_loop3A_446 = vector.broadcast %parallel_loop3A_283 : i32 to vector<16xi32>
        %parallel_loop3A_447 = arith.addi %parallel_loop3A_446, %and3A_79 : vector<16xi32>
        %parallel_loop3A_448 = arith.constant 1 : i32
        %parallel_loop3A_449 = arith.constant 0 : i32
        %parallel_loop3A_450 = arith.constant 0 : i32
        %parallel_loop3A_451 = tpu.memref_slice %arg6[%parallel_loop3A_448, %parallel_loop3A_449, %parallel_loop3A_450] : memref<2x128x128xf32, #tpu.memory_space<vmem>> -> memref<1x128x128xf32, #tpu.memory_space<vmem>>
        %parallel_loop3A_452 = tpu.memref_squeeze %parallel_loop3A_451 : memref<1x128x128xf32, #tpu.memory_space<vmem>> -> memref<128x128xf32, #tpu.memory_space<vmem>>
        %parallel_loop3A_453 = tpu.vector_load_idx %parallel_loop3A_452[%parallel_loop3A_289, %parallel_loop3A_447] : memref<128x128xf32, #tpu.memory_space<vmem>>[vector<16xi32>, vector<16xi32>], vector<16xf32>,
        %parallel_loop3A_454 = arith.constant 1 : i32
        %parallel_loop3A_455 = arith.constant 0 : i32
        %parallel_loop3A_456 = arith.constant 0 : i32
        %parallel_loop3A_457 = tpu.memref_slice %arg7[%parallel_loop3A_454, %parallel_loop3A_455, %parallel_loop3A_456] : memref<2x64x128xf32, #tpu.memory_space<vmem>> -> memref<1x64x128xf32, #tpu.memory_space<vmem>>
        %parallel_loop3A_458 = tpu.memref_squeeze %parallel_loop3A_457 : memref<1x64x128xf32, #tpu.memory_space<vmem>> -> memref<64x128xf32, #tpu.memory_space<vmem>>
        tpu.vector_store_idx %parallel_loop3A_458[%parallel_loop3A_447, %parallel_loop3A_289], %parallel_loop3A_453 : memref<64x128xf32, #tpu.memory_space<vmem>>[vector<16xi32>, vector<16xi32>], vector<16xf32>,
        %parallel_loop3A_459 = vector.broadcast %parallel_loop3A_283 : i32 to vector<16xi32>
        %parallel_loop3A_460 = arith.addi %parallel_loop3A_459, %and3A_85 : vector<16xi32>
        %parallel_loop3A_461 = arith.constant 1 : i32
        %parallel_loop3A_462 = arith.constant 0 : i32
        %parallel_loop3A_463 = arith.constant 0 : i32
        %parallel_loop3A_464 = tpu.memref_slice %arg6[%parallel_loop3A_461, %parallel_loop3A_462, %parallel_loop3A_463] : memref<2x128x128xf32, #tpu.memory_space<vmem>> -> memref<1x128x128xf32, #tpu.memory_space<vmem>>
        %parallel_loop3A_465 = tpu.memref_squeeze %parallel_loop3A_464 : memref<1x128x128xf32, #tpu.memory_space<vmem>> -> memref<128x128xf32, #tpu.memory_space<vmem>>
        %parallel_loop3A_466 = tpu.vector_load_idx %parallel_loop3A_465[%parallel_loop3A_289, %parallel_loop3A_460] : memref<128x128xf32, #tpu.memory_space<vmem>>[vector<16xi32>, vector<16xi32>], vector<16xf32>,
        %parallel_loop3A_467 = arith.constant 1 : i32
        %parallel_loop3A_468 = arith.constant 0 : i32
        %parallel_loop3A_469 = arith.constant 0 : i32
        %parallel_loop3A_470 = tpu.memref_slice %arg7[%parallel_loop3A_467, %parallel_loop3A_468, %parallel_loop3A_469] : memref<2x64x128xf32, #tpu.memory_space<vmem>> -> memref<1x64x128xf32, #tpu.memory_space<vmem>>
        %parallel_loop3A_471 = tpu.memref_squeeze %parallel_loop3A_470 : memref<1x64x128xf32, #tpu.memory_space<vmem>> -> memref<64x128xf32, #tpu.memory_space<vmem>>
        tpu.vector_store_idx %parallel_loop3A_471[%parallel_loop3A_460, %parallel_loop3A_289], %parallel_loop3A_466 : memref<64x128xf32, #tpu.memory_space<vmem>>[vector<16xi32>, vector<16xi32>], vector<16xf32>,
        %parallel_loop3A_472 = vector.broadcast %parallel_loop3A_283 : i32 to vector<16xi32>
        %parallel_loop3A_473 = arith.addi %parallel_loop3A_472, %and3A_91 : vector<16xi32>
        %parallel_loop3A_474 = arith.constant 1 : i32
        %parallel_loop3A_475 = arith.constant 0 : i32
        %parallel_loop3A_476 = arith.constant 0 : i32
        %parallel_loop3A_477 = tpu.memref_slice %arg6[%parallel_loop3A_474, %parallel_loop3A_475, %parallel_loop3A_476] : memref<2x128x128xf32, #tpu.memory_space<vmem>> -> memref<1x128x128xf32, #tpu.memory_space<vmem>>
        %parallel_loop3A_478 = tpu.memref_squeeze %parallel_loop3A_477 : memref<1x128x128xf32, #tpu.memory_space<vmem>> -> memref<128x128xf32, #tpu.memory_space<vmem>>
        %parallel_loop3A_479 = tpu.vector_load_idx %parallel_loop3A_478[%parallel_loop3A_289, %parallel_loop3A_473] : memref<128x128xf32, #tpu.memory_space<vmem>>[vector<16xi32>, vector<16xi32>], vector<16xf32>,
        %parallel_loop3A_480 = arith.constant 1 : i32
        %parallel_loop3A_481 = arith.constant 0 : i32
        %parallel_loop3A_482 = arith.constant 0 : i32
        %parallel_loop3A_483 = tpu.memref_slice %arg7[%parallel_loop3A_480, %parallel_loop3A_481, %parallel_loop3A_482] : memref<2x64x128xf32, #tpu.memory_space<vmem>> -> memref<1x64x128xf32, #tpu.memory_space<vmem>>
        %parallel_loop3A_484 = tpu.memref_squeeze %parallel_loop3A_483 : memref<1x64x128xf32, #tpu.memory_space<vmem>> -> memref<64x128xf32, #tpu.memory_space<vmem>>
        tpu.vector_store_idx %parallel_loop3A_484[%parallel_loop3A_473, %parallel_loop3A_289], %parallel_loop3A_479 : memref<64x128xf32, #tpu.memory_space<vmem>>[vector<16xi32>, vector<16xi32>], vector<16xf32>,
        %parallel_loop3A_485 = vector.broadcast %parallel_loop3A_283 : i32 to vector<16xi32>
        %parallel_loop3A_486 = arith.addi %parallel_loop3A_485, %and3A_97 : vector<16xi32>
        %parallel_loop3A_487 = arith.constant 1 : i32
        %parallel_loop3A_488 = arith.constant 0 : i32
        %parallel_loop3A_489 = arith.constant 0 : i32
        %parallel_loop3A_490 = tpu.memref_slice %arg6[%parallel_loop3A_487, %parallel_loop3A_488, %parallel_loop3A_489] : memref<2x128x128xf32, #tpu.memory_space<vmem>> -> memref<1x128x128xf32, #tpu.memory_space<vmem>>
        %parallel_loop3A_491 = tpu.memref_squeeze %parallel_loop3A_490 : memref<1x128x128xf32, #tpu.memory_space<vmem>> -> memref<128x128xf32, #tpu.memory_space<vmem>>
        %parallel_loop3A_492 = tpu.vector_load_idx %parallel_loop3A_491[%parallel_loop3A_289, %parallel_loop3A_486] : memref<128x128xf32, #tpu.memory_space<vmem>>[vector<16xi32>, vector<16xi32>], vector<16xf32>,
        %parallel_loop3A_493 = arith.constant 1 : i32
        %parallel_loop3A_494 = arith.constant 0 : i32
        %parallel_loop3A_495 = arith.constant 0 : i32
        %parallel_loop3A_496 = tpu.memref_slice %arg7[%parallel_loop3A_493, %parallel_loop3A_494, %parallel_loop3A_495] : memref<2x64x128xf32, #tpu.memory_space<vmem>> -> memref<1x64x128xf32, #tpu.memory_space<vmem>>
        %parallel_loop3A_497 = tpu.memref_squeeze %parallel_loop3A_496 : memref<1x64x128xf32, #tpu.memory_space<vmem>> -> memref<64x128xf32, #tpu.memory_space<vmem>>
        tpu.vector_store_idx %parallel_loop3A_497[%parallel_loop3A_486, %parallel_loop3A_289], %parallel_loop3A_492 : memref<64x128xf32, #tpu.memory_space<vmem>>[vector<16xi32>, vector<16xi32>], vector<16xf32>,
      } {sc.loop_unroll_factor = 2 : i64, sc.parallel_access}
      %dma_start3A_254 = arith.constant 1 : i32
      %dma_start3A_255 = arith.constant 1 : i32
      %dma_start3A_256 = arith.constant 0 : i32
      %dma_start3A_257 = arith.constant 0 : i32
      %dma_start3A_258 = tpu.memref_slice %arg7[%dma_start3A_254, %dma_start3A_256, %dma_start3A_257] : memref<2x64x128xf32, #tpu.memory_space<vmem>> -> memref<1x64x128xf32, #tpu.memory_space<vmem>>
      %dma_start3A_259 = tpu.memref_squeeze %dma_start3A_258 : memref<1x64x128xf32, #tpu.memory_space<vmem>> -> memref<64x128xf32, #tpu.memory_space<vmem>>
      %dma_start3A_260 = arith.constant 0 : i32
      %dma_start3A_261 = tpu.memref_slice %arg4[%add3A_227, %dma_start3A_260, %mul3A_2] : memref<200x64x4096xf32, #tpu.memory_space<hbm>> -> memref<1x64x128xf32, #tpu.memory_space<hbm>>
      %dma_start3A_262 = tpu.memref_squeeze %dma_start3A_261 : memref<1x64x128xf32, #tpu.memory_space<hbm>> -> memref<64x128xf32, #tpu.memory_space<hbm>>
      %dma_start3A_263 = tpu.memref_slice %arg9[%dma_start3A_255] : memref<2x!tpu.dma_semaphore, #tpu.memory_space<semaphore_mem>> -> memref<1x!tpu.dma_semaphore, #tpu.memory_space<semaphore_mem>>
      %dma_start3A_264 = tpu.memref_squeeze %dma_start3A_263 : memref<1x!tpu.dma_semaphore, #tpu.memory_space<semaphore_mem>> -> memref<!tpu.dma_semaphore, #tpu.memory_space<semaphore_mem>>
      %dma_start3A_265 = arith.constant 0 : i32
      %dma_start3A_266 = tpu.memref_slice %arg4[%add3A_227, %dma_start3A_265, %mul3A_2] : memref<200x64x4096xf32, #tpu.memory_space<hbm>> -> memref<1x64x128xf32, #tpu.memory_space<hbm>>
      %dma_start3A_267 = tpu.memref_squeeze %dma_start3A_266 : memref<1x64x128xf32, #tpu.memory_space<hbm>> -> memref<64x128xf32, #tpu.memory_space<hbm>>
      %dma_start3A_268 = arith.constant 0 : i32
      %dma_start3A_269 = arith.constant 0 : i32
      %dma_start3A_270 = tpu.memref_slice %arg7[%dma_start3A_254, %dma_start3A_268, %dma_start3A_269] : memref<2x64x128xf32, #tpu.memory_space<vmem>> -> memref<1x64x128xf32, #tpu.memory_space<vmem>>
      %dma_start3A_271 = tpu.memref_squeeze %dma_start3A_270 : memref<1x64x128xf32, #tpu.memory_space<vmem>> -> memref<64x128xf32, #tpu.memory_space<vmem>>
      tpu.enqueue_dma source(%dma_start3A_271 : memref<64x128xf32, #tpu.memory_space<vmem>>) target(%dma_start3A_267 : memref<64x128xf32, #tpu.memory_space<hbm>>) target_semaphore(%dma_start3A_264 : memref<!tpu.dma_semaphore, #tpu.memory_space<semaphore_mem>>)
      %add3A_272 = arith.constant 2 : i32
      %add3A_273 = arith.addi %add3A_227, %add3A_272 : i32
      %lt3A_274 = arith.constant 200 : i32
      %lt3A_275 = arith.cmpi slt, %add3A_273, %lt3A_274 : i32
      %convert_element_type3A_276 = arith.extui %lt3A_275 : i1 to i32
      %cond3A_277 = arith.constant 0 : i32
      %cond3A_278 = arith.cmpi ne, %convert_element_type3A_276, %cond3A_277 : i32
      scf.if %cond3A_278 {
        %add3A_279 = arith.constant 2 : i32
        %add3A_280 = arith.addi %add3A_227, %add3A_279 : i32
        %dma_start3A_281 = arith.constant 1 : i32
        %dma_start3A_282 = arith.constant 1 : i32
        %dma_start3A_283 = arith.constant 0 : i32
        %dma_start3A_284 = arith.constant 0 : i32
        %dma_start3A_285 = tpu.memref_slice %arg6[%dma_start3A_281, %dma_start3A_283, %dma_start3A_284] : memref<2x128x128xf32, #tpu.memory_space<vmem>> -> memref<1x128x128xf32, #tpu.memory_space<vmem>>
        %dma_start3A_286 = tpu.memref_squeeze %dma_start3A_285 : memref<1x128x128xf32, #tpu.memory_space<vmem>> -> memref<128x128xf32, #tpu.memory_space<vmem>>
        %dma_start3A_287 = arith.constant 0 : i32
        %dma_start3A_288 = tpu.memref_slice %arg5[%add3A_280, %dma_start3A_287] : memref<200x128xi32, #tpu.memory_space<vmem>> -> memref<1x128xi32, #tpu.memory_space<vmem>>
        %dma_start3A_289 = tpu.memref_squeeze %dma_start3A_288 : memref<1x128xi32, #tpu.memory_space<vmem>> -> memref<128xi32, #tpu.memory_space<vmem>>
        %dma_start3A_290 = arith.constant 0 : i32
        %dma_start3A_291 = arith.constant 0 : i32
        %dma_start3A_292 = tpu.memref_slice %arg3[%dma_start3A_290, %dma_start3A_291] : memref<1000000x128xf32, #tpu.memory_space<hbm>> -> memref<1000000x128xf32, #tpu.memory_space<hbm>>
        %dma_start3A_293 = tpu.memref_slice %arg8[%dma_start3A_282] : memref<2x!tpu.dma_semaphore, #tpu.memory_space<semaphore_mem>> -> memref<1x!tpu.dma_semaphore, #tpu.memory_space<semaphore_mem>>
        %dma_start3A_294 = tpu.memref_squeeze %dma_start3A_293 : memref<1x!tpu.dma_semaphore, #tpu.memory_space<semaphore_mem>> -> memref<!tpu.dma_semaphore, #tpu.memory_space<semaphore_mem>>
        tpu.enqueue_indirect_dma source(%dma_start3A_292 : memref<1000000x128xf32, #tpu.memory_space<hbm>>) target(%dma_start3A_286 : memref<128x128xf32, #tpu.memory_space<vmem>>) offsets(%dma_start3A_289 : memref<128xi32, #tpu.memory_space<vmem>>) semaphore(%dma_start3A_294 : memref<!tpu.dma_semaphore, #tpu.memory_space<semaphore_mem>>)
      } else {
      }
    }
    %scan3A_131 = arith.constant 100 : i32
    %dma_wait3A = arith.constant 0 : i32
    %dma_wait3A_132 = arith.constant 0 : i32
    %dma_wait3A_133 = arith.constant 0 : i32
    %dma_wait3A_134 = arith.constant 0 : i32
    %dma_wait3A_135 = arith.constant 0 : i32
    %dma_wait3A_136 = tpu.memref_slice %arg7[%dma_wait3A, %dma_wait3A_134, %dma_wait3A_135] : memref<2x64x128xf32, #tpu.memory_space<vmem>> -> memref<1x64x128xf32, #tpu.memory_space<vmem>>
    %dma_wait3A_137 = tpu.memref_squeeze %dma_wait3A_136 : memref<1x64x128xf32, #tpu.memory_space<vmem>> -> memref<64x128xf32, #tpu.memory_space<vmem>>
    %dma_wait3A_138 = arith.constant 0 : i32
    %dma_wait3A_139 = arith.constant 0 : i32
    %dma_wait3A_140 = tpu.memref_slice %arg4[%dma_wait3A_132, %dma_wait3A_138, %dma_wait3A_139] : memref<200x64x4096xf32, #tpu.memory_space<hbm>> -> memref<1x64x128xf32, #tpu.memory_space<hbm>>
    %dma_wait3A_141 = tpu.memref_squeeze %dma_wait3A_140 : memref<1x64x128xf32, #tpu.memory_space<hbm>> -> memref<64x128xf32, #tpu.memory_space<hbm>>
    %dma_wait3A_142 = tpu.memref_slice %arg9[%dma_wait3A_133] : memref<2x!tpu.dma_semaphore, #tpu.memory_space<semaphore_mem>> -> memref<1x!tpu.dma_semaphore, #tpu.memory_space<semaphore_mem>>
    %dma_wait3A_143 = tpu.memref_squeeze %dma_wait3A_142 : memref<1x!tpu.dma_semaphore, #tpu.memory_space<semaphore_mem>> -> memref<!tpu.dma_semaphore, #tpu.memory_space<semaphore_mem>>
    %dma_wait3A_144 = arith.constant 0 : i32
    %dma_wait3A_145 = arith.constant 0 : i32
    %dma_wait3A_146 = tpu.memref_slice %arg4[%dma_wait3A_132, %dma_wait3A_144, %dma_wait3A_145] : memref<200x64x4096xf32, #tpu.memory_space<hbm>> -> memref<1x64x128xf32, #tpu.memory_space<hbm>>
    %dma_wait3A_147 = tpu.memref_squeeze %dma_wait3A_146 : memref<1x64x128xf32, #tpu.memory_space<hbm>> -> memref<64x128xf32, #tpu.memory_space<hbm>>
    %dma_wait3A_148 = arith.constant 0 : i32
    %dma_wait3A_149 = arith.constant 0 : i32
    %dma_wait3A_150 = tpu.memref_slice %arg7[%dma_wait3A, %dma_wait3A_148, %dma_wait3A_149] : memref<2x64x128xf32, #tpu.memory_space<vmem>> -> memref<1x64x128xf32, #tpu.memory_space<vmem>>
    %dma_wait3A_151 = tpu.memref_squeeze %dma_wait3A_150 : memref<1x64x128xf32, #tpu.memory_space<vmem>> -> memref<64x128xf32, #tpu.memory_space<vmem>>
    tpu.wait_dma2 semaphore(%dma_wait3A_143 : memref<!tpu.dma_semaphore, #tpu.memory_space<semaphore_mem>>) src(%dma_wait3A_151 : memref<64x128xf32, #tpu.memory_space<vmem>>) dst(%dma_wait3A_147 : memref<64x128xf32, #tpu.memory_space<hbm>>)
    %dma_wait3A_152 = arith.constant 1 : i32
    %dma_wait3A_153 = arith.constant 0 : i32
    %dma_wait3A_154 = arith.constant 1 : i32
    %dma_wait3A_155 = arith.constant 0 : i32
    %dma_wait3A_156 = arith.constant 0 : i32
    %dma_wait3A_157 = tpu.memref_slice %arg7[%dma_wait3A_152, %dma_wait3A_155, %dma_wait3A_156] : memref<2x64x128xf32, #tpu.memory_space<vmem>> -> memref<1x64x128xf32, #tpu.memory_space<vmem>>
    %dma_wait3A_158 = tpu.memref_squeeze %dma_wait3A_157 : memref<1x64x128xf32, #tpu.memory_space<vmem>> -> memref<64x128xf32, #tpu.memory_space<vmem>>
    %dma_wait3A_159 = arith.constant 0 : i32
    %dma_wait3A_160 = arith.constant 0 : i32
    %dma_wait3A_161 = tpu.memref_slice %arg4[%dma_wait3A_153, %dma_wait3A_159, %dma_wait3A_160] : memref<200x64x4096xf32, #tpu.memory_space<hbm>> -> memref<1x64x128xf32, #tpu.memory_space<hbm>>
    %dma_wait3A_162 = tpu.memref_squeeze %dma_wait3A_161 : memref<1x64x128xf32, #tpu.memory_space<hbm>> -> memref<64x128xf32, #tpu.memory_space<hbm>>
    %dma_wait3A_163 = tpu.memref_slice %arg9[%dma_wait3A_154] : memref<2x!tpu.dma_semaphore, #tpu.memory_space<semaphore_mem>> -> memref<1x!tpu.dma_semaphore, #tpu.memory_space<semaphore_mem>>
    %dma_wait3A_164 = tpu.memref_squeeze %dma_wait3A_163 : memref<1x!tpu.dma_semaphore, #tpu.memory_space<semaphore_mem>> -> memref<!tpu.dma_semaphore, #tpu.memory_space<semaphore_mem>>
    %dma_wait3A_165 = arith.constant 0 : i32
    %dma_wait3A_166 = arith.constant 0 : i32
    %dma_wait3A_167 = tpu.memref_slice %arg4[%dma_wait3A_153, %dma_wait3A_165, %dma_wait3A_166] : memref<200x64x4096xf32, #tpu.memory_space<hbm>> -> memref<1x64x128xf32, #tpu.memory_space<hbm>>
    %dma_wait3A_168 = tpu.memref_squeeze %dma_wait3A_167 : memref<1x64x128xf32, #tpu.memory_space<hbm>> -> memref<64x128xf32, #tpu.memory_space<hbm>>
    %dma_wait3A_169 = arith.constant 0 : i32
    %dma_wait3A_170 = arith.constant 0 : i32
    %dma_wait3A_171 = tpu.memref_slice %arg7[%dma_wait3A_152, %dma_wait3A_169, %dma_wait3A_170] : memref<2x64x128xf32, #tpu.memory_space<vmem>> -> memref<1x64x128xf32, #tpu.memory_space<vmem>>
    %dma_wait3A_172 = tpu.memref_squeeze %dma_wait3A_171 : memref<1x64x128xf32, #tpu.memory_space<vmem>> -> memref<64x128xf32, #tpu.memory_space<vmem>>
    tpu.wait_dma2 semaphore(%dma_wait3A_164 : memref<!tpu.dma_semaphore, #tpu.memory_space<semaphore_mem>>) src(%dma_wait3A_172 : memref<64x128xf32, #tpu.memory_space<vmem>>) dst(%dma_wait3A_168 : memref<64x128xf32, #tpu.memory_space<hbm>>)
    return
  }
}

</mosaic_0001>

<sc_bundles>
// kernel: kernel.4.cloned.1.call-start
scs
__scs_entry_jumppad:
0x0: {  	(pc) =	sbr.rel $0x88, $3  }
0x1: {  	(tag) =	ssettag $0x0;
	lr =	simm.s32 $0x1  }
0x2: {  	[smem:$0x3F9F] =	sst lr;
	_ =	strace $0xD0000000  }
0x3: {  	_ = 	snop  }
0x4: {  	_ = 	snop  }
0x5: {  	_ = 	snop  }
0x6: {  	_ = 	snop  }
0x7: {  	_ = 	snop  }
__scs_overlays_trampoline_lowered:
0x8: {  	[smem:$0x3FAE] =	sst s0  }
0x9: {  	[smem:$0x3FAF] =	sst s1  }
0xa: {  	[smem:$0x3FB0] =	sst s2  }
0xb: {  	[smem:$0x3FB1] =	sst s3  }
0xc: {  	[smem:$0x3FB2] =	sst s4  }
0xd: {  	[smem:$0x3FB3] =	sst s5  }
0xe: {  	[smem:$0x3FB4] =	sst s6  }
0xf: {  	[smem:$0x3FB5] =	sst s7  }
0x10: {  	[smem:$0x3FB6] =	sst s8  }
0x11: {  	[smem:$0x3FB7] =	sst s9;
	s0 =	simm.s32 @!p0 $0x0  }
0x12: {  	s1 =	sld [smem:$0x3F9D];
	s0 =	simm.s32 @p0 $0x1  }
0x13: {  	[smem:$0x3FB8] =	sst s0;
	s0 =	simm.s32 @!p1 $0x0  }
0x14: {  	s2 =	sld [smem:$0x3F9C];
	s0 =	simm.s32 @p1 $0x1  }
0x15: {  	[smem:$0x3FB9] =	sst s0;
	s0 =	simm.s32 @!p2 $0x0  }
0x16: {  	s3 =	sld [smem:$0x3FDB];
	s0 =	simm.s32 @p2 $0x1  }
0x17: {  	s4 =	simm.s32 $0x1BF5;
	[smem:$0x3FBB] =	sst s0  }
0x18: {  	s0 =	sld [smem:$0x3F9E];
	_ =	swait.ge [sflag:s4], $0x0  }
0x19: {  	s7 =	sld [smem:$0x3F9F]  }
0x1a: {  	s8 =	sadd.s32 $0xFFFFE003, lr  }
0x1b: {  	s9 =	sadd.s32 $0xFFFFFEF7, lr;
	s5 =	simm.s32 $0xFFFFFFFF;
	p2 =	slt.u32 s8, $0xFFFFF086  }
0x1c: {  	p1 =	slt.u32 s9, $0xF7A;
	s5 =	simm.s32 @!p2 $0x0  }
0x1d: {  	s5 =	simm.s32 @p1 $0x1;
	p0 =	seq.s32 s7, s2  }
0x1e: {  	s7 =	smul.u32 @!p0 $0xF7A, s2;
	p2 =	seq.s32 @!p0 s5, $0x0  }
0x1f: {  	s9 =	smul.u32 $0xF7A, s1;
	s8 =	simm.s32 @!p0 $0x1BF5;
	p2 =	por !p2, p0  }
0x20: {  	[sflag:s8] =	ssyncset.s32 @!p0 $0xFFFFF086;
	s6 =	sadd.s32 @!p0 s3, s7;
	s7 =	simm.s32 @!p0 $0x108  }
0x21: {  	s3 =	sadd.s32 s3, s9;
	s6 =	sadd.s32 @!p0 $0x88, s6;
	s7 =	simm.s32 @p2 $0x1082  }
0x22: {  	[simem:s7], [sflag:s8] =	dma.local @!p0 [hbm:s6], $0xF7A  }
0x23: {  	s9 =	sor.u32 $0xD0000000, s2;
	s6 =	simm.s32 $0x108;
	_ =	swait.ge @!p0 [sflag:s8], $0x0  }
0x24: {  	s3 =	sadd.s32 $0x88, s3;
	s6 =	simm.s32 @!p1 $0x1082;
	[sflag:s4] =	ssyncset.s32 $0xFFFFF086  }
0x25: {  	[simem:s6], [sflag:s4] =	dma.local [hbm:s3], $0xF7A  }
0x26: {  	[smem:$0x3F9F] =	sst s1;
	(tag) =	ssettag s2;
	_ =	strace s9  }
0x27: {  	s1 =	sld [smem:$0x3FAF]  }
0x28: {  	s2 =	sld [smem:$0x3FB0]  }
0x29: {  	s4 =	sld [smem:$0x3FB2]  }
0x2a: {  	p0 =	seq.s32 s5, $0x0;
	s5 =	sld [smem:$0x3FB3]  }
0x2b: {  	s6 =	sld [smem:$0x3FB4]  }
0x2c: {  	s7 =	sld [smem:$0x3FB5]  }
0x2d: {  	s3 =	simm.s32 $0x108;
	s8 =	sld [smem:$0x3FB6]  }
0x2e: {  	s3 =	simm.s32 @!p0 $0x1082;
	s9 =	sld [smem:$0x3FB7]  }
0x2f: {  	lr =	sadd.s32 s0, s3;
	s0 =	sld [smem:$0x3FAE]  }
0x30: {  	s3 =	sld [smem:$0x3FB1]  }
0x31: {  	[smem:$0x3FBA] =	sst s10  }
0x32: {  	s10 =	sld [smem:$0x3FB8];
	_ =	sdelay $0x3  }
0x33: {  	p0 =	seq.s32 s10, $0x1;
	s10 =	sld [smem:$0x3FBA];
	_ =	sdelay $0x3  }
0x34: {  	[smem:$0x3FBA] =	sst s10  }
0x35: {  	s10 =	sld [smem:$0x3FB9];
	_ =	sdelay $0x3  }
0x36: {  	p1 =	seq.s32 s10, $0x1;
	s10 =	sld [smem:$0x3FBA];
	_ =	sdelay $0x3  }
0x37: {  	[smem:$0x3FBA] =	sst s10  }
0x38: {  	s10 =	sld [smem:$0x3FBB]  }
0x39: {  	_ = 	snop;
	(pc) =	sbr.ind lr, $3  }
0x3a: {  	_ = 	snop  }
0x3b: {  	_ = 	snop  }
0x3c: {  	p2 =	seq.s32 s10, $0x1;
	s10 =	sld [smem:$0x3FBA]  }
0x3d: {  	_ =	shalt  }
0x3e: {  	_ =	shalt  }
0x3f: {  	_ =	shalt  }
0x40: {  	_ =	shalt  }
0x41: {  	_ =	shalt  }
0x42: {  	_ =	shalt  }
0x43: {  	_ =	shalt  }
0x44: {  	_ =	shalt  }
0x45: {  	_ =	shalt  }
0x46: {  	_ =	shalt  }
0x47: {  	_ =	shalt  }
0x48: {  	_ =	shalt  }
0x49: {  	_ =	shalt  }
0x4a: {  	_ =	shalt  }
0x4b: {  	_ =	shalt  }
0x4c: {  	_ =	shalt  }
0x4d: {  	_ =	shalt  }
0x4e: {  	_ =	shalt  }
0x4f: {  	_ =	shalt  }
0x50: {  	_ =	shalt  }
0x51: {  	_ =	shalt  }
0x52: {  	_ =	shalt  }
0x53: {  	_ =	shalt  }
0x54: {  	_ =	shalt  }
0x55: {  	_ =	shalt  }
0x56: {  	_ =	shalt  }
0x57: {  	_ =	shalt  }
0x58: {  	_ =	shalt  }
0x59: {  	_ =	shalt  }
0x5a: {  	_ =	shalt  }
0x5b: {  	_ =	shalt  }
0x5c: {  	_ =	shalt  }
0x5d: {  	_ =	shalt  }
0x5e: {  	_ =	shalt  }
0x5f: {  	_ =	shalt  }
0x60: {  	_ =	shalt  }
0x61: {  	_ =	shalt  }
0x62: {  	_ =	shalt  }
0x63: {  	_ =	shalt  }
0x64: {  	_ =	shalt  }
0x65: {  	_ =	shalt  }
0x66: {  	_ =	shalt  }
0x67: {  	_ =	shalt  }
0x68: {  	_ =	shalt  }
0x69: {  	_ =	shalt  }
0x6a: {  	_ =	shalt  }
0x6b: {  	_ =	shalt  }
0x6c: {  	_ =	shalt  }
0x6d: {  	_ =	shalt  }
0x6e: {  	_ =	shalt  }
0x6f: {  	_ =	shalt  }
0x70: {  	_ =	shalt  }
0x71: {  	_ =	shalt  }
0x72: {  	_ =	shalt  }
0x73: {  	_ =	shalt  }
0x74: {  	_ =	shalt  }
0x75: {  	_ =	shalt  }
0x76: {  	_ =	shalt  }
0x77: {  	_ =	shalt  }
0x78: {  	_ =	shalt  }
0x79: {  	_ =	shalt  }
0x7a: {  	_ =	shalt  }
0x7b: {  	_ =	shalt  }
0x7c: {  	_ =	shalt  }
0x7d: {  	_ =	shalt  }
0x7e: {  	_ =	shalt  }
0x7f: {  	_ =	shalt  }
0x80: {  	_ =	shalt  }
0x81: {  	_ =	shalt  }
0x82: {  	_ =	shalt  }
0x83: {  	_ =	shalt  }
0x84: {  	_ =	shalt  }
0x85: {  	_ =	shalt  }
0x86: {  	_ =	shalt  }
0x87: {  	_ =	shalt  }
.Lfunc_end0:
.L_simem_size_0:
called_computation_lowered:
.L_overlay_start_0:
0x88: {  	s2 =	sld [smem:$0x3FD9]  }
0x89: {  	s3 =	sld [smem:$0x3FFE];
	_ =	sdelay $0x1  }
0x8a: {  	s1 =	srdreg.scid  }
0x8b: {  	s0 =	sand.u32 $0x1, s1  }
0x8c: {  	s14 =	sshll.u32 s0, $0xA;
	s2 =	sadd.s32 s3, s2  }
0x8d: {  	s2 =	sadd.s32 s2, s14  }
0x8e: {  	[smem:$0x3FC6] =	sst s2  }
0x8f: {  	_ = 	snop  }
0x90: {  	s2 =	sld [smem:$0x3FD0];
	_ =	sdelay $0x2  }
0x91: {  	s4 =	simm.s32 $0xA;
	s5 =	simm.s32 $0x10;
	s15 =	sld [smem:$0x3FC8]  }
0x92: {  	[smem:s5], [sflag:s4] =	dma.local [hbm:s2], $0x1  }
0x93: {  	_ =	swait.eq [sflag:s4], $0x1  }
0x94: {  	[sflag:s4] =	ssyncset.done $0x0  }
0x95: {  	s16 =	sld [smem:$0x10];
	[sflag:s4] =	ssyncadd.s32 $0xFFFFFFFF  }
0x96: {  	s17 =	sld [smem:$0x11];
	(tm) =	ssettm $0x1  }
0x97: {  	s18 =	sld [smem:$0x3FFB];
	_ =	sdelay $0x3  }
0x98: {  	_ =	strace s18  }
0x99: {  	s5 =	sld [smem:$0x3FFC];
	_ =	sdelay $0x3  }
0x9a: {  	_ =	strace s5  }
0x9b: {  	s5 =	sld [smem:$0x3FFD];
	_ =	sdelay $0x3  }
0x9c: {  	_ =	strace s5  }
0x9d: {  	_ =	strace $0x8FFFFFFF  }
0x9e: {  	s19 =	sld [smem:$0x3FDB];
	_ =	sdelay $0x1  }
0x9f: {  	s6 =	simm.s32 $_scs_section_size  }
0xa0: {  	s7 =	simm.s32 $_size__tile_overlayer_lowered;
	s8 =	simm.s32 $_tile_overlayer_lowered  }
0xa1: {  	s22 =	simm.s32 $0x1BFF;
	s21 =	sshll.u32 s8, $0x1;
	s5 =	sadd.s32 s6, s19  }
0xa2: {  	s9 =	simm.s32 $0x0;
	s20 =	sshll.u32 s7, $0x1;
	s7 =	sadd.s32 s21, s5  }
0xa3: {  	[timem:s9], [sflag:s22] =	dma.local [hbm:s7], s20  }
0xa4: {  	_ =	swait.ge [sflag:s22], s20  }
0xa5: {  	s6 =	ssub.s32 $0x0, s20;
	[sflag:s22] =	ssyncset.done $0x0  }
0xa6: {  	[sflag:s22] =	ssyncadd.s32 s6;
	_ =	sdelay $0x1  }
0xa7: {  	s23 =	simm.s32 $0x1B8B  }
0xa8: {  	_ =	swait.ge [sflag:s23], $0x1  }
0xa9: {  	[sflag:s23] =	ssyncset.done $0x0  }
0xaa: {  	s25 =	simm.s32 $0x1B8E;
	s24 =	sld [smem:$0x3FFE];
	[sflag:s23] =	ssyncadd.s32 $0xFFFFFFFF  }
0xab: {  	s26 =	simm.s32 $execute0_lowered;
	[smem:$0x3FD2] =	sst s25  }
0xac: {  	s7 =	sshll.u32 s26, $0x1;
	_ =	strace $0x80000046;
	[dreg:$0x1] =	wrdreg $0xFFFFFFFF  }
0xad: {  	s28 =	simm.s32 $_size_execute0_lowered;
	s5 =	sadd.s32 s5, s7;
	[dreg:$0x0] =	wrdreg $0x0  }
0xae: {  	s7 =	sshll.u32 s28, $0x1;
	[dreg:$0x2] =	wrdreg s5  }
0xaf: {  	[dreg:$0x3] =	wrdreg s7  }
0xb0: {  	[dreg:$0x4] =	wrdreg $0xC0  }
0xb1: {  	_ =	task [dreg:s9], $0x5FFFF  }
0xb2: {  	[dreg:$0x1] =	wrdreg $0xFFFFFFFF  }
0xb3: {  	[dreg:$0x0] =	wrdreg $0x60  }
0xb4: {  	[dreg:$0x2] =	wrdreg s15  }
0xb5: {  	[dreg:$0x3] =	wrdreg s16  }
0xb6: {  	[dreg:$0x4] =	wrdreg s24  }
0xb7: {  	[dreg:$0x5] =	wrdreg s17  }
0xb8: {  	[dreg:$0x6] =	wrdreg $0x9  }
0xb9: {  	_ =	task.clear_ibuf [dreg:s9], $0x7FFFF;
	_ =	strace $0x90000046  }
0xba: {  	s29 =	simm.s32 $0x9;
	_ =	strace $0x80000048  }
0xbb: {  	_ =	swait.ge [sflag:s29], $0x1  }
0xbc: {  	[sflag:s29] =	ssyncadd.s32 $0xFFFFFFFF  }
0xbd: {  	_ =	strace $0x90000048  }
0xbe: {  	_ =	sfence  }
0xbf: {  	s30 =	sld [smem:$0x0];
	_ =	sdelay $0x2  }
0xc0: {  	s31 =	sshll.u32 s1, $0xD;
	s1 =	sshrl.u32 s1, $0x2  }
0xc1: {  	s3 =	sand.u32 $0x4000, s31;
	s1 =	sadd.s32 s1, s30  }
0xc2: {  	s0 =	sor.u32 s3, s0;
	s1 =	sshll.u32 s1, $0x11  }
0xc3: {  	s0 =	sor.u32 s1, s0  }
0xc4: {  	s0 =	sadd.s32 $0x8F2B, s0  }
0xc5: {  	[sflag:s0] =	ssyncadd.remote.s32 $0x1  }
0xc6: {  	_ =	sfence.sel $0xFFFF  }
0xc7: {  	[dreg:$0x0] =	wrdreg $0xFFFFFFFF;
	(pc) =	sbr.abs _section_cstart, $3  }
0xc8: {  	[dreg:$0x1] =	wrdreg $0xFFFFFFFF  }
0xc9: {  	_ =	task.clear_ibuf [dreg:s9], $0x2FFFF;
	_ =	strace $0x9FFFFFFF  }
0xca: {  	(tm) =	ssettm $0x7FFFFFFF  }
0xcb: {  	_ =	shalt  }
tec
execute0_lowered:
.L_overlay_start_1:
0x0: {  	(tag) =	ssettag $0x1  }
0x1: {  	v0 =	vlaneseq.u32;
	v1 =	vimm.s32 $0xFEDCBA9;
	v4 =	vimm.s32 $0x98765432  }
0x2: {  	v5 =	vimm.s32 $0x210FEDCB;
	v6 =	vimm.s32 $0xA9876543;
	v16 =	vimm.s32 $0xCBA98765  }
0x3: {  	v18 =	vimm.s32 $0x6543210F;
	v19 =	vimm.s32 $0xEDCBA987;
	v20 =	vimm.s32 $0xFEDCBA98  }
0x4: {  	v21 =	vimm.s32 $0x76543210;
	v2 =	vand.u32 $0x7, v0;
	v3 =	vunpack.c.l.s4.s8 v1  }
0x5: {  	v4 =	vunpack.c.l.s4.s8 v4;
	v5 =	vunpack.c.l.s4.s8 v5;
	v18 =	vunpack.c.l.s4.s8 v18  }
0x6: {  	v19 =	vunpack.c.l.s4.s8 v19;
	v1 =	vmul.u32 $0x80, v2;
	v2 =	vimm.s32 $0x87654321  }
0x7: {  	v20 =	vunpack.c.l.s4.s8 v20;
	v8 =	vunpack.c.0.s8.s32 v3;
	v2 =	vunpack.c.l.s4.s8 v2  }
0x8: {  	v3 =	vimm.s32 $0x10FEDCBA;
	v11 =	vunpack.c.0.s8.s32 v4;
	v12 =	vunpack.c.0.s8.s32 v5  }
0x9: {  	v18 =	vunpack.c.0.s8.s32 v18;
	v19 =	vunpack.c.0.s8.s32 v19;
	v3 =	vunpack.c.l.s4.s8 v3  }
0xa: {  	s0 =	rddreg [dreg:$0x0];
	v20 =	vunpack.c.0.s8.s32 v20;
	v9 =	vunpack.c.0.s8.s32 v2;
	v2 =	vunpack.c.l.s4.s8 v6  }
0xb: {  	s1 =	rddreg [dreg:$0x2];
	v24 =	vcombine.low v19, v18;
	v10 =	vunpack.c.0.s8.s32 v3;
	v3 =	vimm.s32 $0x3210FEDC  }
0xc: {  	s2 =	rddreg [dreg:$0x3];
	v20 =	vand.u32 $0xF, v20;
	v13 =	vunpack.c.0.s8.s32 v2;
	v2 =	vunpack.c.l.s4.s8 v3  }
0xd: {  	s3 =	srdreg.scid;
	s9 =	stileid.u32;
	s4 =	simm.s32 $0x0;
	v3 =	vimm.s32 $0xBA987654;
	v4 =	vcombine.low v9, v8;
	v63 =	vcombine.low v8, v9  }
0xe: {  	s19 =	simm.s32 $0x800;
	s20 =	simm.s32 $0x7A1400;
	s22 =	simm.s32 $0x3;
	v9 =	vand.u32 $0xF, v24;
	v5 =	vcombine.low v11, v10;
	v3 =	vunpack.c.l.s4.s8 v3  }
0xf: {  	s28 =	simm.s32 $0x0;
	[smem:$0x7FF] =	sst s4;
	s23 =	sadd.s32 $0xF42C00, s1;
	v11 =	vcombine.low v10, v11;
	v6 =	vcombine.low v13, v12;
	v14 =	vunpack.c.0.s8.s32 v2  }
0x10: {  	s25 =	sadd.s32 $0xF4100, s0;
	_ =	strace $0x80000047;
	[dreg:$0x5] =	wrdreg s23;
	v2 =	vimm.s32 $0x43210FED;
	v12 =	vcombine.low v12, v13;
	v15 =	vunpack.c.0.s8.s32 v3  }
0x11: {  	s3 =	sand.u32 $0x1, s3;
	s26 =	sadd.s32 $0xF4100, s2;
	[dreg:$0x7] =	wrdreg s25;
	v7 =	vunpack.c.l.s4.s8 v2;
	v3 =	vand.u32 $0xF, v5;
	v5 =	vunpack.c.l.s4.s8 v16  }
0x12: {  	s5 =	sshll.u32 s9, $0x1;
	s29 =	sadd.s32 $0xF41C00, s1;
	[dreg:$0x8] =	wrdreg s26;
	v10 =	vand.u32 $0xF, v63;
	v2 =	vand.u32 $0xF, v4;
	v11 =	vand.u32 $0xF, v11  }
0x13: {  	s6 =	sadd.s32 $0xC00, s1;
	s30 =	sadd.s32 $0xF4000, s2;
	[dreg:$0x9] =	wrdreg s29;
	v4 =	vand.u32 $0xF, v6;
	v16 =	vunpack.c.0.s8.s32 v7;
	v17 =	vunpack.c.0.s8.s32 v5  }
0x14: {  	s31 =	sadd.s32 $0xF40C00, s1;
	s7 =	ssub.s32 $0x2, s3;
	[dreg:$0xb] =	wrdreg s30;
	v5 =	vimm.s32 $0x543210FE;
	v7 =	vimm.s32 $0xDCBA9876;
	v13 =	vcombine.low v14, v15  }
0x15: {  	s3 =	sor.u32 s3, s5;
	[dreg:$0xc] =	wrdreg s31;
	s23 =	simm.s32 $0x4;
	v12 =	vand.u32 $0xF, v12;
	v5 =	vunpack.c.l.s4.s8 v5;
	v7 =	vunpack.c.l.s4.s8 v7  }
0x16: {  	s25 =	simm.s32 $0x8000;
	s26 =	simm.s32 $0x5;
	s8 =	sshrl.u32 s7, $0x1;
	v6 =	vcombine.low v15, v14;
	v14 =	vcombine.low v16, v17;
	v13 =	vand.u32 $0xF, v13  }
.Ltmp0:
0x17: {  	s5 =	sshll.u32 s3, $0x8;
	p0 =	sne.s32 s3, $0x6;
	v22 =	vunpack.c.0.s8.s32 v5;
	v23 =	vunpack.c.0.s8.s32 v7;
	v7 =	vunpack.c.l.s4.s8 v21;
	(pc) =	sbr.rel .LBB2_1-.Ltmp0, $4  }
0x18: {  	p1 =	seq.s32 s3, $0x9;
	s11 =	ssub.s32 s7, s8;
	s7 =	sadd.s32 s0, s5;
	v5 =	vand.u32 $0xF, v6;
	v6 =	vcombine.low v17, v16;
	v16 =	vcombine.low v18, v19  }
0x19: {  	p2 =	sne.s32 s3, $0x8;
	s0 =	sadd.s32 $0xF4000, s0;
	s24 =	sadd.s32 $0x2000, s7;
	v7 =	vunpack.c.0.s8.s32 v7;
	v62 =	vcombine.low v23, v22;
	v15 =	vcombine.low v22, v23  }
0x1a: {  	s10 =	sadd.s32 $0x4000, s7;
	[dreg:$0xa] =	wrdreg s0;
	s0 =	sshll.u32 @!p0 s9, $0x6;
	v14 =	vand.u32 $0xF, v14;
	v6 =	vand.u32 $0xF, v6;
	v16 =	vand.u32 $0xF, v16  }
0x1b: {  	s17 =	smax.u32 s11, $0x1;
	[dreg:$0x6] =	wrdreg s24;
	s18 =	sor.u32 @!p0 $0x1C07, s0;
	v7 =	vcombine.low v20, v7;
	v8 =	vand.u32 $0xF, v62;
	v15 =	vand.u32 $0xF, v15  }
.LBB2_13:
0x1c: {  	[hbm4b:s0+s4] =	stream.linear.scatter [tilespmem:s25], [sflag:$0x3], $0x8000, $0x38;
	[tilespmem:$0x18000] =	vst v63  }
0x1d: {  	_ =	swait.ge [sflag:s22], $0x8000  }
0x1e: {  	[sflag:s22] =	ssyncset.done $0x0  }
0x1f: {  	[sflag:s22] =	ssyncadd.s32 $0xFFFF8000  }
0x20: {  	_ =	swait.ge [sflag:s26], $0x4000  }
0x21: {  	[sflag:s26] =	ssyncset.done $0x0  }
0x22: {  	[sflag:s26] =	ssyncadd.s32 $0xFFFFC000  }
.LBB2_14:
0x23: {  	s28 =	sadd.s32 $0x1, s28  }
0x24: {  	p3 =	sne.s32 s28, s17  }
.Ltmp1:
0x25: {  	_ = 	snop;
	(pc) =	sbr.rel @!p3 .LBB2_15-.Ltmp1, $1  }
0x26: {  	_ =	sdelay $0x3  }
.LBB2_1:
0x27: {  	s0 =	rddreg [dreg:$0x1]  }
0x28: {  	s1 =	rddreg [dreg:$0x5]  }
0x29: {  	[hbm:s1], [sflag:s18] =	dma.local @!p0 [hbm:s0], $0x400  }
0x2a: {  	s0 =	simm.s32 @!p0 $0x7  }
0x2b: {  	_ =	swait.ge @!p0 [sflag:s0], $0x400  }
0x2c: {  	[sflag:s0] =	ssyncset.done @!p0 $0x0  }
0x2d: {  	[sflag:s0] =	ssyncadd.s32 @!p0 $0xFFFFFC00  }
0x2e: {  	[tilespmem:s4], [sflag:$0x1] =	stream.strided.gather [hbm4b:s7+s19], $0x4000, s20, s19, $0x38;
	[tilespmem:$0x18000] =	vst v63  }
0x2f: {  	s31 =	simm.s32 $0x4000;
	s29 =	simm.s32 $0x0;
	s30 =	rddreg [dreg:$0x6]  }
0x30: {  	[tilespmem:s31], [sflag:$0x2] =	stream.strided.gather [hbm4b:s30+s19], $0x4000, s20, s19, $0x38;
	[tilespmem:$0x18000] =	vst v63  }
.LBB2_2:
0x31: {  	s0 =	simm.s32 $0x0  }
0x32: {  	s13 =	sand.u32 $0x20, s0;
	s16 =	sand.u32 $0xF0, s0  }
0x33: {  	v17 =	vmov s16;
	s12 =	sor.u32 $0x10, s13  }
0x34: {  	s31 =	sand.u32 $0x1, s29;
	v17 =	vshll.u32 v17, $0x3;
	v27 =	vor.u32 s12, v0  }
0x35: {  	s3 =	sshll.u32 s29, $0xD;
	s30 =	sadd.s32 $0x1, s31;
	v17 =	vand.u32 $0x400, v17;
	v18 =	vshll.u32 v27, $0x8  }
0x36: {  	p3 =	slt.u32 s29, $0x2;
	s1 =	sshll.u32 s31, $0xE;
	_ =	swait.ge [sflag:s30], $0x4000;
	v19 =	vor.u32 s16, v0;
	v17 =	vor.u32 v1, v17;
	v18 =	vand.u32 $0x3800, v18  }
0x37: {  	s11 =	sadd.s32 $0x5, s31;
	[sflag:s30] =	ssyncset.done $0x0;
	s12 =	sor.u32 s5, s3;
	v20 =	vand.u32 $0x7F, v19;
	v28 =	vor.u32 v18, v17  }
0x38: {  	s0 =	sadd.s32 @!p3 $0x3, s31;
	[sflag:s30] =	ssyncadd.s32 $0xFFFFC000;
	s14 =	sadd.s32 s2, s12;
	v18 =	vor.u32 v20, v28  }
0x39: {  	v25 =	vor.u32 s13, v0;
	[hbm4b:s14+s19] =	stream.strided.scatter [tilespmem:s1], [sflag:s11], $0x4000, s20, s19, $0x38;
	[tilespmem:$0x18000] =	vst v63  }
0x3a: {  	v26 =	vshll.u32 v25, $0x8;
	_ =	swait.ge @!p3 [sflag:s0], $0x8000  }
0x3b: {  	v26 =	vand.u32 $0x2800, v26;
	[sflag:s0] =	ssyncset.done @!p3 $0x0  }
0x3c: {  	v21 =	vor.u32 s16, v2;
	v19 =	vshll.u32 v19, $0x7;
	v26 =	vor.u32 v26, v17;
	[sflag:s0] =	ssyncadd.s32 @!p3 $0xFFFF8000  }
0x3d: {  	v22 =	vand.u32 $0x7F, v21;
	v23 =	vor.u32 v27, v19;
	v20 =	vor.u32 v20, v26;
	v18 =	vld.idx.msk [tilespmem:v18+s1+$0x0], $0xffff  }
0x3e: {  	v24 =	vor.u32 v22, v28;
	_ =	sdelay $0x1  }
0x3f: {  	s15 =	sshll.u32 s31, $0xF  }
0x40: {  	s14 =	sadd.s32 $0x8000, s15  }
0x41: {  	v19 =	vor.u32 v25, v19;
	v17 =	vshll.u32 v21, $0x7;
	v20 =	vld.idx.msk [tilespmem:v20+s1+$0x0], $0xffff;
	[tilespmem:v23+s14+$0x0] =	vst.idx.msk $0xffff, v18;
	v18 =	vor.u32 s16, v3  }
0x42: {  	v22 =	vor.u32 v22, v26;
	v21 =	vld.idx.msk [tilespmem:v24+s1+$0x0], $0xffff;
	v23 =	vand.u32 $0x7F, v18;
	v24 =	vor.u32 v27, v17  }
0x43: {  	v29 =	vor.u32 v23, v28;
	_ =	sdelay $0x2  }
0x44: {  	[tilespmem:v19+s14+$0x0] =	vst.idx.msk $0xffff, v20  }
0x45: {  	v18 =	vshll.u32 v18, $0x7;
	v17 =	vor.u32 v25, v17;
	v19 =	vld.idx.msk [tilespmem:v22+s1+$0x0], $0xffff;
	[tilespmem:v24+s14+$0x0] =	vst.idx.msk $0xffff, v21;
	v21 =	vor.u32 s16, v4  }
0x46: {  	v30 =	vor.u32 v27, v18;
	v22 =	vor.u32 v23, v26;
	v24 =	vld.idx.msk [tilespmem:v29+s1+$0x0], $0xffff;
	v29 =	vand.u32 $0x7F, v21  }
0x47: {  	v31 =	vor.u32 v29, v28;
	_ =	sdelay $0x2  }
0x48: {  	[tilespmem:v17+s14+$0x0] =	vst.idx.msk $0xffff, v19  }
0x49: {  	v17 =	vor.u32 v25, v18;
	v20 =	vshll.u32 v21, $0x7;
	v21 =	vor.u32 s16, v5;
	v18 =	vld.idx.msk [tilespmem:v22+s1+$0x0], $0xffff;
	[tilespmem:v30+s14+$0x0] =	vst.idx.msk $0xffff, v24  }
0x4a: {  	v22 =	vor.u32 v29, v26;
	v24 =	vand.u32 $0x7F, v21;
	v30 =	vor.u32 v27, v20;
	v23 =	vld.idx.msk [tilespmem:v31+s1+$0x0], $0xffff  }
0x4b: {  	v31 =	vor.u32 v24, v28;
	_ =	sdelay $0x2  }
0x4c: {  	[tilespmem:v17+s14+$0x0] =	vst.idx.msk $0xffff, v18  }
0x4d: {  	v19 =	vor.u32 s16, v6;
	v21 =	vshll.u32 v21, $0x7;
	v20 =	vor.u32 v25, v20;
	v18 =	vld.idx.msk [tilespmem:v22+s1+$0x0], $0xffff;
	[tilespmem:v30+s14+$0x0] =	vst.idx.msk $0xffff, v23  }
0x4e: {  	s21 =	simm.s32 $0x8;
	v29 =	vand.u32 $0x7F, v19;
	v24 =	vor.u32 v24, v26;
	v30 =	vor.u32 v27, v21;
	v23 =	vld.idx.msk [tilespmem:v31+s1+$0x0], $0xffff  }
0x4f: {  	s24 =	simm.s32 $0x20;
	v32 =	vor.u32 s16, v8;
	s15 =	sand.u32 $0xF0, s21;
	v31 =	vor.u32 v29, v28  }
0x50: {  	s13 =	sand.u32 $0x20, s24;
	v34 =	vand.u32 $0x7F, v32;
	v17 =	vmov s15  }
0x51: {  	s8 =	sor.u32 $0x10, s13;
	v35 =	vor.u32 s15, v0;
	v33 =	vshll.u32 v19, $0x7;
	v19 =	vshll.u32 v17, $0x3  }
0x52: {  	v17 =	vor.u32 s8, v0;
	v22 =	vor.u32 v27, v33;
	v19 =	vand.u32 $0x400, v19;
	[tilespmem:v20+s14+$0x0] =	vst.idx.msk $0xffff, v18  }
0x53: {  	v36 =	vor.u32 v1, v19;
	v21 =	vor.u32 v25, v21;
	v24 =	vld.idx.msk [tilespmem:v24+s1+$0x0], $0xffff;
	[tilespmem:v30+s14+$0x0] =	vst.idx.msk $0xffff, v23  }
0x54: {  	v18 =	vor.u32 s13, v0;
	v29 =	vor.u32 v29, v26;
	v30 =	vshll.u32 v17, $0x8;
	v23 =	vld.idx.msk [tilespmem:v31+s1+$0x0], $0xffff  }
0x55: {  	v20 =	vshll.u32 v18, $0x8;
	v31 =	vor.u32 v34, v28;
	v19 =	vand.u32 $0x3800, v30  }
0x56: {  	v20 =	vand.u32 $0x2800, v20;
	v30 =	vand.u32 $0x7F, v35;
	v19 =	vor.u32 v19, v36  }
0x57: {  	v20 =	vor.u32 v20, v36;
	v37 =	vor.u32 v30, v19  }
0x58: {  	[tilespmem:v21+s14+$0x0] =	vst.idx.msk $0xffff, v24;
	v21 =	vor.u32 v30, v20  }
0x59: {  	[tilespmem:v22+s14+$0x0] =	vst.idx.msk $0xffff, v23;
	v22 =	vshll.u32 v32, $0x7;
	v23 =	vor.u32 s16, v9  }
0x5a: {  	v40 =	vor.u32 s15, v2;
	v31 =	vld.idx.msk [tilespmem:v31+s1+$0x0], $0xffff;
	v60 =	vand.u32 $0x7F, v23;
	v38 =	vor.u32 v27, v22  }
0x5b: {  	v24 =	vor.u32 v25, v33;
	v35 =	vshll.u32 v35, $0x7;
	v29 =	vld.idx.msk [tilespmem:v29+s1+$0x0], $0xffff;
	v39 =	vor.u32 v60, v28  }
0x5c: {  	v41 =	vand.u32 $0x7F, v40;
	v42 =	vor.u32 v17, v35;
	v37 =	vld.idx.msk [tilespmem:v37+s1+$0x0], $0xffff  }
0x5d: {  	v50 =	vshll.u32 v40, $0x7;
	v35 =	vor.u32 v18, v35;
	v61 =	vor.u32 v41, v19;
	v21 =	vld.idx.msk [tilespmem:v21+s1+$0x0], $0xffff  }
0x5e: {  	v51 =	vor.u32 s15, v3;
	v43 =	vor.u32 v17, v50;
	v41 =	vor.u32 v41, v20  }
0x5f: {  	v30 =	vor.u32 s16, v7;
	v23 =	vshll.u32 v23, $0x7;
	[tilespmem:v38+s14+$0x0] =	vst.idx.msk $0xffff, v31;
	v31 =	vor.u32 v34, v26  }
0x60: {  	v56 =	vshll.u32 v51, $0x7;
	v63 =	vand.u32 $0x7F, v30;
	[tilespmem:v24+s14+$0x0] =	vst.idx.msk $0xffff, v29;
	v48 =	vor.u32 v27, v23;
	v62 =	vld.idx.msk [tilespmem:v39+s1+$0x0], $0xffff  }
0x61: {  	v52 =	vand.u32 $0x7F, v51;
	v58 =	vor.u32 v17, v56;
	v49 =	vor.u32 v63, v28;
	[tilespmem:v42+s14+$0x0] =	vst.idx.msk $0xffff, v37  }
0x62: {  	v57 =	vor.u32 s15, v4;
	v44 =	vor.u32 v52, v19;
	v29 =	vshll.u32 v30, $0x7;
	[tilespmem:v35+s14+$0x0] =	vst.idx.msk $0xffff, v21;
	v36 =	vld.idx.msk [tilespmem:v61+s1+$0x0], $0xffff  }
0x63: {  	v30 =	vor.u32 s16, v10;
	v22 =	vor.u32 v25, v22;
	v39 =	vor.u32 v18, v50;
	v41 =	vld.idx.msk [tilespmem:v41+s1+$0x0], $0xffff  }
0x64: {  	v53 =	vand.u32 $0x7F, v30;
	v54 =	vor.u32 v27, v29;
	v42 =	vor.u32 v52, v20;
	v24 =	vld.idx.msk [tilespmem:v31+s1+$0x0], $0xffff  }
0x65: {  	v30 =	vshll.u32 v30, $0x7;
	v29 =	vor.u32 v25, v29;
	v32 =	vor.u32 v60, v26;
	[tilespmem:v48+s14+$0x0] =	vst.idx.msk $0xffff, v62  }
0x66: {  	v55 =	vor.u32 v53, v28;
	v33 =	vor.u32 v53, v26;
	v21 =	vand.u32 $0x7F, v57;
	v31 =	vld.idx.msk [tilespmem:v49+s1+$0x0], $0xffff  }
0x67: {  	v53 =	vor.u32 s16, v12;
	v59 =	vor.u32 v21, v19;
	v21 =	vor.u32 v21, v20;
	[tilespmem:v43+s14+$0x0] =	vst.idx.msk $0xffff, v36  }
0x68: {  	v62 =	vor.u32 v27, v30;
	[tilespmem:v39+s14+$0x0] =	vst.idx.msk $0xffff, v41;
	v30 =	vor.u32 v25, v30;
	v43 =	vld.idx.msk [tilespmem:v44+s1+$0x0], $0xffff  }
0x69: {  	v48 =	vshll.u32 v57, $0x7;
	v49 =	vor.u32 s15, v5;
	v42 =	vld.idx.msk [tilespmem:v42+s1+$0x0], $0xffff;
	[tilespmem:v22+s14+$0x0] =	vst.idx.msk $0xffff, v24;
	v24 =	vor.u32 v18, v56  }
0x6a: {  	v50 =	vor.u32 v17, v48;
	v51 =	vand.u32 $0x7F, v49;
	v22 =	vor.u32 v25, v23;
	v32 =	vld.idx.msk [tilespmem:v32+s1+$0x0], $0xffff  }
0x6b: {  	v40 =	vshll.u32 v49, $0x7;
	v23 =	vor.u32 v63, v26;
	[tilespmem:v54+s14+$0x0] =	vst.idx.msk $0xffff, v31;
	v31 =	vor.u32 s16, v11  }
0x6c: {  	v52 =	vor.u32 v51, v19;
	v54 =	vor.u32 v51, v20;
	v60 =	vld.idx.msk [tilespmem:v55+s1+$0x0], $0xffff;
	v61 =	vand.u32 $0x7F, v31  }
0x6d: {  	[tilespmem:v58+s14+$0x0] =	vst.idx.msk $0xffff, v43;
	v31 =	vshll.u32 v31, $0x7;
	v58 =	vand.u32 $0x7F, v53;
	v63 =	vor.u32 v61, v28  }
0x6e: {  	v43 =	vld.idx.msk [tilespmem:v59+s1+$0x0], $0xffff;
	v36 =	vor.u32 v61, v26;
	v37 =	vor.u32 v25, v31;
	[tilespmem:v24+s14+$0x0] =	vst.idx.msk $0xffff, v42  }
0x6f: {  	v31 =	vor.u32 v27, v31;
	[tilespmem:v22+s14+$0x0] =	vst.idx.msk $0xffff, v32;
	v22 =	vor.u32 v18, v48;
	v45 =	vld.idx.msk [tilespmem:v21+s1+$0x0], $0xffff  }
0x70: {  	v39 =	vor.u32 v58, v26;
	v59 =	vor.u32 s15, v6;
	v38 =	vor.u32 v58, v28;
	v23 =	vld.idx.msk [tilespmem:v23+s1+$0x0], $0xffff  }
0x71: {  	v61 =	vor.u32 v18, v40;
	v40 =	vor.u32 v17, v40;
	v24 =	vand.u32 $0x7F, v59;
	[tilespmem:v62+s14+$0x0] =	vst.idx.msk $0xffff, v60  }
0x72: {  	s9 =	simm.s32 $0x10;
	v41 =	vshll.u32 v59, $0x7;
	v44 =	vor.u32 v24, v20;
	v24 =	vor.u32 v24, v19;
	v35 =	vld.idx.msk [tilespmem:v63+s1+$0x0], $0xffff  }
0x73: {  	s13 =	sand.u32 $0xF0, s9;
	v21 =	vshll.u32 v53, $0x7;
	v56 =	vor.u32 v17, v41;
	v41 =	vor.u32 v18, v41;
	[tilespmem:v50+s14+$0x0] =	vst.idx.msk $0xffff, v43  }
0x74: {  	s21 =	simm.s32 $0x40;
	v57 =	vor.u32 s13, v0;
	v46 =	vor.u32 v25, v21;
	v62 =	vor.u32 s16, v13;
	v60 =	vld.idx.msk [tilespmem:v52+s1+$0x0], $0xffff;
	[tilespmem:v22+s14+$0x0] =	vst.idx.msk $0xffff, v45  }
0x75: {  	s21 =	sand.u32 $0x20, s21;
	v63 =	vor.u32 s16, v14;
	v43 =	vshll.u32 v57, $0x7;
	[tilespmem:v29+s14+$0x0] =	vst.idx.msk $0xffff, v23;
	v29 =	vand.u32 $0x7F, v62  }
0x76: {  	s24 =	sor.u32 $0x10, s21;
	v23 =	vor.u32 v27, v21;
	v21 =	vmov s13;
	v34 =	vld.idx.msk [tilespmem:v54+s1+$0x0], $0xffff;
	v47 =	vor.u32 v29, v28  }
0x77: {  	v33 =	vld.idx.msk [tilespmem:v33+s1+$0x0], $0xffff;
	v55 =	vshll.u32 v21, $0x3;
	v21 =	vor.u32 s24, v0;
	[tilespmem:v31+s14+$0x0] =	vst.idx.msk $0xffff, v35;
	v31 =	vor.u32 s15, v8  }
0x78: {  	v49 =	vshll.u32 v21, $0x8;
	v54 =	vor.u32 v21, v43;
	v35 =	vshll.u32 v63, $0x7  }
0x79: {  	v48 =	vand.u32 $0x7F, v31;
	[tilespmem:v40+s14+$0x0] =	vst.idx.msk $0xffff, v60;
	v40 =	vand.u32 $0x400, v55;
	v22 =	vand.u32 $0x3800, v49  }
0x7a: {  	v38 =	vld.idx.msk [tilespmem:v38+s1+$0x0], $0xffff;
	v31 =	vshll.u32 v31, $0x7;
	v60 =	vor.u32 s15, v9;
	v55 =	vor.u32 s16, v15  }
0x7b: {  	v24 =	vld.idx.msk [tilespmem:v24+s1+$0x0], $0xffff;
	v50 =	vor.u32 v48, v19;
	v40 =	vor.u32 v1, v40;
	[tilespmem:v61+s14+$0x0] =	vst.idx.msk $0xffff, v34  }
0x7c: {  	v52 =	vand.u32 $0x7F, v60;
	v22 =	vor.u32 v22, v40;
	[tilespmem:v30+s14+$0x0] =	vst.idx.msk $0xffff, v33;
	v30 =	vand.u32 $0x7F, v57  }
0x7d: {  	v53 =	vor.u32 v17, v31;
	v48 =	vor.u32 v48, v20;
	v44 =	vld.idx.msk [tilespmem:v44+s1+$0x0], $0xffff;
	v58 =	vor.u32 v30, v22  }
0x7e: {  	v42 =	vshll.u32 v60, $0x7;
	v60 =	vor.u32 s15, v7;
	v31 =	vor.u32 v18, v31  }
0x7f: {  	v61 =	vor.u32 v52, v19;
	v33 =	vshll.u32 v62, $0x7;
	v36 =	vld.idx.msk [tilespmem:v36+s1+$0x0], $0xffff;
	[tilespmem:v23+s14+$0x0] =	vst.idx.msk $0xffff, v38;
	v23 =	vor.u32 s21, v0  }
0x80: {  	v59 =	vor.u32 v27, v33;
	v38 =	vand.u32 $0x7F, v63;
	v47 =	vld.idx.msk [tilespmem:v47+s1+$0x0], $0xffff;
	[tilespmem:v56+s14+$0x0] =	vst.idx.msk $0xffff, v24;
	v24 =	vshll.u32 v23, $0x8  }
0x81: {  	v62 =	vor.u32 s13, v2;
	v51 =	vor.u32 v38, v28;
	v50 =	vld.idx.msk [tilespmem:v50+s1+$0x0], $0xffff;
	v24 =	vand.u32 $0x2800, v24  }
0x82: {  	v56 =	vor.u32 v17, v42;
	v24 =	vor.u32 v24, v40;
	[tilespmem:v41+s14+$0x0] =	vst.idx.msk $0xffff, v44;
	v32 =	vld.idx.msk [tilespmem:v58+s1+$0x0], $0xffff  }
0x83: {  	v43 =	vor.u32 v23, v43;
	v40 =	vand.u32 $0x7F, v62;
	v30 =	vor.u32 v30, v24;
	v48 =	vld.idx.msk [tilespmem:v48+s1+$0x0], $0xffff  }
0x84: {  	v45 =	vshll.u32 v62, $0x7;
	v38 =	vor.u32 v38, v26;
	v63 =	vor.u32 v40, v22;
	[tilespmem:v37+s14+$0x0] =	vst.idx.msk $0xffff, v36  }
0x85: {  	v36 =	vand.u32 $0x7F, v55;
	v37 =	vor.u32 v27, v35;
	v55 =	vshll.u32 v55, $0x7;
	v39 =	vld.idx.msk [tilespmem:v39+s1+$0x0], $0xffff;
	[tilespmem:v59+s14+$0x0] =	vst.idx.msk $0xffff, v47  }
0x86: {  	v49 =	vld.idx.msk [tilespmem:v51+s1+$0x0], $0xffff;
	[tilespmem:v53+s14+$0x0] =	vst.idx.msk $0xffff, v50;
	v51 =	vor.u32 v36, v28;
	v53 =	vand.u32 $0x7F, v60;
	v60 =	vshll.u32 v60, $0x7  }
0x87: {  	v34 =	vld.idx.msk [tilespmem:v61+s1+$0x0], $0xffff;
	v50 =	vor.u32 v17, v60;
	v58 =	vor.u32 v18, v60;
	[tilespmem:v54+s14+$0x0] =	vst.idx.msk $0xffff, v32  }
0x88: {  	v47 =	vor.u32 s13, v4;
	v32 =	vor.u32 v53, v19;
	v54 =	vor.u32 s13, v3;
	v30 =	vld.idx.msk [tilespmem:v30+s1+$0x0], $0xffff;
	[tilespmem:v31+s14+$0x0] =	vst.idx.msk $0xffff, v48  }
0x89: {  	v53 =	vor.u32 v53, v20;
	v61 =	vld.idx.msk [tilespmem:v63+s1+$0x0], $0xffff;
	v62 =	vand.u32 $0x7F, v54;
	v63 =	vor.u32 v21, v45  }
0x8a: {  	v45 =	vor.u32 v23, v45;
	[tilespmem:v46+s14+$0x0] =	vst.idx.msk $0xffff, v39;
	v39 =	vor.u32 s15, v10;
	v46 =	vor.u32 v52, v20  }
0x8b: {  	v57 =	vor.u32 v62, v22;
	v31 =	vand.u32 $0x7F, v39;
	v44 =	vor.u32 v62, v24;
	[tilespmem:v37+s14+$0x0] =	vst.idx.msk $0xffff, v49  }
0x8c: {  	v37 =	vor.u32 v40, v24;
	v40 =	vor.u32 s16, v16;
	v49 =	vor.u32 v27, v55;
	[tilespmem:v56+s14+$0x0] =	vst.idx.msk $0xffff, v34  }
0x8d: {  	v62 =	vor.u32 v31, v19;
	v59 =	vor.u32 v31, v20;
	v56 =	vand.u32 $0x7F, v40;
	v32 =	vld.idx.msk [tilespmem:v32+s1+$0x0], $0xffff  }
0x8e: {  	v60 =	vor.u32 s15, v11;
	v31 =	vshll.u32 v39, $0x7;
	v28 =	vor.u32 v56, v28;
	[tilespmem:v63+s14+$0x0] =	vst.idx.msk $0xffff, v61;
	v63 =	vld.idx.msk [tilespmem:v51+s1+$0x0], $0xffff  }
0x8f: {  	[tilespmem:v43+s14+$0x0] =	vst.idx.msk $0xffff, v30;
	v30 =	vand.u32 $0x7F, v47;
	v61 =	vshll.u32 v54, $0x7;
	v51 =	vor.u32 v18, v42;
	v46 =	vld.idx.msk [tilespmem:v46+s1+$0x0], $0xffff  }
0x90: {  	v48 =	vld.idx.msk [tilespmem:v57+s1+$0x0], $0xffff;
	v52 =	vor.u32 v21, v61;
	v57 =	vshll.u32 v40, $0x7;
	v40 =	vor.u32 v30, v22  }
0x91: {  	v41 =	vor.u32 v23, v61;
	v30 =	vor.u32 v30, v24;
	v61 =	vand.u32 $0x7F, v60;
	v37 =	vld.idx.msk [tilespmem:v37+s1+$0x0], $0xffff  }
0x92: {  	v54 =	vor.u32 s15, v12;
	v27 =	vor.u32 v27, v57;
	v34 =	vor.u32 v61, v20;
	[tilespmem:v50+s14+$0x0] =	vst.idx.msk $0xffff, v32  }
0x93: {  	v32 =	vor.u32 v18, v31;
	v31 =	vor.u32 v17, v31;
	v62 =	vld.idx.msk [tilespmem:v62+s1+$0x0], $0xffff;
	[tilespmem:v49+s14+$0x0] =	vst.idx.msk $0xffff, v63  }
0x94: {  	v63 =	vshll.u32 v47, $0x7;
	v47 =	vor.u32 s13, v5;
	v49 =	vor.u32 v29, v26;
	[tilespmem:v51+s14+$0x0] =	vst.idx.msk $0xffff, v46;
	v28 =	vld.idx.msk [tilespmem:v28+s1+$0x0], $0xffff  }
0x95: {  	v39 =	vor.u32 v61, v19;
	v51 =	vand.u32 $0x7F, v54;
	[tilespmem:v52+s14+$0x0] =	vst.idx.msk $0xffff, v48;
	v29 =	vand.u32 $0x7F, v47;
	v53 =	vld.idx.msk [tilespmem:v53+s1+$0x0], $0xffff  }
0x96: {  	v42 =	vor.u32 v23, v63;
	v40 =	vld.idx.msk [tilespmem:v40+s1+$0x0], $0xffff;
	[tilespmem:v45+s14+$0x0] =	vst.idx.msk $0xffff, v37;
	v37 =	vor.u32 v21, v63  }
0x97: {  	v52 =	vor.u32 v25, v33;
	v43 =	vor.u32 v29, v24;
	v45 =	vor.u32 v29, v22  }
0x98: {  	v29 =	vor.u32 v25, v35;
	v35 =	vor.u32 v51, v20;
	v44 =	vld.idx.msk [tilespmem:v44+s1+$0x0], $0xffff;
	[tilespmem:v31+s14+$0x0] =	vst.idx.msk $0xffff, v62  }
0x99: {  	v63 =	vor.u32 v51, v19;
	v31 =	vshll.u32 v60, $0x7;
	v61 =	vld.idx.msk [tilespmem:v49+s1+$0x0], $0xffff;
	[tilespmem:v27+s14+$0x0] =	vst.idx.msk $0xffff, v28  }
0x9a: {  	v39 =	vld.idx.msk [tilespmem:v39+s1+$0x0], $0xffff;
	v33 =	vor.u32 v18, v31;
	v60 =	vor.u32 v17, v31;
	[tilespmem:v58+s14+$0x0] =	vst.idx.msk $0xffff, v53  }
0x9b: {  	v27 =	vshll.u32 v47, $0x7;
	v31 =	vor.u32 v36, v26;
	[tilespmem:v37+s14+$0x0] =	vst.idx.msk $0xffff, v40;
	v40 =	vor.u32 s13, v6  }
0x9c: {  	v26 =	vor.u32 v56, v26;
	v51 =	vor.u32 v21, v27;
	v48 =	vld.idx.msk [tilespmem:v45+s1+$0x0], $0xffff;
	v28 =	vand.u32 $0x7F, v40  }
0x9d: {  	v46 =	vor.u32 v23, v27;
	[tilespmem:v41+s14+$0x0] =	vst.idx.msk $0xffff, v44;
	v45 =	vld.idx.msk [tilespmem:v59+s1+$0x0], $0xffff;
	v50 =	vor.u32 v28, v22  }
0x9e: {  	v27 =	vor.u32 v25, v55;
	v25 =	vor.u32 v25, v57;
	v49 =	vld.idx.msk [tilespmem:v30+s1+$0x0], $0xffff;
	[tilespmem:v52+s14+$0x0] =	vst.idx.msk $0xffff, v61  }
0x9f: {  	v47 =	vor.u32 v28, v24;
	v30 =	vshll.u32 v54, $0x7;
	[tilespmem:v60+s14+$0x0] =	vst.idx.msk $0xffff, v39;
	v39 =	vor.u32 s15, v13;
	v38 =	vld.idx.msk [tilespmem:v38+s1+$0x0], $0xffff  }
0xa0: {  	s0 =	simm.s32 $0x18;
	s21 =	simm.s32 $0x60;
	s16 =	simm.s32 $0x4;
	v37 =	vor.u32 v18, v30;
	v44 =	vor.u32 v17, v30;
	v41 =	vld.idx.msk [tilespmem:v63+s1+$0x0], $0xffff;
	v28 =	vand.u32 $0x7F, v39  }
.LBB2_3:
0xa1: {  	s8 =	sand.u32 $0x20, s21;
	s24 =	sand.u32 $0xF0, s0;
	s16 =	sadd.s32 $0x2, s16;
	v52 =	vor.u32 s13, v8;
	[tilespmem:v51+s14+$0x0] =	vst.idx.msk $0xffff, v48;
	v48 =	vor.u32 s15, v14;
	v51 =	vor.u32 v28, v19;
	v30 =	vmovc v23  }
0xa2: {  	v53 =	vshll.u32 v40, $0x7;
	v36 =	vmovc v20;
	v20 =	vmovc v24;
	v23 =	vmov s24;
	s9 =	sor.u32 $0x10, s8;
	p3 =	slt.u32 s16, $0x3E;
	v54 =	vand.u32 $0x7F, v52;
	v50 =	vld.idx.msk [tilespmem:v50+s1+$0x0], $0xffff  }
0xa3: {  	v24 =	vor.u32 v21, v53;
	v23 =	vshll.u32 v23, $0x3;
	v40 =	vor.u32 s9, v0;
	[tilespmem:v42+s14+$0x0] =	vst.idx.msk $0xffff, v49  }
0xa4: {  	v49 =	vor.u32 v54, v22;
	v23 =	vand.u32 $0x400, v23;
	v42 =	vshll.u32 v40, $0x8;
	v43 =	vld.idx.msk [tilespmem:v43+s1+$0x0], $0xffff;
	[tilespmem:v32+s14+$0x0] =	vst.idx.msk $0xffff, v45  }
0xa5: {  	v32 =	vor.u32 s24, v0;
	v45 =	vor.u32 v1, v23;
	v23 =	vand.u32 $0x3800, v42;
	v34 =	vld.idx.msk [tilespmem:v34+s1+$0x0], $0xffff;
	[tilespmem:v44+s14+$0x0] =	vst.idx.msk $0xffff, v41  }
0xa6: {  	v39 =	vshll.u32 v39, $0x7;
	v41 =	vand.u32 $0x7F, v32;
	v42 =	vor.u32 v23, v45;
	v44 =	vld.idx.msk [tilespmem:v51+s1+$0x0], $0xffff;
	[tilespmem:v29+s14+$0x0] =	vst.idx.msk $0xffff, v38  }
0xa7: {  	v29 =	vand.u32 $0x7F, v48;
	v51 =	vor.u32 v17, v39;
	v38 =	vor.u32 v41, v42;
	v55 =	vld.idx.msk [tilespmem:v31+s1+$0x0], $0xffff  }
0xa8: {  	v53 =	vor.u32 v30, v53;
	v23 =	vor.u32 s8, v0;
	v31 =	vor.u32 v29, v19;
	[tilespmem:v24+s14+$0x0] =	vst.idx.msk $0xffff, v50  }
0xa9: {  	v24 =	vshll.u32 v23, $0x8;
	v50 =	vshll.u32 v52, $0x7;
	v52 =	vor.u32 s13, v9;
	v49 =	vld.idx.msk [tilespmem:v49+s1+$0x0], $0xffff  }
0xaa: {  	v24 =	vand.u32 $0x2800, v24;
	[tilespmem:v46+s14+$0x0] =	vst.idx.msk $0xffff, v43;
	v43 =	vand.u32 $0x7F, v52;
	v46 =	vor.u32 v21, v50  }
0xab: {  	v24 =	vor.u32 v24, v45;
	v45 =	vld.idx.msk [tilespmem:v47+s1+$0x0], $0xffff;
	v47 =	vor.u32 v54, v20;
	v54 =	vor.u32 v43, v22  }
0xac: {  	v57 =	vor.u32 s15, v15;
	v56 =	vor.u32 s24, v2;
	v32 =	vshll.u32 v32, $0x7;
	v38 =	vld.idx.msk [tilespmem:v38+s1+$0x0], $0xffff;
	[tilespmem:v51+s14+$0x0] =	vst.idx.msk $0xffff, v44  }
0xad: {  	v44 =	vand.u32 $0x7F, v56;
	v51 =	vor.u32 v40, v32;
	[tilespmem:v33+s14+$0x0] =	vst.idx.msk $0xffff, v34;
	v33 =	vshll.u32 v48, $0x7;
	v34 =	vld.idx.msk [tilespmem:v31+s1+$0x0], $0xffff  }
0xae: {  	v48 =	vor.u32 v44, v42;
	v31 =	vand.u32 $0x7F, v57;
	v35 =	vld.idx.msk [tilespmem:v35+s1+$0x0], $0xffff;
	v58 =	vor.u32 v17, v33  }
0xaf: {  	v41 =	vor.u32 v41, v24;
	[tilespmem:v46+s14+$0x0] =	vst.idx.msk $0xffff, v49;
	v46 =	vor.u32 v31, v19  }
0xb0: {  	v32 =	vor.u32 v23, v32;
	v49 =	vshll.u32 v52, $0x7;
	v52 =	vor.u32 s13, v7;
	v54 =	vld.idx.msk [tilespmem:v54+s1+$0x0], $0xffff;
	[tilespmem:v27+s14+$0x0] =	vst.idx.msk $0xffff, v55  }
0xb1: {  	v27 =	vor.u32 v44, v24;
	v44 =	vand.u32 $0x7F, v52;
	[tilespmem:v53+s14+$0x0] =	vst.idx.msk $0xffff, v45;
	v45 =	vor.u32 v21, v49  }
0xb2: {  	[tilespmem:v51+s14+$0x0] =	vst.idx.msk $0xffff, v38;
	v38 =	vld.idx.msk [tilespmem:v47+s1+$0x0], $0xffff;
	v47 =	vor.u32 v30, v50;
	v50 =	vor.u32 v44, v22  }
0xb3: {  	v55 =	vor.u32 s15, v16;
	s15 =	smov.u32 s13;
	s13 =	smov.u32 s24;
	v53 =	vor.u32 s24, v3;
	v51 =	vshll.u32 v56, $0x7;
	v48 =	vld.idx.msk [tilespmem:v48+s1+$0x0], $0xffff;
	[tilespmem:v58+s14+$0x0] =	vst.idx.msk $0xffff, v34  }
0xb4: {  	v34 =	vand.u32 $0x7F, v53;
	v56 =	vor.u32 v40, v51;
	[tilespmem:v37+s14+$0x0] =	vst.idx.msk $0xffff, v35;
	v37 =	vshll.u32 v57, $0x7;
	v35 =	vld.idx.msk [tilespmem:v46+s1+$0x0], $0xffff  }
0xb5: {  	v46 =	vor.u32 v34, v42;
	v57 =	vand.u32 $0x7F, v55;
	v41 =	vld.idx.msk [tilespmem:v41+s1+$0x0], $0xffff;
	v58 =	vor.u32 v17, v37  }
0xb6: {  	v51 =	vor.u32 v23, v51;
	[tilespmem:v45+s14+$0x0] =	vst.idx.msk $0xffff, v54;
	v45 =	vor.u32 v57, v19;
	v26 =	vld.idx.msk [tilespmem:v26+s1+$0x0], $0xffff  }
0xb7: {  	v54 =	vor.u32 v34, v24;
	v34 =	vshll.u32 v52, $0x7;
	v52 =	vor.u32 s15, v10;
	v19 =	vmovc v22;
	v22 =	vmovc v42;
	v50 =	vld.idx.msk [tilespmem:v50+s1+$0x0], $0xffff  }
0xb8: {  	v42 =	vand.u32 $0x7F, v52;
	[tilespmem:v47+s14+$0x0] =	vst.idx.msk $0xffff, v38;
	v38 =	vor.u32 v43, v20;
	v43 =	vor.u32 v21, v34  }
0xb9: {  	v47 =	vor.u32 v30, v49;
	[tilespmem:v56+s14+$0x0] =	vst.idx.msk $0xffff, v48;
	v48 =	vor.u32 v42, v19  }
0xba: {  	v44 =	vor.u32 v44, v20;
	v49 =	vshll.u32 v53, $0x7;
	v53 =	vor.u32 s13, v4;
	v46 =	vld.idx.msk [tilespmem:v46+s1+$0x0], $0xffff;
	[tilespmem:v58+s14+$0x0] =	vst.idx.msk $0xffff, v35  }
0xbb: {  	v55 =	vshll.u32 v55, $0x7;
	v35 =	vor.u32 v40, v49;
	[tilespmem:v32+s14+$0x0] =	vst.idx.msk $0xffff, v41;
	v32 =	vand.u32 $0x7F, v53;
	v41 =	vld.idx.msk [tilespmem:v45+s1+$0x0], $0xffff  }
0xbc: {  	v56 =	vor.u32 v17, v55;
	v45 =	vor.u32 v23, v49;
	v27 =	vld.idx.msk [tilespmem:v27+s1+$0x0], $0xffff;
	v49 =	vor.u32 v32, v22  }
0xbd: {  	v59 =	vor.u32 v30, v34;
	v58 =	vor.u32 v32, v24;
	v38 =	vld.idx.msk [tilespmem:v38+s1+$0x0], $0xffff;
	[tilespmem:v43+s14+$0x0] =	vst.idx.msk $0xffff, v50  }
0xbe: {  	v60 =	vor.u32 v42, v20;
	v34 =	vshll.u32 v52, $0x7;
	v50 =	vor.u32 s15, v11;
	v48 =	vld.idx.msk [tilespmem:v48+s1+$0x0], $0xffff;
	[tilespmem:v25+s14+$0x0] =	vst.idx.msk $0xffff, v26  }
0xbf: {  	v17 =	vmovc v21;
	v32 =	vor.u32 v30, v34;
	v25 =	vand.u32 $0x7F, v50;
	v26 =	vor.u32 v21, v34;
	v21 =	vmovc v40  }
0xc0: {  	v34 =	vor.u32 v25, v20;
	v25 =	vor.u32 v25, v19;
	[tilespmem:v35+s14+$0x0] =	vst.idx.msk $0xffff, v46  }
0xc1: {  	v28 =	vor.u32 v28, v36;
	v40 =	vor.u32 s13, v5;
	v35 =	vshll.u32 v53, $0x7;
	v46 =	vld.idx.msk [tilespmem:v49+s1+$0x0], $0xffff;
	[tilespmem:v56+s14+$0x0] =	vst.idx.msk $0xffff, v41  }
0xc2: {  	v42 =	vor.u32 v23, v35;
	v35 =	vor.u32 v21, v35;
	[tilespmem:v51+s14+$0x0] =	vst.idx.msk $0xffff, v27;
	v27 =	vand.u32 $0x7F, v40  }
0xc3: {  	v41 =	vld.idx.msk [tilespmem:v54+s1+$0x0], $0xffff;
	v43 =	vor.u32 v27, v24;
	v27 =	vor.u32 v27, v22;
	[tilespmem:v47+s14+$0x0] =	vst.idx.msk $0xffff, v38  }
0xc4: {  	v52 =	vor.u32 v29, v36;
	v38 =	vld.idx.msk [tilespmem:v44+s1+$0x0], $0xffff;
	[tilespmem:v26+s14+$0x0] =	vst.idx.msk $0xffff, v48;
	v44 =	vor.u32 v18, v39  }
0xc5: {  	v29 =	vor.u32 v18, v33;
	v26 =	vshll.u32 v50, $0x7;
	v39 =	vor.u32 s15, v12;
	v25 =	vld.idx.msk [tilespmem:v25+s1+$0x0], $0xffff  }
0xc6: {  	v33 =	vor.u32 v30, v26;
	v47 =	vand.u32 $0x7F, v39;
	v26 =	vor.u32 v17, v26;
	v28 =	vld.idx.msk [tilespmem:v28+s1+$0x0], $0xffff  }
0xc7: {  	v53 =	vor.u32 v47, v19;
	[tilespmem:v35+s14+$0x0] =	vst.idx.msk $0xffff, v46;
	v35 =	vor.u32 v47, v20  }
0xc8: {  	v31 =	vor.u32 v31, v36;
	v47 =	vshll.u32 v40, $0x7;
	v40 =	vor.u32 s13, v6;
	v48 =	vld.idx.msk [tilespmem:v27+s1+$0x0], $0xffff  }
.Ltmp2:
0xc9: {  	v46 =	vor.u32 v23, v47;
	v27 =	vand.u32 $0x7F, v40;
	v51 =	vor.u32 v21, v47;
	[tilespmem:v45+s14+$0x0] =	vst.idx.msk $0xffff, v41;
	(pc) =	sbr.rel @p3 .LBB2_3-.Ltmp2, $4  }
0xca: {  	v47 =	vor.u32 v27, v24;
	v50 =	vor.u32 v27, v22;
	v49 =	vld.idx.msk [tilespmem:v58+s1+$0x0], $0xffff;
	[tilespmem:v59+s14+$0x0] =	vst.idx.msk $0xffff, v38  }
0xcb: {  	v27 =	vor.u32 v18, v37;
	v45 =	vld.idx.msk [tilespmem:v60+s1+$0x0], $0xffff;
	[tilespmem:v26+s14+$0x0] =	vst.idx.msk $0xffff, v25;
	v26 =	vor.u32 v57, v36  }
0xcc: {  	v36 =	vshll.u32 v39, $0x7;
	v39 =	vor.u32 s15, v13;
	v25 =	vor.u32 v18, v55;
	v41 =	vld.idx.msk [tilespmem:v53+s1+$0x0], $0xffff;
	[tilespmem:v44+s14+$0x0] =	vst.idx.msk $0xffff, v28  }
0xcd: {  	s0 =	sadd.s32 $0x8, s0;
	s21 =	sadd.s32 $0x20, s21;
	v18 =	vmovc v30;
	v37 =	vor.u32 v30, v36;
	v28 =	vand.u32 $0x7F, v39;
	v44 =	vor.u32 v17, v36;
	v38 =	vld.idx.msk [tilespmem:v52+s1+$0x0], $0xffff  }
0xce: {  	_ =	sdelay $0x3  }
0xcf: {  	[tilespmem:v42+s14+$0x0] =	vst.idx.msk $0xffff, v49  }
0xd0: {  	v30 =	vld.idx.msk [tilespmem:v43+s1+$0x0], $0xffff;
	_ =	sdelay $0x3  }
0xd1: {  	v36 =	vor.u32 s13, v8;
	[tilespmem:v51+s14+$0x0] =	vst.idx.msk $0xffff, v48;
	v40 =	vshll.u32 v40, $0x7  }
0xd2: {  	v58 =	vand.u32 $0x7F, v36;
	v59 =	vld.idx.msk [tilespmem:v50+s1+$0x0], $0xffff;
	v60 =	vor.u32 v21, v40;
	[tilespmem:v46+s14+$0x0] =	vst.idx.msk $0xffff, v30  }
0xd3: {  	v40 =	vor.u32 v23, v40;
	v61 =	vor.u32 v58, v22;
	v46 =	vld.idx.msk [tilespmem:v47+s1+$0x0], $0xffff  }
0xd4: {  	v42 =	vor.u32 v58, v24;
	_ =	sdelay $0x2  }
0xd5: {  	v62 =	vor.u32 s13, v9;
	v36 =	vshll.u32 v36, $0x7;
	[tilespmem:v60+s14+$0x0] =	vst.idx.msk $0xffff, v59  }
0xd6: {  	v63 =	vand.u32 $0x7F, v62;
	v52 =	vor.u32 v21, v36;
	v30 =	vld.idx.msk [tilespmem:v61+s1+$0x0], $0xffff;
	[tilespmem:v40+s14+$0x0] =	vst.idx.msk $0xffff, v46  }
0xd7: {  	v53 =	vor.u32 v63, v22;
	v36 =	vor.u32 v23, v36;
	v42 =	vld.idx.msk [tilespmem:v42+s1+$0x0], $0xffff  }
0xd8: {  	v54 =	vor.u32 v63, v24;
	_ =	sdelay $0x2  }
0xd9: {  	v56 =	vor.u32 s13, v7;
	v55 =	vshll.u32 v62, $0x7;
	[tilespmem:v52+s14+$0x0] =	vst.idx.msk $0xffff, v30  }
0xda: {  	v57 =	vand.u32 $0x7F, v56;
	v58 =	vor.u32 v21, v55;
	v40 =	vld.idx.msk [tilespmem:v53+s1+$0x0], $0xffff;
	[tilespmem:v36+s14+$0x0] =	vst.idx.msk $0xffff, v42  }
0xdb: {  	v59 =	vor.u32 v57, v22;
	v30 =	vor.u32 v23, v55;
	v42 =	vld.idx.msk [tilespmem:v54+s1+$0x0], $0xffff  }
0xdc: {  	v60 =	vor.u32 v57, v24;
	_ =	sdelay $0x2  }
0xdd: {  	v62 =	vor.u32 s13, v10;
	v61 =	vshll.u32 v56, $0x7;
	[tilespmem:v58+s14+$0x0] =	vst.idx.msk $0xffff, v40  }
0xde: {  	v63 =	vand.u32 $0x7F, v62;
	v52 =	vor.u32 v21, v61;
	v36 =	vld.idx.msk [tilespmem:v59+s1+$0x0], $0xffff;
	[tilespmem:v30+s14+$0x0] =	vst.idx.msk $0xffff, v42  }
0xdf: {  	v53 =	vor.u32 v63, v22;
	v40 =	vor.u32 v23, v61;
	v42 =	vld.idx.msk [tilespmem:v60+s1+$0x0], $0xffff  }
0xe0: {  	v54 =	vor.u32 v63, v24;
	_ =	sdelay $0x2  }
0xe1: {  	v56 =	vor.u32 s13, v11;
	v55 =	vshll.u32 v62, $0x7;
	[tilespmem:v52+s14+$0x0] =	vst.idx.msk $0xffff, v36  }
0xe2: {  	v57 =	vand.u32 $0x7F, v56;
	v58 =	vor.u32 v21, v55;
	v30 =	vld.idx.msk [tilespmem:v53+s1+$0x0], $0xffff;
	[tilespmem:v40+s14+$0x0] =	vst.idx.msk $0xffff, v42  }
0xe3: {  	v59 =	vor.u32 v57, v22;
	v36 =	vor.u32 v23, v55;
	v42 =	vld.idx.msk [tilespmem:v54+s1+$0x0], $0xffff  }
0xe4: {  	v60 =	vor.u32 v57, v24  }
0xe5: {  	[tilespmem:v32+s14+$0x0] =	vst.idx.msk $0xffff, v45  }
0xe6: {  	v32 =	vld.idx.msk [tilespmem:v34+s1+$0x0], $0xffff  }
0xe7: {  	v62 =	vor.u32 s13, v12;
	v61 =	vshll.u32 v56, $0x7;
	[tilespmem:v58+s14+$0x0] =	vst.idx.msk $0xffff, v30  }
0xe8: {  	v48 =	vor.u32 v21, v61;
	v63 =	vand.u32 $0x7F, v62;
	v40 =	vld.idx.msk [tilespmem:v59+s1+$0x0], $0xffff;
	[tilespmem:v36+s14+$0x0] =	vst.idx.msk $0xffff, v42  }
0xe9: {  	v49 =	vor.u32 v63, v22;
	v30 =	vor.u32 v23, v61;
	v42 =	vld.idx.msk [tilespmem:v60+s1+$0x0], $0xffff  }
0xea: {  	v43 =	vor.u32 v63, v24  }
0xeb: {  	[tilespmem:v33+s14+$0x0] =	vst.idx.msk $0xffff, v32  }
0xec: {  	v50 =	vor.u32 v28, v19;
	v32 =	vld.idx.msk [tilespmem:v35+s1+$0x0], $0xffff  }
0xed: {  	v51 =	vor.u32 v28, v20;
	v52 =	vshll.u32 v62, $0x7;
	v53 =	vor.u32 s13, v13;
	[tilespmem:v48+s14+$0x0] =	vst.idx.msk $0xffff, v40  }
0xee: {  	v56 =	vor.u32 v21, v52;
	v55 =	vand.u32 $0x7F, v53;
	v54 =	vld.idx.msk [tilespmem:v49+s1+$0x0], $0xffff;
	[tilespmem:v30+s14+$0x0] =	vst.idx.msk $0xffff, v42  }
0xef: {  	v57 =	vor.u32 v23, v52;
	v58 =	vor.u32 v55, v22;
	v42 =	vld.idx.msk [tilespmem:v43+s1+$0x0], $0xffff  }
0xf0: {  	v39 =	vshll.u32 v39, $0x7;
	[tilespmem:v44+s14+$0x0] =	vst.idx.msk $0xffff, v41;
	v36 =	vor.u32 v55, v24  }
0xf1: {  	[tilespmem:v37+s14+$0x0] =	vst.idx.msk $0xffff, v32;
	v62 =	vld.idx.msk [tilespmem:v50+s1+$0x0], $0xffff;
	v50 =	vor.u32 s13, v14;
	v61 =	vor.u32 v17, v39;
	v59 =	vor.u32 s15, v14  }
0xf2: {  	v28 =	vld.idx.msk [tilespmem:v51+s1+$0x0], $0xffff;
	v51 =	vand.u32 $0x7F, v50;
	v60 =	vand.u32 $0x7F, v59  }
0xf3: {  	v34 =	vshll.u32 v53, $0x7;
	v48 =	vor.u32 v18, v39;
	v63 =	vor.u32 v60, v19;
	[tilespmem:v56+s14+$0x0] =	vst.idx.msk $0xffff, v54  }
0xf4: {  	v52 =	vor.u32 v21, v34;
	v49 =	vor.u32 v60, v20;
	v33 =	vld.idx.msk [tilespmem:v58+s1+$0x0], $0xffff;
	[tilespmem:v57+s14+$0x0] =	vst.idx.msk $0xffff, v42  }
0xf5: {  	v53 =	vor.u32 v51, v22;
	v34 =	vor.u32 v23, v34;
	v36 =	vld.idx.msk [tilespmem:v36+s1+$0x0], $0xffff  }
0xf6: {  	v35 =	vor.u32 v51, v24;
	[tilespmem:v61+s14+$0x0] =	vst.idx.msk $0xffff, v62;
	v61 =	vshll.u32 v50, $0x7  }
0xf7: {  	v55 =	vshll.u32 v59, $0x7;
	v60 =	vor.u32 s13, v15;
	v54 =	vor.u32 s15, v15  }
0xf8: {  	v62 =	vand.u32 $0x7F, v60;
	[tilespmem:v48+s14+$0x0] =	vst.idx.msk $0xffff, v28;
	v56 =	vand.u32 $0x7F, v54;
	v45 =	vld.idx.msk [tilespmem:v63+s1+$0x0], $0xffff;
	v57 =	vor.u32 v17, v55  }
0xf9: {  	v58 =	vor.u32 v56, v19;
	v32 =	vld.idx.msk [tilespmem:v49+s1+$0x0], $0xffff;
	[tilespmem:v52+s14+$0x0] =	vst.idx.msk $0xffff, v33;
	v42 =	vor.u32 v18, v55  }
0xfa: {  	v59 =	vor.u32 v56, v20;
	v63 =	vor.u32 v21, v61;
	v30 =	vld.idx.msk [tilespmem:v53+s1+$0x0], $0xffff;
	[tilespmem:v34+s14+$0x0] =	vst.idx.msk $0xffff, v36  }
0xfb: {  	v47 =	vor.u32 v62, v22;
	v48 =	vor.u32 s15, v16;
	v33 =	vor.u32 v23, v61;
	v35 =	vld.idx.msk [tilespmem:v35+s1+$0x0], $0xffff  }
0xfc: {  	[tilespmem:v29+s14+$0x0] =	vst.idx.msk $0xffff, v38;
	v50 =	vor.u32 v62, v24;
	v51 =	vand.u32 $0x7F, v48  }
0xfd: {  	v31 =	vld.idx.msk [tilespmem:v31+s1+$0x0], $0xffff;
	v49 =	vshll.u32 v54, $0x7;
	v19 =	vor.u32 v51, v19;
	[tilespmem:v57+s14+$0x0] =	vst.idx.msk $0xffff, v45  }
0xfe: {  	v54 =	vor.u32 s13, v16;
	v41 =	vor.u32 v17, v49;
	[tilespmem:v42+s14+$0x0] =	vst.idx.msk $0xffff, v32;
	v52 =	vld.idx.msk [tilespmem:v58+s1+$0x0], $0xffff  }
0xff: {  	v56 =	vand.u32 $0x7F, v54;
	v55 =	vshll.u32 v60, $0x7;
	[tilespmem:v63+s14+$0x0] =	vst.idx.msk $0xffff, v30;
	v36 =	vor.u32 v18, v49;
	v28 =	vld.idx.msk [tilespmem:v59+s1+$0x0], $0xffff  }
0x100: {  	v53 =	vor.u32 v51, v20;
	v57 =	vor.u32 v21, v55;
	v34 =	vld.idx.msk [tilespmem:v47+s1+$0x0], $0xffff;
	[tilespmem:v33+s14+$0x0] =	vst.idx.msk $0xffff, v35  }
0x101: {  	v30 =	vor.u32 v23, v55;
	v58 =	vor.u32 v56, v22;
	v33 =	vld.idx.msk [tilespmem:v50+s1+$0x0], $0xffff  }
0x102: {  	[tilespmem:v27+s14+$0x0] =	vst.idx.msk $0xffff, v31;
	v59 =	vor.u32 v56, v24  }
0x103: {  	v26 =	vld.idx.msk [tilespmem:v26+s1+$0x0], $0xffff;
	v60 =	vshll.u32 v48, $0x7;
	[tilespmem:v41+s14+$0x0] =	vst.idx.msk $0xffff, v52  }
0x104: {  	v17 =	vor.u32 v17, v60;
	[tilespmem:v36+s14+$0x0] =	vst.idx.msk $0xffff, v28;
	v19 =	vld.idx.msk [tilespmem:v19+s1+$0x0], $0xffff  }
0x105: {  	v61 =	vshll.u32 v54, $0x7;
	v18 =	vor.u32 v18, v60;
	[tilespmem:v57+s14+$0x0] =	vst.idx.msk $0xffff, v34;
	v20 =	vld.idx.msk [tilespmem:v53+s1+$0x0], $0xffff  }
0x106: {  	v62 =	vor.u32 v21, v61;
	v22 =	vld.idx.msk [tilespmem:v58+s1+$0x0], $0xffff;
	[tilespmem:v30+s14+$0x0] =	vst.idx.msk $0xffff, v33  }
0x107: {  	v63 =	vor.u32 v23, v61;
	v24 =	vld.idx.msk [tilespmem:v59+s1+$0x0], $0xffff  }
0x108: {  	[tilespmem:v25+s14+$0x0] =	vst.idx.msk $0xffff, v26  }
0x109: {  	[tilespmem:v17+s14+$0x0] =	vst.idx.msk $0xffff, v19  }
0x10a: {  	[tilespmem:v18+s14+$0x0] =	vst.idx.msk $0xffff, v20  }
0x10b: {  	s0 =	sshll.u32 s12, $0x4;
	[tilespmem:v62+s14+$0x0] =	vst.idx.msk $0xffff, v22  }
0x10c: {  	s8 =	sadd.s32 $0x3, s31;
	s0 =	sadd.s32 s6, s0;
	[tilespmem:v63+s14+$0x0] =	vst.idx.msk $0xffff, v24  }
0x10d: {  	[hbm4b:s0+s4] =	stream.linear.scatter [tilespmem:s14], [sflag:s8], $0x8000, $0x38;
	[tilespmem:$0x18000] =	vst v63  }
0x10e: {  	p3 =	sgt.u32 s29, $0x77;
	_ =	swait.ge [sflag:s11], $0x4000  }
0x10f: {  	s29 =	sadd.s32 $0x1, s29;
	s0 =	sadd.s32 @!p3 s3, s10;
	[sflag:s11] =	ssyncset.done $0x0  }
0x110: {  	s3 =	simm.s32 @!p3 $0x800;
	s8 =	simm.s32 @!p3 $0x7A1400;
	[sflag:s11] =	ssyncadd.s32 $0xFFFFC000  }
0x111: {  	[tilespmem:s1], [sflag:s30] =	stream.strided.gather @!p3 [hbm4b:s0+s3], $0x4000, s8, s3, $0x38;
	[tilespmem:$0x18000] =	vst v63  }
0x112: {  	p3 =	sne.s32 s29, $0x7A  }
.Ltmp3:
0x113: {  	_ = 	snop;
	(pc) =	sbr.rel @p3 .LBB2_2-.Ltmp3, $1  }
0x114: {  	_ =	sdelay $0x3  }
0x115: {  	_ =	swait.ge [sflag:s22], $0x8000  }
.Ltmp4:
0x116: {  	[sflag:s22] =	ssyncset.done $0x0;
	(pc) =	sbr.rel @p1 .LBB2_10-.Ltmp4, $4  }
0x117: {  	[sflag:s22] =	ssyncadd.s32 $0xFFFF8000  }
0x118: {  	_ =	swait.ge [sflag:s23], $0x8000  }
0x119: {  	[sflag:s23] =	ssyncset.done $0x0  }
0x11a: {  	[sflag:s23] =	ssyncadd.s32 $0xFFFF8000  }
.Ltmp5:
0x11b: {  	(pc) =	sbr.rel @p2 .LBB2_14-.Ltmp5, $1  }
0x11c: {  	_ =	sdelay $0x3  }
0x11d: {  	s0 =	simm.s32 $0x0  }
0x11e: {  	s1 =	sand.u32 $0x20, s0;
	s11 =	sand.u32 $0xF0, s0  }
0x11f: {  	v17 =	vmov s11;
	s3 =	sor.u32 $0x10, s1  }
0x120: {  	v17 =	vshll.u32 v17, $0x3;
	v27 =	vor.u32 s3, v0  }
0x121: {  	v17 =	vand.u32 $0x400, v17;
	v18 =	vshll.u32 v27, $0x8  }
0x122: {  	v19 =	vor.u32 s11, v0;
	v17 =	vor.u32 v1, v17;
	v18 =	vand.u32 $0x3800, v18  }
0x123: {  	s12 =	rddreg [dreg:$0xa];
	s13 =	simm.s32 $0x1;
	v20 =	vand.u32 $0x7F, v19;
	v28 =	vor.u32 v18, v17  }
0x124: {  	[tilespmem:s0], [sflag:$0x1] =	stream.strided.gather [hbm4b:s12+s19], $0x4000, s20, s19, $0x38;
	v18 =	vor.u32 v20, v28;
	[tilespmem:$0x18000] =	vst v63  }
0x125: {  	_ =	swait.ge [sflag:s13], $0x4000;
	v25 =	vor.u32 s1, v0  }
0x126: {  	[sflag:s13] =	ssyncset.done $0x0;
	v26 =	vshll.u32 v25, $0x8  }
0x127: {  	s14 =	rddreg [dreg:$0xb];
	[sflag:s13] =	ssyncadd.s32 $0xFFFFC000;
	v26 =	vand.u32 $0x2800, v26  }
0x128: {  	v21 =	vor.u32 s11, v2;
	v19 =	vshll.u32 v19, $0x7;
	[hbm4b:s14+s19] =	stream.strided.scatter [tilespmem:s0], [sflag:$0x5], $0x4000, s20, s19, $0x38;
	v26 =	vor.u32 v26, v17;
	[tilespmem:$0x18000] =	vst v63  }
0x129: {  	v22 =	vand.u32 $0x7F, v21;
	v23 =	vor.u32 v27, v19;
	v20 =	vor.u32 v20, v26;
	v18 =	vld.idx.msk [tilespmem:v18+s4+$0x0], $0xffff  }
0x12a: {  	v24 =	vor.u32 v22, v28;
	_ =	sdelay $0x3  }
0x12b: {  	v19 =	vor.u32 v25, v19;
	v17 =	vshll.u32 v21, $0x7;
	v20 =	vld.idx.msk [tilespmem:v20+s4+$0x0], $0xffff;
	[tilespmem:v23+s25+$0x0] =	vst.idx.msk $0xffff, v18;
	v18 =	vor.u32 s11, v3  }
0x12c: {  	v22 =	vor.u32 v22, v26;
	v21 =	vld.idx.msk [tilespmem:v24+s4+$0x0], $0xffff;
	v23 =	vand.u32 $0x7F, v18;
	v24 =	vor.u32 v27, v17  }
0x12d: {  	v29 =	vor.u32 v23, v28;
	_ =	sdelay $0x2  }
0x12e: {  	[tilespmem:v19+s25+$0x0] =	vst.idx.msk $0xffff, v20  }
0x12f: {  	v18 =	vshll.u32 v18, $0x7;
	v17 =	vor.u32 v25, v17;
	v19 =	vld.idx.msk [tilespmem:v22+s4+$0x0], $0xffff;
	[tilespmem:v24+s25+$0x0] =	vst.idx.msk $0xffff, v21;
	v21 =	vor.u32 s11, v4  }
0x130: {  	v30 =	vor.u32 v27, v18;
	v22 =	vor.u32 v23, v26;
	v24 =	vld.idx.msk [tilespmem:v29+s4+$0x0], $0xffff;
	v29 =	vand.u32 $0x7F, v21  }
0x131: {  	v31 =	vor.u32 v29, v28;
	_ =	sdelay $0x2  }
0x132: {  	[tilespmem:v17+s25+$0x0] =	vst.idx.msk $0xffff, v19  }
0x133: {  	v17 =	vor.u32 v25, v18;
	v20 =	vshll.u32 v21, $0x7;
	v21 =	vor.u32 s11, v5;
	v18 =	vld.idx.msk [tilespmem:v22+s4+$0x0], $0xffff;
	[tilespmem:v30+s25+$0x0] =	vst.idx.msk $0xffff, v24  }
0x134: {  	v22 =	vor.u32 v29, v26;
	v24 =	vand.u32 $0x7F, v21;
	v30 =	vor.u32 v27, v20;
	v23 =	vld.idx.msk [tilespmem:v31+s4+$0x0], $0xffff  }
0x135: {  	v31 =	vor.u32 v24, v28;
	_ =	sdelay $0x2  }
0x136: {  	[tilespmem:v17+s25+$0x0] =	vst.idx.msk $0xffff, v18  }
0x137: {  	v19 =	vor.u32 s11, v6;
	v21 =	vshll.u32 v21, $0x7;
	v20 =	vor.u32 v25, v20;
	v18 =	vld.idx.msk [tilespmem:v22+s4+$0x0], $0xffff;
	[tilespmem:v30+s25+$0x0] =	vst.idx.msk $0xffff, v23  }
0x138: {  	s15 =	simm.s32 $0x8;
	v29 =	vand.u32 $0x7F, v19;
	v24 =	vor.u32 v24, v26;
	v30 =	vor.u32 v27, v21;
	v23 =	vld.idx.msk [tilespmem:v31+s4+$0x0], $0xffff  }
0x139: {  	s16 =	simm.s32 $0x20;
	s1 =	sand.u32 $0xF0, s15;
	v32 =	vor.u32 s11, v8;
	v31 =	vor.u32 v29, v28  }
0x13a: {  	s21 =	sand.u32 $0x20, s16;
	v34 =	vand.u32 $0x7F, v32;
	v17 =	vmov s1  }
0x13b: {  	s24 =	sor.u32 $0x10, s21;
	v35 =	vor.u32 s1, v0;
	v33 =	vshll.u32 v19, $0x7;
	v19 =	vshll.u32 v17, $0x3  }
0x13c: {  	v17 =	vor.u32 s24, v0;
	v22 =	vor.u32 v27, v33;
	v19 =	vand.u32 $0x400, v19;
	[tilespmem:v20+s25+$0x0] =	vst.idx.msk $0xffff, v18  }
0x13d: {  	v36 =	vor.u32 v1, v19;
	v21 =	vor.u32 v25, v21;
	v24 =	vld.idx.msk [tilespmem:v24+s4+$0x0], $0xffff;
	[tilespmem:v30+s25+$0x0] =	vst.idx.msk $0xffff, v23  }
0x13e: {  	v18 =	vor.u32 s21, v0;
	v29 =	vor.u32 v29, v26;
	v30 =	vshll.u32 v17, $0x8;
	v23 =	vld.idx.msk [tilespmem:v31+s4+$0x0], $0xffff  }
0x13f: {  	v20 =	vshll.u32 v18, $0x8;
	v31 =	vor.u32 v34, v28;
	v19 =	vand.u32 $0x3800, v30  }
0x140: {  	v20 =	vand.u32 $0x2800, v20;
	v30 =	vand.u32 $0x7F, v35;
	v19 =	vor.u32 v19, v36  }
0x141: {  	v20 =	vor.u32 v20, v36;
	v37 =	vor.u32 v30, v19  }
0x142: {  	[tilespmem:v21+s25+$0x0] =	vst.idx.msk $0xffff, v24;
	v21 =	vor.u32 v30, v20  }
0x143: {  	[tilespmem:v22+s25+$0x0] =	vst.idx.msk $0xffff, v23;
	v22 =	vshll.u32 v32, $0x7;
	v23 =	vor.u32 s11, v9  }
0x144: {  	v40 =	vor.u32 s1, v2;
	v31 =	vld.idx.msk [tilespmem:v31+s4+$0x0], $0xffff;
	v60 =	vand.u32 $0x7F, v23;
	v38 =	vor.u32 v27, v22  }
0x145: {  	v24 =	vor.u32 v25, v33;
	v35 =	vshll.u32 v35, $0x7;
	v29 =	vld.idx.msk [tilespmem:v29+s4+$0x0], $0xffff;
	v39 =	vor.u32 v60, v28  }
0x146: {  	v41 =	vand.u32 $0x7F, v40;
	v42 =	vor.u32 v17, v35;
	v37 =	vld.idx.msk [tilespmem:v37+s4+$0x0], $0xffff  }
0x147: {  	v50 =	vshll.u32 v40, $0x7;
	v35 =	vor.u32 v18, v35;
	v61 =	vor.u32 v41, v19;
	v21 =	vld.idx.msk [tilespmem:v21+s4+$0x0], $0xffff  }
0x148: {  	v51 =	vor.u32 s1, v3;
	v43 =	vor.u32 v17, v50;
	v41 =	vor.u32 v41, v20  }
0x149: {  	v30 =	vor.u32 s11, v7;
	v23 =	vshll.u32 v23, $0x7;
	[tilespmem:v38+s25+$0x0] =	vst.idx.msk $0xffff, v31;
	v31 =	vor.u32 v34, v26  }
0x14a: {  	v56 =	vshll.u32 v51, $0x7;
	v63 =	vand.u32 $0x7F, v30;
	[tilespmem:v24+s25+$0x0] =	vst.idx.msk $0xffff, v29;
	v48 =	vor.u32 v27, v23;
	v62 =	vld.idx.msk [tilespmem:v39+s4+$0x0], $0xffff  }
0x14b: {  	v52 =	vand.u32 $0x7F, v51;
	v58 =	vor.u32 v17, v56;
	v49 =	vor.u32 v63, v28;
	[tilespmem:v42+s25+$0x0] =	vst.idx.msk $0xffff, v37  }
0x14c: {  	v57 =	vor.u32 s1, v4;
	v44 =	vor.u32 v52, v19;
	v29 =	vshll.u32 v30, $0x7;
	[tilespmem:v35+s25+$0x0] =	vst.idx.msk $0xffff, v21;
	v36 =	vld.idx.msk [tilespmem:v61+s4+$0x0], $0xffff  }
0x14d: {  	v30 =	vor.u32 s11, v10;
	v22 =	vor.u32 v25, v22;
	v39 =	vor.u32 v18, v50;
	v41 =	vld.idx.msk [tilespmem:v41+s4+$0x0], $0xffff  }
0x14e: {  	v53 =	vand.u32 $0x7F, v30;
	v54 =	vor.u32 v27, v29;
	v42 =	vor.u32 v52, v20;
	v24 =	vld.idx.msk [tilespmem:v31+s4+$0x0], $0xffff  }
0x14f: {  	v30 =	vshll.u32 v30, $0x7;
	v29 =	vor.u32 v25, v29;
	v32 =	vor.u32 v60, v26;
	[tilespmem:v48+s25+$0x0] =	vst.idx.msk $0xffff, v62  }
0x150: {  	v55 =	vor.u32 v53, v28;
	v33 =	vor.u32 v53, v26;
	v21 =	vand.u32 $0x7F, v57;
	v31 =	vld.idx.msk [tilespmem:v49+s4+$0x0], $0xffff  }
0x151: {  	v53 =	vor.u32 s11, v12;
	v59 =	vor.u32 v21, v19;
	v21 =	vor.u32 v21, v20;
	[tilespmem:v43+s25+$0x0] =	vst.idx.msk $0xffff, v36  }
0x152: {  	v62 =	vor.u32 v27, v30;
	[tilespmem:v39+s25+$0x0] =	vst.idx.msk $0xffff, v41;
	v30 =	vor.u32 v25, v30;
	v43 =	vld.idx.msk [tilespmem:v44+s4+$0x0], $0xffff  }
0x153: {  	v48 =	vshll.u32 v57, $0x7;
	v49 =	vor.u32 s1, v5;
	v42 =	vld.idx.msk [tilespmem:v42+s4+$0x0], $0xffff;
	[tilespmem:v22+s25+$0x0] =	vst.idx.msk $0xffff, v24;
	v24 =	vor.u32 v18, v56  }
0x154: {  	v50 =	vor.u32 v17, v48;
	v51 =	vand.u32 $0x7F, v49;
	v22 =	vor.u32 v25, v23;
	v32 =	vld.idx.msk [tilespmem:v32+s4+$0x0], $0xffff  }
0x155: {  	v40 =	vshll.u32 v49, $0x7;
	v23 =	vor.u32 v63, v26;
	[tilespmem:v54+s25+$0x0] =	vst.idx.msk $0xffff, v31;
	v31 =	vor.u32 s11, v11  }
0x156: {  	v52 =	vor.u32 v51, v19;
	v54 =	vor.u32 v51, v20;
	v60 =	vld.idx.msk [tilespmem:v55+s4+$0x0], $0xffff;
	v61 =	vand.u32 $0x7F, v31  }
0x157: {  	[tilespmem:v58+s25+$0x0] =	vst.idx.msk $0xffff, v43;
	v31 =	vshll.u32 v31, $0x7;
	v58 =	vand.u32 $0x7F, v53;
	v63 =	vor.u32 v61, v28  }
0x158: {  	v43 =	vld.idx.msk [tilespmem:v59+s4+$0x0], $0xffff;
	v36 =	vor.u32 v61, v26;
	v37 =	vor.u32 v25, v31;
	[tilespmem:v24+s25+$0x0] =	vst.idx.msk $0xffff, v42  }
0x159: {  	v31 =	vor.u32 v27, v31;
	[tilespmem:v22+s25+$0x0] =	vst.idx.msk $0xffff, v32;
	v22 =	vor.u32 v18, v48;
	v45 =	vld.idx.msk [tilespmem:v21+s4+$0x0], $0xffff  }
0x15a: {  	v39 =	vor.u32 v58, v26;
	v59 =	vor.u32 s1, v6;
	v38 =	vor.u32 v58, v28;
	v23 =	vld.idx.msk [tilespmem:v23+s4+$0x0], $0xffff  }
0x15b: {  	v61 =	vor.u32 v18, v40;
	v40 =	vor.u32 v17, v40;
	v24 =	vand.u32 $0x7F, v59;
	[tilespmem:v62+s25+$0x0] =	vst.idx.msk $0xffff, v60  }
0x15c: {  	s29 =	simm.s32 $0x10;
	v41 =	vshll.u32 v59, $0x7;
	v44 =	vor.u32 v24, v20;
	v24 =	vor.u32 v24, v19;
	v35 =	vld.idx.msk [tilespmem:v63+s4+$0x0], $0xffff  }
0x15d: {  	s3 =	sand.u32 $0xF0, s29;
	v21 =	vshll.u32 v53, $0x7;
	v56 =	vor.u32 v17, v41;
	v41 =	vor.u32 v18, v41;
	[tilespmem:v50+s25+$0x0] =	vst.idx.msk $0xffff, v43  }
0x15e: {  	s30 =	simm.s32 $0x40;
	v57 =	vor.u32 s3, v0;
	v46 =	vor.u32 v25, v21;
	v62 =	vor.u32 s11, v13;
	v60 =	vld.idx.msk [tilespmem:v52+s4+$0x0], $0xffff;
	[tilespmem:v22+s25+$0x0] =	vst.idx.msk $0xffff, v45  }
0x15f: {  	s8 =	sand.u32 $0x20, s30;
	v63 =	vor.u32 s11, v14;
	v43 =	vshll.u32 v57, $0x7;
	[tilespmem:v29+s25+$0x0] =	vst.idx.msk $0xffff, v23;
	v29 =	vand.u32 $0x7F, v62  }
0x160: {  	s31 =	sor.u32 $0x10, s8;
	v23 =	vor.u32 v27, v21;
	v21 =	vmov s3;
	v34 =	vld.idx.msk [tilespmem:v54+s4+$0x0], $0xffff;
	v47 =	vor.u32 v29, v28  }
0x161: {  	v33 =	vld.idx.msk [tilespmem:v33+s4+$0x0], $0xffff;
	v55 =	vshll.u32 v21, $0x3;
	v21 =	vor.u32 s31, v0;
	[tilespmem:v31+s25+$0x0] =	vst.idx.msk $0xffff, v35;
	v31 =	vor.u32 s1, v8  }
0x162: {  	v49 =	vshll.u32 v21, $0x8;
	v54 =	vor.u32 v21, v43;
	v35 =	vshll.u32 v63, $0x7  }
0x163: {  	v48 =	vand.u32 $0x7F, v31;
	[tilespmem:v40+s25+$0x0] =	vst.idx.msk $0xffff, v60;
	v40 =	vand.u32 $0x400, v55;
	v22 =	vand.u32 $0x3800, v49  }
0x164: {  	v38 =	vld.idx.msk [tilespmem:v38+s4+$0x0], $0xffff;
	v31 =	vshll.u32 v31, $0x7;
	v60 =	vor.u32 s1, v9;
	v55 =	vor.u32 s11, v15  }
0x165: {  	v24 =	vld.idx.msk [tilespmem:v24+s4+$0x0], $0xffff;
	v50 =	vor.u32 v48, v19;
	v40 =	vor.u32 v1, v40;
	[tilespmem:v61+s25+$0x0] =	vst.idx.msk $0xffff, v34  }
0x166: {  	v52 =	vand.u32 $0x7F, v60;
	v22 =	vor.u32 v22, v40;
	[tilespmem:v30+s25+$0x0] =	vst.idx.msk $0xffff, v33;
	v30 =	vand.u32 $0x7F, v57  }
0x167: {  	v53 =	vor.u32 v17, v31;
	v48 =	vor.u32 v48, v20;
	v44 =	vld.idx.msk [tilespmem:v44+s4+$0x0], $0xffff;
	v58 =	vor.u32 v30, v22  }
0x168: {  	v42 =	vshll.u32 v60, $0x7;
	v60 =	vor.u32 s1, v7;
	v31 =	vor.u32 v18, v31  }
0x169: {  	v61 =	vor.u32 v52, v19;
	v33 =	vshll.u32 v62, $0x7;
	v36 =	vld.idx.msk [tilespmem:v36+s4+$0x0], $0xffff;
	[tilespmem:v23+s25+$0x0] =	vst.idx.msk $0xffff, v38;
	v23 =	vor.u32 s8, v0  }
0x16a: {  	v59 =	vor.u32 v27, v33;
	v38 =	vand.u32 $0x7F, v63;
	v47 =	vld.idx.msk [tilespmem:v47+s4+$0x0], $0xffff;
	[tilespmem:v56+s25+$0x0] =	vst.idx.msk $0xffff, v24;
	v24 =	vshll.u32 v23, $0x8  }
0x16b: {  	v62 =	vor.u32 s3, v2;
	v51 =	vor.u32 v38, v28;
	v50 =	vld.idx.msk [tilespmem:v50+s4+$0x0], $0xffff;
	v24 =	vand.u32 $0x2800, v24  }
0x16c: {  	v56 =	vor.u32 v17, v42;
	v24 =	vor.u32 v24, v40;
	[tilespmem:v41+s25+$0x0] =	vst.idx.msk $0xffff, v44;
	v32 =	vld.idx.msk [tilespmem:v58+s4+$0x0], $0xffff  }
0x16d: {  	v43 =	vor.u32 v23, v43;
	v40 =	vand.u32 $0x7F, v62;
	v30 =	vor.u32 v30, v24;
	v48 =	vld.idx.msk [tilespmem:v48+s4+$0x0], $0xffff  }
0x16e: {  	v45 =	vshll.u32 v62, $0x7;
	v38 =	vor.u32 v38, v26;
	v63 =	vor.u32 v40, v22;
	[tilespmem:v37+s25+$0x0] =	vst.idx.msk $0xffff, v36  }
0x16f: {  	v36 =	vand.u32 $0x7F, v55;
	v37 =	vor.u32 v27, v35;
	v55 =	vshll.u32 v55, $0x7;
	v39 =	vld.idx.msk [tilespmem:v39+s4+$0x0], $0xffff;
	[tilespmem:v59+s25+$0x0] =	vst.idx.msk $0xffff, v47  }
0x170: {  	v49 =	vld.idx.msk [tilespmem:v51+s4+$0x0], $0xffff;
	[tilespmem:v53+s25+$0x0] =	vst.idx.msk $0xffff, v50;
	v51 =	vor.u32 v36, v28;
	v53 =	vand.u32 $0x7F, v60;
	v60 =	vshll.u32 v60, $0x7  }
0x171: {  	v34 =	vld.idx.msk [tilespmem:v61+s4+$0x0], $0xffff;
	v50 =	vor.u32 v17, v60;
	v58 =	vor.u32 v18, v60;
	[tilespmem:v54+s25+$0x0] =	vst.idx.msk $0xffff, v32  }
0x172: {  	v47 =	vor.u32 s3, v4;
	v32 =	vor.u32 v53, v19;
	v54 =	vor.u32 s3, v3;
	v30 =	vld.idx.msk [tilespmem:v30+s4+$0x0], $0xffff;
	[tilespmem:v31+s25+$0x0] =	vst.idx.msk $0xffff, v48  }
0x173: {  	v53 =	vor.u32 v53, v20;
	v61 =	vld.idx.msk [tilespmem:v63+s4+$0x0], $0xffff;
	v62 =	vand.u32 $0x7F, v54;
	v63 =	vor.u32 v21, v45  }
0x174: {  	v45 =	vor.u32 v23, v45;
	[tilespmem:v46+s25+$0x0] =	vst.idx.msk $0xffff, v39;
	v39 =	vor.u32 s1, v10;
	v46 =	vor.u32 v52, v20  }
0x175: {  	v57 =	vor.u32 v62, v22;
	v31 =	vand.u32 $0x7F, v39;
	v44 =	vor.u32 v62, v24;
	[tilespmem:v37+s25+$0x0] =	vst.idx.msk $0xffff, v49  }
0x176: {  	v37 =	vor.u32 v40, v24;
	v40 =	vor.u32 s11, v16;
	v49 =	vor.u32 v27, v55;
	[tilespmem:v56+s25+$0x0] =	vst.idx.msk $0xffff, v34  }
0x177: {  	v62 =	vor.u32 v31, v19;
	v59 =	vor.u32 v31, v20;
	v56 =	vand.u32 $0x7F, v40;
	v32 =	vld.idx.msk [tilespmem:v32+s4+$0x0], $0xffff  }
0x178: {  	v60 =	vor.u32 s1, v11;
	v31 =	vshll.u32 v39, $0x7;
	v28 =	vor.u32 v56, v28;
	[tilespmem:v63+s25+$0x0] =	vst.idx.msk $0xffff, v61;
	v63 =	vld.idx.msk [tilespmem:v51+s4+$0x0], $0xffff  }
0x179: {  	[tilespmem:v43+s25+$0x0] =	vst.idx.msk $0xffff, v30;
	v30 =	vand.u32 $0x7F, v47;
	v61 =	vshll.u32 v54, $0x7;
	v51 =	vor.u32 v18, v42;
	v46 =	vld.idx.msk [tilespmem:v46+s4+$0x0], $0xffff  }
0x17a: {  	v48 =	vld.idx.msk [tilespmem:v57+s4+$0x0], $0xffff;
	v52 =	vor.u32 v21, v61;
	v57 =	vshll.u32 v40, $0x7;
	v40 =	vor.u32 v30, v22  }
0x17b: {  	v41 =	vor.u32 v23, v61;
	v30 =	vor.u32 v30, v24;
	v61 =	vand.u32 $0x7F, v60;
	v37 =	vld.idx.msk [tilespmem:v37+s4+$0x0], $0xffff  }
0x17c: {  	v54 =	vor.u32 s1, v12;
	v27 =	vor.u32 v27, v57;
	v34 =	vor.u32 v61, v20;
	[tilespmem:v50+s25+$0x0] =	vst.idx.msk $0xffff, v32  }
0x17d: {  	v32 =	vor.u32 v18, v31;
	v31 =	vor.u32 v17, v31;
	v62 =	vld.idx.msk [tilespmem:v62+s4+$0x0], $0xffff;
	[tilespmem:v49+s25+$0x0] =	vst.idx.msk $0xffff, v63  }
0x17e: {  	v63 =	vshll.u32 v47, $0x7;
	v47 =	vor.u32 s3, v5;
	v49 =	vor.u32 v29, v26;
	[tilespmem:v51+s25+$0x0] =	vst.idx.msk $0xffff, v46;
	v28 =	vld.idx.msk [tilespmem:v28+s4+$0x0], $0xffff  }
0x17f: {  	v39 =	vor.u32 v61, v19;
	v51 =	vand.u32 $0x7F, v54;
	[tilespmem:v52+s25+$0x0] =	vst.idx.msk $0xffff, v48;
	v29 =	vand.u32 $0x7F, v47;
	v53 =	vld.idx.msk [tilespmem:v53+s4+$0x0], $0xffff  }
0x180: {  	v42 =	vor.u32 v23, v63;
	v40 =	vld.idx.msk [tilespmem:v40+s4+$0x0], $0xffff;
	[tilespmem:v45+s25+$0x0] =	vst.idx.msk $0xffff, v37;
	v37 =	vor.u32 v21, v63  }
0x181: {  	v52 =	vor.u32 v25, v33;
	v43 =	vor.u32 v29, v24;
	v45 =	vor.u32 v29, v22  }
0x182: {  	v29 =	vor.u32 v25, v35;
	v35 =	vor.u32 v51, v20;
	v44 =	vld.idx.msk [tilespmem:v44+s4+$0x0], $0xffff;
	[tilespmem:v31+s25+$0x0] =	vst.idx.msk $0xffff, v62  }
0x183: {  	v63 =	vor.u32 v51, v19;
	v31 =	vshll.u32 v60, $0x7;
	v61 =	vld.idx.msk [tilespmem:v49+s4+$0x0], $0xffff;
	[tilespmem:v27+s25+$0x0] =	vst.idx.msk $0xffff, v28  }
0x184: {  	v39 =	vld.idx.msk [tilespmem:v39+s4+$0x0], $0xffff;
	v33 =	vor.u32 v18, v31;
	v60 =	vor.u32 v17, v31;
	[tilespmem:v58+s25+$0x0] =	vst.idx.msk $0xffff, v53  }
0x185: {  	v27 =	vshll.u32 v47, $0x7;
	v31 =	vor.u32 v36, v26;
	[tilespmem:v37+s25+$0x0] =	vst.idx.msk $0xffff, v40;
	v40 =	vor.u32 s3, v6  }
0x186: {  	v26 =	vor.u32 v56, v26;
	v51 =	vor.u32 v21, v27;
	v48 =	vld.idx.msk [tilespmem:v45+s4+$0x0], $0xffff;
	v28 =	vand.u32 $0x7F, v40  }
0x187: {  	v46 =	vor.u32 v23, v27;
	[tilespmem:v41+s25+$0x0] =	vst.idx.msk $0xffff, v44;
	v45 =	vld.idx.msk [tilespmem:v59+s4+$0x0], $0xffff;
	v50 =	vor.u32 v28, v22  }
0x188: {  	v27 =	vor.u32 v25, v55;
	v25 =	vor.u32 v25, v57;
	v49 =	vld.idx.msk [tilespmem:v30+s4+$0x0], $0xffff;
	[tilespmem:v52+s25+$0x0] =	vst.idx.msk $0xffff, v61  }
0x189: {  	v47 =	vor.u32 v28, v24;
	v30 =	vshll.u32 v54, $0x7;
	[tilespmem:v60+s25+$0x0] =	vst.idx.msk $0xffff, v39;
	v39 =	vor.u32 s1, v13;
	v38 =	vld.idx.msk [tilespmem:v38+s4+$0x0], $0xffff  }
0x18a: {  	s12 =	simm.s32 $0x60;
	s0 =	simm.s32 $0x18;
	s11 =	simm.s32 $0x4;
	v37 =	vor.u32 v18, v30;
	v44 =	vor.u32 v17, v30;
	v41 =	vld.idx.msk [tilespmem:v63+s4+$0x0], $0xffff;
	v28 =	vand.u32 $0x7F, v39  }
.LBB2_8:
0x18b: {  	s8 =	sand.u32 $0x20, s12;
	s13 =	sand.u32 $0xF0, s0;
	s11 =	sadd.s32 $0x2, s11;
	v52 =	vor.u32 s3, v8;
	[tilespmem:v51+s25+$0x0] =	vst.idx.msk $0xffff, v48;
	v48 =	vor.u32 s1, v14;
	v51 =	vor.u32 v28, v19;
	v30 =	vmovc v23  }
0x18c: {  	v53 =	vshll.u32 v40, $0x7;
	v36 =	vmovc v20;
	v20 =	vmovc v24;
	v23 =	vmov s13;
	s9 =	sor.u32 $0x10, s8;
	p3 =	slt.u32 s11, $0x3E;
	v54 =	vand.u32 $0x7F, v52;
	v50 =	vld.idx.msk [tilespmem:v50+s4+$0x0], $0xffff  }
0x18d: {  	v24 =	vor.u32 v21, v53;
	v23 =	vshll.u32 v23, $0x3;
	v40 =	vor.u32 s9, v0;
	[tilespmem:v42+s25+$0x0] =	vst.idx.msk $0xffff, v49  }
0x18e: {  	v49 =	vor.u32 v54, v22;
	v23 =	vand.u32 $0x400, v23;
	v42 =	vshll.u32 v40, $0x8;
	v43 =	vld.idx.msk [tilespmem:v43+s4+$0x0], $0xffff;
	[tilespmem:v32+s25+$0x0] =	vst.idx.msk $0xffff, v45  }
0x18f: {  	v32 =	vor.u32 s13, v0;
	v45 =	vor.u32 v1, v23;
	v23 =	vand.u32 $0x3800, v42;
	v34 =	vld.idx.msk [tilespmem:v34+s4+$0x0], $0xffff;
	[tilespmem:v44+s25+$0x0] =	vst.idx.msk $0xffff, v41  }
0x190: {  	v39 =	vshll.u32 v39, $0x7;
	v41 =	vand.u32 $0x7F, v32;
	v42 =	vor.u32 v23, v45;
	v44 =	vld.idx.msk [tilespmem:v51+s4+$0x0], $0xffff;
	[tilespmem:v29+s25+$0x0] =	vst.idx.msk $0xffff, v38  }
0x191: {  	v29 =	vand.u32 $0x7F, v48;
	v51 =	vor.u32 v17, v39;
	v38 =	vor.u32 v41, v42;
	v55 =	vld.idx.msk [tilespmem:v31+s4+$0x0], $0xffff  }
0x192: {  	v53 =	vor.u32 v30, v53;
	v23 =	vor.u32 s8, v0;
	v31 =	vor.u32 v29, v19;
	[tilespmem:v24+s25+$0x0] =	vst.idx.msk $0xffff, v50  }
0x193: {  	v24 =	vshll.u32 v23, $0x8;
	v50 =	vshll.u32 v52, $0x7;
	v52 =	vor.u32 s3, v9;
	v49 =	vld.idx.msk [tilespmem:v49+s4+$0x0], $0xffff  }
0x194: {  	v24 =	vand.u32 $0x2800, v24;
	[tilespmem:v46+s25+$0x0] =	vst.idx.msk $0xffff, v43;
	v43 =	vand.u32 $0x7F, v52;
	v46 =	vor.u32 v21, v50  }
0x195: {  	v24 =	vor.u32 v24, v45;
	v45 =	vld.idx.msk [tilespmem:v47+s4+$0x0], $0xffff;
	v47 =	vor.u32 v54, v20;
	v54 =	vor.u32 v43, v22  }
0x196: {  	v57 =	vor.u32 s1, v15;
	v56 =	vor.u32 s13, v2;
	v32 =	vshll.u32 v32, $0x7;
	v38 =	vld.idx.msk [tilespmem:v38+s4+$0x0], $0xffff;
	[tilespmem:v51+s25+$0x0] =	vst.idx.msk $0xffff, v44  }
0x197: {  	v44 =	vand.u32 $0x7F, v56;
	v51 =	vor.u32 v40, v32;
	[tilespmem:v33+s25+$0x0] =	vst.idx.msk $0xffff, v34;
	v33 =	vshll.u32 v48, $0x7;
	v34 =	vld.idx.msk [tilespmem:v31+s4+$0x0], $0xffff  }
0x198: {  	v48 =	vor.u32 v44, v42;
	v31 =	vand.u32 $0x7F, v57;
	v35 =	vld.idx.msk [tilespmem:v35+s4+$0x0], $0xffff;
	v58 =	vor.u32 v17, v33  }
0x199: {  	v41 =	vor.u32 v41, v24;
	[tilespmem:v46+s25+$0x0] =	vst.idx.msk $0xffff, v49;
	v46 =	vor.u32 v31, v19  }
0x19a: {  	v32 =	vor.u32 v23, v32;
	v49 =	vshll.u32 v52, $0x7;
	v52 =	vor.u32 s3, v7;
	v54 =	vld.idx.msk [tilespmem:v54+s4+$0x0], $0xffff;
	[tilespmem:v27+s25+$0x0] =	vst.idx.msk $0xffff, v55  }
0x19b: {  	v27 =	vor.u32 v44, v24;
	v44 =	vand.u32 $0x7F, v52;
	[tilespmem:v53+s25+$0x0] =	vst.idx.msk $0xffff, v45;
	v45 =	vor.u32 v21, v49  }
0x19c: {  	[tilespmem:v51+s25+$0x0] =	vst.idx.msk $0xffff, v38;
	v38 =	vld.idx.msk [tilespmem:v47+s4+$0x0], $0xffff;
	v47 =	vor.u32 v30, v50;
	v50 =	vor.u32 v44, v22  }
0x19d: {  	v55 =	vor.u32 s1, v16;
	s1 =	smov.u32 s3;
	s3 =	smov.u32 s13;
	v53 =	vor.u32 s13, v3;
	v51 =	vshll.u32 v56, $0x7;
	v48 =	vld.idx.msk [tilespmem:v48+s4+$0x0], $0xffff;
	[tilespmem:v58+s25+$0x0] =	vst.idx.msk $0xffff, v34  }
0x19e: {  	v34 =	vand.u32 $0x7F, v53;
	v56 =	vor.u32 v40, v51;
	[tilespmem:v37+s25+$0x0] =	vst.idx.msk $0xffff, v35;
	v37 =	vshll.u32 v57, $0x7;
	v35 =	vld.idx.msk [tilespmem:v46+s4+$0x0], $0xffff  }
0x19f: {  	v46 =	vor.u32 v34, v42;
	v57 =	vand.u32 $0x7F, v55;
	v41 =	vld.idx.msk [tilespmem:v41+s4+$0x0], $0xffff;
	v58 =	vor.u32 v17, v37  }
0x1a0: {  	v51 =	vor.u32 v23, v51;
	[tilespmem:v45+s25+$0x0] =	vst.idx.msk $0xffff, v54;
	v45 =	vor.u32 v57, v19;
	v26 =	vld.idx.msk [tilespmem:v26+s4+$0x0], $0xffff  }
0x1a1: {  	v54 =	vor.u32 v34, v24;
	v34 =	vshll.u32 v52, $0x7;
	v52 =	vor.u32 s1, v10;
	v19 =	vmovc v22;
	v22 =	vmovc v42;
	v50 =	vld.idx.msk [tilespmem:v50+s4+$0x0], $0xffff  }
0x1a2: {  	v42 =	vand.u32 $0x7F, v52;
	[tilespmem:v47+s25+$0x0] =	vst.idx.msk $0xffff, v38;
	v38 =	vor.u32 v43, v20;
	v43 =	vor.u32 v21, v34  }
0x1a3: {  	v47 =	vor.u32 v30, v49;
	[tilespmem:v56+s25+$0x0] =	vst.idx.msk $0xffff, v48;
	v48 =	vor.u32 v42, v19  }
0x1a4: {  	v44 =	vor.u32 v44, v20;
	v49 =	vshll.u32 v53, $0x7;
	v53 =	vor.u32 s3, v4;
	v46 =	vld.idx.msk [tilespmem:v46+s4+$0x0], $0xffff;
	[tilespmem:v58+s25+$0x0] =	vst.idx.msk $0xffff, v35  }
0x1a5: {  	v55 =	vshll.u32 v55, $0x7;
	v35 =	vor.u32 v40, v49;
	[tilespmem:v32+s25+$0x0] =	vst.idx.msk $0xffff, v41;
	v32 =	vand.u32 $0x7F, v53;
	v41 =	vld.idx.msk [tilespmem:v45+s4+$0x0], $0xffff  }
0x1a6: {  	v56 =	vor.u32 v17, v55;
	v45 =	vor.u32 v23, v49;
	v27 =	vld.idx.msk [tilespmem:v27+s4+$0x0], $0xffff;
	v49 =	vor.u32 v32, v22  }
0x1a7: {  	v59 =	vor.u32 v30, v34;
	v58 =	vor.u32 v32, v24;
	v38 =	vld.idx.msk [tilespmem:v38+s4+$0x0], $0xffff;
	[tilespmem:v43+s25+$0x0] =	vst.idx.msk $0xffff, v50  }
0x1a8: {  	v60 =	vor.u32 v42, v20;
	v34 =	vshll.u32 v52, $0x7;
	v50 =	vor.u32 s1, v11;
	v48 =	vld.idx.msk [tilespmem:v48+s4+$0x0], $0xffff;
	[tilespmem:v25+s25+$0x0] =	vst.idx.msk $0xffff, v26  }
0x1a9: {  	v17 =	vmovc v21;
	v32 =	vor.u32 v30, v34;
	v25 =	vand.u32 $0x7F, v50;
	v26 =	vor.u32 v21, v34;
	v21 =	vmovc v40  }
0x1aa: {  	v34 =	vor.u32 v25, v20;
	v25 =	vor.u32 v25, v19;
	[tilespmem:v35+s25+$0x0] =	vst.idx.msk $0xffff, v46  }
0x1ab: {  	v28 =	vor.u32 v28, v36;
	v40 =	vor.u32 s3, v5;
	v35 =	vshll.u32 v53, $0x7;
	v46 =	vld.idx.msk [tilespmem:v49+s4+$0x0], $0xffff;
	[tilespmem:v56+s25+$0x0] =	vst.idx.msk $0xffff, v41  }
0x1ac: {  	v42 =	vor.u32 v23, v35;
	v35 =	vor.u32 v21, v35;
	[tilespmem:v51+s25+$0x0] =	vst.idx.msk $0xffff, v27;
	v27 =	vand.u32 $0x7F, v40  }
0x1ad: {  	v41 =	vld.idx.msk [tilespmem:v54+s4+$0x0], $0xffff;
	v43 =	vor.u32 v27, v24;
	v27 =	vor.u32 v27, v22;
	[tilespmem:v47+s25+$0x0] =	vst.idx.msk $0xffff, v38  }
0x1ae: {  	v52 =	vor.u32 v29, v36;
	v38 =	vld.idx.msk [tilespmem:v44+s4+$0x0], $0xffff;
	[tilespmem:v26+s25+$0x0] =	vst.idx.msk $0xffff, v48;
	v44 =	vor.u32 v18, v39  }
0x1af: {  	v29 =	vor.u32 v18, v33;
	v26 =	vshll.u32 v50, $0x7;
	v39 =	vor.u32 s1, v12;
	v25 =	vld.idx.msk [tilespmem:v25+s4+$0x0], $0xffff  }
0x1b0: {  	v33 =	vor.u32 v30, v26;
	v47 =	vand.u32 $0x7F, v39;
	v26 =	vor.u32 v17, v26;
	v28 =	vld.idx.msk [tilespmem:v28+s4+$0x0], $0xffff  }
0x1b1: {  	v53 =	vor.u32 v47, v19;
	[tilespmem:v35+s25+$0x0] =	vst.idx.msk $0xffff, v46;
	v35 =	vor.u32 v47, v20  }
0x1b2: {  	v31 =	vor.u32 v31, v36;
	v47 =	vshll.u32 v40, $0x7;
	v40 =	vor.u32 s3, v6;
	v48 =	vld.idx.msk [tilespmem:v27+s4+$0x0], $0xffff  }
.Ltmp6:
0x1b3: {  	v46 =	vor.u32 v23, v47;
	v27 =	vand.u32 $0x7F, v40;
	v51 =	vor.u32 v21, v47;
	[tilespmem:v45+s25+$0x0] =	vst.idx.msk $0xffff, v41;
	(pc) =	sbr.rel @p3 .LBB2_8-.Ltmp6, $4  }
0x1b4: {  	v47 =	vor.u32 v27, v24;
	v50 =	vor.u32 v27, v22;
	v49 =	vld.idx.msk [tilespmem:v58+s4+$0x0], $0xffff;
	[tilespmem:v59+s25+$0x0] =	vst.idx.msk $0xffff, v38  }
0x1b5: {  	v27 =	vor.u32 v18, v37;
	v45 =	vld.idx.msk [tilespmem:v60+s4+$0x0], $0xffff;
	[tilespmem:v26+s25+$0x0] =	vst.idx.msk $0xffff, v25;
	v26 =	vor.u32 v57, v36  }
0x1b6: {  	v36 =	vshll.u32 v39, $0x7;
	v39 =	vor.u32 s1, v13;
	v25 =	vor.u32 v18, v55;
	v41 =	vld.idx.msk [tilespmem:v53+s4+$0x0], $0xffff;
	[tilespmem:v44+s25+$0x0] =	vst.idx.msk $0xffff, v28  }
0x1b7: {  	s0 =	sadd.s32 $0x8, s0;
	s12 =	sadd.s32 $0x20, s12;
	v18 =	vmovc v30;
	v37 =	vor.u32 v30, v36;
	v28 =	vand.u32 $0x7F, v39;
	v44 =	vor.u32 v17, v36;
	v38 =	vld.idx.msk [tilespmem:v52+s4+$0x0], $0xffff  }
0x1b8: {  	_ =	sdelay $0x3  }
0x1b9: {  	[tilespmem:v42+s25+$0x0] =	vst.idx.msk $0xffff, v49  }
0x1ba: {  	v30 =	vld.idx.msk [tilespmem:v43+s4+$0x0], $0xffff;
	_ =	sdelay $0x3  }
0x1bb: {  	v36 =	vor.u32 s3, v8;
	[tilespmem:v51+s25+$0x0] =	vst.idx.msk $0xffff, v48;
	v40 =	vshll.u32 v40, $0x7  }
0x1bc: {  	v58 =	vand.u32 $0x7F, v36;
	v59 =	vld.idx.msk [tilespmem:v50+s4+$0x0], $0xffff;
	v60 =	vor.u32 v21, v40;
	[tilespmem:v46+s25+$0x0] =	vst.idx.msk $0xffff, v30  }
0x1bd: {  	v40 =	vor.u32 v23, v40;
	v61 =	vor.u32 v58, v22;
	v46 =	vld.idx.msk [tilespmem:v47+s4+$0x0], $0xffff  }
0x1be: {  	v42 =	vor.u32 v58, v24;
	_ =	sdelay $0x2  }
0x1bf: {  	v62 =	vor.u32 s3, v9;
	v36 =	vshll.u32 v36, $0x7;
	[tilespmem:v60+s25+$0x0] =	vst.idx.msk $0xffff, v59  }
0x1c0: {  	v63 =	vand.u32 $0x7F, v62;
	v52 =	vor.u32 v21, v36;
	v30 =	vld.idx.msk [tilespmem:v61+s4+$0x0], $0xffff;
	[tilespmem:v40+s25+$0x0] =	vst.idx.msk $0xffff, v46  }
0x1c1: {  	v53 =	vor.u32 v63, v22;
	v36 =	vor.u32 v23, v36;
	v42 =	vld.idx.msk [tilespmem:v42+s4+$0x0], $0xffff  }
0x1c2: {  	v54 =	vor.u32 v63, v24;
	_ =	sdelay $0x2  }
0x1c3: {  	v56 =	vor.u32 s3, v7;
	v55 =	vshll.u32 v62, $0x7;
	[tilespmem:v52+s25+$0x0] =	vst.idx.msk $0xffff, v30  }
0x1c4: {  	v57 =	vand.u32 $0x7F, v56;
	v58 =	vor.u32 v21, v55;
	v40 =	vld.idx.msk [tilespmem:v53+s4+$0x0], $0xffff;
	[tilespmem:v36+s25+$0x0] =	vst.idx.msk $0xffff, v42  }
0x1c5: {  	v59 =	vor.u32 v57, v22;
	v30 =	vor.u32 v23, v55;
	v42 =	vld.idx.msk [tilespmem:v54+s4+$0x0], $0xffff  }
0x1c6: {  	v60 =	vor.u32 v57, v24;
	_ =	sdelay $0x2  }
0x1c7: {  	v62 =	vor.u32 s3, v10;
	v61 =	vshll.u32 v56, $0x7;
	[tilespmem:v58+s25+$0x0] =	vst.idx.msk $0xffff, v40  }
0x1c8: {  	v63 =	vand.u32 $0x7F, v62;
	v52 =	vor.u32 v21, v61;
	v36 =	vld.idx.msk [tilespmem:v59+s4+$0x0], $0xffff;
	[tilespmem:v30+s25+$0x0] =	vst.idx.msk $0xffff, v42  }
0x1c9: {  	v53 =	vor.u32 v63, v22;
	v40 =	vor.u32 v23, v61;
	v42 =	vld.idx.msk [tilespmem:v60+s4+$0x0], $0xffff  }
0x1ca: {  	v54 =	vor.u32 v63, v24;
	_ =	sdelay $0x2  }
0x1cb: {  	v56 =	vor.u32 s3, v11;
	v55 =	vshll.u32 v62, $0x7;
	[tilespmem:v52+s25+$0x0] =	vst.idx.msk $0xffff, v36  }
0x1cc: {  	v57 =	vand.u32 $0x7F, v56;
	v58 =	vor.u32 v21, v55;
	v30 =	vld.idx.msk [tilespmem:v53+s4+$0x0], $0xffff;
	[tilespmem:v40+s25+$0x0] =	vst.idx.msk $0xffff, v42  }
0x1cd: {  	v59 =	vor.u32 v57, v22;
	v36 =	vor.u32 v23, v55;
	v42 =	vld.idx.msk [tilespmem:v54+s4+$0x0], $0xffff  }
0x1ce: {  	v60 =	vor.u32 v57, v24  }
0x1cf: {  	[tilespmem:v32+s25+$0x0] =	vst.idx.msk $0xffff, v45  }
0x1d0: {  	v32 =	vld.idx.msk [tilespmem:v34+s4+$0x0], $0xffff  }
0x1d1: {  	v62 =	vor.u32 s3, v12;
	v61 =	vshll.u32 v56, $0x7;
	[tilespmem:v58+s25+$0x0] =	vst.idx.msk $0xffff, v30  }
0x1d2: {  	v48 =	vor.u32 v21, v61;
	v63 =	vand.u32 $0x7F, v62;
	v40 =	vld.idx.msk [tilespmem:v59+s4+$0x0], $0xffff;
	[tilespmem:v36+s25+$0x0] =	vst.idx.msk $0xffff, v42  }
0x1d3: {  	v49 =	vor.u32 v63, v22;
	v30 =	vor.u32 v23, v61;
	v42 =	vld.idx.msk [tilespmem:v60+s4+$0x0], $0xffff  }
0x1d4: {  	v43 =	vor.u32 v63, v24  }
0x1d5: {  	[tilespmem:v33+s25+$0x0] =	vst.idx.msk $0xffff, v32  }
0x1d6: {  	v50 =	vor.u32 v28, v19;
	v32 =	vld.idx.msk [tilespmem:v35+s4+$0x0], $0xffff  }
0x1d7: {  	v51 =	vor.u32 v28, v20;
	v52 =	vshll.u32 v62, $0x7;
	v53 =	vor.u32 s3, v13;
	[tilespmem:v48+s25+$0x0] =	vst.idx.msk $0xffff, v40  }
0x1d8: {  	v56 =	vor.u32 v21, v52;
	v55 =	vand.u32 $0x7F, v53;
	v54 =	vld.idx.msk [tilespmem:v49+s4+$0x0], $0xffff;
	[tilespmem:v30+s25+$0x0] =	vst.idx.msk $0xffff, v42  }
0x1d9: {  	v57 =	vor.u32 v23, v52;
	v58 =	vor.u32 v55, v22;
	v42 =	vld.idx.msk [tilespmem:v43+s4+$0x0], $0xffff  }
0x1da: {  	v39 =	vshll.u32 v39, $0x7;
	[tilespmem:v44+s25+$0x0] =	vst.idx.msk $0xffff, v41;
	v36 =	vor.u32 v55, v24  }
0x1db: {  	[tilespmem:v37+s25+$0x0] =	vst.idx.msk $0xffff, v32;
	v62 =	vld.idx.msk [tilespmem:v50+s4+$0x0], $0xffff;
	v50 =	vor.u32 s3, v14;
	v61 =	vor.u32 v17, v39;
	v59 =	vor.u32 s1, v14  }
0x1dc: {  	v28 =	vld.idx.msk [tilespmem:v51+s4+$0x0], $0xffff;
	v51 =	vand.u32 $0x7F, v50;
	v60 =	vand.u32 $0x7F, v59  }
0x1dd: {  	v34 =	vshll.u32 v53, $0x7;
	v48 =	vor.u32 v18, v39;
	v63 =	vor.u32 v60, v19;
	[tilespmem:v56+s25+$0x0] =	vst.idx.msk $0xffff, v54  }
0x1de: {  	v52 =	vor.u32 v21, v34;
	v49 =	vor.u32 v60, v20;
	v33 =	vld.idx.msk [tilespmem:v58+s4+$0x0], $0xffff;
	[tilespmem:v57+s25+$0x0] =	vst.idx.msk $0xffff, v42  }
0x1df: {  	v53 =	vor.u32 v51, v22;
	v34 =	vor.u32 v23, v34;
	v36 =	vld.idx.msk [tilespmem:v36+s4+$0x0], $0xffff  }
0x1e0: {  	v35 =	vor.u32 v51, v24;
	[tilespmem:v61+s25+$0x0] =	vst.idx.msk $0xffff, v62;
	v61 =	vshll.u32 v50, $0x7  }
0x1e1: {  	v55 =	vshll.u32 v59, $0x7;
	v60 =	vor.u32 s3, v15;
	v54 =	vor.u32 s1, v15  }
0x1e2: {  	v62 =	vand.u32 $0x7F, v60;
	[tilespmem:v48+s25+$0x0] =	vst.idx.msk $0xffff, v28;
	v56 =	vand.u32 $0x7F, v54;
	v45 =	vld.idx.msk [tilespmem:v63+s4+$0x0], $0xffff;
	v57 =	vor.u32 v17, v55  }
0x1e3: {  	v58 =	vor.u32 v56, v19;
	v32 =	vld.idx.msk [tilespmem:v49+s4+$0x0], $0xffff;
	[tilespmem:v52+s25+$0x0] =	vst.idx.msk $0xffff, v33;
	v42 =	vor.u32 v18, v55  }
0x1e4: {  	v59 =	vor.u32 v56, v20;
	v63 =	vor.u32 v21, v61;
	v30 =	vld.idx.msk [tilespmem:v53+s4+$0x0], $0xffff;
	[tilespmem:v34+s25+$0x0] =	vst.idx.msk $0xffff, v36  }
0x1e5: {  	v47 =	vor.u32 v62, v22;
	v48 =	vor.u32 s1, v16;
	v33 =	vor.u32 v23, v61;
	v35 =	vld.idx.msk [tilespmem:v35+s4+$0x0], $0xffff  }
0x1e6: {  	[tilespmem:v29+s25+$0x0] =	vst.idx.msk $0xffff, v38;
	v50 =	vor.u32 v62, v24;
	v51 =	vand.u32 $0x7F, v48  }
0x1e7: {  	v31 =	vld.idx.msk [tilespmem:v31+s4+$0x0], $0xffff;
	v49 =	vshll.u32 v54, $0x7;
	v19 =	vor.u32 v51, v19;
	[tilespmem:v57+s25+$0x0] =	vst.idx.msk $0xffff, v45  }
0x1e8: {  	v54 =	vor.u32 s3, v16;
	v41 =	vor.u32 v17, v49;
	[tilespmem:v42+s25+$0x0] =	vst.idx.msk $0xffff, v32;
	v52 =	vld.idx.msk [tilespmem:v58+s4+$0x0], $0xffff  }
0x1e9: {  	v56 =	vand.u32 $0x7F, v54;
	v55 =	vshll.u32 v60, $0x7;
	[tilespmem:v63+s25+$0x0] =	vst.idx.msk $0xffff, v30;
	v36 =	vor.u32 v18, v49;
	v28 =	vld.idx.msk [tilespmem:v59+s4+$0x0], $0xffff  }
0x1ea: {  	v53 =	vor.u32 v51, v20;
	v57 =	vor.u32 v21, v55;
	v34 =	vld.idx.msk [tilespmem:v47+s4+$0x0], $0xffff;
	[tilespmem:v33+s25+$0x0] =	vst.idx.msk $0xffff, v35  }
0x1eb: {  	v30 =	vor.u32 v23, v55;
	v58 =	vor.u32 v56, v22;
	v33 =	vld.idx.msk [tilespmem:v50+s4+$0x0], $0xffff  }
0x1ec: {  	[tilespmem:v27+s25+$0x0] =	vst.idx.msk $0xffff, v31;
	v59 =	vor.u32 v56, v24  }
0x1ed: {  	v26 =	vld.idx.msk [tilespmem:v26+s4+$0x0], $0xffff;
	v60 =	vshll.u32 v48, $0x7;
	[tilespmem:v41+s25+$0x0] =	vst.idx.msk $0xffff, v52  }
0x1ee: {  	v17 =	vor.u32 v17, v60;
	[tilespmem:v36+s25+$0x0] =	vst.idx.msk $0xffff, v28;
	v19 =	vld.idx.msk [tilespmem:v19+s4+$0x0], $0xffff  }
0x1ef: {  	v61 =	vshll.u32 v54, $0x7;
	v18 =	vor.u32 v18, v60;
	[tilespmem:v57+s25+$0x0] =	vst.idx.msk $0xffff, v34;
	v20 =	vld.idx.msk [tilespmem:v53+s4+$0x0], $0xffff  }
0x1f0: {  	v62 =	vor.u32 v21, v61;
	v22 =	vld.idx.msk [tilespmem:v58+s4+$0x0], $0xffff;
	[tilespmem:v30+s25+$0x0] =	vst.idx.msk $0xffff, v33  }
0x1f1: {  	v63 =	vor.u32 v23, v61;
	v24 =	vld.idx.msk [tilespmem:v59+s4+$0x0], $0xffff  }
0x1f2: {  	[tilespmem:v25+s25+$0x0] =	vst.idx.msk $0xffff, v26  }
.Ltmp7:
0x1f3: {  	[tilespmem:v17+s25+$0x0] =	vst.idx.msk $0xffff, v19;
	(pc) =	sbr.rel .LBB2_13-.Ltmp7, $4  }
0x1f4: {  	[tilespmem:v18+s25+$0x0] =	vst.idx.msk $0xffff, v20  }
0x1f5: {  	[tilespmem:v62+s25+$0x0] =	vst.idx.msk $0xffff, v22  }
0x1f6: {  	[tilespmem:v63+s25+$0x0] =	vst.idx.msk $0xffff, v24  }
0x1f7: {  	s0 =	rddreg [dreg:$0xc]  }
.LBB2_10:
0x1f8: {  	s0 =	simm.s32 $0x0  }
0x1f9: {  	s1 =	sand.u32 $0x20, s0;
	s11 =	sand.u32 $0xF0, s0  }
0x1fa: {  	v17 =	vmov s11;
	s3 =	sor.u32 $0x10, s1  }
0x1fb: {  	v17 =	vshll.u32 v17, $0x3;
	v27 =	vor.u32 s3, v0  }
0x1fc: {  	v17 =	vand.u32 $0x400, v17;
	v18 =	vshll.u32 v27, $0x8  }
0x1fd: {  	v19 =	vor.u32 s11, v0;
	v17 =	vor.u32 v1, v17;
	v18 =	vand.u32 $0x3800, v18  }
0x1fe: {  	s12 =	rddreg [dreg:$0x7];
	s13 =	simm.s32 $0x1;
	v20 =	vand.u32 $0x7F, v19;
	v28 =	vor.u32 v18, v17  }
0x1ff: {  	[tilespmem:s0], [sflag:$0x1] =	stream.strided.gather [hbm4b:s12+s19], $0x4000, s20, s19, $0x38;
	v18 =	vor.u32 v20, v28;
	[tilespmem:$0x18000] =	vst v63  }
0x200: {  	_ =	swait.ge [sflag:s13], $0x4000;
	v25 =	vor.u32 s1, v0  }
0x201: {  	[sflag:s13] =	ssyncset.done $0x0;
	v26 =	vshll.u32 v25, $0x8  }
0x202: {  	s14 =	rddreg [dreg:$0x8];
	[sflag:s13] =	ssyncadd.s32 $0xFFFFC000;
	v26 =	vand.u32 $0x2800, v26  }
0x203: {  	v21 =	vor.u32 s11, v2;
	v19 =	vshll.u32 v19, $0x7;
	[hbm4b:s14+s19] =	stream.strided.scatter [tilespmem:s0], [sflag:$0x5], $0x4000, s20, s19, $0x38;
	v26 =	vor.u32 v26, v17;
	[tilespmem:$0x18000] =	vst v63  }
0x204: {  	v22 =	vand.u32 $0x7F, v21;
	v23 =	vor.u32 v27, v19;
	v20 =	vor.u32 v20, v26;
	v18 =	vld.idx.msk [tilespmem:v18+s4+$0x0], $0xffff  }
0x205: {  	v24 =	vor.u32 v22, v28;
	_ =	sdelay $0x3  }
0x206: {  	v19 =	vor.u32 v25, v19;
	v17 =	vshll.u32 v21, $0x7;
	v20 =	vld.idx.msk [tilespmem:v20+s4+$0x0], $0xffff;
	[tilespmem:v23+s25+$0x0] =	vst.idx.msk $0xffff, v18;
	v18 =	vor.u32 s11, v3  }
0x207: {  	v22 =	vor.u32 v22, v26;
	v21 =	vld.idx.msk [tilespmem:v24+s4+$0x0], $0xffff;
	v23 =	vand.u32 $0x7F, v18;
	v24 =	vor.u32 v27, v17  }
0x208: {  	v29 =	vor.u32 v23, v28;
	_ =	sdelay $0x2  }
0x209: {  	[tilespmem:v19+s25+$0x0] =	vst.idx.msk $0xffff, v20  }
0x20a: {  	v18 =	vshll.u32 v18, $0x7;
	v17 =	vor.u32 v25, v17;
	v19 =	vld.idx.msk [tilespmem:v22+s4+$0x0], $0xffff;
	[tilespmem:v24+s25+$0x0] =	vst.idx.msk $0xffff, v21;
	v21 =	vor.u32 s11, v4  }
0x20b: {  	v30 =	vor.u32 v27, v18;
	v22 =	vor.u32 v23, v26;
	v24 =	vld.idx.msk [tilespmem:v29+s4+$0x0], $0xffff;
	v29 =	vand.u32 $0x7F, v21  }
0x20c: {  	v31 =	vor.u32 v29, v28;
	_ =	sdelay $0x2  }
0x20d: {  	[tilespmem:v17+s25+$0x0] =	vst.idx.msk $0xffff, v19  }
0x20e: {  	v17 =	vor.u32 v25, v18;
	v20 =	vshll.u32 v21, $0x7;
	v21 =	vor.u32 s11, v5;
	v18 =	vld.idx.msk [tilespmem:v22+s4+$0x0], $0xffff;
	[tilespmem:v30+s25+$0x0] =	vst.idx.msk $0xffff, v24  }
0x20f: {  	v22 =	vor.u32 v29, v26;
	v24 =	vand.u32 $0x7F, v21;
	v30 =	vor.u32 v27, v20;
	v23 =	vld.idx.msk [tilespmem:v31+s4+$0x0], $0xffff  }
0x210: {  	v31 =	vor.u32 v24, v28;
	_ =	sdelay $0x2  }
0x211: {  	[tilespmem:v17+s25+$0x0] =	vst.idx.msk $0xffff, v18  }
0x212: {  	v19 =	vor.u32 s11, v6;
	v21 =	vshll.u32 v21, $0x7;
	v20 =	vor.u32 v25, v20;
	v18 =	vld.idx.msk [tilespmem:v22+s4+$0x0], $0xffff;
	[tilespmem:v30+s25+$0x0] =	vst.idx.msk $0xffff, v23  }
0x213: {  	s15 =	simm.s32 $0x8;
	v29 =	vand.u32 $0x7F, v19;
	v24 =	vor.u32 v24, v26;
	v30 =	vor.u32 v27, v21;
	v23 =	vld.idx.msk [tilespmem:v31+s4+$0x0], $0xffff  }
0x214: {  	s16 =	simm.s32 $0x20;
	s1 =	sand.u32 $0xF0, s15;
	v32 =	vor.u32 s11, v8;
	v31 =	vor.u32 v29, v28  }
0x215: {  	s21 =	sand.u32 $0x20, s16;
	v34 =	vand.u32 $0x7F, v32;
	v17 =	vmov s1  }
0x216: {  	s24 =	sor.u32 $0x10, s21;
	v35 =	vor.u32 s1, v0;
	v33 =	vshll.u32 v19, $0x7;
	v19 =	vshll.u32 v17, $0x3  }
0x217: {  	v17 =	vor.u32 s24, v0;
	v22 =	vor.u32 v27, v33;
	v19 =	vand.u32 $0x400, v19;
	[tilespmem:v20+s25+$0x0] =	vst.idx.msk $0xffff, v18  }
0x218: {  	v36 =	vor.u32 v1, v19;
	v21 =	vor.u32 v25, v21;
	v24 =	vld.idx.msk [tilespmem:v24+s4+$0x0], $0xffff;
	[tilespmem:v30+s25+$0x0] =	vst.idx.msk $0xffff, v23  }
0x219: {  	v18 =	vor.u32 s21, v0;
	v29 =	vor.u32 v29, v26;
	v30 =	vshll.u32 v17, $0x8;
	v23 =	vld.idx.msk [tilespmem:v31+s4+$0x0], $0xffff  }
0x21a: {  	v20 =	vshll.u32 v18, $0x8;
	v31 =	vor.u32 v34, v28;
	v19 =	vand.u32 $0x3800, v30  }
0x21b: {  	v20 =	vand.u32 $0x2800, v20;
	v30 =	vand.u32 $0x7F, v35;
	v19 =	vor.u32 v19, v36  }
0x21c: {  	v20 =	vor.u32 v20, v36;
	v37 =	vor.u32 v30, v19  }
0x21d: {  	[tilespmem:v21+s25+$0x0] =	vst.idx.msk $0xffff, v24;
	v21 =	vor.u32 v30, v20  }
0x21e: {  	[tilespmem:v22+s25+$0x0] =	vst.idx.msk $0xffff, v23;
	v22 =	vshll.u32 v32, $0x7;
	v23 =	vor.u32 s11, v9  }
0x21f: {  	v40 =	vor.u32 s1, v2;
	v31 =	vld.idx.msk [tilespmem:v31+s4+$0x0], $0xffff;
	v60 =	vand.u32 $0x7F, v23;
	v38 =	vor.u32 v27, v22  }
0x220: {  	v24 =	vor.u32 v25, v33;
	v35 =	vshll.u32 v35, $0x7;
	v29 =	vld.idx.msk [tilespmem:v29+s4+$0x0], $0xffff;
	v39 =	vor.u32 v60, v28  }
0x221: {  	v41 =	vand.u32 $0x7F, v40;
	v42 =	vor.u32 v17, v35;
	v37 =	vld.idx.msk [tilespmem:v37+s4+$0x0], $0xffff  }
0x222: {  	v50 =	vshll.u32 v40, $0x7;
	v35 =	vor.u32 v18, v35;
	v61 =	vor.u32 v41, v19;
	v21 =	vld.idx.msk [tilespmem:v21+s4+$0x0], $0xffff  }
0x223: {  	v51 =	vor.u32 s1, v3;
	v43 =	vor.u32 v17, v50;
	v41 =	vor.u32 v41, v20  }
0x224: {  	v30 =	vor.u32 s11, v7;
	v23 =	vshll.u32 v23, $0x7;
	[tilespmem:v38+s25+$0x0] =	vst.idx.msk $0xffff, v31;
	v31 =	vor.u32 v34, v26  }
0x225: {  	v56 =	vshll.u32 v51, $0x7;
	v63 =	vand.u32 $0x7F, v30;
	[tilespmem:v24+s25+$0x0] =	vst.idx.msk $0xffff, v29;
	v48 =	vor.u32 v27, v23;
	v62 =	vld.idx.msk [tilespmem:v39+s4+$0x0], $0xffff  }
0x226: {  	v52 =	vand.u32 $0x7F, v51;
	v58 =	vor.u32 v17, v56;
	v49 =	vor.u32 v63, v28;
	[tilespmem:v42+s25+$0x0] =	vst.idx.msk $0xffff, v37  }
0x227: {  	v57 =	vor.u32 s1, v4;
	v44 =	vor.u32 v52, v19;
	v29 =	vshll.u32 v30, $0x7;
	[tilespmem:v35+s25+$0x0] =	vst.idx.msk $0xffff, v21;
	v36 =	vld.idx.msk [tilespmem:v61+s4+$0x0], $0xffff  }
0x228: {  	v30 =	vor.u32 s11, v10;
	v22 =	vor.u32 v25, v22;
	v39 =	vor.u32 v18, v50;
	v41 =	vld.idx.msk [tilespmem:v41+s4+$0x0], $0xffff  }
0x229: {  	v53 =	vand.u32 $0x7F, v30;
	v54 =	vor.u32 v27, v29;
	v42 =	vor.u32 v52, v20;
	v24 =	vld.idx.msk [tilespmem:v31+s4+$0x0], $0xffff  }
0x22a: {  	v30 =	vshll.u32 v30, $0x7;
	v29 =	vor.u32 v25, v29;
	v32 =	vor.u32 v60, v26;
	[tilespmem:v48+s25+$0x0] =	vst.idx.msk $0xffff, v62  }
0x22b: {  	v55 =	vor.u32 v53, v28;
	v33 =	vor.u32 v53, v26;
	v21 =	vand.u32 $0x7F, v57;
	v31 =	vld.idx.msk [tilespmem:v49+s4+$0x0], $0xffff  }
0x22c: {  	v53 =	vor.u32 s11, v12;
	v59 =	vor.u32 v21, v19;
	v21 =	vor.u32 v21, v20;
	[tilespmem:v43+s25+$0x0] =	vst.idx.msk $0xffff, v36  }
0x22d: {  	v62 =	vor.u32 v27, v30;
	[tilespmem:v39+s25+$0x0] =	vst.idx.msk $0xffff, v41;
	v30 =	vor.u32 v25, v30;
	v43 =	vld.idx.msk [tilespmem:v44+s4+$0x0], $0xffff  }
0x22e: {  	v48 =	vshll.u32 v57, $0x7;
	v49 =	vor.u32 s1, v5;
	v42 =	vld.idx.msk [tilespmem:v42+s4+$0x0], $0xffff;
	[tilespmem:v22+s25+$0x0] =	vst.idx.msk $0xffff, v24;
	v24 =	vor.u32 v18, v56  }
0x22f: {  	v50 =	vor.u32 v17, v48;
	v51 =	vand.u32 $0x7F, v49;
	v22 =	vor.u32 v25, v23;
	v32 =	vld.idx.msk [tilespmem:v32+s4+$0x0], $0xffff  }
0x230: {  	v40 =	vshll.u32 v49, $0x7;
	v23 =	vor.u32 v63, v26;
	[tilespmem:v54+s25+$0x0] =	vst.idx.msk $0xffff, v31;
	v31 =	vor.u32 s11, v11  }
0x231: {  	v52 =	vor.u32 v51, v19;
	v54 =	vor.u32 v51, v20;
	v60 =	vld.idx.msk [tilespmem:v55+s4+$0x0], $0xffff;
	v61 =	vand.u32 $0x7F, v31  }
0x232: {  	[tilespmem:v58+s25+$0x0] =	vst.idx.msk $0xffff, v43;
	v31 =	vshll.u32 v31, $0x7;
	v58 =	vand.u32 $0x7F, v53;
	v63 =	vor.u32 v61, v28  }
0x233: {  	v43 =	vld.idx.msk [tilespmem:v59+s4+$0x0], $0xffff;
	v36 =	vor.u32 v61, v26;
	v37 =	vor.u32 v25, v31;
	[tilespmem:v24+s25+$0x0] =	vst.idx.msk $0xffff, v42  }
0x234: {  	v31 =	vor.u32 v27, v31;
	[tilespmem:v22+s25+$0x0] =	vst.idx.msk $0xffff, v32;
	v22 =	vor.u32 v18, v48;
	v45 =	vld.idx.msk [tilespmem:v21+s4+$0x0], $0xffff  }
0x235: {  	v39 =	vor.u32 v58, v26;
	v59 =	vor.u32 s1, v6;
	v38 =	vor.u32 v58, v28;
	v23 =	vld.idx.msk [tilespmem:v23+s4+$0x0], $0xffff  }
0x236: {  	v61 =	vor.u32 v18, v40;
	v40 =	vor.u32 v17, v40;
	v24 =	vand.u32 $0x7F, v59;
	[tilespmem:v62+s25+$0x0] =	vst.idx.msk $0xffff, v60  }
0x237: {  	s29 =	simm.s32 $0x10;
	v41 =	vshll.u32 v59, $0x7;
	v44 =	vor.u32 v24, v20;
	v24 =	vor.u32 v24, v19;
	v35 =	vld.idx.msk [tilespmem:v63+s4+$0x0], $0xffff  }
0x238: {  	s3 =	sand.u32 $0xF0, s29;
	v21 =	vshll.u32 v53, $0x7;
	v56 =	vor.u32 v17, v41;
	v41 =	vor.u32 v18, v41;
	[tilespmem:v50+s25+$0x0] =	vst.idx.msk $0xffff, v43  }
0x239: {  	s30 =	simm.s32 $0x40;
	v57 =	vor.u32 s3, v0;
	v46 =	vor.u32 v25, v21;
	v62 =	vor.u32 s11, v13;
	v60 =	vld.idx.msk [tilespmem:v52+s4+$0x0], $0xffff;
	[tilespmem:v22+s25+$0x0] =	vst.idx.msk $0xffff, v45  }
0x23a: {  	s8 =	sand.u32 $0x20, s30;
	v63 =	vor.u32 s11, v14;
	v43 =	vshll.u32 v57, $0x7;
	[tilespmem:v29+s25+$0x0] =	vst.idx.msk $0xffff, v23;
	v29 =	vand.u32 $0x7F, v62  }
0x23b: {  	s31 =	sor.u32 $0x10, s8;
	v23 =	vor.u32 v27, v21;
	v21 =	vmov s3;
	v34 =	vld.idx.msk [tilespmem:v54+s4+$0x0], $0xffff;
	v47 =	vor.u32 v29, v28  }
0x23c: {  	v33 =	vld.idx.msk [tilespmem:v33+s4+$0x0], $0xffff;
	v55 =	vshll.u32 v21, $0x3;
	v21 =	vor.u32 s31, v0;
	[tilespmem:v31+s25+$0x0] =	vst.idx.msk $0xffff, v35;
	v31 =	vor.u32 s1, v8  }
0x23d: {  	v49 =	vshll.u32 v21, $0x8;
	v54 =	vor.u32 v21, v43;
	v35 =	vshll.u32 v63, $0x7  }
0x23e: {  	v48 =	vand.u32 $0x7F, v31;
	[tilespmem:v40+s25+$0x0] =	vst.idx.msk $0xffff, v60;
	v40 =	vand.u32 $0x400, v55;
	v22 =	vand.u32 $0x3800, v49  }
0x23f: {  	v38 =	vld.idx.msk [tilespmem:v38+s4+$0x0], $0xffff;
	v31 =	vshll.u32 v31, $0x7;
	v60 =	vor.u32 s1, v9;
	v55 =	vor.u32 s11, v15  }
0x240: {  	v24 =	vld.idx.msk [tilespmem:v24+s4+$0x0], $0xffff;
	v50 =	vor.u32 v48, v19;
	v40 =	vor.u32 v1, v40;
	[tilespmem:v61+s25+$0x0] =	vst.idx.msk $0xffff, v34  }
0x241: {  	v52 =	vand.u32 $0x7F, v60;
	v22 =	vor.u32 v22, v40;
	[tilespmem:v30+s25+$0x0] =	vst.idx.msk $0xffff, v33;
	v30 =	vand.u32 $0x7F, v57  }
0x242: {  	v53 =	vor.u32 v17, v31;
	v48 =	vor.u32 v48, v20;
	v44 =	vld.idx.msk [tilespmem:v44+s4+$0x0], $0xffff;
	v58 =	vor.u32 v30, v22  }
0x243: {  	v42 =	vshll.u32 v60, $0x7;
	v60 =	vor.u32 s1, v7;
	v31 =	vor.u32 v18, v31  }
0x244: {  	v61 =	vor.u32 v52, v19;
	v33 =	vshll.u32 v62, $0x7;
	v36 =	vld.idx.msk [tilespmem:v36+s4+$0x0], $0xffff;
	[tilespmem:v23+s25+$0x0] =	vst.idx.msk $0xffff, v38;
	v23 =	vor.u32 s8, v0  }
0x245: {  	v59 =	vor.u32 v27, v33;
	v38 =	vand.u32 $0x7F, v63;
	v47 =	vld.idx.msk [tilespmem:v47+s4+$0x0], $0xffff;
	[tilespmem:v56+s25+$0x0] =	vst.idx.msk $0xffff, v24;
	v24 =	vshll.u32 v23, $0x8  }
0x246: {  	v62 =	vor.u32 s3, v2;
	v51 =	vor.u32 v38, v28;
	v50 =	vld.idx.msk [tilespmem:v50+s4+$0x0], $0xffff;
	v24 =	vand.u32 $0x2800, v24  }
0x247: {  	v56 =	vor.u32 v17, v42;
	v24 =	vor.u32 v24, v40;
	[tilespmem:v41+s25+$0x0] =	vst.idx.msk $0xffff, v44;
	v32 =	vld.idx.msk [tilespmem:v58+s4+$0x0], $0xffff  }
0x248: {  	v43 =	vor.u32 v23, v43;
	v40 =	vand.u32 $0x7F, v62;
	v30 =	vor.u32 v30, v24;
	v48 =	vld.idx.msk [tilespmem:v48+s4+$0x0], $0xffff  }
0x249: {  	v45 =	vshll.u32 v62, $0x7;
	v38 =	vor.u32 v38, v26;
	v63 =	vor.u32 v40, v22;
	[tilespmem:v37+s25+$0x0] =	vst.idx.msk $0xffff, v36  }
0x24a: {  	v36 =	vand.u32 $0x7F, v55;
	v37 =	vor.u32 v27, v35;
	v55 =	vshll.u32 v55, $0x7;
	v39 =	vld.idx.msk [tilespmem:v39+s4+$0x0], $0xffff;
	[tilespmem:v59+s25+$0x0] =	vst.idx.msk $0xffff, v47  }
0x24b: {  	v49 =	vld.idx.msk [tilespmem:v51+s4+$0x0], $0xffff;
	[tilespmem:v53+s25+$0x0] =	vst.idx.msk $0xffff, v50;
	v51 =	vor.u32 v36, v28;
	v53 =	vand.u32 $0x7F, v60;
	v60 =	vshll.u32 v60, $0x7  }
0x24c: {  	v34 =	vld.idx.msk [tilespmem:v61+s4+$0x0], $0xffff;
	v50 =	vor.u32 v17, v60;
	v58 =	vor.u32 v18, v60;
	[tilespmem:v54+s25+$0x0] =	vst.idx.msk $0xffff, v32  }
0x24d: {  	v47 =	vor.u32 s3, v4;
	v32 =	vor.u32 v53, v19;
	v54 =	vor.u32 s3, v3;
	v30 =	vld.idx.msk [tilespmem:v30+s4+$0x0], $0xffff;
	[tilespmem:v31+s25+$0x0] =	vst.idx.msk $0xffff, v48  }
0x24e: {  	v53 =	vor.u32 v53, v20;
	v61 =	vld.idx.msk [tilespmem:v63+s4+$0x0], $0xffff;
	v62 =	vand.u32 $0x7F, v54;
	v63 =	vor.u32 v21, v45  }
0x24f: {  	v45 =	vor.u32 v23, v45;
	[tilespmem:v46+s25+$0x0] =	vst.idx.msk $0xffff, v39;
	v39 =	vor.u32 s1, v10;
	v46 =	vor.u32 v52, v20  }
0x250: {  	v57 =	vor.u32 v62, v22;
	v31 =	vand.u32 $0x7F, v39;
	v44 =	vor.u32 v62, v24;
	[tilespmem:v37+s25+$0x0] =	vst.idx.msk $0xffff, v49  }
0x251: {  	v37 =	vor.u32 v40, v24;
	v40 =	vor.u32 s11, v16;
	v49 =	vor.u32 v27, v55;
	[tilespmem:v56+s25+$0x0] =	vst.idx.msk $0xffff, v34  }
0x252: {  	v62 =	vor.u32 v31, v19;
	v59 =	vor.u32 v31, v20;
	v56 =	vand.u32 $0x7F, v40;
	v32 =	vld.idx.msk [tilespmem:v32+s4+$0x0], $0xffff  }
0x253: {  	v60 =	vor.u32 s1, v11;
	v31 =	vshll.u32 v39, $0x7;
	v28 =	vor.u32 v56, v28;
	[tilespmem:v63+s25+$0x0] =	vst.idx.msk $0xffff, v61;
	v63 =	vld.idx.msk [tilespmem:v51+s4+$0x0], $0xffff  }
0x254: {  	[tilespmem:v43+s25+$0x0] =	vst.idx.msk $0xffff, v30;
	v30 =	vand.u32 $0x7F, v47;
	v61 =	vshll.u32 v54, $0x7;
	v51 =	vor.u32 v18, v42;
	v46 =	vld.idx.msk [tilespmem:v46+s4+$0x0], $0xffff  }
0x255: {  	v48 =	vld.idx.msk [tilespmem:v57+s4+$0x0], $0xffff;
	v52 =	vor.u32 v21, v61;
	v57 =	vshll.u32 v40, $0x7;
	v40 =	vor.u32 v30, v22  }
0x256: {  	v41 =	vor.u32 v23, v61;
	v30 =	vor.u32 v30, v24;
	v61 =	vand.u32 $0x7F, v60;
	v37 =	vld.idx.msk [tilespmem:v37+s4+$0x0], $0xffff  }
0x257: {  	v54 =	vor.u32 s1, v12;
	v27 =	vor.u32 v27, v57;
	v34 =	vor.u32 v61, v20;
	[tilespmem:v50+s25+$0x0] =	vst.idx.msk $0xffff, v32  }
0x258: {  	v32 =	vor.u32 v18, v31;
	v31 =	vor.u32 v17, v31;
	v62 =	vld.idx.msk [tilespmem:v62+s4+$0x0], $0xffff;
	[tilespmem:v49+s25+$0x0] =	vst.idx.msk $0xffff, v63  }
0x259: {  	v63 =	vshll.u32 v47, $0x7;
	v47 =	vor.u32 s3, v5;
	v49 =	vor.u32 v29, v26;
	[tilespmem:v51+s25+$0x0] =	vst.idx.msk $0xffff, v46;
	v28 =	vld.idx.msk [tilespmem:v28+s4+$0x0], $0xffff  }
0x25a: {  	v39 =	vor.u32 v61, v19;
	v51 =	vand.u32 $0x7F, v54;
	[tilespmem:v52+s25+$0x0] =	vst.idx.msk $0xffff, v48;
	v29 =	vand.u32 $0x7F, v47;
	v53 =	vld.idx.msk [tilespmem:v53+s4+$0x0], $0xffff  }
0x25b: {  	v42 =	vor.u32 v23, v63;
	v40 =	vld.idx.msk [tilespmem:v40+s4+$0x0], $0xffff;
	[tilespmem:v45+s25+$0x0] =	vst.idx.msk $0xffff, v37;
	v37 =	vor.u32 v21, v63  }
0x25c: {  	v52 =	vor.u32 v25, v33;
	v43 =	vor.u32 v29, v24;
	v45 =	vor.u32 v29, v22  }
0x25d: {  	v29 =	vor.u32 v25, v35;
	v35 =	vor.u32 v51, v20;
	v44 =	vld.idx.msk [tilespmem:v44+s4+$0x0], $0xffff;
	[tilespmem:v31+s25+$0x0] =	vst.idx.msk $0xffff, v62  }
0x25e: {  	v63 =	vor.u32 v51, v19;
	v31 =	vshll.u32 v60, $0x7;
	v61 =	vld.idx.msk [tilespmem:v49+s4+$0x0], $0xffff;
	[tilespmem:v27+s25+$0x0] =	vst.idx.msk $0xffff, v28  }
0x25f: {  	v39 =	vld.idx.msk [tilespmem:v39+s4+$0x0], $0xffff;
	v33 =	vor.u32 v18, v31;
	v60 =	vor.u32 v17, v31;
	[tilespmem:v58+s25+$0x0] =	vst.idx.msk $0xffff, v53  }
0x260: {  	v27 =	vshll.u32 v47, $0x7;
	v31 =	vor.u32 v36, v26;
	[tilespmem:v37+s25+$0x0] =	vst.idx.msk $0xffff, v40;
	v40 =	vor.u32 s3, v6  }
0x261: {  	v26 =	vor.u32 v56, v26;
	v51 =	vor.u32 v21, v27;
	v48 =	vld.idx.msk [tilespmem:v45+s4+$0x0], $0xffff;
	v28 =	vand.u32 $0x7F, v40  }
0x262: {  	v46 =	vor.u32 v23, v27;
	[tilespmem:v41+s25+$0x0] =	vst.idx.msk $0xffff, v44;
	v45 =	vld.idx.msk [tilespmem:v59+s4+$0x0], $0xffff;
	v50 =	vor.u32 v28, v22  }
0x263: {  	v27 =	vor.u32 v25, v55;
	v25 =	vor.u32 v25, v57;
	v49 =	vld.idx.msk [tilespmem:v30+s4+$0x0], $0xffff;
	[tilespmem:v52+s25+$0x0] =	vst.idx.msk $0xffff, v61  }
0x264: {  	v47 =	vor.u32 v28, v24;
	v30 =	vshll.u32 v54, $0x7;
	[tilespmem:v60+s25+$0x0] =	vst.idx.msk $0xffff, v39;
	v39 =	vor.u32 s1, v13;
	v38 =	vld.idx.msk [tilespmem:v38+s4+$0x0], $0xffff  }
0x265: {  	s12 =	simm.s32 $0x60;
	s0 =	simm.s32 $0x18;
	s11 =	simm.s32 $0x4;
	v37 =	vor.u32 v18, v30;
	v44 =	vor.u32 v17, v30;
	v41 =	vld.idx.msk [tilespmem:v63+s4+$0x0], $0xffff;
	v28 =	vand.u32 $0x7F, v39  }
.LBB2_11:
0x266: {  	s8 =	sand.u32 $0x20, s12;
	s13 =	sand.u32 $0xF0, s0;
	s11 =	sadd.s32 $0x2, s11;
	v52 =	vor.u32 s3, v8;
	[tilespmem:v51+s25+$0x0] =	vst.idx.msk $0xffff, v48;
	v48 =	vor.u32 s1, v14;
	v51 =	vor.u32 v28, v19;
	v30 =	vmovc v23  }
0x267: {  	v53 =	vshll.u32 v40, $0x7;
	v36 =	vmovc v20;
	v20 =	vmovc v24;
	v23 =	vmov s13;
	s9 =	sor.u32 $0x10, s8;
	p3 =	slt.u32 s11, $0x3E;
	v54 =	vand.u32 $0x7F, v52;
	v50 =	vld.idx.msk [tilespmem:v50+s4+$0x0], $0xffff  }
0x268: {  	v24 =	vor.u32 v21, v53;
	v23 =	vshll.u32 v23, $0x3;
	v40 =	vor.u32 s9, v0;
	[tilespmem:v42+s25+$0x0] =	vst.idx.msk $0xffff, v49  }
0x269: {  	v49 =	vor.u32 v54, v22;
	v23 =	vand.u32 $0x400, v23;
	v42 =	vshll.u32 v40, $0x8;
	v43 =	vld.idx.msk [tilespmem:v43+s4+$0x0], $0xffff;
	[tilespmem:v32+s25+$0x0] =	vst.idx.msk $0xffff, v45  }
0x26a: {  	v32 =	vor.u32 s13, v0;
	v45 =	vor.u32 v1, v23;
	v23 =	vand.u32 $0x3800, v42;
	v34 =	vld.idx.msk [tilespmem:v34+s4+$0x0], $0xffff;
	[tilespmem:v44+s25+$0x0] =	vst.idx.msk $0xffff, v41  }
0x26b: {  	v39 =	vshll.u32 v39, $0x7;
	v41 =	vand.u32 $0x7F, v32;
	v42 =	vor.u32 v23, v45;
	v44 =	vld.idx.msk [tilespmem:v51+s4+$0x0], $0xffff;
	[tilespmem:v29+s25+$0x0] =	vst.idx.msk $0xffff, v38  }
0x26c: {  	v29 =	vand.u32 $0x7F, v48;
	v51 =	vor.u32 v17, v39;
	v38 =	vor.u32 v41, v42;
	v55 =	vld.idx.msk [tilespmem:v31+s4+$0x0], $0xffff  }
0x26d: {  	v53 =	vor.u32 v30, v53;
	v23 =	vor.u32 s8, v0;
	v31 =	vor.u32 v29, v19;
	[tilespmem:v24+s25+$0x0] =	vst.idx.msk $0xffff, v50  }
0x26e: {  	v24 =	vshll.u32 v23, $0x8;
	v50 =	vshll.u32 v52, $0x7;
	v52 =	vor.u32 s3, v9;
	v49 =	vld.idx.msk [tilespmem:v49+s4+$0x0], $0xffff  }
0x26f: {  	v24 =	vand.u32 $0x2800, v24;
	[tilespmem:v46+s25+$0x0] =	vst.idx.msk $0xffff, v43;
	v43 =	vand.u32 $0x7F, v52;
	v46 =	vor.u32 v21, v50  }
0x270: {  	v24 =	vor.u32 v24, v45;
	v45 =	vld.idx.msk [tilespmem:v47+s4+$0x0], $0xffff;
	v47 =	vor.u32 v54, v20;
	v54 =	vor.u32 v43, v22  }
0x271: {  	v57 =	vor.u32 s1, v15;
	v56 =	vor.u32 s13, v2;
	v32 =	vshll.u32 v32, $0x7;
	v38 =	vld.idx.msk [tilespmem:v38+s4+$0x0], $0xffff;
	[tilespmem:v51+s25+$0x0] =	vst.idx.msk $0xffff, v44  }
0x272: {  	v44 =	vand.u32 $0x7F, v56;
	v51 =	vor.u32 v40, v32;
	[tilespmem:v33+s25+$0x0] =	vst.idx.msk $0xffff, v34;
	v33 =	vshll.u32 v48, $0x7;
	v34 =	vld.idx.msk [tilespmem:v31+s4+$0x0], $0xffff  }
0x273: {  	v48 =	vor.u32 v44, v42;
	v31 =	vand.u32 $0x7F, v57;
	v35 =	vld.idx.msk [tilespmem:v35+s4+$0x0], $0xffff;
	v58 =	vor.u32 v17, v33  }
0x274: {  	v41 =	vor.u32 v41, v24;
	[tilespmem:v46+s25+$0x0] =	vst.idx.msk $0xffff, v49;
	v46 =	vor.u32 v31, v19  }
0x275: {  	v32 =	vor.u32 v23, v32;
	v49 =	vshll.u32 v52, $0x7;
	v52 =	vor.u32 s3, v7;
	v54 =	vld.idx.msk [tilespmem:v54+s4+$0x0], $0xffff;
	[tilespmem:v27+s25+$0x0] =	vst.idx.msk $0xffff, v55  }
0x276: {  	v27 =	vor.u32 v44, v24;
	v44 =	vand.u32 $0x7F, v52;
	[tilespmem:v53+s25+$0x0] =	vst.idx.msk $0xffff, v45;
	v45 =	vor.u32 v21, v49  }
0x277: {  	[tilespmem:v51+s25+$0x0] =	vst.idx.msk $0xffff, v38;
	v38 =	vld.idx.msk [tilespmem:v47+s4+$0x0], $0xffff;
	v47 =	vor.u32 v30, v50;
	v50 =	vor.u32 v44, v22  }
0x278: {  	v55 =	vor.u32 s1, v16;
	s1 =	smov.u32 s3;
	s3 =	smov.u32 s13;
	v53 =	vor.u32 s13, v3;
	v51 =	vshll.u32 v56, $0x7;
	v48 =	vld.idx.msk [tilespmem:v48+s4+$0x0], $0xffff;
	[tilespmem:v58+s25+$0x0] =	vst.idx.msk $0xffff, v34  }
0x279: {  	v34 =	vand.u32 $0x7F, v53;
	v56 =	vor.u32 v40, v51;
	[tilespmem:v37+s25+$0x0] =	vst.idx.msk $0xffff, v35;
	v37 =	vshll.u32 v57, $0x7;
	v35 =	vld.idx.msk [tilespmem:v46+s4+$0x0], $0xffff  }
0x27a: {  	v46 =	vor.u32 v34, v42;
	v57 =	vand.u32 $0x7F, v55;
	v41 =	vld.idx.msk [tilespmem:v41+s4+$0x0], $0xffff;
	v58 =	vor.u32 v17, v37  }
0x27b: {  	v51 =	vor.u32 v23, v51;
	[tilespmem:v45+s25+$0x0] =	vst.idx.msk $0xffff, v54;
	v45 =	vor.u32 v57, v19;
	v26 =	vld.idx.msk [tilespmem:v26+s4+$0x0], $0xffff  }
0x27c: {  	v54 =	vor.u32 v34, v24;
	v34 =	vshll.u32 v52, $0x7;
	v52 =	vor.u32 s1, v10;
	v19 =	vmovc v22;
	v22 =	vmovc v42;
	v50 =	vld.idx.msk [tilespmem:v50+s4+$0x0], $0xffff  }
0x27d: {  	v42 =	vand.u32 $0x7F, v52;
	[tilespmem:v47+s25+$0x0] =	vst.idx.msk $0xffff, v38;
	v38 =	vor.u32 v43, v20;
	v43 =	vor.u32 v21, v34  }
0x27e: {  	v47 =	vor.u32 v30, v49;
	[tilespmem:v56+s25+$0x0] =	vst.idx.msk $0xffff, v48;
	v48 =	vor.u32 v42, v19  }
0x27f: {  	v44 =	vor.u32 v44, v20;
	v49 =	vshll.u32 v53, $0x7;
	v53 =	vor.u32 s3, v4;
	v46 =	vld.idx.msk [tilespmem:v46+s4+$0x0], $0xffff;
	[tilespmem:v58+s25+$0x0] =	vst.idx.msk $0xffff, v35  }
0x280: {  	v55 =	vshll.u32 v55, $0x7;
	v35 =	vor.u32 v40, v49;
	[tilespmem:v32+s25+$0x0] =	vst.idx.msk $0xffff, v41;
	v32 =	vand.u32 $0x7F, v53;
	v41 =	vld.idx.msk [tilespmem:v45+s4+$0x0], $0xffff  }
0x281: {  	v56 =	vor.u32 v17, v55;
	v45 =	vor.u32 v23, v49;
	v27 =	vld.idx.msk [tilespmem:v27+s4+$0x0], $0xffff;
	v49 =	vor.u32 v32, v22  }
0x282: {  	v59 =	vor.u32 v30, v34;
	v58 =	vor.u32 v32, v24;
	v38 =	vld.idx.msk [tilespmem:v38+s4+$0x0], $0xffff;
	[tilespmem:v43+s25+$0x0] =	vst.idx.msk $0xffff, v50  }
0x283: {  	v60 =	vor.u32 v42, v20;
	v34 =	vshll.u32 v52, $0x7;
	v50 =	vor.u32 s1, v11;
	v48 =	vld.idx.msk [tilespmem:v48+s4+$0x0], $0xffff;
	[tilespmem:v25+s25+$0x0] =	vst.idx.msk $0xffff, v26  }
0x284: {  	v17 =	vmovc v21;
	v32 =	vor.u32 v30, v34;
	v25 =	vand.u32 $0x7F, v50;
	v26 =	vor.u32 v21, v34;
	v21 =	vmovc v40  }
0x285: {  	v34 =	vor.u32 v25, v20;
	v25 =	vor.u32 v25, v19;
	[tilespmem:v35+s25+$0x0] =	vst.idx.msk $0xffff, v46  }
0x286: {  	v28 =	vor.u32 v28, v36;
	v40 =	vor.u32 s3, v5;
	v35 =	vshll.u32 v53, $0x7;
	v46 =	vld.idx.msk [tilespmem:v49+s4+$0x0], $0xffff;
	[tilespmem:v56+s25+$0x0] =	vst.idx.msk $0xffff, v41  }
0x287: {  	v42 =	vor.u32 v23, v35;
	v35 =	vor.u32 v21, v35;
	[tilespmem:v51+s25+$0x0] =	vst.idx.msk $0xffff, v27;
	v27 =	vand.u32 $0x7F, v40  }
0x288: {  	v41 =	vld.idx.msk [tilespmem:v54+s4+$0x0], $0xffff;
	v43 =	vor.u32 v27, v24;
	v27 =	vor.u32 v27, v22;
	[tilespmem:v47+s25+$0x0] =	vst.idx.msk $0xffff, v38  }
0x289: {  	v52 =	vor.u32 v29, v36;
	v38 =	vld.idx.msk [tilespmem:v44+s4+$0x0], $0xffff;
	[tilespmem:v26+s25+$0x0] =	vst.idx.msk $0xffff, v48;
	v44 =	vor.u32 v18, v39  }
0x28a: {  	v29 =	vor.u32 v18, v33;
	v26 =	vshll.u32 v50, $0x7;
	v39 =	vor.u32 s1, v12;
	v25 =	vld.idx.msk [tilespmem:v25+s4+$0x0], $0xffff  }
0x28b: {  	v33 =	vor.u32 v30, v26;
	v47 =	vand.u32 $0x7F, v39;
	v26 =	vor.u32 v17, v26;
	v28 =	vld.idx.msk [tilespmem:v28+s4+$0x0], $0xffff  }
0x28c: {  	v53 =	vor.u32 v47, v19;
	[tilespmem:v35+s25+$0x0] =	vst.idx.msk $0xffff, v46;
	v35 =	vor.u32 v47, v20  }
0x28d: {  	v31 =	vor.u32 v31, v36;
	v47 =	vshll.u32 v40, $0x7;
	v40 =	vor.u32 s3, v6;
	v48 =	vld.idx.msk [tilespmem:v27+s4+$0x0], $0xffff  }
.Ltmp8:
0x28e: {  	v46 =	vor.u32 v23, v47;
	v27 =	vand.u32 $0x7F, v40;
	v51 =	vor.u32 v21, v47;
	[tilespmem:v45+s25+$0x0] =	vst.idx.msk $0xffff, v41;
	(pc) =	sbr.rel @p3 .LBB2_11-.Ltmp8, $4  }
0x28f: {  	v47 =	vor.u32 v27, v24;
	v50 =	vor.u32 v27, v22;
	v49 =	vld.idx.msk [tilespmem:v58+s4+$0x0], $0xffff;
	[tilespmem:v59+s25+$0x0] =	vst.idx.msk $0xffff, v38  }
0x290: {  	v27 =	vor.u32 v18, v37;
	v45 =	vld.idx.msk [tilespmem:v60+s4+$0x0], $0xffff;
	[tilespmem:v26+s25+$0x0] =	vst.idx.msk $0xffff, v25;
	v26 =	vor.u32 v57, v36  }
0x291: {  	v36 =	vshll.u32 v39, $0x7;
	v39 =	vor.u32 s1, v13;
	v25 =	vor.u32 v18, v55;
	v41 =	vld.idx.msk [tilespmem:v53+s4+$0x0], $0xffff;
	[tilespmem:v44+s25+$0x0] =	vst.idx.msk $0xffff, v28  }
0x292: {  	s0 =	sadd.s32 $0x8, s0;
	s12 =	sadd.s32 $0x20, s12;
	v18 =	vmovc v30;
	v37 =	vor.u32 v30, v36;
	v28 =	vand.u32 $0x7F, v39;
	v44 =	vor.u32 v17, v36;
	v38 =	vld.idx.msk [tilespmem:v52+s4+$0x0], $0xffff  }
0x293: {  	_ =	sdelay $0x3  }
0x294: {  	[tilespmem:v42+s25+$0x0] =	vst.idx.msk $0xffff, v49  }
0x295: {  	v30 =	vld.idx.msk [tilespmem:v43+s4+$0x0], $0xffff;
	_ =	sdelay $0x3  }
0x296: {  	v36 =	vor.u32 s3, v8;
	[tilespmem:v51+s25+$0x0] =	vst.idx.msk $0xffff, v48;
	v40 =	vshll.u32 v40, $0x7  }
0x297: {  	v58 =	vand.u32 $0x7F, v36;
	v59 =	vld.idx.msk [tilespmem:v50+s4+$0x0], $0xffff;
	v60 =	vor.u32 v21, v40;
	[tilespmem:v46+s25+$0x0] =	vst.idx.msk $0xffff, v30  }
0x298: {  	v40 =	vor.u32 v23, v40;
	v61 =	vor.u32 v58, v22;
	v46 =	vld.idx.msk [tilespmem:v47+s4+$0x0], $0xffff  }
0x299: {  	v42 =	vor.u32 v58, v24;
	_ =	sdelay $0x2  }
0x29a: {  	v62 =	vor.u32 s3, v9;
	v36 =	vshll.u32 v36, $0x7;
	[tilespmem:v60+s25+$0x0] =	vst.idx.msk $0xffff, v59  }
0x29b: {  	v63 =	vand.u32 $0x7F, v62;
	v52 =	vor.u32 v21, v36;
	v30 =	vld.idx.msk [tilespmem:v61+s4+$0x0], $0xffff;
	[tilespmem:v40+s25+$0x0] =	vst.idx.msk $0xffff, v46  }
0x29c: {  	v53 =	vor.u32 v63, v22;
	v36 =	vor.u32 v23, v36;
	v42 =	vld.idx.msk [tilespmem:v42+s4+$0x0], $0xffff  }
0x29d: {  	v54 =	vor.u32 v63, v24;
	_ =	sdelay $0x2  }
0x29e: {  	v56 =	vor.u32 s3, v7;
	v55 =	vshll.u32 v62, $0x7;
	[tilespmem:v52+s25+$0x0] =	vst.idx.msk $0xffff, v30  }
0x29f: {  	v57 =	vand.u32 $0x7F, v56;
	v58 =	vor.u32 v21, v55;
	v40 =	vld.idx.msk [tilespmem:v53+s4+$0x0], $0xffff;
	[tilespmem:v36+s25+$0x0] =	vst.idx.msk $0xffff, v42  }
0x2a0: {  	v59 =	vor.u32 v57, v22;
	v30 =	vor.u32 v23, v55;
	v42 =	vld.idx.msk [tilespmem:v54+s4+$0x0], $0xffff  }
0x2a1: {  	v60 =	vor.u32 v57, v24;
	_ =	sdelay $0x2  }
0x2a2: {  	v62 =	vor.u32 s3, v10;
	v61 =	vshll.u32 v56, $0x7;
	[tilespmem:v58+s25+$0x0] =	vst.idx.msk $0xffff, v40  }
0x2a3: {  	v63 =	vand.u32 $0x7F, v62;
	v52 =	vor.u32 v21, v61;
	v36 =	vld.idx.msk [tilespmem:v59+s4+$0x0], $0xffff;
	[tilespmem:v30+s25+$0x0] =	vst.idx.msk $0xffff, v42  }
0x2a4: {  	v53 =	vor.u32 v63, v22;
	v40 =	vor.u32 v23, v61;
	v42 =	vld.idx.msk [tilespmem:v60+s4+$0x0], $0xffff  }
0x2a5: {  	v54 =	vor.u32 v63, v24;
	_ =	sdelay $0x2  }
0x2a6: {  	v56 =	vor.u32 s3, v11;
	v55 =	vshll.u32 v62, $0x7;
	[tilespmem:v52+s25+$0x0] =	vst.idx.msk $0xffff, v36  }
0x2a7: {  	v57 =	vand.u32 $0x7F, v56;
	v58 =	vor.u32 v21, v55;
	v30 =	vld.idx.msk [tilespmem:v53+s4+$0x0], $0xffff;
	[tilespmem:v40+s25+$0x0] =	vst.idx.msk $0xffff, v42  }
0x2a8: {  	v59 =	vor.u32 v57, v22;
	v36 =	vor.u32 v23, v55;
	v42 =	vld.idx.msk [tilespmem:v54+s4+$0x0], $0xffff  }
0x2a9: {  	v60 =	vor.u32 v57, v24  }
0x2aa: {  	[tilespmem:v32+s25+$0x0] =	vst.idx.msk $0xffff, v45  }
0x2ab: {  	v32 =	vld.idx.msk [tilespmem:v34+s4+$0x0], $0xffff  }
0x2ac: {  	v62 =	vor.u32 s3, v12;
	v61 =	vshll.u32 v56, $0x7;
	[tilespmem:v58+s25+$0x0] =	vst.idx.msk $0xffff, v30  }
0x2ad: {  	v48 =	vor.u32 v21, v61;
	v63 =	vand.u32 $0x7F, v62;
	v40 =	vld.idx.msk [tilespmem:v59+s4+$0x0], $0xffff;
	[tilespmem:v36+s25+$0x0] =	vst.idx.msk $0xffff, v42  }
0x2ae: {  	v49 =	vor.u32 v63, v22;
	v30 =	vor.u32 v23, v61;
	v42 =	vld.idx.msk [tilespmem:v60+s4+$0x0], $0xffff  }
0x2af: {  	v43 =	vor.u32 v63, v24  }
0x2b0: {  	[tilespmem:v33+s25+$0x0] =	vst.idx.msk $0xffff, v32  }
0x2b1: {  	v50 =	vor.u32 v28, v19;
	v32 =	vld.idx.msk [tilespmem:v35+s4+$0x0], $0xffff  }
0x2b2: {  	v51 =	vor.u32 v28, v20;
	v52 =	vshll.u32 v62, $0x7;
	v53 =	vor.u32 s3, v13;
	[tilespmem:v48+s25+$0x0] =	vst.idx.msk $0xffff, v40  }
0x2b3: {  	v56 =	vor.u32 v21, v52;
	v55 =	vand.u32 $0x7F, v53;
	v54 =	vld.idx.msk [tilespmem:v49+s4+$0x0], $0xffff;
	[tilespmem:v30+s25+$0x0] =	vst.idx.msk $0xffff, v42  }
0x2b4: {  	v57 =	vor.u32 v23, v52;
	v58 =	vor.u32 v55, v22;
	v42 =	vld.idx.msk [tilespmem:v43+s4+$0x0], $0xffff  }
0x2b5: {  	v39 =	vshll.u32 v39, $0x7;
	[tilespmem:v44+s25+$0x0] =	vst.idx.msk $0xffff, v41;
	v36 =	vor.u32 v55, v24  }
0x2b6: {  	[tilespmem:v37+s25+$0x0] =	vst.idx.msk $0xffff, v32;
	v62 =	vld.idx.msk [tilespmem:v50+s4+$0x0], $0xffff;
	v50 =	vor.u32 s3, v14;
	v61 =	vor.u32 v17, v39;
	v59 =	vor.u32 s1, v14  }
0x2b7: {  	v28 =	vld.idx.msk [tilespmem:v51+s4+$0x0], $0xffff;
	v51 =	vand.u32 $0x7F, v50;
	v60 =	vand.u32 $0x7F, v59  }
0x2b8: {  	v34 =	vshll.u32 v53, $0x7;
	v48 =	vor.u32 v18, v39;
	v63 =	vor.u32 v60, v19;
	[tilespmem:v56+s25+$0x0] =	vst.idx.msk $0xffff, v54  }
0x2b9: {  	v52 =	vor.u32 v21, v34;
	v49 =	vor.u32 v60, v20;
	v33 =	vld.idx.msk [tilespmem:v58+s4+$0x0], $0xffff;
	[tilespmem:v57+s25+$0x0] =	vst.idx.msk $0xffff, v42  }
0x2ba: {  	v53 =	vor.u32 v51, v22;
	v34 =	vor.u32 v23, v34;
	v36 =	vld.idx.msk [tilespmem:v36+s4+$0x0], $0xffff  }
0x2bb: {  	v35 =	vor.u32 v51, v24;
	[tilespmem:v61+s25+$0x0] =	vst.idx.msk $0xffff, v62;
	v61 =	vshll.u32 v50, $0x7  }
0x2bc: {  	v55 =	vshll.u32 v59, $0x7;
	v60 =	vor.u32 s3, v15;
	v54 =	vor.u32 s1, v15  }
0x2bd: {  	v62 =	vand.u32 $0x7F, v60;
	[tilespmem:v48+s25+$0x0] =	vst.idx.msk $0xffff, v28;
	v56 =	vand.u32 $0x7F, v54;
	v45 =	vld.idx.msk [tilespmem:v63+s4+$0x0], $0xffff;
	v57 =	vor.u32 v17, v55  }
0x2be: {  	v58 =	vor.u32 v56, v19;
	v32 =	vld.idx.msk [tilespmem:v49+s4+$0x0], $0xffff;
	[tilespmem:v52+s25+$0x0] =	vst.idx.msk $0xffff, v33;
	v42 =	vor.u32 v18, v55  }
0x2bf: {  	v59 =	vor.u32 v56, v20;
	v63 =	vor.u32 v21, v61;
	v30 =	vld.idx.msk [tilespmem:v53+s4+$0x0], $0xffff;
	[tilespmem:v34+s25+$0x0] =	vst.idx.msk $0xffff, v36  }
0x2c0: {  	v47 =	vor.u32 v62, v22;
	v48 =	vor.u32 s1, v16;
	v33 =	vor.u32 v23, v61;
	v35 =	vld.idx.msk [tilespmem:v35+s4+$0x0], $0xffff  }
0x2c1: {  	[tilespmem:v29+s25+$0x0] =	vst.idx.msk $0xffff, v38;
	v50 =	vor.u32 v62, v24;
	v51 =	vand.u32 $0x7F, v48  }
0x2c2: {  	v31 =	vld.idx.msk [tilespmem:v31+s4+$0x0], $0xffff;
	v49 =	vshll.u32 v54, $0x7;
	v19 =	vor.u32 v51, v19;
	[tilespmem:v57+s25+$0x0] =	vst.idx.msk $0xffff, v45  }
0x2c3: {  	v54 =	vor.u32 s3, v16;
	v41 =	vor.u32 v17, v49;
	[tilespmem:v42+s25+$0x0] =	vst.idx.msk $0xffff, v32;
	v52 =	vld.idx.msk [tilespmem:v58+s4+$0x0], $0xffff  }
0x2c4: {  	v56 =	vand.u32 $0x7F, v54;
	v55 =	vshll.u32 v60, $0x7;
	[tilespmem:v63+s25+$0x0] =	vst.idx.msk $0xffff, v30;
	v36 =	vor.u32 v18, v49;
	v28 =	vld.idx.msk [tilespmem:v59+s4+$0x0], $0xffff  }
0x2c5: {  	v53 =	vor.u32 v51, v20;
	v57 =	vor.u32 v21, v55;
	v34 =	vld.idx.msk [tilespmem:v47+s4+$0x0], $0xffff;
	[tilespmem:v33+s25+$0x0] =	vst.idx.msk $0xffff, v35  }
0x2c6: {  	v30 =	vor.u32 v23, v55;
	v58 =	vor.u32 v56, v22;
	v33 =	vld.idx.msk [tilespmem:v50+s4+$0x0], $0xffff  }
0x2c7: {  	[tilespmem:v27+s25+$0x0] =	vst.idx.msk $0xffff, v31;
	v59 =	vor.u32 v56, v24  }
0x2c8: {  	v26 =	vld.idx.msk [tilespmem:v26+s4+$0x0], $0xffff;
	v60 =	vshll.u32 v48, $0x7;
	[tilespmem:v41+s25+$0x0] =	vst.idx.msk $0xffff, v52  }
0x2c9: {  	v17 =	vor.u32 v17, v60;
	[tilespmem:v36+s25+$0x0] =	vst.idx.msk $0xffff, v28;
	v19 =	vld.idx.msk [tilespmem:v19+s4+$0x0], $0xffff  }
0x2ca: {  	v61 =	vshll.u32 v54, $0x7;
	v18 =	vor.u32 v18, v60;
	[tilespmem:v57+s25+$0x0] =	vst.idx.msk $0xffff, v34;
	v20 =	vld.idx.msk [tilespmem:v53+s4+$0x0], $0xffff  }
0x2cb: {  	v62 =	vor.u32 v21, v61;
	v22 =	vld.idx.msk [tilespmem:v58+s4+$0x0], $0xffff;
	[tilespmem:v30+s25+$0x0] =	vst.idx.msk $0xffff, v33  }
0x2cc: {  	v63 =	vor.u32 v23, v61;
	v24 =	vld.idx.msk [tilespmem:v59+s4+$0x0], $0xffff  }
0x2cd: {  	[tilespmem:v25+s25+$0x0] =	vst.idx.msk $0xffff, v26  }
.Ltmp9:
0x2ce: {  	[tilespmem:v17+s25+$0x0] =	vst.idx.msk $0xffff, v19;
	(pc) =	sbr.rel .LBB2_13-.Ltmp9, $4  }
0x2cf: {  	[tilespmem:v18+s25+$0x0] =	vst.idx.msk $0xffff, v20  }
0x2d0: {  	[tilespmem:v62+s25+$0x0] =	vst.idx.msk $0xffff, v22  }
0x2d1: {  	[tilespmem:v63+s25+$0x0] =	vst.idx.msk $0xffff, v24  }
0x2d2: {  	s0 =	rddreg [dreg:$0x9]  }
.LBB2_15:
0x2d3: {  	_ =	sfence.sel $0x180000  }
0x2d4: {  	[bflag:$0x0] =	sbarrier.arrive $0xFFFF  }
0x2d5: {  	_ =	strace $0x90000047  }
0x2d6: {  	s0 =	stileid.u32;
	[bflag:$0x2] =	sbarrier.arrive $0xFFFF  }
0x2d7: {  	p0 =	sne.s32 s0, $0x0;
	s0 =	rddreg [dreg:$0x4]  }
0x2d8: {  	s0 =	sadd.s32 @!p0 $0x100000, s0  }
0x2d9: {  	[sflag:s0] =	ssyncadd.tile.s32 @!p0 $0x1;
	_ =	shalt  }
.Lfunc_end2:
_tile_overlayer_lowered:
.L_overlay_start_2:
0x2da: {  	(tag) =	ssettag $0x2  }
0x2db: {  	s0 =	rddreg [dreg:$0x0];
	s2 =	stileid.u32  }
0x2dc: {  	s1 =	rddreg [dreg:$0x1];
	p0 =	sne.s32 s2, $0x0  }
0x2dd: {  	s3 =	rddreg [dreg:$0x2];
	[bflag:$0x3] =	sbarrier.arrive $0xFFFF;
	s2 =	simm.s32 @!p0 $0x1C07  }
0x2de: {  	[timem:s3], [sflag:s2] =	dma.local @!p0 [hbm:s0], s1  }
0x2df: {  	s0 =	simm.s32 @!p0 $0x7  }
0x2e0: {  	_ =	swait.ge @!p0 [sflag:s0], s1  }
0x2e1: {  	s1 =	ssub.s32 @!p0 $0x0, s1;
	[sflag:s0] =	ssyncset.done @!p0 $0x0  }
0x2e2: {  	[sflag:s0] =	ssyncadd.s32 @!p0 s1  }
0x2e3: {  	[bflag:$0x3] =	sbarrier.arrive $0xFFFF  }
0x2e4: {  	_ =	shalt  }

// kernel: kernel.7.cloned.1.call-start
scs
__scs_entry_jumppad:
0x0: {  	(pc) =	sbr.rel $0x88, $3  }
0x1: {  	(tag) =	ssettag $0x0;
	lr =	simm.s32 $0x1  }
0x2: {  	[smem:$0x3F9F] =	sst lr;
	_ =	strace $0xD0000000  }
0x3: {  	_ = 	snop  }
0x4: {  	_ = 	snop  }
0x5: {  	_ = 	snop  }
0x6: {  	_ = 	snop  }
0x7: {  	_ = 	snop  }
__scs_overlays_trampoline_lowered:
0x8: {  	[smem:$0x3FAE] =	sst s0  }
0x9: {  	[smem:$0x3FAF] =	sst s1  }
0xa: {  	[smem:$0x3FB0] =	sst s2  }
0xb: {  	[smem:$0x3FB1] =	sst s3  }
0xc: {  	[smem:$0x3FB2] =	sst s4  }
0xd: {  	[smem:$0x3FB3] =	sst s5  }
0xe: {  	[smem:$0x3FB4] =	sst s6  }
0xf: {  	[smem:$0x3FB5] =	sst s7  }
0x10: {  	[smem:$0x3FB6] =	sst s8  }
0x11: {  	[smem:$0x3FB7] =	sst s9;
	s0 =	simm.s32 @!p0 $0x0  }
0x12: {  	s1 =	sld [smem:$0x3F9D];
	s0 =	simm.s32 @p0 $0x1  }
0x13: {  	[smem:$0x3FB8] =	sst s0;
	s0 =	simm.s32 @!p1 $0x0  }
0x14: {  	s2 =	sld [smem:$0x3F9C];
	s0 =	simm.s32 @p1 $0x1  }
0x15: {  	[smem:$0x3FB9] =	sst s0;
	s0 =	simm.s32 @!p2 $0x0  }
0x16: {  	s3 =	sld [smem:$0x3FDB];
	s0 =	simm.s32 @p2 $0x1  }
0x17: {  	s4 =	simm.s32 $0x1BF5;
	[smem:$0x3FBB] =	sst s0  }
0x18: {  	s0 =	sld [smem:$0x3F9E];
	_ =	swait.ge [sflag:s4], $0x0  }
0x19: {  	s7 =	sld [smem:$0x3F9F]  }
0x1a: {  	s8 =	sadd.s32 $0xFFFFE003, lr  }
0x1b: {  	s9 =	sadd.s32 $0xFFFFFEF7, lr;
	s5 =	simm.s32 $0xFFFFFFFF;
	p2 =	slt.u32 s8, $0xFFFFF086  }
0x1c: {  	p1 =	slt.u32 s9, $0xF7A;
	s5 =	simm.s32 @!p2 $0x0  }
0x1d: {  	s5 =	simm.s32 @p1 $0x1;
	p0 =	seq.s32 s7, s2  }
0x1e: {  	s7 =	smul.u32 @!p0 $0xF7A, s2;
	p2 =	seq.s32 @!p0 s5, $0x0  }
0x1f: {  	s9 =	smul.u32 $0xF7A, s1;
	s8 =	simm.s32 @!p0 $0x1BF5;
	p2 =	por !p2, p0  }
0x20: {  	[sflag:s8] =	ssyncset.s32 @!p0 $0xFFFFF086;
	s6 =	sadd.s32 @!p0 s3, s7;
	s7 =	simm.s32 @!p0 $0x108  }
0x21: {  	s3 =	sadd.s32 s3, s9;
	s6 =	sadd.s32 @!p0 $0x88, s6;
	s7 =	simm.s32 @p2 $0x1082  }
0x22: {  	[simem:s7], [sflag:s8] =	dma.local @!p0 [hbm:s6], $0xF7A  }
0x23: {  	s9 =	sor.u32 $0xD0000000, s2;
	s6 =	simm.s32 $0x108;
	_ =	swait.ge @!p0 [sflag:s8], $0x0  }
0x24: {  	s3 =	sadd.s32 $0x88, s3;
	s6 =	simm.s32 @!p1 $0x1082;
	[sflag:s4] =	ssyncset.s32 $0xFFFFF086  }
0x25: {  	[simem:s6], [sflag:s4] =	dma.local [hbm:s3], $0xF7A  }
0x26: {  	[smem:$0x3F9F] =	sst s1;
	(tag) =	ssettag s2;
	_ =	strace s9  }
0x27: {  	s1 =	sld [smem:$0x3FAF]  }
0x28: {  	s2 =	sld [smem:$0x3FB0]  }
0x29: {  	s4 =	sld [smem:$0x3FB2]  }
0x2a: {  	p0 =	seq.s32 s5, $0x0;
	s5 =	sld [smem:$0x3FB3]  }
0x2b: {  	s6 =	sld [smem:$0x3FB4]  }
0x2c: {  	s7 =	sld [smem:$0x3FB5]  }
0x2d: {  	s3 =	simm.s32 $0x108;
	s8 =	sld [smem:$0x3FB6]  }
0x2e: {  	s3 =	simm.s32 @!p0 $0x1082;
	s9 =	sld [smem:$0x3FB7]  }
0x2f: {  	lr =	sadd.s32 s0, s3;
	s0 =	sld [smem:$0x3FAE]  }
0x30: {  	s3 =	sld [smem:$0x3FB1]  }
0x31: {  	[smem:$0x3FBA] =	sst s10  }
0x32: {  	s10 =	sld [smem:$0x3FB8];
	_ =	sdelay $0x3  }
0x33: {  	p0 =	seq.s32 s10, $0x1;
	s10 =	sld [smem:$0x3FBA];
	_ =	sdelay $0x3  }
0x34: {  	[smem:$0x3FBA] =	sst s10  }
0x35: {  	s10 =	sld [smem:$0x3FB9];
	_ =	sdelay $0x3  }
0x36: {  	p1 =	seq.s32 s10, $0x1;
	s10 =	sld [smem:$0x3FBA];
	_ =	sdelay $0x3  }
0x37: {  	[smem:$0x3FBA] =	sst s10  }
0x38: {  	s10 =	sld [smem:$0x3FBB]  }
0x39: {  	_ = 	snop;
	(pc) =	sbr.ind lr, $3  }
0x3a: {  	_ = 	snop  }
0x3b: {  	_ = 	snop  }
0x3c: {  	p2 =	seq.s32 s10, $0x1;
	s10 =	sld [smem:$0x3FBA]  }
0x3d: {  	_ =	shalt  }
0x3e: {  	_ =	shalt  }
0x3f: {  	_ =	shalt  }
0x40: {  	_ =	shalt  }
0x41: {  	_ =	shalt  }
0x42: {  	_ =	shalt  }
0x43: {  	_ =	shalt  }
0x44: {  	_ =	shalt  }
0x45: {  	_ =	shalt  }
0x46: {  	_ =	shalt  }
0x47: {  	_ =	shalt  }
0x48: {  	_ =	shalt  }
0x49: {  	_ =	shalt  }
0x4a: {  	_ =	shalt  }
0x4b: {  	_ =	shalt  }
0x4c: {  	_ =	shalt  }
0x4d: {  	_ =	shalt  }
0x4e: {  	_ =	shalt  }
0x4f: {  	_ =	shalt  }
0x50: {  	_ =	shalt  }
0x51: {  	_ =	shalt  }
0x52: {  	_ =	shalt  }
0x53: {  	_ =	shalt  }
0x54: {  	_ =	shalt  }
0x55: {  	_ =	shalt  }
0x56: {  	_ =	shalt  }
0x57: {  	_ =	shalt  }
0x58: {  	_ =	shalt  }
0x59: {  	_ =	shalt  }
0x5a: {  	_ =	shalt  }
0x5b: {  	_ =	shalt  }
0x5c: {  	_ =	shalt  }
0x5d: {  	_ =	shalt  }
0x5e: {  	_ =	shalt  }
0x5f: {  	_ =	shalt  }
0x60: {  	_ =	shalt  }
0x61: {  	_ =	shalt  }
0x62: {  	_ =	shalt  }
0x63: {  	_ =	shalt  }
0x64: {  	_ =	shalt  }
0x65: {  	_ =	shalt  }
0x66: {  	_ =	shalt  }
0x67: {  	_ =	shalt  }
0x68: {  	_ =	shalt  }
0x69: {  	_ =	shalt  }
0x6a: {  	_ =	shalt  }
0x6b: {  	_ =	shalt  }
0x6c: {  	_ =	shalt  }
0x6d: {  	_ =	shalt  }
0x6e: {  	_ =	shalt  }
0x6f: {  	_ =	shalt  }
0x70: {  	_ =	shalt  }
0x71: {  	_ =	shalt  }
0x72: {  	_ =	shalt  }
0x73: {  	_ =	shalt  }
0x74: {  	_ =	shalt  }
0x75: {  	_ =	shalt  }
0x76: {  	_ =	shalt  }
0x77: {  	_ =	shalt  }
0x78: {  	_ =	shalt  }
0x79: {  	_ =	shalt  }
0x7a: {  	_ =	shalt  }
0x7b: {  	_ =	shalt  }
0x7c: {  	_ =	shalt  }
0x7d: {  	_ =	shalt  }
0x7e: {  	_ =	shalt  }
0x7f: {  	_ =	shalt  }
0x80: {  	_ =	shalt  }
0x81: {  	_ =	shalt  }
0x82: {  	_ =	shalt  }
0x83: {  	_ =	shalt  }
0x84: {  	_ =	shalt  }
0x85: {  	_ =	shalt  }
0x86: {  	_ =	shalt  }
0x87: {  	_ =	shalt  }
.Lfunc_end0:
.L_simem_size_0:
called_computation.1_lowered:
.L_overlay_start_0:
0x88: {  	s2 =	sld [smem:$0x3FD9]  }
0x89: {  	s3 =	sld [smem:$0x3FFE];
	_ =	sdelay $0x1  }
0x8a: {  	s1 =	srdreg.scid  }
0x8b: {  	s0 =	sand.u32 $0x1, s1  }
0x8c: {  	s14 =	sshll.u32 s0, $0xA;
	s2 =	sadd.s32 s3, s2  }
0x8d: {  	s2 =	sadd.s32 s2, s14  }
0x8e: {  	[smem:$0x3FC6] =	sst s2  }
0x8f: {  	_ = 	snop  }
0x90: {  	s2 =	sld [smem:$0x3FD0];
	_ =	sdelay $0x2  }
0x91: {  	s4 =	simm.s32 $0xA;
	s5 =	simm.s32 $0x10;
	s15 =	sld [smem:$0x3FC9]  }
0x92: {  	[smem:s5], [sflag:s4] =	dma.local [hbm:s2], $0x1  }
0x93: {  	_ =	swait.eq [sflag:s4], $0x1  }
0x94: {  	[sflag:s4] =	ssyncset.done $0x0  }
0x95: {  	[sflag:s4] =	ssyncadd.s32 $0xFFFFFFFF  }
0x96: {  	s16 =	sld [smem:$0x10];
	(tm) =	ssettm $0x1  }
0x97: {  	s17 =	sld [smem:$0x3FFB];
	_ =	sdelay $0x3  }
0x98: {  	_ =	strace s17  }
0x99: {  	s4 =	sld [smem:$0x3FFC];
	_ =	sdelay $0x3  }
0x9a: {  	_ =	strace s4  }
0x9b: {  	s4 =	sld [smem:$0x3FFD];
	_ =	sdelay $0x3  }
0x9c: {  	_ =	strace s4  }
0x9d: {  	_ =	strace $0x8FFFFFFF  }
0x9e: {  	s18 =	sld [smem:$0x3FDB];
	_ =	sdelay $0x1  }
0x9f: {  	s19 =	simm.s32 $_scs_section_size  }
0xa0: {  	s6 =	simm.s32 $_size__tile_overlayer_lowered;
	s7 =	simm.s32 $_tile_overlayer_lowered  }
0xa1: {  	s22 =	simm.s32 $0x1BFF;
	s21 =	sshll.u32 s7, $0x1;
	s4 =	sadd.s32 s19, s18  }
0xa2: {  	s8 =	simm.s32 $0x0;
	s20 =	sshll.u32 s6, $0x1;
	s6 =	sadd.s32 s21, s4  }
0xa3: {  	[timem:s8], [sflag:s22] =	dma.local [hbm:s6], s20  }
0xa4: {  	_ =	swait.ge [sflag:s22], s20  }
0xa5: {  	s5 =	ssub.s32 $0x0, s20;
	[sflag:s22] =	ssyncset.done $0x0  }
0xa6: {  	[sflag:s22] =	ssyncadd.s32 s5;
	_ =	sdelay $0x1  }
0xa7: {  	s23 =	simm.s32 $0x1B8B  }
0xa8: {  	_ =	swait.ge [sflag:s23], $0x1  }
0xa9: {  	[sflag:s23] =	ssyncset.done $0x0  }
0xaa: {  	s25 =	simm.s32 $0x1B8E;
	s24 =	sld [smem:$0x3FFE];
	[sflag:s23] =	ssyncadd.s32 $0xFFFFFFFF  }
0xab: {  	s26 =	simm.s32 $execute0_lowered;
	[smem:$0x3FD2] =	sst s25  }
0xac: {  	s6 =	sshll.u32 s26, $0x1;
	_ =	strace $0x80000049;
	[dreg:$0x1] =	wrdreg $0xFFFFFFFF  }
0xad: {  	s28 =	simm.s32 $_size_execute0_lowered;
	s4 =	sadd.s32 s4, s6;
	[dreg:$0x0] =	wrdreg $0x0  }
0xae: {  	s6 =	sshll.u32 s28, $0x1;
	[dreg:$0x2] =	wrdreg s4  }
0xaf: {  	[dreg:$0x3] =	wrdreg s6  }
0xb0: {  	[dreg:$0x4] =	wrdreg $0xC0  }
0xb1: {  	_ =	task [dreg:s8], $0x5FFFF  }
0xb2: {  	[dreg:$0x1] =	wrdreg $0xFFFFFFFF  }
0xb3: {  	[dreg:$0x0] =	wrdreg $0x60  }
0xb4: {  	[dreg:$0x2] =	wrdreg s15  }
0xb5: {  	[dreg:$0x3] =	wrdreg s24  }
0xb6: {  	[dreg:$0x4] =	wrdreg s16  }
0xb7: {  	[dreg:$0x5] =	wrdreg $0x9  }
0xb8: {  	_ =	task.clear_ibuf [dreg:s8], $0x6FFFF;
	_ =	strace $0x90000049  }
0xb9: {  	s29 =	simm.s32 $0x9;
	_ =	strace $0x8000004B  }
0xba: {  	_ =	swait.ge [sflag:s29], $0x1  }
0xbb: {  	[sflag:s29] =	ssyncadd.s32 $0xFFFFFFFF  }
0xbc: {  	_ =	strace $0x9000004B  }
0xbd: {  	_ =	sfence  }
0xbe: {  	s30 =	sld [smem:$0x0];
	_ =	sdelay $0x2  }
0xbf: {  	s31 =	sshll.u32 s1, $0xD;
	s1 =	sshrl.u32 s1, $0x2  }
0xc0: {  	s3 =	sand.u32 $0x4000, s31;
	s1 =	sadd.s32 s1, s30  }
0xc1: {  	s0 =	sor.u32 s3, s0;
	s1 =	sshll.u32 s1, $0x11  }
0xc2: {  	s0 =	sor.u32 s1, s0  }
0xc3: {  	s0 =	sadd.s32 $0x8F2B, s0  }
0xc4: {  	[sflag:s0] =	ssyncadd.remote.s32 $0x1  }
0xc5: {  	_ =	sfence.sel $0xFFFF  }
0xc6: {  	[dreg:$0x0] =	wrdreg $0xFFFFFFFF;
	(pc) =	sbr.abs _section_cstart, $3  }
0xc7: {  	[dreg:$0x1] =	wrdreg $0xFFFFFFFF  }
0xc8: {  	_ =	task.clear_ibuf [dreg:s8], $0x2FFFF;
	_ =	strace $0x9FFFFFFF  }
0xc9: {  	(tm) =	ssettm $0x7FFFFFFF  }
tec
execute0_lowered:
.L_overlay_start_1:
0x0: {  	(tag) =	ssettag $0x1  }
0x1: {  	v0 =	vimm.s32 $0xFEDCBA9;
	v1 =	vimm.s32 $0x87654321  }
0x2: {  	v2 =	vimm.s32 $0x10FEDCBA;
	v3 =	vimm.s32 $0x98765432;
	v4 =	vimm.s32 $0x210FEDCB  }
0x3: {  	v5 =	vimm.s32 $0xA9876543;
	v55 =	vimm.s32 $0x43210FED;
	v16 =	vimm.s32 $0xEDCBA987  }
0x4: {  	v17 =	vimm.s32 $0xFEDCBA98;
	v18 =	vimm.s32 $0x76543210;
	v0 =	vunpack.c.l.s4.s8 v0  }
0x5: {  	v1 =	vunpack.c.l.s4.s8 v1;
	v2 =	vunpack.c.l.s4.s8 v2;
	v3 =	vunpack.c.l.s4.s8 v3  }
0x6: {  	v4 =	vunpack.c.l.s4.s8 v4;
	v53 =	vunpack.c.l.s4.s8 v5;
	v7 =	vunpack.c.l.s4.s8 v55  }
0x7: {  	v16 =	vunpack.c.l.s4.s8 v16;
	v17 =	vunpack.c.l.s4.s8 v17;
	v0 =	vunpack.c.0.s8.s32 v0  }
0x8: {  	v1 =	vunpack.c.0.s8.s32 v1;
	v8 =	vunpack.c.0.s8.s32 v2;
	v9 =	vunpack.c.0.s8.s32 v3  }
0x9: {  	v10 =	vunpack.c.0.s8.s32 v4;
	v3 =	vimm.s32 $0x3210FEDC;
	v11 =	vunpack.c.0.s8.s32 v53  }
0xa: {  	v14 =	vunpack.c.0.s8.s32 v7;
	v7 =	vimm.s32 $0x6543210F;
	v54 =	vunpack.c.l.s4.s8 v3  }
0xb: {  	v3 =	vimm.s32 $0xBA987654;
	v7 =	vunpack.c.l.s4.s8 v7;
	v4 =	vcombine.low v1, v0  }
0xc: {  	v5 =	vcombine.low v9, v8;
	v3 =	vunpack.c.l.s4.s8 v3;
	v6 =	vcombine.low v11, v10  }
0xd: {  	v16 =	vunpack.c.0.s8.s32 v16;
	v62 =	vcombine.low v8, v9;
	v11 =	vcombine.low v10, v11  }
0xe: {  	v12 =	vunpack.c.0.s8.s32 v54;
	v58 =	vunpack.c.0.s8.s32 v7;
	v13 =	vunpack.c.0.s8.s32 v3  }
0xf: {  	v7 =	vunpack.c.0.s8.s32 v17;
	v3 =	vimm.s32 $0xCBA98765;
	v56 =	vand.u32 $0xF, v4  }
0x10: {  	v57 =	vand.u32 $0xF, v5;
	[tilespmem:$0x1FF10] =	vst v56;
	v4 =	vunpack.c.l.s4.s8 v3;
	v5 =	vcombine.low v13, v12  }
0x11: {  	s0 =	rddreg [dreg:$0x0];
	s3 =	srdreg.scid;
	[tilespmem:$0x1FF20] =	vst v57;
	v3 =	vand.u32 $0xF, v6;
	v6 =	vimm.s32 $0xDCBA9876;
	v21 =	vcombine.low v16, v58  }
0x12: {  	s5 =	rddreg [dreg:$0x1];
	s4 =	sand.u32 $0x1, s3;
	s3 =	simm.s32 $0x0;
	[tilespmem:$0x1FF30] =	vst v3;
	v6 =	vunpack.c.l.s4.s8 v6;
	v15 =	vunpack.c.0.s8.s32 v4;
	v59 =	vand.u32 $0xF, v5  }
0x13: {  	[smem:$0x7FF] =	sst s3;
	v8 =	vand.u32 $0xF, v11;
	v12 =	vcombine.low v12, v13;
	v10 =	vand.u32 $0xF, v21;
	[tilespmem:$0x1FF40] =	vst v59  }
0x14: {  	s1 =	rddreg [dreg:$0x2];
	v4 =	vimm.s32 $0x543210FE;
	v20 =	vunpack.c.0.s8.s32 v6;
	v5 =	vcombine.low v15, v14;
	_ =	strace $0x8000004A;
	[tilespmem:$0x1FF80] =	vst v10  }
0x15: {  	v6 =	vunpack.c.l.s4.s8 v18;
	v9 =	vand.u32 $0xF, v12;
	v13 =	vcombine.low v14, v15;
	[tilespmem:$0x1FFA0] =	vst v8  }
0x16: {  	s2 =	stileid.u32;
	s9 =	simm.s32 $0x400;
	v4 =	vunpack.c.l.s4.s8 v4;
	v15 =	vcombine.low v58, v16;
	[tilespmem:$0x1FFC0] =	vst v9;
	v5 =	vand.u32 $0xF, v5  }
0x17: {  	s10 =	simm.s32 $0x8000;
	s11 =	simm.s32 $0x5;
	s12 =	simm.s32 $0x80;
	v0 =	vcombine.low v0, v1;
	v6 =	vunpack.c.0.s8.s32 v6;
	v13 =	vand.u32 $0xF, v13;
	[tilespmem:$0x1FF70] =	vst v5  }
0x18: {  	s13 =	simm.s32 $0x6400;
	s14 =	simm.s32 $0xA400;
	s15 =	simm.s32 $0x1;
	v7 =	vand.u32 $0xF, v7;
	v19 =	vunpack.c.0.s8.s32 v4;
	v15 =	vand.u32 $0xF, v15;
	[tilespmem:$0x1FFD0] =	vst v13  }
0x19: {  	s16 =	simm.s32 $0xE400;
	s17 =	simm.s32 $0x2;
	s18 =	simm.s32 $0x4;
	v60 =	vcombine.low v7, v6;
	v6 =	vand.u32 $0xF, v0;
	[tilespmem:$0x1FFF0] =	vst v15  }
.Ltmp0:
0x1a: {  	s19 =	simm.s32 $0x10400;
	s20 =	simm.s32 $0x3;
	v17 =	vcombine.low v20, v19;
	v7 =	vand.u32 $0xF, v62;
	[tilespmem:$0x1FF90] =	vst v6;
	(pc) =	sbr.rel .LBB2_1-.Ltmp0, $4  }
0x1b: {  	s6 =	sshll.u32 s2, $0xB;
	s7 =	sshll.u32 s4, $0xA;
	s8 =	ssub.s32 $0x2, s4;
	v63 =	vcombine.low v19, v20;
	[tilespmem:$0x1FFB0] =	vst v7  }
0x1c: {  	s21 =	simm.s32 $0x0;
	s4 =	sor.u32 s7, s6;
	s31 =	sshrl.u32 s8, $0x1;
	v61 =	vand.u32 $0xF, v17;
	[tilespmem:$0x1FF60] =	vst v60  }
0x1d: {  	s5 =	sadd.s32 $0xC00, s5;
	s7 =	sshrl.u32 s4, $0x3;
	s8 =	ssub.s32 s8, s31;
	v37 =	vand.u32 $0xF, v63;
	[tilespmem:$0x1FF50] =	vst v61  }
0x1e: {  	s6 =	sadd.s32 s0, s7;
	s7 =	sadd.s32 $0x8000, s1;
	s8 =	smax.u32 s8, $0x1;
	v14 =	vmov v60;
	[tilespmem:$0x1FFE0] =	vst v37  }
.LBB2_12:
0x1f: {  	s21 =	sadd.s32 $0x1, s21  }
0x20: {  	_ =	swait.ge [sflag:s20], $0x2000;
	p0 =	sne.s32 s21, s8  }
.Ltmp1:
0x21: {  	[sflag:s20] =	ssyncset.done $0x0;
	(pc) =	sbr.rel @!p0 .LBB2_13-.Ltmp1, $4  }
0x22: {  	[sflag:s20] =	ssyncadd.s32 $0xFFFFE000  }
0x23: {  	_ =	swait.ge [sflag:s18], $0x2000  }
0x24: {  	[sflag:s18] =	ssyncset.done $0x0;
	v5 =	vld [tilespmem:$0x1FF70]  }
0x25: {  	v10 =	vld [tilespmem:$0x1FF80];
	[sflag:s18] =	ssyncadd.s32 $0xFFFFE000  }
.LBB2_1:
0x26: {  	[tilespmem:s3], [sflag:$0x5] =	stream.strided.gather [hbm4b:s6+s9], $0x6400, s10, s9, $0x38;
	[tilespmem:$0x12400] =	vst v63  }
0x27: {  	_ =	swait.ge [sflag:s11], $0x6400  }
0x28: {  	[sflag:s11] =	ssyncset.done $0x0  }
0x29: {  	[sflag:s11] =	ssyncadd.s32 $0xFFFF9C00  }
0x2a: {  	[tilespmem:s13], [sflag:$0x1] =	stream.indirect.gather [hbm4b:s5+s12], $0x80, s3, s12, $0xb8;
	[tilespmem:$0x12400] =	vst v63  }
0x2b: {  	s22 =	simm.s32 $0x0  }
0x2c: {  	[tilespmem:s14], [sflag:$0x2] =	stream.indirect.gather [hbm4b:s5+s12], $0x80, s12, s12, $0xb8;
	[tilespmem:$0x12400] =	vst v63  }
.LBB2_2:
0x2d: {  	s0 =	simm.s32 $0x0;
	_ =	swait.ge [sflag:s15], $0x4000;
	p0 =	seq.s32 s22, $0x0  }
0x2e: {  	v38 =	vlaneseq.u32;
	s24 =	sand.u32 $0x20, s0;
	s0 =	sand.u32 $0x70, s0;
	[sflag:s15] =	ssyncset.done $0x0  }
0x2f: {  	v34 =	vor.u32 s0, v38;
	s23 =	sor.u32 $0x10, s24;
	[sflag:s15] =	ssyncadd.s32 $0xFFFFC000;
	s0 =	simm.s32 @!p0 $0x3  }
0x30: {  	v35 =	vshll.u32 v34, $0x7;
	v0 =	vor.u32 s23, v38;
	_ =	swait.ge @!p0 [sflag:s0], $0x2000  }
0x31: {  	v1 =	vor.u32 v0, v35;
	v3 =	vld [tilespmem:$0x1FF10];
	_ =	sdelay $0x1  }
0x32: {  	v16 =	vor.u32 s24, v38  }
0x33: {  	[sflag:s0] =	ssyncset.done @!p0 $0x0;
	v17 =	vor.u32 v16, v35  }
0x34: {  	v0 =	vshll.u32 v0, $0x7;
	[sflag:s0] =	ssyncadd.s32 @!p0 $0xFFFFE000  }
0x35: {  	v0 =	vor.u32 v34, v0;
	v1 =	vld.idx.msk [tilespmem:v1+s13+$0x0], $0xffff;
	v18 =	vor.u32 s23, v3  }
0x36: {  	v19 =	vor.u32 v18, v35  }
0x37: {  	v16 =	vshll.u32 v16, $0x7  }
0x38: {  	v16 =	vor.u32 v34, v16;
	v17 =	vld.idx.msk [tilespmem:v17+s13+$0x0], $0xffff  }
0x39: {  	v20 =	vor.u32 s24, v3  }
0x3a: {  	v21 =	vor.u32 v20, v35;
	[tilespmem:v0+s16+$0x0] =	vst.idx.msk $0xffff, v1  }
0x3b: {  	v0 =	vshll.u32 v18, $0x7;
	v1 =	vld.idx.msk [tilespmem:v19+s13+$0x0], $0xffff  }
0x3c: {  	v0 =	vor.u32 v34, v0;
	v4 =	vld [tilespmem:$0x1FF20]  }
0x3d: {  	[tilespmem:v16+s16+$0x0] =	vst.idx.msk $0xffff, v17  }
0x3e: {  	v20 =	vshll.u32 v20, $0x7;
	v2 =	vld [tilespmem:$0x1FF30]  }
0x3f: {  	v16 =	vor.u32 v34, v20;
	v21 =	vld.idx.msk [tilespmem:v21+s13+$0x0], $0xffff;
	_ =	sdelay $0x1  }
0x40: {  	v18 =	vor.u32 s23, v4;
	[tilespmem:v0+s16+$0x0] =	vst.idx.msk $0xffff, v1  }
0x41: {  	v22 =	vor.u32 s24, v4;
	v19 =	vor.u32 v18, v35;
	v12 =	vld [tilespmem:$0x1FF40]  }
0x42: {  	v11 =	vmovc v5;
	v17 =	vshll.u32 v22, $0x7;
	v20 =	vor.u32 s24, v2;
	v22 =	vor.u32 v22, v35  }
0x43: {  	v42 =	vor.u32 s23, v11;
	[tilespmem:v16+s16+$0x0] =	vst.idx.msk $0xffff, v21;
	v23 =	vshll.u32 v20, $0x7  }
0x44: {  	v0 =	vshll.u32 v18, $0x7;
	v28 =	vor.u32 v34, v23;
	v23 =	vor.u32 s24, v5;
	v5 =	vld [tilespmem:$0x1FF50]  }
0x45: {  	v17 =	vor.u32 v34, v17;
	v20 =	vor.u32 v20, v35;
	v0 =	vor.u32 v34, v0  }
0x46: {  	v30 =	vor.u32 v23, v35;
	v1 =	vor.u32 s24, v12;
	v18 =	vld.idx.msk [tilespmem:v19+s13+$0x0], $0xffff;
	v19 =	vor.u32 s23, v2  }
0x47: {  	v21 =	vld.idx.msk [tilespmem:v22+s13+$0x0], $0xffff;
	v22 =	vor.u32 s24, v10;
	v24 =	vshll.u32 v1, $0x7;
	v25 =	vor.u32 v19, v35  }
0x48: {  	v1 =	vor.u32 v1, v35;
	v41 =	vor.u32 v22, v35;
	v29 =	vor.u32 v34, v24  }
0x49: {  	v24 =	vshll.u32 v23, $0x7;
	v16 =	vor.u32 s24, v5;
	v23 =	vor.u32 s24, v6  }
0x4a: {  	v31 =	vor.u32 v34, v24;
	v32 =	vor.u32 v16, v35;
	v16 =	vshll.u32 v16, $0x7  }
0x4b: {  	v33 =	vor.u32 v34, v16;
	v16 =	vshll.u32 v22, $0x7;
	[tilespmem:v0+s16+$0x0] =	vst.idx.msk $0xffff, v18;
	v0 =	vshll.u32 v19, $0x7  }
0x4c: {  	v22 =	vor.u32 s24, v14;
	v19 =	vor.u32 s23, v12;
	v18 =	vld.idx.msk [tilespmem:v25+s13+$0x0], $0xffff;
	v0 =	vor.u32 v34, v0  }
0x4d: {  	v27 =	vor.u32 v34, v16;
	v26 =	vor.u32 v22, v35;
	v16 =	vshll.u32 v22, $0x7;
	[tilespmem:v17+s16+$0x0] =	vst.idx.msk $0xffff, v21  }
0x4e: {  	v17 =	vor.u32 s24, v7;
	v36 =	vor.u32 v19, v35;
	v24 =	vor.u32 v34, v16;
	v20 =	vld.idx.msk [tilespmem:v20+s13+$0x0], $0xffff  }
0x4f: {  	v16 =	vshll.u32 v23, $0x7;
	v25 =	vor.u32 v23, v35;
	v21 =	vor.u32 v17, v35  }
0x50: {  	v22 =	vor.u32 v34, v16;
	v16 =	vshll.u32 v17, $0x7;
	v17 =	vor.u32 s24, v8  }
0x51: {  	v23 =	vor.u32 v34, v16;
	v16 =	vshll.u32 v17, $0x7;
	[tilespmem:v0+s16+$0x0] =	vst.idx.msk $0xffff, v18;
	v18 =	vor.u32 s24, v9  }
0x52: {  	v39 =	vor.u32 v34, v16;
	v0 =	vshll.u32 v19, $0x7;
	v16 =	vshll.u32 v18, $0x7  }
0x53: {  	[tilespmem:v28+s16+$0x0] =	vst.idx.msk $0xffff, v20;
	v19 =	vld.idx.msk [tilespmem:v36+s13+$0x0], $0xffff;
	v0 =	vor.u32 v34, v0;
	v16 =	vor.u32 v34, v16  }
0x54: {  	s26 =	simm.s32 $0x20;
	v43 =	vor.u32 v42, v35;
	[tilespmem:$0x1FEC0] =	vst v16;
	v16 =	vor.u32 s24, v13  }
0x55: {  	s25 =	sand.u32 $0x20, s26;
	v40 =	vor.u32 v17, v35;
	v1 =	vld.idx.msk [tilespmem:v1+s13+$0x0], $0xffff;
	v17 =	vor.u32 v16, v35;
	v16 =	vshll.u32 v16, $0x7  }
0x56: {  	v53 =	vor.u32 s25, v11;
	v60 =	vor.u32 s23, v10;
	[tilespmem:$0x1FED0] =	vst v17;
	v16 =	vor.u32 v34, v16  }
0x57: {  	v46 =	vor.u32 s25, v3;
	v57 =	vor.u32 s23, v5;
	v17 =	vor.u32 s24, v37;
	[tilespmem:$0x1FEE0] =	vst v16  }
0x58: {  	s31 =	simm.s32 $0x8;
	v16 =	vshll.u32 v17, $0x7;
	v17 =	vor.u32 v17, v35;
	[tilespmem:v0+s16+$0x0] =	vst.idx.msk $0xffff, v19;
	v0 =	vshll.u32 v42, $0x7  }
0x59: {  	s0 =	sand.u32 $0x70, s31;
	v58 =	vshll.u32 v46, $0x7;
	v45 =	vor.u32 v57, v35;
	v28 =	vld.idx.msk [tilespmem:v43+s13+$0x0], $0xffff;
	v0 =	vor.u32 v34, v0;
	[tilespmem:$0x1FF00] =	vst v17  }
0x5a: {  	v44 =	vor.u32 v18, v35;
	v18 =	vor.u32 s24, v15;
	s24 =	sor.u32 $0x10, s25;
	v17 =	vor.u32 s0, v38;
	[tilespmem:v29+s16+$0x0] =	vst.idx.msk $0xffff, v1  }
0x5b: {  	v52 =	vor.u32 s25, v2;
	v20 =	vshll.u32 v17, $0x7;
	v29 =	vor.u32 s24, v38;
	v1 =	vld.idx.msk [tilespmem:v30+s13+$0x0], $0xffff  }
0x5c: {  	v61 =	vor.u32 s25, v12;
	v30 =	vor.u32 s25, v38;
	v47 =	vor.u32 v29, v20  }
0x5d: {  	v62 =	vshll.u32 v61, $0x7;
	v50 =	vor.u32 s24, v3;
	v48 =	vor.u32 v30, v20  }
0x5e: {  	v36 =	vor.u32 s24, v4;
	v30 =	vshll.u32 v30, $0x7;
	[tilespmem:v0+s16+$0x0] =	vst.idx.msk $0xffff, v28;
	v0 =	vshll.u32 v57, $0x7  }
0x5f: {  	v16 =	vor.u32 v34, v16;
	v28 =	vor.u32 v17, v30;
	v30 =	vld.idx.msk [tilespmem:v45+s13+$0x0], $0xffff;
	v0 =	vor.u32 v34, v0  }
0x60: {  	v19 =	vshll.u32 v18, $0x7;
	v29 =	vshll.u32 v29, $0x7;
	[tilespmem:v31+s16+$0x0] =	vst.idx.msk $0xffff, v1;
	v31 =	vor.u32 v60, v35  }
0x61: {  	v18 =	vor.u32 v18, v35;
	v43 =	vor.u32 v17, v58;
	v29 =	vor.u32 v17, v29;
	v47 =	vld.idx.msk [tilespmem:v47+s13+$0x0], $0xffff  }
0x62: {  	v59 =	vor.u32 v46, v20;
	v51 =	vor.u32 v50, v20;
	v55 =	vor.u32 v52, v20;
	v48 =	vld.idx.msk [tilespmem:v48+s13+$0x0], $0xffff  }
0x63: {  	v46 =	vor.u32 s23, v14;
	v50 =	vshll.u32 v50, $0x7;
	v56 =	vor.u32 v53, v20;
	v32 =	vld.idx.msk [tilespmem:v32+s13+$0x0], $0xffff  }
0x64: {  	v50 =	vor.u32 v17, v50;
	v1 =	vor.u32 s25, v4;
	[tilespmem:v0+s16+$0x0] =	vst.idx.msk $0xffff, v30;
	v30 =	vshll.u32 v60, $0x7  }
0x65: {  	v49 =	vor.u32 v1, v20;
	v1 =	vshll.u32 v1, $0x7;
	v30 =	vor.u32 v34, v30;
	v31 =	vld.idx.msk [tilespmem:v31+s13+$0x0], $0xffff  }
0x66: {  	v1 =	vor.u32 v17, v1;
	v0 =	vshll.u32 v52, $0x7;
	v60 =	vshll.u32 v53, $0x7;
	[tilespmem:v29+s16+$0x0] =	vst.idx.msk $0xffff, v47  }
0x67: {  	v0 =	vor.u32 v17, v0;
	v29 =	vor.u32 v46, v35;
	v63 =	vld.idx.msk [tilespmem:v51+s13+$0x0], $0xffff;
	[tilespmem:v28+s16+$0x0] =	vst.idx.msk $0xffff, v48  }
0x68: {  	v47 =	vor.u32 v61, v20;
	[tilespmem:v33+s16+$0x0] =	vst.idx.msk $0xffff, v32;
	v28 =	vor.u32 v36, v20;
	v42 =	vld.idx.msk [tilespmem:v59+s13+$0x0], $0xffff  }
0x69: {  	v46 =	vshll.u32 v46, $0x7;
	v57 =	vor.u32 v17, v60;
	v61 =	vor.u32 s23, v6;
	v41 =	vld.idx.msk [tilespmem:v41+s13+$0x0], $0xffff  }
0x6a: {  	v48 =	vor.u32 v17, v62;
	v33 =	vor.u32 v61, v35;
	[tilespmem:v30+s16+$0x0] =	vst.idx.msk $0xffff, v31;
	v30 =	vor.u32 s25, v5  }
0x6b: {  	v31 =	vor.u32 v34, v46;
	v58 =	vor.u32 v30, v20;
	v30 =	vshll.u32 v30, $0x7  }
0x6c: {  	v29 =	vld.idx.msk [tilespmem:v29+s13+$0x0], $0xffff;
	[tilespmem:v50+s16+$0x0] =	vst.idx.msk $0xffff, v63;
	v46 =	vor.u32 v17, v30;
	v30 =	vshll.u32 v36, $0x7  }
0x6d: {  	v60 =	vor.u32 s25, v6;
	v62 =	vor.u32 s25, v10;
	v28 =	vld.idx.msk [tilespmem:v28+s13+$0x0], $0xffff;
	[tilespmem:v43+s16+$0x0] =	vst.idx.msk $0xffff, v42;
	v30 =	vor.u32 v17, v30  }
0x6e: {  	v61 =	vshll.u32 v61, $0x7;
	v45 =	vor.u32 v62, v20;
	v63 =	vor.u32 s24, v2;
	[tilespmem:v27+s16+$0x0] =	vst.idx.msk $0xffff, v41;
	v27 =	vld.idx.msk [tilespmem:v49+s13+$0x0], $0xffff  }
0x6f: {  	v54 =	vshll.u32 v62, $0x7;
	v62 =	vshll.u32 v60, $0x7;
	v36 =	vor.u32 v63, v20  }
0x70: {  	v59 =	vor.u32 s25, v14;
	v53 =	vor.u32 v17, v62;
	v43 =	vor.u32 v17, v54  }
0x71: {  	v41 =	vor.u32 v59, v20;
	v54 =	vor.u32 v60, v20;
	v26 =	vld.idx.msk [tilespmem:v26+s13+$0x0], $0xffff;
	[tilespmem:v31+s16+$0x0] =	vst.idx.msk $0xffff, v29  }
0x72: {  	v29 =	vor.u32 v34, v61;
	[tilespmem:v30+s16+$0x0] =	vst.idx.msk $0xffff, v28;
	v28 =	vshll.u32 v63, $0x7;
	v63 =	vor.u32 s25, v7  }
0x73: {  	v62 =	vor.u32 s23, v9;
	v31 =	vor.u32 s23, v7;
	v33 =	vld.idx.msk [tilespmem:v33+s13+$0x0], $0xffff;
	[tilespmem:v1+s16+$0x0] =	vst.idx.msk $0xffff, v27;
	v27 =	vor.u32 v63, v20  }
0x74: {  	v49 =	vshll.u32 v59, $0x7;
	v30 =	vor.u32 v31, v35;
	v32 =	vld.idx.msk [tilespmem:v36+s13+$0x0], $0xffff;
	v59 =	vor.u32 v17, v28;
	[tilespmem:$0x1FEF0] =	vst v27  }
0x75: {  	v51 =	vor.u32 v17, v49;
	v1 =	vor.u32 s24, v12;
	v36 =	vor.u32 s25, v9;
	v49 =	vld.idx.msk [tilespmem:v55+s13+$0x0], $0xffff  }
0x76: {  	v27 =	vor.u32 s25, v8;
	v55 =	vor.u32 v1, v20;
	[tilespmem:v24+s16+$0x0] =	vst.idx.msk $0xffff, v26;
	v24 =	vshll.u32 v63, $0x7  }
0x77: {  	v28 =	vor.u32 v27, v20;
	v1 =	vshll.u32 v1, $0x7;
	v26 =	vor.u32 v17, v24  }
0x78: {  	v60 =	vld.idx.msk [tilespmem:v25+s13+$0x0], $0xffff;
	v24 =	vshll.u32 v31, $0x7;
	[tilespmem:v29+s16+$0x0] =	vst.idx.msk $0xffff, v33;
	v25 =	vshll.u32 v27, $0x7;
	v31 =	vor.u32 s23, v8  }
0x79: {  	v24 =	vor.u32 v34, v24;
	v29 =	vld.idx.msk [tilespmem:v30+s13+$0x0], $0xffff;
	v27 =	vor.u32 v17, v25;
	[tilespmem:v59+s16+$0x0] =	vst.idx.msk $0xffff, v32  }
0x7a: {  	v25 =	vshll.u32 v36, $0x7;
	v42 =	vor.u32 v31, v35;
	[tilespmem:v0+s16+$0x0] =	vst.idx.msk $0xffff, v49;
	v0 =	vor.u32 s25, v13  }
0x7b: {  	v1 =	vor.u32 v17, v1;
	v30 =	vor.u32 v17, v25;
	v50 =	vld.idx.msk [tilespmem:v55+s13+$0x0], $0xffff;
	v25 =	vor.u32 v0, v20  }
0x7c: {  	v63 =	vor.u32 v62, v35;
	v32 =	vor.u32 v36, v20;
	v49 =	vor.u32 s24, v11;
	[tilespmem:$0x1FEA0] =	vst v25  }
0x7d: {  	v52 =	vor.u32 s25, v15;
	v36 =	vor.u32 v49, v20;
	v0 =	vshll.u32 v0, $0x7;
	v47 =	vld.idx.msk [tilespmem:v47+s13+$0x0], $0xffff;
	[tilespmem:v22+s16+$0x0] =	vst.idx.msk $0xffff, v60  }
0x7e: {  	v25 =	vor.u32 v17, v0;
	v22 =	vor.u32 s25, v37;
	[tilespmem:v24+s16+$0x0] =	vst.idx.msk $0xffff, v29;
	v60 =	vld.idx.msk [tilespmem:v21+s13+$0x0], $0xffff;
	v21 =	vshll.u32 v31, $0x7  }
0x7f: {  	s31 =	simm.s32 $0x40;
	v0 =	vshll.u32 v22, $0x7;
	v31 =	vld.idx.msk [tilespmem:v42+s13+$0x0], $0xffff;
	v29 =	vor.u32 v22, v20;
	v61 =	vor.u32 v34, v21  }
0x80: {  	s26 =	sand.u32 $0x20, s31;
	v22 =	vor.u32 v17, v0;
	v0 =	vshll.u32 v52, $0x7;
	[tilespmem:v1+s16+$0x0] =	vst.idx.msk $0xffff, v50;
	v1 =	vor.u32 v52, v20  }
0x81: {  	v59 =	vor.u32 s26, v3;
	s25 =	sor.u32 $0x10, s26;
	[tilespmem:$0x1FEB0] =	vst v1;
	v33 =	vor.u32 v17, v0;
	v0 =	vshll.u32 v49, $0x7  }
0x82: {  	s30 =	simm.s32 $0x10;
	v55 =	vor.u32 s25, v38;
	v1 =	vld.idx.msk [tilespmem:v36+s13+$0x0], $0xffff;
	v0 =	vor.u32 v17, v0;
	[tilespmem:v48+s16+$0x0] =	vst.idx.msk $0xffff, v47;
	v47 =	vor.u32 s24, v5  }
0x83: {  	s0 =	sand.u32 $0x70, s30;
	v52 =	vshll.u32 v59, $0x7;
	v36 =	vor.u32 s26, v38;
	v49 =	vor.u32 v47, v20  }
0x84: {  	v50 =	vshll.u32 v36, $0x7;
	v48 =	vld.idx.msk [tilespmem:v56+s13+$0x0], $0xffff;
	[tilespmem:v23+s16+$0x0] =	vst.idx.msk $0xffff, v60;
	v23 =	vor.u32 s0, v38;
	v38 =	vshll.u32 v62, $0x7  }
0x85: {  	v62 =	vor.u32 s23, v13;
	v47 =	vshll.u32 v47, $0x7;
	[tilespmem:v61+s16+$0x0] =	vst.idx.msk $0xffff, v31;
	v31 =	vshll.u32 v23, $0x7;
	v40 =	vld.idx.msk [tilespmem:v40+s13+$0x0], $0xffff  }
0x86: {  	v56 =	vor.u32 v34, v38;
	v47 =	vor.u32 v17, v47;
	v60 =	vld.idx.msk [tilespmem:v63+s13+$0x0], $0xffff;
	v61 =	vor.u32 v55, v31  }
0x87: {  	v38 =	vshll.u32 v62, $0x7;
	v55 =	vshll.u32 v55, $0x7;
	[tilespmem:v0+s16+$0x0] =	vst.idx.msk $0xffff, v1;
	v0 =	vor.u32 v62, v35  }
0x88: {  	v63 =	vor.u32 v36, v31;
	v36 =	vor.u32 v23, v50;
	v55 =	vor.u32 v23, v55;
	v49 =	vld.idx.msk [tilespmem:v49+s13+$0x0], $0xffff  }
0x89: {  	v62 =	vor.u32 s25, v3;
	[tilespmem:v57+s16+$0x0] =	vst.idx.msk $0xffff, v48;
	v48 =	vor.u32 v59, v31;
	v57 =	vor.u32 s24, v10  }
0x8a: {  	v59 =	vor.u32 v23, v52;
	v50 =	vld.idx.msk [tilespmem:v58+s13+$0x0], $0xffff;
	v1 =	vor.u32 v57, v20;
	[tilespmem:v39+s16+$0x0] =	vst.idx.msk $0xffff, v40  }
0x8b: {  	v52 =	vor.u32 s26, v2;
	v58 =	vor.u32 s26, v4;
	v39 =	vor.u32 v34, v38;
	[tilespmem:v56+s16+$0x0] =	vst.idx.msk $0xffff, v60;
	v60 =	vld.idx.msk [tilespmem:v61+s13+$0x0], $0xffff  }
0x8c: {  	v40 =	vor.u32 v62, v31;
	v57 =	vshll.u32 v57, $0x7;
	v38 =	vor.u32 v52, v31;
	v0 =	vld.idx.msk [tilespmem:v0+s13+$0x0], $0xffff  }
0x8d: {  	v52 =	vshll.u32 v52, $0x7;
	v62 =	vshll.u32 v62, $0x7;
	v61 =	vor.u32 s23, v37;
	[tilespmem:v47+s16+$0x0] =	vst.idx.msk $0xffff, v49;
	v47 =	vld.idx.msk [tilespmem:v63+s13+$0x0], $0xffff  }
0x8e: {  	v56 =	vor.u32 v58, v31;
	v63 =	vor.u32 v61, v35;
	v49 =	vor.u32 v17, v57  }
0x8f: {  	v57 =	vor.u32 v23, v52;
	v61 =	vshll.u32 v61, $0x7;
	[tilespmem:v46+s16+$0x0] =	vst.idx.msk $0xffff, v50;
	v1 =	vld.idx.msk [tilespmem:v1+s13+$0x0], $0xffff;
	v46 =	vor.u32 s24, v14  }
0x90: {  	v50 =	vor.u32 s26, v12;
	v61 =	vor.u32 v34, v61;
	[tilespmem:v55+s16+$0x0] =	vst.idx.msk $0xffff, v60;
	v55 =	vor.u32 s26, v11  }
0x91: {  	v45 =	vld.idx.msk [tilespmem:v45+s13+$0x0], $0xffff;
	v52 =	vor.u32 v50, v31;
	[tilespmem:v39+s16+$0x0] =	vst.idx.msk $0xffff, v0;
	v0 =	vor.u32 v46, v20  }
0x92: {  	v50 =	vshll.u32 v50, $0x7;
	v40 =	vld.idx.msk [tilespmem:v40+s13+$0x0], $0xffff;
	v39 =	vor.u32 v23, v62;
	[tilespmem:v36+s16+$0x0] =	vst.idx.msk $0xffff, v47;
	v36 =	vor.u32 s25, v4  }
0x93: {  	v47 =	vld.idx.msk [tilespmem:v63+s13+$0x0], $0xffff;
	v63 =	vor.u32 v23, v50;
	v4 =	vshll.u32 v55, $0x7;
	v50 =	vor.u32 v55, v31  }
0x94: {  	v55 =	vor.u32 s26, v5;
	v62 =	vor.u32 v36, v31;
	[tilespmem:v49+s16+$0x0] =	vst.idx.msk $0xffff, v1;
	v1 =	vor.u32 s23, v15  }
0x95: {  	v42 =	vmovc v37;
	v37 =	vld.idx.msk [tilespmem:v48+s13+$0x0], $0xffff;
	v48 =	vor.u32 v23, v4;
	v49 =	vshll.u32 v46, $0x7;
	v35 =	vor.u32 v1, v35  }
0x96: {  	v60 =	vshll.u32 v55, $0x7;
	v4 =	vor.u32 s26, v10;
	[tilespmem:v43+s16+$0x0] =	vst.idx.msk $0xffff, v45;
	v43 =	vor.u32 v17, v49;
	v0 =	vld.idx.msk [tilespmem:v0+s13+$0x0], $0xffff  }
0x97: {  	v36 =	vshll.u32 v36, $0x7;
	v49 =	vor.u32 v55, v31;
	v45 =	vshll.u32 v4, $0x7;
	[tilespmem:v39+s16+$0x0] =	vst.idx.msk $0xffff, v40;
	v40 =	vld.idx.msk [tilespmem:v44+s13+$0x0], $0xffff  }
0x98: {  	v39 =	vor.u32 s24, v6;
	[tilespmem:v61+s16+$0x0] =	vst.idx.msk $0xffff, v47;
	v47 =	vor.u32 v4, v31;
	v4 =	vor.u32 s26, v6;
	v6 =	vld.idx.msk [tilespmem:v41+s13+$0x0], $0xffff  }
0x99: {  	v36 =	vor.u32 v23, v36;
	v1 =	vshll.u32 v1, $0x7;
	v55 =	vor.u32 v39, v20;
	v44 =	vld.idx.msk [tilespmem:v62+s13+$0x0], $0xffff  }
0x9a: {  	v1 =	vor.u32 v34, v1;
	[tilespmem:v59+s16+$0x0] =	vst.idx.msk $0xffff, v37;
	v59 =	vor.u32 s25, v2;
	v35 =	vld.idx.msk [tilespmem:v35+s13+$0x0], $0xffff  }
0x9b: {  	v19 =	vor.u32 v34, v19;
	v34 =	vld.idx.msk [tilespmem:v56+s13+$0x0], $0xffff;
	v56 =	vor.u32 v59, v31;
	[tilespmem:v43+s16+$0x0] =	vst.idx.msk $0xffff, v0  }
0x9c: {  	v58 =	vshll.u32 v58, $0x7;
	v2 =	vld [tilespmem:$0x1FEC0]  }
0x9d: {  	v58 =	vor.u32 v23, v58;
	v39 =	vshll.u32 v39, $0x7;
	v0 =	vor.u32 s26, v14  }
0x9e: {  	v14 =	vor.u32 v17, v39;
	v37 =	vor.u32 v0, v31;
	v55 =	vld.idx.msk [tilespmem:v55+s13+$0x0], $0xffff;
	[tilespmem:v36+s16+$0x0] =	vst.idx.msk $0xffff, v44  }
0x9f: {  	v0 =	vshll.u32 v0, $0x7;
	v36 =	vor.u32 s24, v7;
	[tilespmem:v1+s16+$0x0] =	vst.idx.msk $0xffff, v35;
	v1 =	vshll.u32 v59, $0x7  }
0xa0: {  	v39 =	vor.u32 v23, v0;
	v0 =	vor.u32 v36, v20;
	v56 =	vld.idx.msk [tilespmem:v56+s13+$0x0], $0xffff;
	v1 =	vor.u32 v23, v1  }
0xa1: {  	[tilespmem:v51+s16+$0x0] =	vst.idx.msk $0xffff, v6  }
0xa2: {  	[tilespmem:v58+s16+$0x0] =	vst.idx.msk $0xffff, v34  }
0xa3: {  	v35 =	vld.idx.msk [tilespmem:v38+s13+$0x0], $0xffff;
	[tilespmem:v14+s16+$0x0] =	vst.idx.msk $0xffff, v55  }
0xa4: {  	v61 =	vld.idx.msk [tilespmem:v54+s13+$0x0], $0xffff;
	v36 =	vshll.u32 v36, $0x7;
	[tilespmem:v2+s16+$0x0] =	vst.idx.msk $0xffff, v40  }
0xa5: {  	v62 =	vld.idx.msk [tilespmem:v0+s13+$0x0], $0xffff;
	v0 =	vor.u32 v17, v36;
	[tilespmem:v1+s16+$0x0] =	vst.idx.msk $0xffff, v56  }
0xa6: {  	v2 =	vld [tilespmem:$0x1FED0];
	_ =	sdelay $0x1  }
0xa7: {  	[tilespmem:v57+s16+$0x0] =	vst.idx.msk $0xffff, v35  }
0xa8: {  	v34 =	vor.u32 s25, v12;
	[tilespmem:v53+s16+$0x0] =	vst.idx.msk $0xffff, v61  }
0xa9: {  	v6 =	vor.u32 v34, v31;
	[tilespmem:v0+s16+$0x0] =	vst.idx.msk $0xffff, v62  }
0xaa: {  	v0 =	vld [tilespmem:$0x1FEE0]  }
0xab: {  	v46 =	vor.u32 v23, v60  }
0xac: {  	v60 =	vshll.u32 v4, $0x7;
	v40 =	vor.u32 v4, v31;
	v4 =	vor.u32 s26, v7  }
0xad: {  	v34 =	vshll.u32 v34, $0x7;
	v7 =	vshll.u32 v4, $0x7;
	v56 =	vld.idx.msk [tilespmem:v2+s13+$0x0], $0xffff  }
0xae: {  	v55 =	vor.u32 v23, v7;
	v58 =	vld.idx.msk [tilespmem:v6+s13+$0x0], $0xffff;
	v7 =	vor.u32 v23, v34;
	_ =	sdelay $0x3  }
0xaf: {  	v1 =	vor.u32 s24, v8;
	[tilespmem:v0+s16+$0x0] =	vst.idx.msk $0xffff, v56  }
0xb0: {  	v45 =	vor.u32 v23, v45;
	v57 =	vor.u32 v1, v20;
	v1 =	vshll.u32 v1, $0x7;
	v2 =	vld [tilespmem:$0x1FEF0];
	[tilespmem:v7+s16+$0x0] =	vst.idx.msk $0xffff, v58  }
0xb1: {  	v41 =	vor.u32 v23, v60;
	v12 =	vor.u32 s26, v8;
	v61 =	vor.u32 v17, v1;
	v1 =	vld [tilespmem:$0x1FF00]  }
0xb2: {  	v54 =	vor.u32 v12, v31;
	v60 =	vshll.u32 v12, $0x7;
	v12 =	vor.u32 s25, v11  }
0xb3: {  	v14 =	vor.u32 s26, v9;
	v51 =	vor.u32 v23, v60;
	v3 =	vor.u32 v12, v31  }
0xb4: {  	v60 =	vor.u32 s24, v9;
	v44 =	vshll.u32 v12, $0x7;
	v38 =	vor.u32 v14, v31;
	v52 =	vld.idx.msk [tilespmem:v52+s13+$0x0], $0xffff  }
0xb5: {  	v43 =	vor.u32 v4, v31;
	v4 =	vshll.u32 v14, $0x7;
	v14 =	vor.u32 s26, v42  }
0xb6: {  	v35 =	vor.u32 v23, v4;
	v6 =	vor.u32 s26, v13;
	v42 =	vshll.u32 v14, $0x7  }
0xb7: {  	v36 =	vor.u32 v6, v31;
	v13 =	vshll.u32 v6, $0x7;
	v53 =	vor.u32 v23, v42;
	v59 =	vld.idx.msk [tilespmem:v57+s13+$0x0], $0xffff  }
0xb8: {  	v34 =	vor.u32 v23, v13;
	v57 =	vor.u32 v14, v31;
	v0 =	vor.u32 s26, v15;
	v62 =	vld.idx.msk [tilespmem:v2+s13+$0x0], $0xffff  }
0xb9: {  	s28 =	simm.s32 $0x18;
	v58 =	vor.u32 s25, v5;
	[tilespmem:v63+s16+$0x0] =	vst.idx.msk $0xffff, v52;
	v63 =	vor.u32 v60, v20;
	v56 =	vld.idx.msk [tilespmem:v1+s13+$0x0], $0xffff;
	v1 =	vshll.u32 v0, $0x7  }
0xba: {  	s29 =	simm.s32 $0x60;
	s23 =	sshll.u32 s22, $0xA;
	s26 =	simm.s32 $0x4;
	v52 =	vor.u32 v0, v31;
	v0 =	vld.idx.msk [tilespmem:v3+s13+$0x0], $0xffff;
	v42 =	vor.u32 v23, v1;
	v1 =	vor.u32 v23, v44  }
.LBB2_3:
0xbb: {  	v50 =	vld.idx.msk [tilespmem:v50+s13+$0x0], $0xffff  }
0xbc: {  	v6 =	vld [tilespmem:$0x1FF10]  }
0xbd: {  	v12 =	vld [tilespmem:$0x1FFD0]  }
0xbe: {  	v5 =	vld [tilespmem:$0x1FEB0]  }
0xbf: {  	v9 =	vld [tilespmem:$0x1FF30]  }
0xc0: {  	v13 =	vmov v52;
	v15 =	vld [tilespmem:$0x1FF40]  }
0xc1: {  	s30 =	sand.u32 $0x20, s29;
	s0 =	sand.u32 $0x70, s28;
	v2 =	vor.u32 v58, v31;
	v44 =	vmov v57;
	v4 =	vlaneseq.u32;
	v24 =	vld [tilespmem:$0x1FF70];
	[tilespmem:$0x1FEB0] =	vst v13  }
0xc2: {  	v60 =	vshll.u32 v60, $0x7;
	v11 =	vmovc v22;
	v22 =	vmovc v53;
	s31 =	sor.u32 $0x10, s30;
	v13 =	vld [tilespmem:$0x1FF20];
	[tilespmem:v26+s16+$0x0] =	vst.idx.msk $0xffff, v62;
	v26 =	vmov v55;
	v55 =	vor.u32 s0, v4  }
0xc3: {  	v57 =	vor.u32 s30, v4;
	[tilespmem:v61+s16+$0x0] =	vst.idx.msk $0xffff, v59;
	v59 =	vor.u32 s31, v4;
	v3 =	vld.idx.msk [tilespmem:v28+s13+$0x0], $0xffff;
	v28 =	vmovc v54;
	v54 =	vshll.u32 v55, $0x7  }
0xc4: {  	v60 =	vor.u32 v17, v60;
	v61 =	vld.idx.msk [tilespmem:v63+s13+$0x0], $0xffff;
	[tilespmem:v16+s16+$0x0] =	vst.idx.msk $0xffff, v56;
	v56 =	vor.u32 v59, v54  }
0xc5: {  	v14 =	vshll.u32 v58, $0x7;
	[tilespmem:v1+s16+$0x0] =	vst.idx.msk $0xffff, v0;
	v63 =	vor.u32 s24, v12;
	v4 =	vld.idx.msk [tilespmem:v18+s13+$0x0], $0xffff;
	v53 =	vor.u32 v57, v54  }
0xc6: {  	v18 =	vshll.u32 v57, $0x7;
	v2 =	vld.idx.msk [tilespmem:v2+s13+$0x0], $0xffff;
	[tilespmem:v48+s16+$0x0] =	vst.idx.msk $0xffff, v50;
	v48 =	vor.u32 v23, v14;
	v50 =	vor.u32 s25, v10  }
0xc7: {  	v59 =	vshll.u32 v59, $0x7;
	v0 =	vor.u32 v63, v20;
	v1 =	vor.u32 v55, v18;
	v49 =	vld.idx.msk [tilespmem:v49+s13+$0x0], $0xffff  }
0xc8: {  	v21 =	vmovc v5;
	v14 =	vor.u32 s30, v13;
	v58 =	vor.u32 v50, v31;
	v59 =	vor.u32 v55, v59;
	v18 =	vld [tilespmem:$0x1FFE0]  }
0xc9: {  	v5 =	vor.u32 v14, v54;
	v52 =	vshll.u32 v14, $0x7;
	v14 =	vor.u32 s30, v9;
	[tilespmem:v27+s16+$0x0] =	vst.idx.msk $0xffff, v3;
	v56 =	vld.idx.msk [tilespmem:v56+s13+$0x0], $0xffff  }
0xca: {  	v62 =	vor.u32 s30, v6;
	v7 =	vor.u32 v14, v54;
	[tilespmem:v60+s16+$0x0] =	vst.idx.msk $0xffff, v61;
	v60 =	vor.u32 s31, v6;
	v61 =	vld.idx.msk [tilespmem:v53+s13+$0x0], $0xffff  }
0xcb: {  	v3 =	vshll.u32 v63, $0x7;
	v53 =	vshll.u32 v14, $0x7;
	[tilespmem:v19+s16+$0x0] =	vst.idx.msk $0xffff, v4;
	v14 =	vld [tilespmem:$0x1FF60];
	v63 =	vor.u32 v60, v54  }
0xcc: {  	v57 =	vor.u32 v62, v54;
	v3 =	vor.u32 v17, v3;
	v0 =	vld.idx.msk [tilespmem:v0+s13+$0x0], $0xffff;
	[tilespmem:v48+s16+$0x0] =	vst.idx.msk $0xffff, v2  }
0xcd: {  	[tilespmem:v46+s16+$0x0] =	vst.idx.msk $0xffff, v49;
	v8 =	vld.idx.msk [tilespmem:v58+s13+$0x0], $0xffff  }
0xce: {  	v62 =	vshll.u32 v62, $0x7;
	v50 =	vshll.u32 v50, $0x7;
	v6 =	vor.u32 s24, v18;
	v47 =	vld.idx.msk [tilespmem:v47+s13+$0x0], $0xffff;
	[tilespmem:v59+s16+$0x0] =	vst.idx.msk $0xffff, v56  }
0xcf: {  	v62 =	vor.u32 v55, v62;
	v2 =	vor.u32 v6, v20;
	[tilespmem:v1+s16+$0x0] =	vst.idx.msk $0xffff, v61;
	v1 =	vor.u32 s31, v13;
	v13 =	vld [tilespmem:$0x1FF90]  }
0xd0: {  	v27 =	vmov v51;
	v51 =	vor.u32 v55, v52;
	v4 =	vor.u32 v23, v50;
	v56 =	vld.idx.msk [tilespmem:v63+s13+$0x0], $0xffff  }
0xd1: {  	v16 =	vshll.u32 v60, $0x7;
	v46 =	vor.u32 s25, v14;
	[tilespmem:v3+s16+$0x0] =	vst.idx.msk $0xffff, v0;
	v3 =	vshll.u32 v6, $0x7;
	v6 =	vld.idx.msk [tilespmem:v57+s13+$0x0], $0xffff  }
0xd2: {  	v19 =	vor.u32 s30, v15;
	v49 =	vor.u32 v46, v31;
	v0 =	vor.u32 v55, v16;
	v63 =	vld [tilespmem:$0x1FFF0]  }
0xd3: {  	v52 =	vor.u32 v55, v53;
	v48 =	vor.u32 s30, v24;
	v57 =	vor.u32 v1, v54;
	v16 =	vld [tilespmem:$0x1FF50]  }
0xd4: {  	v53 =	vor.u32 v19, v54;
	v50 =	vshll.u32 v19, $0x7;
	v2 =	vld.idx.msk [tilespmem:v2+s13+$0x0], $0xffff;
	v3 =	vor.u32 v17, v3  }
0xd5: {  	v58 =	vor.u32 v55, v50;
	v60 =	vshll.u32 v48, $0x7;
	v50 =	vor.u32 v48, v54;
	[tilespmem:v4+s16+$0x0] =	vst.idx.msk $0xffff, v8  }
0xd6: {  	v19 =	vmov v33;
	v48 =	vor.u32 v55, v60;
	v61 =	vshll.u32 v46, $0x7;
	[tilespmem:v45+s16+$0x0] =	vst.idx.msk $0xffff, v47  }
0xd7: {  	v1 =	vshll.u32 v1, $0x7;
	v33 =	vor.u32 v23, v61;
	v59 =	vor.u32 s24, v63;
	s24 =	smov.u32 s25;
	v8 =	vld.idx.msk [tilespmem:v49+s13+$0x0], $0xffff;
	[tilespmem:v0+s16+$0x0] =	vst.idx.msk $0xffff, v56  }
0xd8: {  	v1 =	vor.u32 v55, v1;
	s25 =	smov.u32 s31;
	v4 =	vor.u32 v59, v20;
	v20 =	vmovc v31;
	v60 =	vor.u32 s24, v13;
	v56 =	vld.idx.msk [tilespmem:v57+s13+$0x0], $0xffff  }
0xd9: {  	v31 =	vor.u32 s30, v16;
	[tilespmem:v3+s16+$0x0] =	vst.idx.msk $0xffff, v2;
	v2 =	vor.u32 s25, v9;
	v9 =	vld [tilespmem:$0x1FFB0];
	v0 =	vor.u32 v60, v20  }
0xda: {  	v32 =	vld.idx.msk [tilespmem:v32+s13+$0x0], $0xffff;
	[tilespmem:v62+s16+$0x0] =	vst.idx.msk $0xffff, v6;
	v62 =	vshll.u32 v59, $0x7;
	v49 =	vor.u32 v31, v54;
	v31 =	vshll.u32 v31, $0x7  }
0xdb: {  	v5 =	vld.idx.msk [tilespmem:v5+s13+$0x0], $0xffff;
	v57 =	vor.u32 s30, v14;
	v46 =	vor.u32 v55, v31;
	v31 =	vor.u32 s30, v10  }
0xdc: {  	v61 =	vld.idx.msk [tilespmem:v37+s13+$0x0], $0xffff;
	v6 =	vor.u32 v2, v54;
	v37 =	vor.u32 v57, v54;
	v47 =	vor.u32 v31, v54  }
0xdd: {  	v3 =	vld.idx.msk [tilespmem:v4+s13+$0x0], $0xffff;
	v4 =	vor.u32 v17, v62;
	[tilespmem:v33+s16+$0x0] =	vst.idx.msk $0xffff, v8;
	v17 =	vmov v23;
	v8 =	vshll.u32 v60, $0x7  }
0xde: {  	v62 =	vshll.u32 v57, $0x7;
	v57 =	vor.u32 s24, v9;
	v0 =	vld.idx.msk [tilespmem:v0+s13+$0x0], $0xffff;
	v8 =	vor.u32 v17, v8  }
0xdf: {  	v14 =	vor.u32 s30, v13;
	v10 =	vshll.u32 v31, $0x7;
	v31 =	vmovc v54;
	[tilespmem:v1+s16+$0x0] =	vst.idx.msk $0xffff, v56;
	v1 =	vor.u32 v57, v20  }
0xe0: {  	v13 =	vshll.u32 v14, $0x7;
	v33 =	vor.u32 v14, v31;
	v14 =	vor.u32 s30, v9;
	v9 =	vld [tilespmem:$0x1FFA0];
	_ =	sdelay $0x1  }
0xe1: {  	v6 =	vld.idx.msk [tilespmem:v6+s13+$0x0], $0xffff;
	[tilespmem:v4+s16+$0x0] =	vst.idx.msk $0xffff, v3  }
0xe2: {  	v2 =	vshll.u32 v2, $0x7;
	v23 =	vmov v55;
	[tilespmem:v8+s16+$0x0] =	vst.idx.msk $0xffff, v0  }
0xe3: {  	[tilespmem:v30+s16+$0x0] =	vst.idx.msk $0xffff, v32;
	v2 =	vor.u32 v23, v2;
	v0 =	vld.idx.msk [tilespmem:v1+s13+$0x0], $0xffff  }
0xe4: {  	[tilespmem:v51+s16+$0x0] =	vst.idx.msk $0xffff, v5;
	v32 =	vor.u32 s30, v9;
	v1 =	vshll.u32 v57, $0x7;
	v57 =	vor.u32 s24, v9;
	v9 =	vld [tilespmem:$0x1FEA0]  }
0xe5: {  	v45 =	vor.u32 v55, v10;
	v30 =	vor.u32 v23, v62;
	v5 =	vld.idx.msk [tilespmem:v7+s13+$0x0], $0xffff;
	v4 =	vor.u32 s25, v15  }
0xe6: {  	v62 =	vor.u32 s30, v12;
	v3 =	vor.u32 v23, v13;
	v13 =	vld [tilespmem:$0x1FFC0];
	v56 =	vor.u32 v4, v31  }
0xe7: {  	[tilespmem:v39+s16+$0x0] =	vst.idx.msk $0xffff, v61;
	v12 =	vor.u32 s30, v18;
	v18 =	vmovc v21;
	v10 =	vshll.u32 v14, $0x7;
	v1 =	vor.u32 v17, v1  }
0xe8: {  	v7 =	vor.u32 v14, v31;
	v14 =	vld.idx.msk [tilespmem:v40+s13+$0x0], $0xffff;
	v55 =	vor.u32 v23, v10;
	v4 =	vshll.u32 v4, $0x7;
	v8 =	vmovc v36  }
0xe9: {  	v36 =	vor.u32 v62, v31;
	v54 =	vor.u32 v32, v31;
	v10 =	vshll.u32 v32, $0x7;
	[tilespmem:v2+s16+$0x0] =	vst.idx.msk $0xffff, v6  }
0xea: {  	v39 =	vmovc v30;
	[tilespmem:$0x1FEA0] =	vst v8;
	v4 =	vor.u32 v23, v4;
	v8 =	vor.u32 s25, v24;
	v2 =	vor.u32 v57, v20  }
0xeb: {  	v40 =	vmovc v33;
	v51 =	vor.u32 v23, v10;
	v10 =	vor.u32 v8, v31;
	v59 =	vor.u32 s30, v13;
	v6 =	vld.idx.msk [tilespmem:v56+s13+$0x0], $0xffff  }
0xec: {  	v32 =	vmov v38;
	v60 =	vor.u32 s24, v13;
	v38 =	vor.u32 v59, v31;
	[tilespmem:v1+s16+$0x0] =	vst.idx.msk $0xffff, v0;
	v61 =	vld.idx.msk [tilespmem:v9+s13+$0x0], $0xffff  }
0xed: {  	s26 =	sadd.s32 $0x2, s26;
	v30 =	vmovc v35;
	v1 =	vshll.u32 v57, $0x7;
	v57 =	vor.u32 v12, v31;
	v9 =	vshll.u32 v59, $0x7;
	[tilespmem:v52+s16+$0x0] =	vst.idx.msk $0xffff, v5  }
0xee: {  	p1 =	slt.u32 s26, $0x1E;
	v0 =	vshll.u32 v12, $0x7;
	v5 =	vshll.u32 v62, $0x7;
	v35 =	vor.u32 v23, v9;
	v9 =	vld.idx.msk [tilespmem:v53+s13+$0x0], $0xffff;
	[tilespmem:v41+s16+$0x0] =	vst.idx.msk $0xffff, v14  }
.Ltmp2:
0xef: {  	v59 =	vld.idx.msk [tilespmem:v2+s13+$0x0], $0xffff;
	v14 =	vor.u32 s30, v63;
	v41 =	vmovc v3;
	v3 =	vor.u32 v23, v5;
	v53 =	vor.u32 v23, v0;
	(pc) =	sbr.rel @p1 .LBB2_3-.Ltmp2, $4  }
0xf0: {  	v33 =	vmov v42;
	[tilespmem:v4+s16+$0x0] =	vst.idx.msk $0xffff, v6;
	v63 =	vor.u32 v60, v20;
	v62 =	vld.idx.msk [tilespmem:v43+s13+$0x0], $0xffff;
	v0 =	vshll.u32 v14, $0x7  }
0xf1: {  	v52 =	vor.u32 v14, v31;
	v42 =	vor.u32 v23, v0;
	v0 =	vld.idx.msk [tilespmem:v10+s13+$0x0], $0xffff;
	[tilespmem:v25+s16+$0x0] =	vst.idx.msk $0xffff, v61  }
0xf2: {  	v43 =	vmovc v7;
	v61 =	vor.u32 v17, v1;
	v1 =	vshll.u32 v8, $0x7;
	v25 =	vmovc v34;
	v34 =	vmov v3;
	v56 =	vld.idx.msk [tilespmem:v29+s13+$0x0], $0xffff  }
0xf3: {  	s28 =	sadd.s32 $0x8, s28;
	s29 =	sadd.s32 $0x20, s29;
	v10 =	vld [tilespmem:$0x1FF80];
	[tilespmem:v58+s16+$0x0] =	vst.idx.msk $0xffff, v9;
	v1 =	vor.u32 v23, v1;
	v58 =	vor.u32 s25, v16;
	v16 =	vmovc v11;
	v29 =	vmov v44  }
0xf4: {  	_ =	sdelay $0x3  }
0xf5: {  	v2 =	vld.idx.msk [tilespmem:v50+s13+$0x0], $0xffff;
	v3 =	vor.u32 v58, v31;
	_ =	sdelay $0x3  }
0xf6: {  	v15 =	vshll.u32 v58, $0x7;
	[tilespmem:v1+s16+$0x0] =	vst.idx.msk $0xffff, v0  }
0xf7: {  	v0 =	vor.u32 v23, v15;
	v21 =	vor.u32 s25, v10;
	v1 =	vld.idx.msk [tilespmem:v3+s13+$0x0], $0xffff;
	[tilespmem:v48+s16+$0x0] =	vst.idx.msk $0xffff, v2  }
0xf8: {  	v4 =	vor.u32 v21, v31;
	v24 =	vld.idx.msk [tilespmem:v49+s13+$0x0], $0xffff;
	_ =	sdelay $0x3  }
0xf9: {  	[tilespmem:v0+s16+$0x0] =	vst.idx.msk $0xffff, v1  }
0xfa: {  	v44 =	vshll.u32 v21, $0x7;
	v1 =	vld.idx.msk [tilespmem:v4+s13+$0x0], $0xffff;
	[tilespmem:v46+s16+$0x0] =	vst.idx.msk $0xffff, v24  }
0xfb: {  	v0 =	vor.u32 v23, v44;
	v46 =	vld [tilespmem:$0x1FF60]  }
0xfc: {  	v3 =	vld.idx.msk [tilespmem:v47+s13+$0x0], $0xffff;
	_ =	sdelay $0x3  }
0xfd: {  	[tilespmem:v0+s16+$0x0] =	vst.idx.msk $0xffff, v1  }
0xfe: {  	v2 =	vor.u32 s25, v46;
	[tilespmem:v45+s16+$0x0] =	vst.idx.msk $0xffff, v3  }
0xff: {  	v47 =	vor.u32 v2, v31;
	v12 =	vld [tilespmem:$0x1FF90];
	_ =	sdelay $0x3  }
0x100: {  	v48 =	vshll.u32 v2, $0x7  }
0x101: {  	v0 =	vor.u32 v23, v48;
	v1 =	vld.idx.msk [tilespmem:v47+s13+$0x0], $0xffff;
	v49 =	vor.u32 s25, v12  }
0x102: {  	v50 =	vor.u32 v49, v31;
	_ =	sdelay $0x3  }
0x103: {  	v58 =	vld.idx.msk [tilespmem:v37+s13+$0x0], $0xffff;
	[tilespmem:v0+s16+$0x0] =	vst.idx.msk $0xffff, v1  }
0x104: {  	v7 =	vshll.u32 v49, $0x7;
	v1 =	vld.idx.msk [tilespmem:v50+s13+$0x0], $0xffff  }
0x105: {  	v0 =	vor.u32 v23, v7;
	v13 =	vld [tilespmem:$0x1FFB0];
	_ =	sdelay $0x3  }
0x106: {  	[tilespmem:v39+s16+$0x0] =	vst.idx.msk $0xffff, v58  }
0x107: {  	v8 =	vor.u32 s25, v13;
	[tilespmem:v0+s16+$0x0] =	vst.idx.msk $0xffff, v1  }
0x108: {  	v9 =	vor.u32 v8, v31;
	v14 =	vld [tilespmem:$0x1FFA0]  }
0x109: {  	v4 =	vld.idx.msk [tilespmem:v40+s13+$0x0], $0xffff;
	_ =	sdelay $0x2  }
0x10a: {  	v10 =	vshll.u32 v8, $0x7  }
0x10b: {  	v0 =	vor.u32 v23, v10;
	v1 =	vld.idx.msk [tilespmem:v9+s13+$0x0], $0xffff;
	v11 =	vor.u32 s25, v14  }
0x10c: {  	[tilespmem:v41+s16+$0x0] =	vst.idx.msk $0xffff, v4;
	v15 =	vor.u32 v11, v31  }
0x10d: {  	v4 =	vld.idx.msk [tilespmem:v43+s13+$0x0], $0xffff;
	_ =	sdelay $0x1  }
0x10e: {  	[tilespmem:v26+s16+$0x0] =	vst.idx.msk $0xffff, v62  }
0x10f: {  	v5 =	vld.idx.msk [tilespmem:v28+s13+$0x0], $0xffff;
	[tilespmem:v0+s16+$0x0] =	vst.idx.msk $0xffff, v1  }
0x110: {  	v1 =	vld.idx.msk [tilespmem:v15+s13+$0x0], $0xffff  }
0x111: {  	v21 =	vshll.u32 v11, $0x7;
	v44 =	vld [tilespmem:$0x1FFC0];
	[tilespmem:v55+s16+$0x0] =	vst.idx.msk $0xffff, v4  }
0x112: {  	v0 =	vor.u32 v23, v21;
	[tilespmem:v61+s16+$0x0] =	vst.idx.msk $0xffff, v59;
	v4 =	vld.idx.msk [tilespmem:v54+s13+$0x0], $0xffff  }
0x113: {  	v6 =	vshll.u32 v60, $0x7;
	v7 =	vld.idx.msk [tilespmem:v63+s13+$0x0], $0xffff  }
0x114: {  	v6 =	vor.u32 v17, v6;
	v11 =	vld [tilespmem:$0x1FFD0];
	[tilespmem:v27+s16+$0x0] =	vst.idx.msk $0xffff, v5  }
0x115: {  	v9 =	vld.idx.msk [tilespmem:v32+s13+$0x0], $0xffff;
	_ =	sdelay $0x1  }
0x116: {  	[tilespmem:v0+s16+$0x0] =	vst.idx.msk $0xffff, v1  }
0x117: {  	[tilespmem:v51+s16+$0x0] =	vst.idx.msk $0xffff, v4  }
0x118: {  	[tilespmem:v6+s16+$0x0] =	vst.idx.msk $0xffff, v7  }
0x119: {  	v24 =	vor.u32 s25, v44;
	v61 =	vld [tilespmem:$0x1FFE0];
	[tilespmem:v30+s16+$0x0] =	vst.idx.msk $0xffff, v9  }
0x11a: {  	v26 =	vor.u32 v24, v31;
	v8 =	vor.u32 s24, v11;
	v9 =	vld [tilespmem:$0x1FEA0]  }
0x11b: {  	v28 =	vor.u32 v8, v20;
	_ =	sdelay $0x2  }
0x11c: {  	v32 =	vshll.u32 v24, $0x7;
	v4 =	vld.idx.msk [tilespmem:v38+s13+$0x0], $0xffff  }
0x11d: {  	v37 =	vor.u32 s25, v11;
	v0 =	vor.u32 v23, v32;
	v40 =	vshll.u32 v8, $0x7;
	v1 =	vld.idx.msk [tilespmem:v26+s13+$0x0], $0xffff  }
0x11e: {  	v39 =	vor.u32 v37, v31;
	v6 =	vor.u32 v17, v40;
	v5 =	vld.idx.msk [tilespmem:v28+s13+$0x0], $0xffff;
	v41 =	vor.u32 s24, v61  }
0x11f: {  	v43 =	vor.u32 v41, v20  }
0x120: {  	v9 =	vld.idx.msk [tilespmem:v9+s13+$0x0], $0xffff  }
0x121: {  	[tilespmem:v35+s16+$0x0] =	vst.idx.msk $0xffff, v4  }
0x122: {  	v4 =	vld.idx.msk [tilespmem:v36+s13+$0x0], $0xffff;
	[tilespmem:v0+s16+$0x0] =	vst.idx.msk $0xffff, v1  }
0x123: {  	v45 =	vshll.u32 v37, $0x7;
	v1 =	vld.idx.msk [tilespmem:v39+s13+$0x0], $0xffff;
	[tilespmem:v6+s16+$0x0] =	vst.idx.msk $0xffff, v5  }
0x124: {  	v48 =	vshll.u32 v41, $0x7;
	v0 =	vor.u32 v23, v45;
	v6 =	vld.idx.msk [tilespmem:v43+s13+$0x0], $0xffff  }
0x125: {  	v46 =	vor.u32 s25, v61;
	v5 =	vor.u32 v17, v48;
	v62 =	vld [tilespmem:$0x1FFF0];
	[tilespmem:v25+s16+$0x0] =	vst.idx.msk $0xffff, v9  }
0x126: {  	v47 =	vor.u32 v46, v31;
	v9 =	vld.idx.msk [tilespmem:v29+s13+$0x0], $0xffff  }
0x127: {  	[tilespmem:v34+s16+$0x0] =	vst.idx.msk $0xffff, v4  }
0x128: {  	[tilespmem:v16+s16+$0x0] =	vst.idx.msk $0xffff, v56  }
0x129: {  	[tilespmem:v0+s16+$0x0] =	vst.idx.msk $0xffff, v1  }
0x12a: {  	[tilespmem:v5+s16+$0x0] =	vst.idx.msk $0xffff, v6  }
0x12b: {  	v51 =	vshll.u32 v46, $0x7;
	v49 =	vor.u32 s24, v62;
	v1 =	vld.idx.msk [tilespmem:v47+s13+$0x0], $0xffff;
	[tilespmem:v22+s16+$0x0] =	vst.idx.msk $0xffff, v9  }
0x12c: {  	v0 =	vor.u32 v23, v51;
	v54 =	vor.u32 s25, v62;
	v50 =	vor.u32 v49, v20;
	v59 =	vld [tilespmem:$0x1FEB0]  }
0x12d: {  	v4 =	vld.idx.msk [tilespmem:v57+s13+$0x0], $0xffff;
	v55 =	vor.u32 v54, v31;
	_ =	sdelay $0x2  }
0x12e: {  	v57 =	vld.idx.msk [tilespmem:v18+s13+$0x0], $0xffff;
	v58 =	vshll.u32 v49, $0x7  }
0x12f: {  	v60 =	vshll.u32 v54, $0x7;
	v5 =	vor.u32 v17, v58;
	[tilespmem:v0+s16+$0x0] =	vst.idx.msk $0xffff, v1;
	v6 =	vld.idx.msk [tilespmem:v50+s13+$0x0], $0xffff  }
0x130: {  	v0 =	vor.u32 v23, v60;
	[tilespmem:v53+s16+$0x0] =	vst.idx.msk $0xffff, v4;
	v1 =	vld.idx.msk [tilespmem:v55+s13+$0x0], $0xffff  }
0x131: {  	v63 =	vld.idx.msk [tilespmem:v52+s13+$0x0], $0xffff  }
0x132: {  	v7 =	vld.idx.msk [tilespmem:v59+s13+$0x0], $0xffff  }
0x133: {  	p1 =	sne.s32 s22, $0x63;
	[tilespmem:v19+s16+$0x0] =	vst.idx.msk $0xffff, v57  }
.Ltmp3:
0x134: {  	s0 =	sshll.u32 s22, $0x13;
	[tilespmem:v5+s16+$0x0] =	vst.idx.msk $0xffff, v6;
	(pc) =	sbr.rel @p1 .LBB2_6-.Ltmp3, $4  }
0x135: {  	s0 =	sor.u32 s4, s0;
	[tilespmem:v0+s16+$0x0] =	vst.idx.msk $0xffff, v1  }
0x136: {  	s24 =	sshrl.u32 s0, $0x3;
	[tilespmem:v42+s16+$0x0] =	vst.idx.msk $0xffff, v63  }
0x137: {  	s0 =	sadd.s32 s1, s24;
	[tilespmem:v33+s16+$0x0] =	vst.idx.msk $0xffff, v7  }
0x138: {  	v32 =	vmovc v14;
	v36 =	vmov v11;
	v60 =	vmov v12;
	v42 =	vmov v13;
	[hbm4b:s0+s9] =	stream.strided.scatter [tilespmem:s16], [sflag:$0x3], $0x2000, s10, s9, $0x38;
	[tilespmem:$0x12400] =	vst v63  }
.Ltmp4:
0x139: {  	(pc) =	sbr.rel .LBB2_7-.Ltmp4, $4  }
0x13a: {  	_ = 	snop  }
0x13b: {  	_ =	swait.ge [sflag:s17], $0x4000  }
0x13c: {  	[sflag:s17] =	ssyncset.done $0x0  }
0x13d: {  	v11 =	vld [tilespmem:$0x1FF50];
	[sflag:s17] =	ssyncadd.s32 $0xFFFFC000  }
.LBB2_6:
0x13e: {  	s0 =	sshrl.u32 s23, $0x2  }
.Ltmp5:
0x13f: {  	s0 =	sadd.s32 $0x100, s0;
	(pc) =	sbr.rel @p0 .LBB2_8-.Ltmp5, $4  }
0x140: {  	[tilespmem:s13], [sflag:$0x1] =	stream.indirect.gather [hbm4b:s5+s12], $0x80, s0, s12, $0xb8;
	[tilespmem:$0x12400] =	vst v63  }
0x141: {  	_ =	swait.ge [sflag:s17], $0x4000  }
0x142: {  	[sflag:s17] =	ssyncset.done $0x0  }
0x143: {  	v11 =	vld [tilespmem:$0x1FF50];
	[sflag:s17] =	ssyncadd.s32 $0xFFFFC000  }
.LBB2_7:
0x144: {  	_ =	swait.ge [sflag:s18], $0x2000  }
0x145: {  	[sflag:s18] =	ssyncset.done $0x0  }
0x146: {  	[sflag:s18] =	ssyncadd.s32 $0xFFFFE000  }
.LBB2_8:
0x147: {  	s0 =	simm.s32 $0x0  }
0x148: {  	v55 =	vlaneseq.u32;
	s25 =	sand.u32 $0x20, s0;
	s0 =	sand.u32 $0x70, s0  }
0x149: {  	v34 =	vor.u32 s0, v55;
	s28 =	sor.u32 $0x10, s25  }
0x14a: {  	v35 =	vshll.u32 v34, $0x7;
	v0 =	vor.u32 s28, v55  }
0x14b: {  	v1 =	vor.u32 v0, v35  }
0x14c: {  	v12 =	vld [tilespmem:$0x1FF10];
	_ =	sdelay $0x1  }
0x14d: {  	v2 =	vor.u32 s25, v55  }
0x14e: {  	v3 =	vor.u32 v2, v35;
	v0 =	vshll.u32 v0, $0x7  }
0x14f: {  	v0 =	vor.u32 v34, v0;
	v1 =	vld.idx.msk [tilespmem:v1+s14+$0x0], $0xffff  }
0x150: {  	v4 =	vor.u32 s28, v12  }
0x151: {  	v5 =	vor.u32 v4, v35  }
0x152: {  	v2 =	vshll.u32 v2, $0x7  }
0x153: {  	v6 =	vor.u32 s25, v12;
	v2 =	vor.u32 v34, v2;
	v3 =	vld.idx.msk [tilespmem:v3+s14+$0x0], $0xffff  }
0x154: {  	v7 =	vor.u32 v6, v35;
	[tilespmem:v0+s19+$0x0] =	vst.idx.msk $0xffff, v1  }
0x155: {  	v0 =	vshll.u32 v4, $0x7;
	v13 =	vld [tilespmem:$0x1FF20]  }
0x156: {  	v1 =	vld.idx.msk [tilespmem:v5+s14+$0x0], $0xffff;
	v0 =	vor.u32 v34, v0;
	_ =	sdelay $0x1  }
0x157: {  	v6 =	vshll.u32 v6, $0x7;
	[tilespmem:v2+s19+$0x0] =	vst.idx.msk $0xffff, v3  }
0x158: {  	v2 =	vor.u32 v34, v6;
	v7 =	vld.idx.msk [tilespmem:v7+s14+$0x0], $0xffff  }
0x159: {  	v39 =	vor.u32 s28, v13  }
0x15a: {  	v18 =	vor.u32 s25, v60;
	v50 =	vor.u32 s25, v42;
	v14 =	vld [tilespmem:$0x1FF30];
	[tilespmem:v0+s19+$0x0] =	vst.idx.msk $0xffff, v1;
	v40 =	vor.u32 v39, v35  }
0x15b: {  	v51 =	vor.u32 s25, v32;
	v54 =	vor.u32 s25, v44;
	v8 =	vor.u32 s25, v13;
	v15 =	vld [tilespmem:$0x1FF40]  }
0x15c: {  	v58 =	vor.u32 s25, v61;
	v3 =	vshll.u32 v8, $0x7;
	v8 =	vor.u32 v8, v35;
	v52 =	vld [tilespmem:$0x1FF70]  }
0x15d: {  	v63 =	vmovc v32;
	v32 =	vor.u32 s25, v62;
	v46 =	vor.u32 s25, v11;
	v25 =	vor.u32 v18, v35;
	[tilespmem:v2+s19+$0x0] =	vst.idx.msk $0xffff, v7  }
0x15e: {  	v21 =	vor.u32 v50, v35;
	v38 =	vor.u32 v54, v35;
	v0 =	vshll.u32 v39, $0x7;
	v53 =	vld [tilespmem:$0x1FF80]  }
0x15f: {  	v28 =	vor.u32 v46, v35;
	v45 =	vor.u32 s28, v14;
	v0 =	vor.u32 v34, v0;
	v43 =	vld.idx.msk [tilespmem:v40+s14+$0x0], $0xffff  }
0x160: {  	v4 =	vor.u32 v58, v35;
	v17 =	vor.u32 v45, v35;
	v1 =	vor.u32 s25, v15  }
0x161: {  	v3 =	vor.u32 v34, v3;
	v10 =	vor.u32 s25, v52;
	v8 =	vld.idx.msk [tilespmem:v8+s14+$0x0], $0xffff;
	v16 =	vshll.u32 v1, $0x7  }
0x162: {  	v41 =	vor.u32 s25, v14;
	v19 =	vor.u32 v34, v16;
	v16 =	vshll.u32 v10, $0x7  }
0x163: {  	v6 =	vor.u32 v41, v35;
	v7 =	vor.u32 v34, v16;
	v16 =	vor.u32 s25, v53  }
0x164: {  	v9 =	vshll.u32 v41, $0x7;
	v29 =	vor.u32 v16, v35;
	[tilespmem:v0+s19+$0x0] =	vst.idx.msk $0xffff, v43;
	v0 =	vshll.u32 v45, $0x7  }
0x165: {  	v47 =	vshll.u32 v16, $0x7;
	v16 =	vor.u32 s28, v15;
	v48 =	vld.idx.msk [tilespmem:v17+s14+$0x0], $0xffff;
	v0 =	vor.u32 v34, v0  }
0x166: {  	v41 =	vor.u32 s28, v11;
	v20 =	vor.u32 v16, v35;
	v59 =	vld [tilespmem:$0x1FF60];
	[tilespmem:v3+s19+$0x0] =	vst.idx.msk $0xffff, v8;
	v3 =	vshll.u32 v18, $0x7  }
0x167: {  	v9 =	vor.u32 v34, v9;
	v22 =	vor.u32 v34, v3;
	v3 =	vshll.u32 v50, $0x7  }
0x168: {  	v40 =	vor.u32 v51, v35;
	v6 =	vld.idx.msk [tilespmem:v6+s14+$0x0], $0xffff;
	v23 =	vor.u32 v34, v3;
	v3 =	vshll.u32 v51, $0x7  }
0x169: {  	v1 =	vor.u32 v1, v35;
	v39 =	vor.u32 v34, v3;
	v3 =	vshll.u32 v54, $0x7  }
0x16a: {  	v37 =	vor.u32 v34, v3;
	v3 =	vor.u32 s25, v36;
	[tilespmem:v0+s19+$0x0] =	vst.idx.msk $0xffff, v48;
	v0 =	vshll.u32 v16, $0x7  }
0x16b: {  	v17 =	vor.u32 s25, v59;
	v16 =	vor.u32 s28, v52;
	v56 =	vld.idx.msk [tilespmem:v20+s14+$0x0], $0xffff;
	v0 =	vor.u32 v34, v0  }
0x16c: {  	s26 =	simm.s32 $0x20;
	v26 =	vor.u32 v17, v35;
	v49 =	vshll.u32 v17, $0x7;
	v17 =	vor.u32 v16, v35  }
0x16d: {  	s26 =	sand.u32 $0x20, s26;
	v2 =	vor.u32 v10, v35;
	v57 =	vor.u32 v3, v35;
	v3 =	vshll.u32 v3, $0x7;
	[tilespmem:v9+s19+$0x0] =	vst.idx.msk $0xffff, v6  }
0x16e: {  	v10 =	vshll.u32 v46, $0x7;
	v46 =	vor.u32 s26, v12;
	v3 =	vor.u32 v34, v3;
	v1 =	vld.idx.msk [tilespmem:v1+s14+$0x0], $0xffff;
	[tilespmem:$0x1FE60] =	vst v57  }
0x16f: {  	v10 =	vor.u32 v34, v10;
	v27 =	vor.u32 v34, v47;
	v43 =	vshll.u32 v32, $0x7;
	[tilespmem:$0x1FE70] =	vst v3  }
0x170: {  	s31 =	simm.s32 $0x8;
	v45 =	vor.u32 s26, v55;
	v18 =	vor.u32 v32, v35;
	v3 =	vshll.u32 v58, $0x7;
	[tilespmem:v0+s19+$0x0] =	vst.idx.msk $0xffff, v56  }
0x171: {  	s0 =	sand.u32 $0x70, s31;
	v48 =	vshll.u32 v46, $0x7;
	v3 =	vor.u32 v34, v3;
	v0 =	vshll.u32 v16, $0x7;
	v33 =	vld.idx.msk [tilespmem:v17+s14+$0x0], $0xffff;
	[tilespmem:$0x1FE90] =	vst v4  }
0x172: {  	s25 =	sor.u32 $0x10, s26;
	v54 =	vor.u32 s28, v59;
	v0 =	vor.u32 v34, v0;
	[tilespmem:$0x1FE50] =	vst v3;
	v17 =	vor.u32 s0, v55  }
0x173: {  	v51 =	vor.u32 s25, v12;
	v3 =	vor.u32 v41, v35;
	[tilespmem:v19+s19+$0x0] =	vst.idx.msk $0xffff, v1;
	v20 =	vshll.u32 v17, $0x7  }
0x174: {  	v24 =	vor.u32 v34, v49;
	v1 =	vld.idx.msk [tilespmem:v2+s14+$0x0], $0xffff;
	v2 =	vor.u32 s25, v55;
	v30 =	vor.u32 v45, v20  }
0x175: {  	v49 =	vor.u32 s28, v53;
	v32 =	vshll.u32 v51, $0x7;
	v47 =	vor.u32 v2, v20  }
0x176: {  	v57 =	vor.u32 s25, v13;
	v50 =	vor.u32 v49, v35;
	v4 =	vshll.u32 v45, $0x7  }
0x177: {  	v19 =	vor.u32 v34, v43;
	v4 =	vor.u32 v17, v4;
	[tilespmem:v0+s19+$0x0] =	vst.idx.msk $0xffff, v33;
	v0 =	vshll.u32 v41, $0x7  }
0x178: {  	v6 =	vor.u32 v17, v48;
	v43 =	vor.u32 s26, v15;
	v3 =	vld.idx.msk [tilespmem:v3+s14+$0x0], $0xffff;
	v0 =	vor.u32 v34, v0  }
0x179: {  	v32 =	vor.u32 v17, v32;
	v48 =	vor.u32 s28, v60;
	v2 =	vshll.u32 v2, $0x7;
	v30 =	vld.idx.msk [tilespmem:v30+s14+$0x0], $0xffff  }
0x17a: {  	v5 =	vor.u32 v46, v20;
	v2 =	vor.u32 v17, v2;
	[tilespmem:v7+s19+$0x0] =	vst.idx.msk $0xffff, v1;
	v9 =	vld.idx.msk [tilespmem:v47+s14+$0x0], $0xffff  }
0x17b: {  	v45 =	vor.u32 s26, v52;
	v56 =	vshll.u32 v43, $0x7;
	v33 =	vor.u32 v51, v20;
	v28 =	vld.idx.msk [tilespmem:v28+s14+$0x0], $0xffff  }
0x17c: {  	v58 =	vor.u32 v57, v20;
	v46 =	vor.u32 s26, v11;
	v41 =	vor.u32 s26, v14  }
0x17d: {  	v8 =	vor.u32 v41, v20;
	v1 =	vor.u32 s26, v13;
	[tilespmem:v0+s19+$0x0] =	vst.idx.msk $0xffff, v3;
	v3 =	vshll.u32 v49, $0x7  }
0x17e: {  	v31 =	vor.u32 v1, v20;
	v3 =	vor.u32 v34, v3;
	v7 =	vld.idx.msk [tilespmem:v50+s14+$0x0], $0xffff;
	[tilespmem:v4+s19+$0x0] =	vst.idx.msk $0xffff, v30  }
0x17f: {  	v51 =	vor.u32 s26, v53;
	v1 =	vshll.u32 v1, $0x7;
	v47 =	vor.u32 v45, v20;
	[tilespmem:v2+s19+$0x0] =	vst.idx.msk $0xffff, v9;
	v5 =	vld.idx.msk [tilespmem:v5+s14+$0x0], $0xffff  }
0x180: {  	v1 =	vor.u32 v17, v1;
	v2 =	vor.u32 v54, v35;
	[tilespmem:v10+s19+$0x0] =	vst.idx.msk $0xffff, v28;
	v28 =	vld.idx.msk [tilespmem:v33+s14+$0x0], $0xffff  }
0x181: {  	v0 =	vshll.u32 v41, $0x7;
	v41 =	vshll.u32 v54, $0x7;
	v49 =	vor.u32 v46, v20;
	v29 =	vld.idx.msk [tilespmem:v29+s14+$0x0], $0xffff  }
0x182: {  	v0 =	vor.u32 v17, v0;
	v30 =	vshll.u32 v45, $0x7;
	v50 =	vshll.u32 v57, $0x7  }
0x183: {  	v45 =	vor.u32 v51, v20;
	v10 =	vor.u32 v17, v56;
	v56 =	vshll.u32 v51, $0x7;
	[tilespmem:v3+s19+$0x0] =	vst.idx.msk $0xffff, v7  }
0x184: {  	v9 =	vor.u32 v43, v20;
	v54 =	vor.u32 s25, v14;
	v43 =	vor.u32 v17, v56;
	[tilespmem:v6+s19+$0x0] =	vst.idx.msk $0xffff, v5  }
0x185: {  	v3 =	vor.u32 v17, v30;
	v30 =	vor.u32 v34, v41;
	v2 =	vld.idx.msk [tilespmem:v2+s14+$0x0], $0xffff;
	[tilespmem:v32+s19+$0x0] =	vst.idx.msk $0xffff, v28  }
0x186: {  	v33 =	vshll.u32 v54, $0x7;
	v7 =	vshll.u32 v46, $0x7;
	v28 =	vor.u32 v48, v35;
	[tilespmem:v27+s19+$0x0] =	vst.idx.msk $0xffff, v29;
	v27 =	vld.idx.msk [tilespmem:v31+s14+$0x0], $0xffff  }
0x187: {  	v56 =	vor.u32 s28, v63;
	v46 =	vor.u32 v17, v7;
	v7 =	vor.u32 v17, v50;
	v4 =	vld.idx.msk [tilespmem:v58+s14+$0x0], $0xffff  }
0x188: {  	v5 =	vor.u32 v54, v20;
	v29 =	vor.u32 s26, v59;
	v31 =	vor.u32 s26, v60  }
0x189: {  	v57 =	vld.idx.msk [tilespmem:v26+s14+$0x0], $0xffff;
	v41 =	vor.u32 v29, v20;
	v26 =	vshll.u32 v48, $0x7;
	v29 =	vshll.u32 v29, $0x7  }
0x18a: {  	v54 =	vor.u32 v31, v20;
	v51 =	vor.u32 v17, v29;
	v29 =	vor.u32 s26, v42;
	[tilespmem:v30+s19+$0x0] =	vst.idx.msk $0xffff, v2  }
0x18b: {  	v2 =	vor.u32 v34, v26;
	v30 =	vor.u32 s28, v42;
	v26 =	vshll.u32 v31, $0x7;
	v28 =	vld.idx.msk [tilespmem:v28+s14+$0x0], $0xffff;
	[tilespmem:v1+s19+$0x0] =	vst.idx.msk $0xffff, v27  }
0x18c: {  	v48 =	vshll.u32 v29, $0x7;
	v58 =	vor.u32 v30, v35;
	v16 =	vor.u32 v17, v26;
	[tilespmem:v7+s19+$0x0] =	vst.idx.msk $0xffff, v4  }
0x18d: {  	v1 =	vor.u32 s25, v15;
	v26 =	vor.u32 v29, v20;
	v7 =	vor.u32 v17, v33;
	v5 =	vld.idx.msk [tilespmem:v5+s14+$0x0], $0xffff  }
0x18e: {  	v29 =	vor.u32 s26, v44;
	v50 =	vshll.u32 v30, $0x7;
	v31 =	vor.u32 v1, v20;
	[tilespmem:$0x1FE80] =	vst v26  }
0x18f: {  	v6 =	vor.u32 v34, v50;
	v32 =	vor.u32 v29, v20;
	v8 =	vld.idx.msk [tilespmem:v8+s14+$0x0], $0xffff;
	[tilespmem:v24+s19+$0x0] =	vst.idx.msk $0xffff, v57  }
0x190: {  	v1 =	vshll.u32 v1, $0x7;
	v26 =	vor.u32 v17, v48;
	v24 =	vor.u32 s26, v63;
	v33 =	vld.idx.msk [tilespmem:v25+s14+$0x0], $0xffff;
	[tilespmem:v2+s19+$0x0] =	vst.idx.msk $0xffff, v28  }
0x191: {  	v1 =	vor.u32 v17, v1;
	v48 =	vshll.u32 v56, $0x7;
	v2 =	vshll.u32 v24, $0x7;
	v4 =	vld.idx.msk [tilespmem:v58+s14+$0x0], $0xffff  }
0x192: {  	v57 =	vor.u32 v56, v35;
	v27 =	vor.u32 v17, v2;
	v2 =	vshll.u32 v29, $0x7;
	[tilespmem:v7+s19+$0x0] =	vst.idx.msk $0xffff, v5  }
0x193: {  	v56 =	vor.u32 s28, v44;
	v30 =	vor.u32 v17, v2;
	v2 =	vor.u32 s25, v52;
	v7 =	vld.idx.msk [tilespmem:v31+s14+$0x0], $0xffff  }
0x194: {  	v28 =	vor.u32 v24, v20;
	[tilespmem:v0+s19+$0x0] =	vst.idx.msk $0xffff, v8;
	v0 =	vor.u32 s26, v36;
	v58 =	vor.u32 v2, v20  }
0x195: {  	v25 =	vor.u32 v0, v20;
	v9 =	vld.idx.msk [tilespmem:v9+s14+$0x0], $0xffff;
	[tilespmem:v22+s19+$0x0] =	vst.idx.msk $0xffff, v33;
	v0 =	vshll.u32 v0, $0x7;
	v22 =	vor.u32 s26, v61  }
0x196: {  	v31 =	vor.u32 s26, v62;
	v50 =	vld.idx.msk [tilespmem:v21+s14+$0x0], $0xffff;
	v24 =	vor.u32 v17, v0;
	v0 =	vshll.u32 v22, $0x7;
	[tilespmem:v6+s19+$0x0] =	vst.idx.msk $0xffff, v4  }
0x197: {  	v4 =	vor.u32 v34, v48;
	v21 =	vor.u32 v17, v0;
	v0 =	vshll.u32 v31, $0x7;
	v5 =	vld.idx.msk [tilespmem:v57+s14+$0x0], $0xffff  }
0x198: {  	v48 =	vor.u32 v56, v35;
	v33 =	vor.u32 v17, v0;
	v0 =	vshll.u32 v2, $0x7;
	[tilespmem:v1+s19+$0x0] =	vst.idx.msk $0xffff, v7  }
0x199: {  	s31 =	simm.s32 $0x40;
	s0 =	simm.s32 $0x10;
	v29 =	vor.u32 v22, v20;
	v2 =	vor.u32 s25, v11;
	v0 =	vor.u32 v17, v0;
	v1 =	vld.idx.msk [tilespmem:v58+s14+$0x0], $0xffff  }
0x19a: {  	s29 =	sand.u32 $0x20, s31;
	s0 =	sand.u32 $0x70, s0;
	v22 =	vor.u32 v31, v20;
	v57 =	vor.u32 v2, v20;
	[tilespmem:v10+s19+$0x0] =	vst.idx.msk $0xffff, v9  }
0x19b: {  	s26 =	sor.u32 $0x10, s29;
	v2 =	vshll.u32 v2, $0x7;
	v58 =	vor.u32 s29, v55;
	v7 =	vld.idx.msk [tilespmem:v47+s14+$0x0], $0xffff;
	[tilespmem:v23+s19+$0x0] =	vst.idx.msk $0xffff, v50;
	v23 =	vor.u32 s0, v55  }
0x19c: {  	v31 =	vshll.u32 v23, $0x7;
	v40 =	vld.idx.msk [tilespmem:v40+s14+$0x0], $0xffff;
	[tilespmem:v4+s19+$0x0] =	vst.idx.msk $0xffff, v5;
	v4 =	vor.u32 s26, v55;
	v55 =	vshll.u32 v56, $0x7  }
0x19d: {  	v10 =	vld.idx.msk [tilespmem:v48+s14+$0x0], $0xffff;
	v47 =	vor.u32 v4, v31;
	v5 =	vor.u32 v34, v55;
	v48 =	vor.u32 s28, v36  }
0x19e: {  	v6 =	vor.u32 s25, v53;
	v2 =	vor.u32 v17, v2;
	[tilespmem:v0+s19+$0x0] =	vst.idx.msk $0xffff, v1;
	v0 =	vor.u32 v48, v35  }
0x19f: {  	v9 =	vshll.u32 v58, $0x7;
	v56 =	vor.u32 s29, v12;
	v50 =	vor.u32 v58, v31;
	v8 =	vld.idx.msk [tilespmem:v57+s14+$0x0], $0xffff  }
0x1a0: {  	v55 =	vor.u32 v6, v20;
	v4 =	vshll.u32 v4, $0x7;
	v1 =	vor.u32 v23, v9;
	[tilespmem:v3+s19+$0x0] =	vst.idx.msk $0xffff, v7  }
0x1a1: {  	v4 =	vor.u32 v23, v4;
	v57 =	vshll.u32 v56, $0x7;
	v9 =	vld.idx.msk [tilespmem:v49+s14+$0x0], $0xffff;
	[tilespmem:v39+s19+$0x0] =	vst.idx.msk $0xffff, v40  }
0x1a2: {  	v3 =	vor.u32 v56, v31;
	v56 =	vshll.u32 v48, $0x7;
	v49 =	vor.u32 s26, v12;
	[tilespmem:v5+s19+$0x0] =	vst.idx.msk $0xffff, v10;
	v10 =	vld.idx.msk [tilespmem:v47+s14+$0x0], $0xffff  }
0x1a3: {  	v39 =	vor.u32 v34, v56;
	v40 =	vor.u32 v49, v31;
	v47 =	vor.u32 s28, v61;
	v0 =	vld.idx.msk [tilespmem:v0+s14+$0x0], $0xffff  }
0x1a4: {  	v6 =	vshll.u32 v6, $0x7;
	v48 =	vor.u32 v47, v35;
	[tilespmem:v2+s19+$0x0] =	vst.idx.msk $0xffff, v8;
	v2 =	vld.idx.msk [tilespmem:v50+s14+$0x0], $0xffff  }
0x1a5: {  	v58 =	vor.u32 s29, v13;
	v6 =	vor.u32 v17, v6  }
0x1a6: {  	v7 =	vor.u32 v23, v57;
	v5 =	vor.u32 v58, v31;
	v47 =	vshll.u32 v47, $0x7;
	[tilespmem:v46+s19+$0x0] =	vst.idx.msk $0xffff, v9  }
0x1a7: {  	v57 =	vshll.u32 v58, $0x7;
	v50 =	vshll.u32 v49, $0x7;
	v47 =	vor.u32 v34, v47;
	v46 =	vld.idx.msk [tilespmem:v55+s14+$0x0], $0xffff;
	[tilespmem:v4+s19+$0x0] =	vst.idx.msk $0xffff, v10  }
0x1a8: {  	v58 =	vor.u32 s29, v14;
	v55 =	vor.u32 s25, v59;
	[tilespmem:v39+s19+$0x0] =	vst.idx.msk $0xffff, v0;
	v40 =	vld.idx.msk [tilespmem:v40+s14+$0x0], $0xffff;
	v39 =	vor.u32 v23, v50  }
0x1a9: {  	v8 =	vshll.u32 v58, $0x7;
	v0 =	vor.u32 v55, v20;
	[tilespmem:v1+s19+$0x0] =	vst.idx.msk $0xffff, v2;
	v1 =	vor.u32 s26, v13;
	v2 =	vld.idx.msk [tilespmem:v48+s14+$0x0], $0xffff  }
0x1aa: {  	v9 =	vor.u32 v58, v31;
	v10 =	vor.u32 s29, v52;
	v58 =	vor.u32 v1, v31;
	v3 =	vld.idx.msk [tilespmem:v3+s14+$0x0], $0xffff  }
0x1ab: {  	v56 =	vor.u32 v23, v57;
	v45 =	vld.idx.msk [tilespmem:v45+s14+$0x0], $0xffff;
	v50 =	vor.u32 v10, v31;
	v55 =	vshll.u32 v55, $0x7  }
0x1ac: {  	v38 =	vld.idx.msk [tilespmem:v38+s14+$0x0], $0xffff;
	[tilespmem:v6+s19+$0x0] =	vst.idx.msk $0xffff, v46;
	v6 =	vor.u32 s28, v62;
	v46 =	vshll.u32 v10, $0x7;
	v10 =	vor.u32 v17, v55  }
0x1ad: {  	v1 =	vshll.u32 v1, $0x7;
	v35 =	vor.u32 v6, v35;
	v48 =	vor.u32 v23, v46;
	[tilespmem:v39+s19+$0x0] =	vst.idx.msk $0xffff, v40  }
0x1ae: {  	v55 =	vor.u32 s29, v53;
	v1 =	vor.u32 v23, v1;
	v0 =	vld.idx.msk [tilespmem:v0+s14+$0x0], $0xffff;
	v39 =	vor.u32 s25, v60;
	[tilespmem:v47+s19+$0x0] =	vst.idx.msk $0xffff, v2  }
0x1af: {  	v6 =	vshll.u32 v6, $0x7;
	v2 =	vor.u32 v39, v20;
	v40 =	vld.idx.msk [tilespmem:v58+s14+$0x0], $0xffff;
	[tilespmem:v7+s19+$0x0] =	vst.idx.msk $0xffff, v3;
	v3 =	vor.u32 s26, v14  }
0x1b0: {  	[tilespmem:v43+s19+$0x0] =	vst.idx.msk $0xffff, v45;
	v45 =	vor.u32 s29, v11;
	v6 =	vor.u32 v34, v6;
	v34 =	vor.u32 v3, v31  }
0x1b1: {  	v49 =	vor.u32 v45, v31;
	v47 =	vor.u32 v55, v31;
	v58 =	vshll.u32 v55, $0x7;
	v55 =	vld.idx.msk [tilespmem:v41+s14+$0x0], $0xffff  }
0x1b2: {  	[tilespmem:v37+s19+$0x0] =	vst.idx.msk $0xffff, v38;
	v46 =	vshll.u32 v45, $0x7;
	v5 =	vld.idx.msk [tilespmem:v5+s14+$0x0], $0xffff;
	v45 =	vor.u32 v23, v58;
	v58 =	vshll.u32 v39, $0x7  }
0x1b3: {  	v7 =	vld.idx.msk [tilespmem:v35+s14+$0x0], $0xffff;
	v3 =	vshll.u32 v3, $0x7;
	v35 =	vor.u32 v17, v58;
	[tilespmem:v10+s19+$0x0] =	vst.idx.msk $0xffff, v0;
	v0 =	vor.u32 s29, v59  }
0x1b4: {  	v37 =	vor.u32 v0, v31;
	v2 =	vld.idx.msk [tilespmem:v2+s14+$0x0], $0xffff;
	v0 =	vshll.u32 v0, $0x7;
	[tilespmem:v1+s19+$0x0] =	vst.idx.msk $0xffff, v40;
	v1 =	vor.u32 s25, v42  }
0x1b5: {  	v3 =	vor.u32 v23, v3;
	v39 =	vor.u32 v23, v0;
	v0 =	vor.u32 v1, v20;
	v10 =	vld.idx.msk [tilespmem:v34+s14+$0x0], $0xffff  }
0x1b6: {  	[tilespmem:v51+s19+$0x0] =	vst.idx.msk $0xffff, v55  }
0x1b7: {  	v8 =	vor.u32 v23, v8;
	v60 =	vor.u32 s29, v60;
	v14 =	vmov v59;
	[tilespmem:v56+s19+$0x0] =	vst.idx.msk $0xffff, v5  }
0x1b8: {  	v59 =	vshll.u32 v60, $0x7;
	v40 =	vor.u32 v60, v31;
	v60 =	vor.u32 s29, v42;
	[tilespmem:v6+s19+$0x0] =	vst.idx.msk $0xffff, v7;
	v38 =	vld.idx.msk [tilespmem:v9+s14+$0x0], $0xffff  }
0x1b9: {  	v43 =	vor.u32 v60, v31;
	v7 =	vshll.u32 v60, $0x7;
	v60 =	vld.idx.msk [tilespmem:v54+s14+$0x0], $0xffff;
	v1 =	vshll.u32 v1, $0x7;
	[tilespmem:v35+s19+$0x0] =	vst.idx.msk $0xffff, v2  }
0x1ba: {  	v1 =	vor.u32 v17, v1;
	v0 =	vld.idx.msk [tilespmem:v0+s14+$0x0], $0xffff;
	[tilespmem:v3+s19+$0x0] =	vst.idx.msk $0xffff, v10  }
0x1bb: {  	v10 =	vld [tilespmem:$0x1FE60];
	_ =	sdelay $0x1  }
0x1bc: {  	[tilespmem:v8+s19+$0x0] =	vst.idx.msk $0xffff, v38  }
0x1bd: {  	v5 =	vor.u32 s26, v15;
	[tilespmem:v16+s19+$0x0] =	vst.idx.msk $0xffff, v60  }
0x1be: {  	v42 =	vor.u32 v5, v31;
	[tilespmem:v1+s19+$0x0] =	vst.idx.msk $0xffff, v0  }
0x1bf: {  	v12 =	vld [tilespmem:$0x1FE70];
	_ =	sdelay $0x1  }
0x1c0: {  	v2 =	vor.u32 s29, v44  }
0x1c1: {  	v58 =	vshll.u32 v2, $0x7;
	v38 =	vor.u32 v2, v31;
	v2 =	vshll.u32 v5, $0x7;
	v10 =	vld.idx.msk [tilespmem:v10+s14+$0x0], $0xffff  }
0x1c2: {  	v5 =	vld.idx.msk [tilespmem:v42+s14+$0x0], $0xffff;
	v2 =	vor.u32 v23, v2;
	_ =	sdelay $0x1  }
0x1c3: {  	v4 =	vor.u32 s29, v15  }
0x1c4: {  	v57 =	vor.u32 v4, v31;
	v51 =	vor.u32 s29, v63;
	v42 =	vor.u32 s29, v36  }
0x1c5: {  	v54 =	vor.u32 v51, v31;
	v3 =	vor.u32 s25, v63;
	v1 =	vshll.u32 v42, $0x7;
	[tilespmem:v12+s19+$0x0] =	vst.idx.msk $0xffff, v10  }
0x1c6: {  	v53 =	vshll.u32 v51, $0x7;
	v34 =	vor.u32 v23, v1;
	v1 =	vshll.u32 v3, $0x7;
	v12 =	vld [tilespmem:$0x1FE80];
	[tilespmem:v2+s19+$0x0] =	vst.idx.msk $0xffff, v5  }
0x1c7: {  	v51 =	vor.u32 v23, v53;
	v53 =	vor.u32 s29, v61;
	v61 =	vor.u32 v17, v1;
	v1 =	vld [tilespmem:$0x1FE90]  }
0x1c8: {  	v41 =	vor.u32 v23, v59;
	v59 =	vor.u32 v3, v20;
	v8 =	vor.u32 s26, v52  }
0x1c9: {  	v0 =	vor.u32 v8, v31  }
0x1ca: {  	v4 =	vshll.u32 v4, $0x7  }
0x1cb: {  	v4 =	vor.u32 v23, v4;
	v46 =	vor.u32 v23, v46;
	v55 =	vor.u32 v23, v7;
	v9 =	vld.idx.msk [tilespmem:v57+s14+$0x0], $0xffff  }
0x1cc: {  	v35 =	vor.u32 v23, v58;
	v58 =	vor.u32 s26, v11;
	v60 =	vor.u32 s25, v44  }
0x1cd: {  	v13 =	vmovc v36;
	v36 =	vor.u32 v42, v31;
	v57 =	vor.u32 v53, v31;
	v42 =	vor.u32 s29, v62;
	v59 =	vld.idx.msk [tilespmem:v59+s14+$0x0], $0xffff  }
0x1ce: {  	v63 =	vor.u32 v60, v20;
	v3 =	vshll.u32 v53, $0x7;
	v52 =	vor.u32 v42, v31;
	v0 =	vld.idx.msk [tilespmem:v0+s14+$0x0], $0xffff  }
0x1cf: {  	v53 =	vor.u32 v23, v3;
	v2 =	vshll.u32 v8, $0x7;
	v56 =	vld.idx.msk [tilespmem:v1+s14+$0x0], $0xffff;
	v1 =	vshll.u32 v42, $0x7  }
0x1d0: {  	s30 =	simm.s32 $0x60;
	s28 =	simm.s32 $0x4;
	s29 =	simm.s32 $0x18;
	[tilespmem:v4+s19+$0x0] =	vst.idx.msk $0xffff, v9;
	v62 =	vld.idx.msk [tilespmem:v12+s14+$0x0], $0xffff;
	v42 =	vor.u32 v23, v1;
	v1 =	vor.u32 v23, v2  }
.LBB2_9:
0x1d1: {  	v10 =	vld [tilespmem:$0x1FE50]  }
0x1d2: {  	v2 =	vld.idx.msk [tilespmem:v50+s14+$0x0], $0xffff  }
0x1d3: {  	v12 =	vld [tilespmem:$0x1FF10]  }
0x1d4: {  	v3 =	vor.u32 v58, v31;
	v16 =	vld [tilespmem:$0x1FF20]  }
0x1d5: {  	v15 =	vld [tilespmem:$0x1FF50];
	[tilespmem:v26+s19+$0x0] =	vst.idx.msk $0xffff, v62  }
0x1d6: {  	[tilespmem:v61+s19+$0x0] =	vst.idx.msk $0xffff, v59;
	v61 =	vld [tilespmem:$0x1FF80]  }
0x1d7: {  	s31 =	sand.u32 $0x20, s30;
	s0 =	sand.u32 $0x70, s29;
	v7 =	vlaneseq.u32;
	v9 =	vshll.u32 v60, $0x7;
	v6 =	vld.idx.msk [tilespmem:v28+s14+$0x0], $0xffff  }
0x1d8: {  	v9 =	vor.u32 v17, v9;
	v26 =	vmov v55;
	v55 =	vor.u32 s0, v7;
	s0 =	sor.u32 $0x10, s31;
	v8 =	vld.idx.msk [tilespmem:v63+s14+$0x0], $0xffff;
	[tilespmem:v1+s19+$0x0] =	vst.idx.msk $0xffff, v0  }
0x1d9: {  	v4 =	vor.u32 s31, v7;
	v28 =	vmovc v54;
	v54 =	vshll.u32 v55, $0x7;
	v7 =	vor.u32 s0, v7;
	v3 =	vld.idx.msk [tilespmem:v3+s14+$0x0], $0xffff;
	[tilespmem:v10+s19+$0x0] =	vst.idx.msk $0xffff, v56  }
0x1da: {  	v50 =	vor.u32 s25, v13;
	v62 =	vmovc v21;
	v21 =	vmovc v53;
	v63 =	vshll.u32 v58, $0x7;
	v10 =	vor.u32 v7, v54;
	v56 =	vld.idx.msk [tilespmem:v18+s14+$0x0], $0xffff  }
0x1db: {  	v53 =	vor.u32 v4, v54;
	v11 =	vor.u32 s31, v16;
	[tilespmem:v48+s19+$0x0] =	vst.idx.msk $0xffff, v2;
	v2 =	vor.u32 v23, v63;
	v63 =	vld [tilespmem:$0x1FFE0]  }
0x1dc: {  	v60 =	vshll.u32 v50, $0x7;
	v59 =	vor.u32 v11, v54;
	v18 =	vmovc v22;
	v22 =	vmovc v52;
	v52 =	vshll.u32 v11, $0x7;
	v11 =	vld [tilespmem:$0x1FF30]  }
0x1dd: {  	v44 =	vmovc v57;
	v0 =	vor.u32 v50, v20;
	v5 =	vor.u32 s31, v12;
	v48 =	vor.u32 s26, v61;
	v49 =	vld.idx.msk [tilespmem:v49+s14+$0x0], $0xffff  }
0x1de: {  	v4 =	vshll.u32 v4, $0x7;
	v57 =	vor.u32 v48, v31;
	[tilespmem:v27+s19+$0x0] =	vst.idx.msk $0xffff, v6;
	v6 =	vor.u32 v17, v60;
	v60 =	vld [tilespmem:$0x1FF70]  }
0x1df: {  	v1 =	vor.u32 v55, v4;
	v4 =	vor.u32 v5, v54;
	v7 =	vshll.u32 v7, $0x7;
	v10 =	vld.idx.msk [tilespmem:v10+s14+$0x0], $0xffff  }
0x1e0: {  	v5 =	vshll.u32 v5, $0x7;
	v7 =	vor.u32 v55, v7;
	[tilespmem:v9+s19+$0x0] =	vst.idx.msk $0xffff, v8;
	v9 =	vld.idx.msk [tilespmem:v53+s14+$0x0], $0xffff  }
0x1e1: {  	[tilespmem:$0x1FE50] =	vst v62;
	v5 =	vor.u32 v55, v5;
	v27 =	vmovc v51;
	v51 =	vor.u32 v55, v52;
	v8 =	vor.u32 s0, v12;
	v12 =	vld [tilespmem:$0x1FF40]  }
0x1e2: {  	v0 =	vld.idx.msk [tilespmem:v0+s14+$0x0], $0xffff;
	v50 =	vor.u32 v8, v54;
	v58 =	vor.u32 s25, v63;
	[tilespmem:v2+s19+$0x0] =	vst.idx.msk $0xffff, v3  }
0x1e3: {  	v48 =	vshll.u32 v48, $0x7;
	v62 =	vor.u32 s31, v11;
	[tilespmem:v19+s19+$0x0] =	vst.idx.msk $0xffff, v56;
	v2 =	vor.u32 v58, v20;
	v57 =	vld.idx.msk [tilespmem:v57+s14+$0x0], $0xffff  }
0x1e4: {  	v3 =	vor.u32 v62, v54;
	v52 =	vshll.u32 v62, $0x7;
	[tilespmem:v46+s19+$0x0] =	vst.idx.msk $0xffff, v49;
	v46 =	vor.u32 v23, v48;
	v62 =	vld [tilespmem:$0x1FFF0]  }
0x1e5: {  	v8 =	vshll.u32 v8, $0x7;
	v49 =	vor.u32 s26, v14;
	v52 =	vor.u32 v55, v52;
	[tilespmem:v7+s19+$0x0] =	vst.idx.msk $0xffff, v10;
	v7 =	vld.idx.msk [tilespmem:v47+s14+$0x0], $0xffff  }
0x1e6: {  	v19 =	vor.u32 s31, v12;
	v10 =	vor.u32 v49, v31;
	[tilespmem:v1+s19+$0x0] =	vst.idx.msk $0xffff, v9;
	v1 =	vor.u32 s0, v16;
	v16 =	vld [tilespmem:$0x1FF90]  }
0x1e7: {  	v48 =	vor.u32 s31, v60;
	v53 =	vor.u32 v19, v54;
	v47 =	vshll.u32 v19, $0x7;
	v56 =	vld.idx.msk [tilespmem:v50+s14+$0x0], $0xffff;
	[tilespmem:v6+s19+$0x0] =	vst.idx.msk $0xffff, v0  }
0x1e8: {  	v0 =	vor.u32 v55, v8;
	v50 =	vshll.u32 v58, $0x7;
	v4 =	vld.idx.msk [tilespmem:v4+s14+$0x0], $0xffff;
	v8 =	vor.u32 v1, v54  }
0x1e9: {  	v1 =	vshll.u32 v1, $0x7;
	v2 =	vld.idx.msk [tilespmem:v2+s14+$0x0], $0xffff;
	v6 =	vor.u32 v17, v50;
	v9 =	vor.u32 s25, v62  }
0x1ea: {  	v58 =	vor.u32 v55, v47;
	[tilespmem:v46+s19+$0x0] =	vst.idx.msk $0xffff, v57;
	v50 =	vor.u32 v48, v54;
	v57 =	vshll.u32 v49, $0x7  }
0x1eb: {  	v1 =	vor.u32 v55, v1;
	v19 =	vmovc v33;
	v33 =	vshll.u32 v48, $0x7;
	v47 =	vor.u32 v9, v20  }
0x1ec: {  	v20 =	vmov v31;
	v31 =	vor.u32 s31, v15;
	v48 =	vor.u32 v55, v33;
	v10 =	vld.idx.msk [tilespmem:v10+s14+$0x0], $0xffff;
	[tilespmem:v45+s19+$0x0] =	vst.idx.msk $0xffff, v7  }
0x1ed: {  	s25 =	smov.u32 s26;
	v49 =	vor.u32 v31, v54;
	v31 =	vshll.u32 v31, $0x7;
	v7 =	vor.u32 v23, v57;
	v32 =	vld.idx.msk [tilespmem:v32+s14+$0x0], $0xffff  }
0x1ee: {  	v33 =	vor.u32 s25, v16;
	v46 =	vor.u32 v55, v31;
	v31 =	vor.u32 s31, v61;
	[tilespmem:v0+s19+$0x0] =	vst.idx.msk $0xffff, v56;
	v56 =	vld [tilespmem:$0x1FFB0]  }
0x1ef: {  	v61 =	vshll.u32 v9, $0x7;
	v57 =	vor.u32 s31, v16;
	v0 =	vor.u32 v33, v20;
	[tilespmem:v5+s19+$0x0] =	vst.idx.msk $0xffff, v4;
	v8 =	vld.idx.msk [tilespmem:v8+s14+$0x0], $0xffff  }
0x1f0: {  	s26 =	smov.u32 s0;
	v5 =	vor.u32 v17, v61;
	v61 =	vshll.u32 v31, $0x7;
	v33 =	vshll.u32 v33, $0x7;
	[tilespmem:v6+s19+$0x0] =	vst.idx.msk $0xffff, v2;
	v6 =	vld.idx.msk [tilespmem:v59+s14+$0x0], $0xffff  }
0x1f1: {  	v17 =	vmovc v23;
	v2 =	vor.u32 s26, v11;
	v11 =	vor.u32 s31, v14;
	v59 =	vld.idx.msk [tilespmem:v37+s14+$0x0], $0xffff;
	v45 =	vor.u32 v55, v61  }
0x1f2: {  	v23 =	vmovc v55;
	v4 =	vld.idx.msk [tilespmem:v47+s14+$0x0], $0xffff;
	v47 =	vor.u32 v31, v54;
	v9 =	vor.u32 v2, v54;
	v2 =	vshll.u32 v2, $0x7  }
0x1f3: {  	v14 =	vld [tilespmem:$0x1FFC0];
	v37 =	vor.u32 v11, v54;
	v55 =	vshll.u32 v11, $0x7;
	v2 =	vor.u32 v23, v2;
	[tilespmem:v7+s19+$0x0] =	vst.idx.msk $0xffff, v10  }
0x1f4: {  	v7 =	vor.u32 v17, v33;
	v10 =	vor.u32 v23, v55;
	v33 =	vor.u32 s25, v56;
	[tilespmem:v30+s19+$0x0] =	vst.idx.msk $0xffff, v32  }
0x1f5: {  	v31 =	vmov v54;
	v0 =	vld.idx.msk [tilespmem:v0+s14+$0x0], $0xffff;
	v61 =	vor.u32 s31, v56;
	[tilespmem:v1+s19+$0x0] =	vst.idx.msk $0xffff, v8;
	v1 =	vor.u32 v33, v20  }
0x1f6: {  	v30 =	vshll.u32 v57, $0x7;
	v32 =	vld [tilespmem:$0x1FFA0];
	v8 =	vor.u32 v57, v31;
	[tilespmem:v51+s19+$0x0] =	vst.idx.msk $0xffff, v6;
	v6 =	vor.u32 v61, v31  }
0x1f7: {  	v16 =	vshll.u32 v61, $0x7;
	v9 =	vld.idx.msk [tilespmem:v9+s14+$0x0], $0xffff;
	[tilespmem:v5+s19+$0x0] =	vst.idx.msk $0xffff, v4;
	v4 =	vor.u32 v23, v30  }
0x1f8: {  	v57 =	vor.u32 s31, v14;
	v5 =	vor.u32 s26, v12;
	v3 =	vld.idx.msk [tilespmem:v3+s14+$0x0], $0xffff;
	[tilespmem:v39+s19+$0x0] =	vst.idx.msk $0xffff, v59;
	v55 =	vor.u32 v23, v16  }
0x1f9: {  	v39 =	vmovc v10;
	v61 =	vshll.u32 v57, $0x7;
	v56 =	vor.u32 v5, v31;
	v59 =	vld.idx.msk [tilespmem:v40+s14+$0x0], $0xffff;
	v5 =	vshll.u32 v5, $0x7  }
0x1fa: {  	v40 =	vmovc v8;
	v10 =	vld.idx.msk [tilespmem:v25+s14+$0x0], $0xffff;
	v30 =	vmov v35;
	v35 =	vor.u32 v23, v61;
	v5 =	vor.u32 v23, v5  }
0x1fb: {  	v12 =	vor.u32 s31, v32;
	[tilespmem:v7+s19+$0x0] =	vst.idx.msk $0xffff, v0;
	v8 =	vor.u32 s25, v32;
	v32 =	vmovc v38;
	v38 =	vor.u32 v57, v31  }
0x1fc: {  	v54 =	vor.u32 v12, v31;
	v0 =	vld.idx.msk [tilespmem:v1+s14+$0x0], $0xffff;
	v1 =	vshll.u32 v33, $0x7;
	v51 =	vshll.u32 v12, $0x7;
	v33 =	vmovc v42  }
0x1fd: {  	v42 =	vor.u32 s31, v63;
	v1 =	vor.u32 v17, v1;
	v51 =	vor.u32 v23, v51;
	[tilespmem:v2+s19+$0x0] =	vst.idx.msk $0xffff, v9  }
0x1fe: {  	v2 =	vor.u32 v8, v20;
	[tilespmem:v52+s19+$0x0] =	vst.idx.msk $0xffff, v3;
	v3 =	vor.u32 s31, v13;
	v9 =	vor.u32 s26, v60;
	v7 =	vld.idx.msk [tilespmem:v56+s14+$0x0], $0xffff  }
0x1ff: {  	s28 =	sadd.s32 $0x2, s28;
	v25 =	vmovc v36;
	v52 =	vor.u32 s31, v62;
	v57 =	vor.u32 v42, v31;
	v11 =	vld.idx.msk [tilespmem:v53+s14+$0x0], $0xffff;
	v36 =	vor.u32 v3, v31  }
0x200: {  	p0 =	slt.u32 s28, $0x1E;
	v60 =	vor.u32 s25, v14;
	v12 =	vor.u32 v9, v31;
	[tilespmem:v41+s19+$0x0] =	vst.idx.msk $0xffff, v59;
	v3 =	vshll.u32 v3, $0x7;
	v41 =	vmovc v4  }
.Ltmp6:
0x201: {  	v63 =	vor.u32 v60, v20;
	v62 =	vld.idx.msk [tilespmem:v43+s14+$0x0], $0xffff;
	v3 =	vor.u32 v23, v3;
	[tilespmem:v24+s19+$0x0] =	vst.idx.msk $0xffff, v10;
	(pc) =	sbr.rel @p0 .LBB2_9-.Ltmp6, $4  }
0x202: {  	v43 =	vmovc v6;
	v24 =	vmov v34;
	v56 =	vld.idx.msk [tilespmem:v29+s14+$0x0], $0xffff;
	[tilespmem:v1+s19+$0x0] =	vst.idx.msk $0xffff, v0;
	v0 =	vshll.u32 v42, $0x7;
	v1 =	vshll.u32 v8, $0x7  }
0x203: {  	v59 =	vld.idx.msk [tilespmem:v2+s14+$0x0], $0xffff;
	v61 =	vor.u32 v17, v1;
	v53 =	vor.u32 v23, v0;
	[tilespmem:v5+s19+$0x0] =	vst.idx.msk $0xffff, v7  }
0x204: {  	v14 =	vld [tilespmem:$0x1FF60];
	v34 =	vmovc v3;
	v0 =	vshll.u32 v52, $0x7;
	v52 =	vor.u32 v52, v31;
	v1 =	vshll.u32 v9, $0x7;
	[tilespmem:v58+s19+$0x0] =	vst.idx.msk $0xffff, v11  }
0x205: {  	s29 =	sadd.s32 $0x8, s29;
	s30 =	sadd.s32 $0x20, s30;
	v29 =	vmovc v44;
	v58 =	vor.u32 s26, v15;
	v42 =	vor.u32 v23, v0;
	v0 =	vld.idx.msk [tilespmem:v12+s14+$0x0], $0xffff;
	v1 =	vor.u32 v23, v1  }
0x206: {  	_ =	sdelay $0x3  }
0x207: {  	v2 =	vld.idx.msk [tilespmem:v50+s14+$0x0], $0xffff;
	_ =	sdelay $0x3  }
0x208: {  	[tilespmem:v1+s19+$0x0] =	vst.idx.msk $0xffff, v0  }
0x209: {  	[tilespmem:v48+s19+$0x0] =	vst.idx.msk $0xffff, v2  }
0x20a: {  	v3 =	vor.u32 v58, v31;
	v2 =	vld [tilespmem:$0x1FF80];
	_ =	sdelay $0x3  }
0x20b: {  	v50 =	vshll.u32 v58, $0x7  }
0x20c: {  	v0 =	vor.u32 v23, v50;
	v1 =	vld.idx.msk [tilespmem:v3+s14+$0x0], $0xffff;
	v2 =	vor.u32 s26, v2  }
0x20d: {  	v58 =	vld.idx.msk [tilespmem:v49+s14+$0x0], $0xffff;
	v4 =	vor.u32 v2, v31;
	_ =	sdelay $0x3  }
0x20e: {  	[tilespmem:v0+s19+$0x0] =	vst.idx.msk $0xffff, v1;
	v44 =	vshll.u32 v2, $0x7  }
0x20f: {  	[tilespmem:v46+s19+$0x0] =	vst.idx.msk $0xffff, v58;
	v46 =	vor.u32 s26, v14;
	v0 =	vor.u32 v23, v44;
	v1 =	vld.idx.msk [tilespmem:v4+s14+$0x0], $0xffff  }
0x210: {  	v3 =	vld.idx.msk [tilespmem:v47+s14+$0x0], $0xffff;
	v4 =	vor.u32 v46, v31;
	_ =	sdelay $0x3  }
0x211: {  	[tilespmem:v0+s19+$0x0] =	vst.idx.msk $0xffff, v1  }
0x212: {  	v47 =	vshll.u32 v46, $0x7;
	[tilespmem:v45+s19+$0x0] =	vst.idx.msk $0xffff, v3;
	v1 =	vld.idx.msk [tilespmem:v4+s14+$0x0], $0xffff  }
0x213: {  	v0 =	vor.u32 v23, v47;
	v44 =	vld [tilespmem:$0x1FF90];
	_ =	sdelay $0x4  }
0x214: {  	v48 =	vor.u32 s26, v44;
	[tilespmem:v0+s19+$0x0] =	vst.idx.msk $0xffff, v1  }
0x215: {  	v49 =	vor.u32 v48, v31;
	v16 =	vld [tilespmem:$0x1FFB0];
	_ =	sdelay $0x3  }
0x216: {  	v4 =	vld.idx.msk [tilespmem:v37+s14+$0x0], $0xffff;
	v50 =	vshll.u32 v48, $0x7  }
0x217: {  	v0 =	vor.u32 v23, v50;
	v1 =	vld.idx.msk [tilespmem:v49+s14+$0x0], $0xffff;
	v58 =	vor.u32 s26, v16  }
0x218: {  	v37 =	vor.u32 v58, v31;
	_ =	sdelay $0x2  }
0x219: {  	[tilespmem:v39+s19+$0x0] =	vst.idx.msk $0xffff, v4  }
0x21a: {  	v4 =	vld.idx.msk [tilespmem:v40+s14+$0x0], $0xffff;
	[tilespmem:v0+s19+$0x0] =	vst.idx.msk $0xffff, v1  }
0x21b: {  	v39 =	vshll.u32 v58, $0x7;
	v1 =	vld.idx.msk [tilespmem:v37+s14+$0x0], $0xffff  }
0x21c: {  	v0 =	vor.u32 v23, v39;
	v12 =	vld [tilespmem:$0x1FFA0];
	_ =	sdelay $0x2  }
0x21d: {  	[tilespmem:v41+s19+$0x0] =	vst.idx.msk $0xffff, v4  }
0x21e: {  	[tilespmem:v26+s19+$0x0] =	vst.idx.msk $0xffff, v62;
	v4 =	vld.idx.msk [tilespmem:v43+s14+$0x0], $0xffff  }
0x21f: {  	v40 =	vor.u32 s26, v12;
	[tilespmem:v0+s19+$0x0] =	vst.idx.msk $0xffff, v1  }
0x220: {  	v45 =	vor.u32 v40, v31;
	v26 =	vld [tilespmem:$0x1FFC0];
	_ =	sdelay $0x1  }
0x221: {  	v5 =	vld.idx.msk [tilespmem:v28+s14+$0x0], $0xffff  }
0x222: {  	[tilespmem:v55+s19+$0x0] =	vst.idx.msk $0xffff, v4  }
0x223: {  	v46 =	vshll.u32 v40, $0x7;
	v4 =	vld.idx.msk [tilespmem:v54+s14+$0x0], $0xffff  }
0x224: {  	v6 =	vshll.u32 v60, $0x7;
	[tilespmem:v61+s19+$0x0] =	vst.idx.msk $0xffff, v59;
	v0 =	vor.u32 v23, v46;
	v1 =	vld.idx.msk [tilespmem:v45+s14+$0x0], $0xffff;
	v47 =	vor.u32 s26, v26  }
0x225: {  	v8 =	vor.u32 s25, v13;
	v6 =	vor.u32 v17, v6;
	v7 =	vld.idx.msk [tilespmem:v63+s14+$0x0], $0xffff;
	v48 =	vor.u32 v47, v31  }
0x226: {  	[tilespmem:v27+s19+$0x0] =	vst.idx.msk $0xffff, v5;
	v5 =	vor.u32 v8, v20;
	_ =	sdelay $0x1  }
0x227: {  	v9 =	vld.idx.msk [tilespmem:v32+s14+$0x0], $0xffff;
	[tilespmem:v51+s19+$0x0] =	vst.idx.msk $0xffff, v4  }
0x228: {  	v49 =	vshll.u32 v47, $0x7;
	v4 =	vld.idx.msk [tilespmem:v38+s14+$0x0], $0xffff;
	[tilespmem:v0+s19+$0x0] =	vst.idx.msk $0xffff, v1  }
0x229: {  	v50 =	vor.u32 s26, v13;
	[tilespmem:v6+s19+$0x0] =	vst.idx.msk $0xffff, v7;
	v0 =	vor.u32 v23, v49;
	v1 =	vld.idx.msk [tilespmem:v48+s14+$0x0], $0xffff  }
0x22a: {  	v51 =	vor.u32 v50, v31;
	v6 =	vshll.u32 v8, $0x7;
	v5 =	vld.idx.msk [tilespmem:v5+s14+$0x0], $0xffff  }
0x22b: {  	v6 =	vor.u32 v17, v6;
	v37 =	vld [tilespmem:$0x1FFE0]  }
0x22c: {  	[tilespmem:v30+s19+$0x0] =	vst.idx.msk $0xffff, v9  }
0x22d: {  	v9 =	vld.idx.msk [tilespmem:v25+s14+$0x0], $0xffff;
	[tilespmem:v35+s19+$0x0] =	vst.idx.msk $0xffff, v4  }
0x22e: {  	v54 =	vshll.u32 v50, $0x7;
	v4 =	vld.idx.msk [tilespmem:v36+s14+$0x0], $0xffff;
	[tilespmem:v0+s19+$0x0] =	vst.idx.msk $0xffff, v1  }
0x22f: {  	v0 =	vor.u32 v23, v54;
	v1 =	vld.idx.msk [tilespmem:v51+s14+$0x0], $0xffff  }
0x230: {  	[tilespmem:v6+s19+$0x0] =	vst.idx.msk $0xffff, v5;
	v7 =	vor.u32 s25, v37  }
0x231: {  	v55 =	vor.u32 s26, v37;
	v8 =	vor.u32 v7, v20;
	v15 =	vld [tilespmem:$0x1FFF0]  }
0x232: {  	v58 =	vor.u32 v55, v31;
	[tilespmem:v24+s19+$0x0] =	vst.idx.msk $0xffff, v9  }
0x233: {  	v9 =	vld.idx.msk [tilespmem:v29+s14+$0x0], $0xffff;
	[tilespmem:v34+s19+$0x0] =	vst.idx.msk $0xffff, v4  }
0x234: {  	v4 =	vld.idx.msk [tilespmem:v57+s14+$0x0], $0xffff;
	[tilespmem:v0+s19+$0x0] =	vst.idx.msk $0xffff, v1  }
0x235: {  	v5 =	vshll.u32 v7, $0x7;
	v10 =	vld [tilespmem:$0x1FE50]  }
0x236: {  	v59 =	vshll.u32 v55, $0x7;
	v5 =	vor.u32 v17, v5;
	v6 =	vld.idx.msk [tilespmem:v8+s14+$0x0], $0xffff;
	v7 =	vor.u32 s25, v15  }
0x237: {  	v0 =	vor.u32 v23, v59;
	v60 =	vor.u32 s26, v15;
	v8 =	vor.u32 v7, v20;
	v1 =	vld.idx.msk [tilespmem:v58+s14+$0x0], $0xffff  }
0x238: {  	v61 =	vor.u32 v60, v31  }
0x239: {  	[tilespmem:v53+s19+$0x0] =	vst.idx.msk $0xffff, v4  }
0x23a: {  	[tilespmem:v21+s19+$0x0] =	vst.idx.msk $0xffff, v9;
	v63 =	vld.idx.msk [tilespmem:v52+s14+$0x0], $0xffff  }
0x23b: {  	[tilespmem:v5+s19+$0x0] =	vst.idx.msk $0xffff, v6;
	v5 =	vshll.u32 v7, $0x7;
	v7 =	vld.idx.msk [tilespmem:v22+s14+$0x0], $0xffff  }
0x23c: {  	v62 =	vshll.u32 v60, $0x7;
	v6 =	vld.idx.msk [tilespmem:v8+s14+$0x0], $0xffff;
	v5 =	vor.u32 v17, v5;
	[tilespmem:v0+s19+$0x0] =	vst.idx.msk $0xffff, v1  }
0x23d: {  	v0 =	vor.u32 v23, v62;
	v1 =	vld.idx.msk [tilespmem:v61+s14+$0x0], $0xffff;
	[tilespmem:v10+s19+$0x0] =	vst.idx.msk $0xffff, v56  }
0x23e: {  	v10 =	vld.idx.msk [tilespmem:v18+s14+$0x0], $0xffff  }
0x23f: {  	p0 =	seq.s32 s22, $0x63;
	[tilespmem:v42+s19+$0x0] =	vst.idx.msk $0xffff, v63  }
.Ltmp7:
0x240: {  	[tilespmem:v33+s19+$0x0] =	vst.idx.msk $0xffff, v7;
	(pc) =	sbr.rel @p0 .LBB2_12-.Ltmp7, $4  }
0x241: {  	[tilespmem:v5+s19+$0x0] =	vst.idx.msk $0xffff, v6  }
0x242: {  	[tilespmem:v0+s19+$0x0] =	vst.idx.msk $0xffff, v1  }
0x243: {  	s0 =	sadd.s32 s24, s7;
	[tilespmem:v19+s19+$0x0] =	vst.idx.msk $0xffff, v10  }
0x244: {  	v9 =	vmovc v26;
	v8 =	vmov v12;
	v7 =	vmov v16;
	v6 =	vmov v44;
	[hbm4b:s0+s9] =	stream.strided.scatter [tilespmem:s19], [sflag:$0x4], $0x2000, s10, s9, $0x38;
	[tilespmem:$0x12400] =	vst v63  }
.Ltmp8:
0x245: {  	(pc) =	sbr.rel .LBB2_2-.Ltmp8, $4  }
0x246: {  	_ = 	snop  }
0x247: {  	s0 =	sshrl.u32 s23, $0x2  }
0x248: {  	s22 =	sadd.s32 $0x1, s22;
	v5 =	vld [tilespmem:$0x1FF70];
	s0 =	sadd.s32 $0x180, s0  }
0x249: {  	v10 =	vld [tilespmem:$0x1FF80];
	[tilespmem:s14], [sflag:$0x2] =	stream.indirect.gather [hbm4b:s5+s12], $0x80, s0, s12, $0xb8  }
.LBB2_13:
0x24a: {  	_ =	sfence.sel $0x180000  }
0x24b: {  	[bflag:$0x0] =	sbarrier.arrive $0xFFFF  }
0x24c: {  	_ =	strace $0x9000004A  }
0x24d: {  	[bflag:$0x2] =	sbarrier.arrive $0xFFFF  }
0x24e: {  	p0 =	sne.s32 s2, $0x0;
	s0 =	rddreg [dreg:$0x3]  }
0x24f: {  	s0 =	sadd.s32 @!p0 $0x100000, s0  }
0x250: {  	[sflag:s0] =	ssyncadd.tile.s32 @!p0 $0x1;
	_ =	shalt  }
.Lfunc_end2:
_tile_overlayer_lowered:
.L_overlay_start_2:
0x251: {  	(tag) =	ssettag $0x2  }
0x252: {  	s0 =	rddreg [dreg:$0x0];
	s2 =	stileid.u32  }
0x253: {  	s1 =	rddreg [dreg:$0x1];
	p0 =	sne.s32 s2, $0x0  }
0x254: {  	s3 =	rddreg [dreg:$0x2];
	[bflag:$0x3] =	sbarrier.arrive $0xFFFF;
	s2 =	simm.s32 @!p0 $0x1C05  }
0x255: {  	[timem:s3], [sflag:s2] =	dma.local @!p0 [hbm:s0], s1  }
0x256: {  	s0 =	simm.s32 @!p0 $0x5  }
0x257: {  	_ =	swait.ge @!p0 [sflag:s0], s1  }
0x258: {  	s1 =	ssub.s32 @!p0 $0x0, s1;
	[sflag:s0] =	ssyncset.done @!p0 $0x0  }
0x259: {  	[sflag:s0] =	ssyncadd.s32 @!p0 s1  }
0x25a: {  	[bflag:$0x3] =	sbarrier.arrive $0xFFFF  }
0x25b: {  	_ =	shalt  }

</sc_bundles>
